<compile_context>
chip_gen: v7x
topology: tpu7x:2x2x1
jax: 0.10.2.dev20260603
libtpu: 0.0.44.dev20260713+nightly
codegen_flags: <defaults>
</compile_context>

<pallas_src>
import functools

import jax
import jax.numpy as jnp
from jax import lax
from jax.experimental import pallas as pl
from jax.experimental.pallas import tpu as pltpu
from jax.experimental.pallas import tpu_sc as plsc

EMB_DIM = 16
LANES = 16
NUM_CORES = 2
NUM_SUBCORES = 16
NUM_WORKERS = NUM_CORES * NUM_SUBCORES
CHUNK = 1024
COMB_ROWS = 96 * 8


def _splat(v):
    return jnp.full((LANES,), v, jnp.int32)


@functools.lru_cache(maxsize=None)
def _build_sc_call(b_dim, l_dim):
    n = b_dim * l_dim
    assert b_dim % CHUNK == 0 and EMB_DIM == 16 and b_dim % 128 == 0
    s_per_l = b_dim // CHUNK
    total_chunks = l_dim * s_per_l
    assert total_chunks % NUM_WORKERS == 0
    n_chunks = total_chunks // NUM_WORKERS
    l_stride = b_dim * EMB_DIM
    h_stride = l_stride // 2
    out_blk = CHUNK * 8
    mesh = plsc.VectorSubcoreMesh(
        core_axis_name="c", subcore_axis_name="s",
        num_cores=NUM_CORES, num_subcores=NUM_SUBCORES)

    @functools.partial(
        pl.kernel,
        out_type=jax.ShapeDtypeStruct((n * EMB_DIM,), jnp.float32),
        mesh=mesh,
        compiler_params=pltpu.CompilerParams(
            needs_layout_passes=False, use_tc_tiling_on_sc=False),
        scratch_types=[
            pltpu.VMEM((24 * EMB_DIM,), jnp.float32),
            pltpu.VMEM((4 * EMB_DIM,), jnp.float32),
            pltpu.VMEM((8 * EMB_DIM,), jnp.float32),
            pltpu.VMEM((COMB_ROWS * EMB_DIM,), jnp.float32),
            pltpu.VMEM((2, CHUNK), jnp.int32),
            pltpu.VMEM((2, CHUNK), jnp.int32),
            pltpu.VMEM((2, CHUNK), jnp.int32),
            pltpu.VMEM((2, CHUNK, EMB_DIM), jnp.float32),
            pltpu.VMEM((2 * 2 * out_blk,), jnp.float32),
            pltpu.SemaphoreType.DMA((2,)),
            pltpu.SemaphoreType.DMA((2,)),
            pltpu.SemaphoreType.DMA((2,)),
            pltpu.SemaphoreType.DMA((2,)),
        ],
    )
    def sc_fn(src_hbm, time_hbm, mode_hbm, loc_hbm, hour_hbm, min_hbm,
              modetab_hbm, out_hbm, hour_v, min_v, modetab_v, comb_v,
              idx_v, time_v, mode_v, rows_v, outb_v, sem_idx, sem_tm, sem_g,
              sem_out):
        iota = lax.iota(jnp.int32, LANES)

        pltpu.sync_copy(hour_hbm, hour_v)
        pltpu.sync_copy(min_hbm, min_v)
        pltpu.sync_copy(modetab_hbm, modetab_v)

        def build_comb(i, carry):
            h = i // 32
            mn = (i // 8) % 4
            md = i % 8
            row = (plsc.load_gather(hour_v, [_splat(h * EMB_DIM) + iota])
                   + plsc.load_gather(min_v, [_splat(mn * EMB_DIM) + iota])
                   + plsc.load_gather(modetab_v, [_splat(md * EMB_DIM) + iota]))
            plsc.store_scatter(comb_v, [_splat(i * EMB_DIM) + iota], row)
            return carry

        lax.fori_loop(0, COMB_ROWS, build_comb, 0)

        wid = lax.axis_index("s") * NUM_CORES + lax.axis_index("c")
        kbase = wid * n_chunks

        def _seg_base(c):
            k = kbase + c
            l = k // s_per_l
            t0 = (l // 8) * (b_dim // 128) + (k % s_per_l) * 8
            return t0 * 1024 + (l % 8) * 128

        def idx_copy(c, s):
            base = _seg_base(c)
            return [pltpu.make_async_copy(
                src_hbm.at[pl.ds(base + j * 1024, 128)],
                idx_v.at[s, pl.ds(j * 128, 128)], sem_idx.at[s])
                for j in range(8)]

        def tm_copies(c, s):
            base = _seg_base(c)
            cps = []
            for j in range(8):
                cps.append(pltpu.make_async_copy(
                    time_hbm.at[pl.ds(base + j * 1024, 128)],
                    time_v.at[s, pl.ds(j * 128, 128)], sem_tm.at[s]))
                cps.append(pltpu.make_async_copy(
                    mode_hbm.at[pl.ds(base + j * 1024, 128)],
                    mode_v.at[s, pl.ds(j * 128, 128)], sem_tm.at[s]))
            return cps

        def gather_copy(s):
            return pltpu.make_async_copy(
                loc_hbm.at[idx_v.at[s]], rows_v.at[s], sem_g.at[s])

        def out_copies(c, s):
            k = kbase + c
            off = (k // s_per_l) * l_stride + (k % s_per_l) * out_blk
            return (
                pltpu.make_async_copy(
                    outb_v.at[pl.ds(s * 2 * out_blk, out_blk)],
                    out_hbm.at[pl.ds(off, out_blk)], sem_out.at[s]),
                pltpu.make_async_copy(
                    outb_v.at[pl.ds((s * 2 + 1) * out_blk, out_blk)],
                    out_hbm.at[pl.ds(off + h_stride, out_blk)], sem_out.at[s]),
            )

        for cp in idx_copy(0, 0):
            cp.start()
        for cp in idx_copy(1, 1):
            cp.start()
        for cp in tm_copies(0, 0):
            cp.start()
        for cp in tm_copies(1, 1):
            cp.start()
        for cp in idx_copy(0, 0):
            cp.wait()
        gather_copy(0).start()

        def chunk_body(c, carry):
            buf = c % 2
            nxt = 1 - buf

            @pl.when(c + 1 < n_chunks)
            def _():
                for cp in idx_copy(c + 1, nxt):
                    cp.wait()
                gather_copy(nxt).start()

            gather_copy(buf).wait()

            @pl.when(c + 2 < n_chunks)
            def _():
                for cp in idx_copy(c + 2, buf):
                    cp.start()

            for cp in tm_copies(c, buf):
                cp.wait()

            @pl.when(c >= 2)
            def _():
                for cp in out_copies(c - 2, buf):
                    cp.wait()

            rows_2d = rows_v.at[buf]

            @plsc.parallel_loop(0, CHUNK // LANES, unroll=4)
            def group_body(g):
                tvec = time_v[buf, pl.ds(g * LANES, LANES)]
                mvec = mode_v[buf, pl.ds(g * LANES, LANES)]
                cbase = (tvec * 8 + mvec) * EMB_DIM
                rowids = g * LANES + iota
                obase = (buf * 2 * out_blk + (g // 8) * 1024
                         + (g % 8) * LANES)
                cols = []
                for e in range(EMB_DIM):
                    cols.append(
                        plsc.load_gather(rows_2d, [rowids, _splat(e)])
                        + plsc.load_gather(comb_v, [cbase + e]))
                for h in range(2):
                    for e_lo in range(8):
                        outb_v[pl.ds(obase + h * out_blk + e_lo * 128,
                                     LANES)] = cols[h * 8 + e_lo]

            for cp in out_copies(c, buf):
                cp.start()

            @pl.when(c + 2 < n_chunks)
            def _():
                for cp in tm_copies(c + 2, buf):
                    cp.start()
            return carry

        lax.fori_loop(0, n_chunks, chunk_body, 0)
        for cp in out_copies(n_chunks - 2, n_chunks % 2):
            cp.wait()
        for cp in out_copies(n_chunks - 1, 1 - n_chunks % 2):
            cp.wait()

    return sc_fn


def kernel(src, time, mode, emb_loc, emb_mode, emb_hour, emb_min):
    b, l = src.shape

    def _flat_physical(x):
        x4 = x.astype(jnp.int32).reshape(b // 128, 128, l // 8, 8)
        return x4.transpose(2, 0, 3, 1).reshape(-1)

    src_f = _flat_physical(src)
    time_f = _flat_physical(time)
    mode_f = _flat_physical(mode)
    out1d = _build_sc_call(b, l)(src_f, time_f, mode_f,
                                 emb_loc.astype(jnp.float32),
                                 emb_hour.astype(jnp.float32).reshape(-1),
                                 emb_min.astype(jnp.float32).reshape(-1),
                                 emb_mode.astype(jnp.float32).reshape(-1))
    x5 = out1d.reshape(l, 2, b // 128, 8, 128)
    return x5.transpose(2, 4, 0, 1, 3).reshape(b, l, EMB_DIM)

# --- scband reference (transcript-rebuilt; emitter-appended) ---
"""Pipeline reference for scband-all-embedding-17343077941681 (READ-ONLY COPY).

The authoritative reference and input builder live on the scoring server;
editing this copy changes nothing except your own understanding.
"""

import jax, jax.numpy as jnp
import numpy as np

TOTAL_LOC_NUM = 1000000
EMB = 16
B, L = 16384, 200

def setup_inputs(seed: int = 0) -> dict:
    key = jax.random.key(seed)
    k1, k2, k3, k4, k5, k6, k7 = jax.random.split(key, 7)
    src = jax.random.randint(k1, (B, L), 0, TOTAL_LOC_NUM, dtype=jnp.int64 if jax.config.jax_enable_x64 else jnp.int32)
    time = jax.random.randint(k2, (B, L), 0, 96, dtype=jnp.int32)
    mode = jax.random.randint(k3, (B, L), 0, 8, dtype=jnp.int32)
    emb_loc = jax.random.normal(k4, (TOTAL_LOC_NUM, EMB), dtype=jnp.float32)
    emb_mode = jax.random.normal(k5, (8, EMB), dtype=jnp.float32)
    emb_hour = jax.random.normal(k6, (24, EMB), dtype=jnp.float32)
    emb_min = jax.random.normal(k7, (4, EMB), dtype=jnp.float32)
    return {"src": src, "time": time, "mode": mode,
            "emb_loc": emb_loc, "emb_mode": emb_mode,
            "emb_hour": emb_hour, "emb_min": emb_min}

def reference(src, time, mode, emb_loc, emb_mode, emb_hour, emb_min):
    # emb = self.emb_loc(src)
    emb = jnp.take(emb_loc, src, axis=0)
    # if_include_time: hour = time // 4 (floor), minutes = time % 4
    hour = jnp.floor_divide(time, 4)
    minutes = jnp.mod(time, 4)
    emb = emb + jnp.take(emb_hour, hour, axis=0) + jnp.take(emb_min, minutes, axis=0)
    # if_include_mode
    emb = emb + jnp.take(emb_mode, mode, axis=0)
    return emb

if __name__ == "__main__":
    import jax
    _d = setup_inputs()
    print(jax.jit(kernel)(*tuple(_d.values())))

</pallas_src>

<mosaic_0001>
#map = affine_map<(d0, d1) -> (0)>
#map1 = affine_map<(d0, d1) -> (0, 0)>
module attributes {stable_mosaic.version = 14 : i64} {
  func.func @sc_fn(%arg0: i32, %arg1: i32, %arg2: memref<3276800xi32, #tpu.memory_space<hbm>>, %arg3: memref<3276800xi32, #tpu.memory_space<hbm>>, %arg4: memref<3276800xi32, #tpu.memory_space<hbm>>, %arg5: memref<1000000x16xf32, #tpu.memory_space<hbm>>, %arg6: memref<384xf32, #tpu.memory_space<hbm>>, %arg7: memref<64xf32, #tpu.memory_space<hbm>>, %arg8: memref<128xf32, #tpu.memory_space<hbm>>, %arg9: memref<52428800xf32, #tpu.memory_space<hbm>>, %arg10: memref<384xf32, #tpu.memory_space<vmem>>, %arg11: memref<64xf32, #tpu.memory_space<vmem>>, %arg12: memref<128xf32, #tpu.memory_space<vmem>>, %arg13: memref<12288xf32, #tpu.memory_space<vmem>>, %arg14: memref<2x1024xi32, #tpu.memory_space<vmem>>, %arg15: memref<2x1024xi32, #tpu.memory_space<vmem>>, %arg16: memref<2x1024xi32, #tpu.memory_space<vmem>>, %arg17: memref<2x1024x16xf32, #tpu.memory_space<vmem>>, %arg18: memref<32768xf32, #tpu.memory_space<vmem>>, %arg19: memref<2x!tpu.dma_semaphore, #tpu.memory_space<semaphore_mem>>, %arg20: memref<2x!tpu.dma_semaphore, #tpu.memory_space<semaphore_mem>>, %arg21: memref<2x!tpu.dma_semaphore, #tpu.memory_space<semaphore_mem>>, %arg22: memref<2x!tpu.dma_semaphore, #tpu.memory_space<semaphore_mem>>) attributes {dimension_semantics = [#tpu.dimension_semantics<core_parallel>, #tpu.dimension_semantics<subcore_parallel>], iteration_bounds = array<i64: 2, 16>, scalar_prefetch = 0 : i64, scratch_operands = 13 : i64, tpu.core_type = #tpu.core_type<sc_vector_subcore>, window_params = [{transform_indices = #map}, {transform_indices = #map}, {transform_indices = #map}, {transform_indices = #map1}, {transform_indices = #map}, {transform_indices = #map}, {transform_indices = #map}, {transform_indices = #map}]} {
    %iota3A = tpu.iota {dimensions = array<i32: 0>} : vector<16xi32>
    "tpu.region"() ({
      %run_scoped3A = tpu.sem_alloc : memref<!tpu.dma_semaphore, #tpu.memory_space<semaphore_mem>>
      tpu.enqueue_dma source(%arg6 : memref<384xf32, #tpu.memory_space<hbm>>) target(%arg10 : memref<384xf32, #tpu.memory_space<vmem>>) target_semaphore(%run_scoped3A : memref<!tpu.dma_semaphore, #tpu.memory_space<semaphore_mem>>)
      tpu.wait_dma2 semaphore(%run_scoped3A : memref<!tpu.dma_semaphore, #tpu.memory_space<semaphore_mem>>) src(%arg6 : memref<384xf32, #tpu.memory_space<hbm>>) dst(%arg10 : memref<384xf32, #tpu.memory_space<vmem>>)
      tpu.yield
    }) : () -> ()
    "tpu.region"() ({
      %run_scoped3A = tpu.sem_alloc : memref<!tpu.dma_semaphore, #tpu.memory_space<semaphore_mem>>
      tpu.enqueue_dma source(%arg7 : memref<64xf32, #tpu.memory_space<hbm>>) target(%arg11 : memref<64xf32, #tpu.memory_space<vmem>>) target_semaphore(%run_scoped3A : memref<!tpu.dma_semaphore, #tpu.memory_space<semaphore_mem>>)
      tpu.wait_dma2 semaphore(%run_scoped3A : memref<!tpu.dma_semaphore, #tpu.memory_space<semaphore_mem>>) src(%arg7 : memref<64xf32, #tpu.memory_space<hbm>>) dst(%arg11 : memref<64xf32, #tpu.memory_space<vmem>>)
      tpu.yield
    }) : () -> ()
    "tpu.region"() ({
      %run_scoped3A = tpu.sem_alloc : memref<!tpu.dma_semaphore, #tpu.memory_space<semaphore_mem>>
      tpu.enqueue_dma source(%arg8 : memref<128xf32, #tpu.memory_space<hbm>>) target(%arg12 : memref<128xf32, #tpu.memory_space<vmem>>) target_semaphore(%run_scoped3A : memref<!tpu.dma_semaphore, #tpu.memory_space<semaphore_mem>>)
      tpu.wait_dma2 semaphore(%run_scoped3A : memref<!tpu.dma_semaphore, #tpu.memory_space<semaphore_mem>>) src(%arg8 : memref<128xf32, #tpu.memory_space<hbm>>) dst(%arg12 : memref<128xf32, #tpu.memory_space<vmem>>)
      tpu.yield
    }) : () -> ()
    %scan3A = arith.constant 0 : i32
    %scan3A_0 = arith.constant 0 : i32
    %scan3A_1 = arith.constant 768 : i32
    %scan3A_2 = arith.addi %scan3A_0, %scan3A_1 : i32
    %scan3A_3 = arith.constant 1 : i32
    scf.for %scan3A_1395 = %scan3A_0 to %scan3A_2 step %scan3A_3  : i32 {
      %jit3A_1396 = arith.constant 32 : i32
      %div3A_1397 = arith.divsi %scan3A_1395, %jit3A_1396 : i32
      %sign3A_1398 = arith.constant 0 : i32
      %sign3A_1399 = arith.cmpi sgt, %scan3A_1395, %sign3A_1398 : i32
      %sign3A_1400 = arith.extui %sign3A_1399 : i1 to i32
      %sign3A_1401 = arith.constant 0 : i32
      %sign3A_1402 = arith.cmpi slt, %scan3A_1395, %sign3A_1401 : i32
      %sign3A_1403 = arith.extui %sign3A_1402 : i1 to i32
      %sign3A_1404 = arith.subi %sign3A_1400, %sign3A_1403 : i32
      %sign3A_1405 = arith.constant 0 : i32
      %sign3A_1406 = arith.cmpi sgt, %jit3A_1396, %sign3A_1405 : i32
      %sign3A_1407 = arith.extui %sign3A_1406 : i1 to i32
      %sign3A_1408 = arith.constant 0 : i32
      %sign3A_1409 = arith.cmpi slt, %jit3A_1396, %sign3A_1408 : i32
      %sign3A_1410 = arith.extui %sign3A_1409 : i1 to i32
      %sign3A_1411 = arith.subi %sign3A_1407, %sign3A_1410 : i32
      %ne3A_1412 = arith.cmpi ne, %sign3A_1404, %sign3A_1411 : i32
      %rem3A_1413 = arith.remsi %scan3A_1395, %jit3A_1396 : i32
      %ne3A_1414 = arith.constant 0 : i32
      %ne3A_1415 = arith.cmpi ne, %rem3A_1413, %ne3A_1414 : i32
      %and3A_1416 = arith.andi %ne3A_1412, %ne3A_1415 : i1
      %sub3A_1417 = arith.constant 1 : i32
      %sub3A_1418 = arith.subi %div3A_1397, %sub3A_1417 : i32
      %select_n3A_1419 = arith.select %and3A_1416, %sub3A_1418, %div3A_1397 : i32
      %jit3A_1420 = arith.constant 8 : i32
      %div3A_1421 = arith.divsi %scan3A_1395, %jit3A_1420 : i32
      %sign3A_1422 = arith.constant 0 : i32
      %sign3A_1423 = arith.cmpi sgt, %scan3A_1395, %sign3A_1422 : i32
      %sign3A_1424 = arith.extui %sign3A_1423 : i1 to i32
      %sign3A_1425 = arith.constant 0 : i32
      %sign3A_1426 = arith.cmpi slt, %scan3A_1395, %sign3A_1425 : i32
      %sign3A_1427 = arith.extui %sign3A_1426 : i1 to i32
      %sign3A_1428 = arith.subi %sign3A_1424, %sign3A_1427 : i32
      %sign3A_1429 = arith.constant 0 : i32
      %sign3A_1430 = arith.cmpi sgt, %jit3A_1420, %sign3A_1429 : i32
      %sign3A_1431 = arith.extui %sign3A_1430 : i1 to i32
      %sign3A_1432 = arith.constant 0 : i32
      %sign3A_1433 = arith.cmpi slt, %jit3A_1420, %sign3A_1432 : i32
      %sign3A_1434 = arith.extui %sign3A_1433 : i1 to i32
      %sign3A_1435 = arith.subi %sign3A_1431, %sign3A_1434 : i32
      %ne3A_1436 = arith.cmpi ne, %sign3A_1428, %sign3A_1435 : i32
      %rem3A_1437 = arith.remsi %scan3A_1395, %jit3A_1420 : i32
      %ne3A_1438 = arith.constant 0 : i32
      %ne3A_1439 = arith.cmpi ne, %rem3A_1437, %ne3A_1438 : i32
      %and3A_1440 = arith.andi %ne3A_1436, %ne3A_1439 : i1
      %sub3A_1441 = arith.constant 1 : i32
      %sub3A_1442 = arith.subi %div3A_1421, %sub3A_1441 : i32
      %select_n3A_1443 = arith.select %and3A_1440, %sub3A_1442, %div3A_1421 : i32
      %jit3A_1444 = arith.constant 4 : i32
      %eq3A_1445 = arith.constant 0 : i32
      %eq3A_1446 = arith.cmpi eq, %jit3A_1444, %eq3A_1445 : i32
      %jit3A_1447 = arith.constant 1 : i32
      %select_n3A_1448 = arith.select %eq3A_1446, %jit3A_1447, %jit3A_1444 : i32
      %rem3A_1449 = arith.remsi %select_n3A_1443, %select_n3A_1448 : i32
      %ne3A_1450 = arith.constant 0 : i32
      %ne3A_1451 = arith.cmpi ne, %rem3A_1449, %ne3A_1450 : i32
      %lt3A_1452 = arith.constant 0 : i32
      %lt3A_1453 = arith.cmpi slt, %rem3A_1449, %lt3A_1452 : i32
      %lt3A_1454 = arith.constant 0 : i32
      %lt3A_1455 = arith.cmpi slt, %select_n3A_1448, %lt3A_1454 : i32
      %ne3A_1456 = arith.xori %lt3A_1453, %lt3A_1455 : i1
      %and3A_1457 = arith.andi %ne3A_1456, %ne3A_1451 : i1
      %add3A_1458 = arith.addi %rem3A_1449, %select_n3A_1448 : i32
      %select_n3A_1459 = arith.select %and3A_1457, %add3A_1458, %rem3A_1449 : i32
      %jit3A_1460 = arith.constant 8 : i32
      %eq3A_1461 = arith.constant 0 : i32
      %eq3A_1462 = arith.cmpi eq, %jit3A_1460, %eq3A_1461 : i32
      %jit3A_1463 = arith.constant 1 : i32
      %select_n3A_1464 = arith.select %eq3A_1462, %jit3A_1463, %jit3A_1460 : i32
      %rem3A_1465 = arith.remsi %scan3A_1395, %select_n3A_1464 : i32
      %ne3A_1466 = arith.constant 0 : i32
      %ne3A_1467 = arith.cmpi ne, %rem3A_1465, %ne3A_1466 : i32
      %lt3A_1468 = arith.constant 0 : i32
      %lt3A_1469 = arith.cmpi slt, %rem3A_1465, %lt3A_1468 : i32
      %lt3A_1470 = arith.constant 0 : i32
      %lt3A_1471 = arith.cmpi slt, %select_n3A_1464, %lt3A_1470 : i32
      %ne3A_1472 = arith.xori %lt3A_1469, %lt3A_1471 : i1
      %and3A_1473 = arith.andi %ne3A_1472, %ne3A_1467 : i1
      %add3A_1474 = arith.addi %rem3A_1465, %select_n3A_1464 : i32
      %select_n3A_1475 = arith.select %and3A_1473, %add3A_1474, %rem3A_1465 : i32
      %mul3A_1476 = arith.constant 16 : i32
      %mul3A_1477 = arith.muli %select_n3A_1419, %mul3A_1476 : i32
      %broadcast_in_dim3A = vector.broadcast %mul3A_1477 : i32 to vector<16xi32>
      %add3A_1478 = arith.addi %broadcast_in_dim3A, %iota3A : vector<16xi32>
      %gather3A = tpu.vector_load_idx %arg10[%add3A_1478] : memref<384xf32, #tpu.memory_space<vmem>>[vector<16xi32>], vector<16xf32>,
      %mul3A_1479 = arith.constant 16 : i32
      %mul3A_1480 = arith.muli %select_n3A_1459, %mul3A_1479 : i32
      %broadcast_in_dim3A_1481 = vector.broadcast %mul3A_1480 : i32 to vector<16xi32>
      %add3A_1482 = arith.addi %broadcast_in_dim3A_1481, %iota3A : vector<16xi32>
      %gather3A_1483 = tpu.vector_load_idx %arg11[%add3A_1482] : memref<64xf32, #tpu.memory_space<vmem>>[vector<16xi32>], vector<16xf32>,
      %add3A_1484 = arith.addf %gather3A, %gather3A_1483 : vector<16xf32>
      %mul3A_1485 = arith.constant 16 : i32
      %mul3A_1486 = arith.muli %select_n3A_1475, %mul3A_1485 : i32
      %broadcast_in_dim3A_1487 = vector.broadcast %mul3A_1486 : i32 to vector<16xi32>
      %add3A_1488 = arith.addi %broadcast_in_dim3A_1487, %iota3A : vector<16xi32>
      %gather3A_1489 = tpu.vector_load_idx %arg12[%add3A_1488] : memref<128xf32, #tpu.memory_space<vmem>>[vector<16xi32>], vector<16xf32>,
      %add3A_1490 = arith.addf %add3A_1484, %gather3A_1489 : vector<16xf32>
      %mul3A_1491 = arith.constant 16 : i32
      %mul3A_1492 = arith.muli %scan3A_1395, %mul3A_1491 : i32
      %broadcast_in_dim3A_1493 = vector.broadcast %mul3A_1492 : i32 to vector<16xi32>
      %add3A_1494 = arith.addi %broadcast_in_dim3A_1493, %iota3A : vector<16xi32>
      tpu.vector_store_idx %arg13[%add3A_1494], %add3A_1490 : memref<12288xf32, #tpu.memory_space<vmem>>[vector<16xi32>], vector<16xf32>,
    }
    %scan3A_4 = arith.constant 768 : i32
    %mul3A = arith.constant 2 : i32
    %mul3A_5 = arith.muli %arg1, %mul3A : i32
    %add3A = arith.addi %mul3A_5, %arg0 : i32
    %mul3A_6 = arith.constant 100 : i32
    %mul3A_7 = arith.muli %add3A, %mul3A_6 : i32
    %add3A_8 = arith.constant 0 : i32
    %add3A_9 = arith.addi %mul3A_7, %add3A_8 : i32
    %jit3A = arith.constant 16 : i32
    %div3A = arith.divsi %add3A_9, %jit3A : i32
    %sign3A = arith.constant 0 : i32
    %sign3A_10 = arith.cmpi sgt, %add3A_9, %sign3A : i32
    %sign3A_11 = arith.extui %sign3A_10 : i1 to i32
    %sign3A_12 = arith.constant 0 : i32
    %sign3A_13 = arith.cmpi slt, %add3A_9, %sign3A_12 : i32
    %sign3A_14 = arith.extui %sign3A_13 : i1 to i32
    %sign3A_15 = arith.subi %sign3A_11, %sign3A_14 : i32
    %sign3A_16 = arith.constant 0 : i32
    %sign3A_17 = arith.cmpi sgt, %jit3A, %sign3A_16 : i32
    %sign3A_18 = arith.extui %sign3A_17 : i1 to i32
    %sign3A_19 = arith.constant 0 : i32
    %sign3A_20 = arith.cmpi slt, %jit3A, %sign3A_19 : i32
    %sign3A_21 = arith.extui %sign3A_20 : i1 to i32
    %sign3A_22 = arith.subi %sign3A_18, %sign3A_21 : i32
    %ne3A = arith.cmpi ne, %sign3A_15, %sign3A_22 : i32
    %rem3A = arith.remsi %add3A_9, %jit3A : i32
    %ne3A_23 = arith.constant 0 : i32
    %ne3A_24 = arith.cmpi ne, %rem3A, %ne3A_23 : i32
    %and3A = arith.andi %ne3A, %ne3A_24 : i1
    %sub3A = arith.constant 1 : i32
    %sub3A_25 = arith.subi %div3A, %sub3A : i32
    %select_n3A = arith.select %and3A, %sub3A_25, %div3A : i32
    %jit3A_26 = arith.constant 8 : i32
    %div3A_27 = arith.divsi %select_n3A, %jit3A_26 : i32
    %sign3A_28 = arith.constant 0 : i32
    %sign3A_29 = arith.cmpi sgt, %select_n3A, %sign3A_28 : i32
    %sign3A_30 = arith.extui %sign3A_29 : i1 to i32
    %sign3A_31 = arith.constant 0 : i32
    %sign3A_32 = arith.cmpi slt, %select_n3A, %sign3A_31 : i32
    %sign3A_33 = arith.extui %sign3A_32 : i1 to i32
    %sign3A_34 = arith.subi %sign3A_30, %sign3A_33 : i32
    %sign3A_35 = arith.constant 0 : i32
    %sign3A_36 = arith.cmpi sgt, %jit3A_26, %sign3A_35 : i32
    %sign3A_37 = arith.extui %sign3A_36 : i1 to i32
    %sign3A_38 = arith.constant 0 : i32
    %sign3A_39 = arith.cmpi slt, %jit3A_26, %sign3A_38 : i32
    %sign3A_40 = arith.extui %sign3A_39 : i1 to i32
    %sign3A_41 = arith.subi %sign3A_37, %sign3A_40 : i32
    %ne3A_42 = arith.cmpi ne, %sign3A_34, %sign3A_41 : i32
    %rem3A_43 = arith.remsi %select_n3A, %jit3A_26 : i32
    %ne3A_44 = arith.constant 0 : i32
    %ne3A_45 = arith.cmpi ne, %rem3A_43, %ne3A_44 : i32
    %and3A_46 = arith.andi %ne3A_42, %ne3A_45 : i1
    %sub3A_47 = arith.constant 1 : i32
    %sub3A_48 = arith.subi %div3A_27, %sub3A_47 : i32
    %select_n3A_49 = arith.select %and3A_46, %sub3A_48, %div3A_27 : i32
    %mul3A_50 = arith.constant 128 : i32
    %mul3A_51 = arith.muli %select_n3A_49, %mul3A_50 : i32
    %jit3A_52 = arith.constant 16 : i32
    %eq3A = arith.constant 0 : i32
    %eq3A_53 = arith.cmpi eq, %jit3A_52, %eq3A : i32
    %jit3A_54 = arith.constant 1 : i32
    %select_n3A_55 = arith.select %eq3A_53, %jit3A_54, %jit3A_52 : i32
    %rem3A_56 = arith.remsi %add3A_9, %select_n3A_55 : i32
    %ne3A_57 = arith.constant 0 : i32
    %ne3A_58 = arith.cmpi ne, %rem3A_56, %ne3A_57 : i32
    %lt3A = arith.constant 0 : i32
    %lt3A_59 = arith.cmpi slt, %rem3A_56, %lt3A : i32
    %lt3A_60 = arith.constant 0 : i32
    %lt3A_61 = arith.cmpi slt, %select_n3A_55, %lt3A_60 : i32
    %ne3A_62 = arith.xori %lt3A_59, %lt3A_61 : i1
    %and3A_63 = arith.andi %ne3A_62, %ne3A_58 : i1
    %add3A_64 = arith.addi %rem3A_56, %select_n3A_55 : i32
    %select_n3A_65 = arith.select %and3A_63, %add3A_64, %rem3A_56 : i32
    %mul3A_66 = arith.constant 8 : i32
    %mul3A_67 = arith.muli %select_n3A_65, %mul3A_66 : i32
    %add3A_68 = arith.addi %mul3A_51, %mul3A_67 : i32
    %mul3A_69 = arith.constant 1024 : i32
    %mul3A_70 = arith.muli %add3A_68, %mul3A_69 : i32
    %jit3A_71 = arith.constant 8 : i32
    %eq3A_72 = arith.constant 0 : i32
    %eq3A_73 = arith.cmpi eq, %jit3A_71, %eq3A_72 : i32
    %jit3A_74 = arith.constant 1 : i32
    %select_n3A_75 = arith.select %eq3A_73, %jit3A_74, %jit3A_71 : i32
    %rem3A_76 = arith.remsi %select_n3A, %select_n3A_75 : i32
    %ne3A_77 = arith.constant 0 : i32
    %ne3A_78 = arith.cmpi ne, %rem3A_76, %ne3A_77 : i32
    %lt3A_79 = arith.constant 0 : i32
    %lt3A_80 = arith.cmpi slt, %rem3A_76, %lt3A_79 : i32
    %lt3A_81 = arith.constant 0 : i32
    %lt3A_82 = arith.cmpi slt, %select_n3A_75, %lt3A_81 : i32
    %ne3A_83 = arith.xori %lt3A_80, %lt3A_82 : i1
    %and3A_84 = arith.andi %ne3A_83, %ne3A_78 : i1
    %add3A_85 = arith.addi %rem3A_76, %select_n3A_75 : i32
    %select_n3A_86 = arith.select %and3A_84, %add3A_85, %rem3A_76 : i32
    %mul3A_87 = arith.constant 128 : i32
    %mul3A_88 = arith.muli %select_n3A_86, %mul3A_87 : i32
    %add3A_89 = arith.addi %mul3A_70, %mul3A_88 : i32
    %add3A_90 = arith.constant 0 : i32
    %add3A_91 = arith.addi %add3A_89, %add3A_90 : i32
    %add3A_92 = arith.constant 1024 : i32
    %add3A_93 = arith.addi %add3A_89, %add3A_92 : i32
    %add3A_94 = arith.constant 2048 : i32
    %add3A_95 = arith.addi %add3A_89, %add3A_94 : i32
    %add3A_96 = arith.constant 3072 : i32
    %add3A_97 = arith.addi %add3A_89, %add3A_96 : i32
    %add3A_98 = arith.constant 4096 : i32
    %add3A_99 = arith.addi %add3A_89, %add3A_98 : i32
    %add3A_100 = arith.constant 5120 : i32
    %add3A_101 = arith.addi %add3A_89, %add3A_100 : i32
    %add3A_102 = arith.constant 6144 : i32
    %add3A_103 = arith.addi %add3A_89, %add3A_102 : i32
    %add3A_104 = arith.constant 7168 : i32
    %add3A_105 = arith.addi %add3A_89, %add3A_104 : i32
    %dma_start3A = arith.constant 0 : i32
    %dma_start3A_106 = arith.constant 0 : i32
    %dma_start3A_107 = arith.constant 0 : i32
    %dma_start3A_108 = tpu.memref_slice %arg14[%dma_start3A, %dma_start3A_107] : memref<2x1024xi32, #tpu.memory_space<vmem>> -> memref<1x128xi32, #tpu.memory_space<vmem>>
    %dma_start3A_109 = tpu.memref_squeeze %dma_start3A_108 : memref<1x128xi32, #tpu.memory_space<vmem>> -> memref<128xi32, #tpu.memory_space<vmem>>
    %dma_start3A_110 = tpu.memref_slice %arg2[%add3A_91] : memref<3276800xi32, #tpu.memory_space<hbm>> -> memref<128xi32, #tpu.memory_space<hbm>>
    %dma_start3A_111 = tpu.memref_slice %arg19[%dma_start3A_106] : memref<2x!tpu.dma_semaphore, #tpu.memory_space<semaphore_mem>> -> memref<1x!tpu.dma_semaphore, #tpu.memory_space<semaphore_mem>>
    %dma_start3A_112 = tpu.memref_squeeze %dma_start3A_111 : memref<1x!tpu.dma_semaphore, #tpu.memory_space<semaphore_mem>> -> memref<!tpu.dma_semaphore, #tpu.memory_space<semaphore_mem>>
    %dma_start3A_113 = arith.constant 0 : i32
    %dma_start3A_114 = tpu.memref_slice %arg14[%dma_start3A, %dma_start3A_113] : memref<2x1024xi32, #tpu.memory_space<vmem>> -> memref<1x128xi32, #tpu.memory_space<vmem>>
    %dma_start3A_115 = tpu.memref_squeeze %dma_start3A_114 : memref<1x128xi32, #tpu.memory_space<vmem>> -> memref<128xi32, #tpu.memory_space<vmem>>
    %dma_start3A_116 = tpu.memref_slice %arg2[%add3A_91] : memref<3276800xi32, #tpu.memory_space<hbm>> -> memref<128xi32, #tpu.memory_space<hbm>>
    tpu.enqueue_dma source(%dma_start3A_116 : memref<128xi32, #tpu.memory_space<hbm>>) target(%dma_start3A_115 : memref<128xi32, #tpu.memory_space<vmem>>) target_semaphore(%dma_start3A_112 : memref<!tpu.dma_semaphore, #tpu.memory_space<semaphore_mem>>)
    %dma_start3A_117 = arith.constant 0 : i32
    %dma_start3A_118 = arith.constant 0 : i32
    %dma_start3A_119 = arith.constant 128 : i32
    %dma_start3A_120 = tpu.memref_slice %arg14[%dma_start3A_117, %dma_start3A_119] : memref<2x1024xi32, #tpu.memory_space<vmem>> -> memref<1x128xi32, #tpu.memory_space<vmem>>
    %dma_start3A_121 = tpu.memref_squeeze %dma_start3A_120 : memref<1x128xi32, #tpu.memory_space<vmem>> -> memref<128xi32, #tpu.memory_space<vmem>>
    %dma_start3A_122 = tpu.memref_slice %arg2[%add3A_93] : memref<3276800xi32, #tpu.memory_space<hbm>> -> memref<128xi32, #tpu.memory_space<hbm>>
    %dma_start3A_123 = tpu.memref_slice %arg19[%dma_start3A_118] : memref<2x!tpu.dma_semaphore, #tpu.memory_space<semaphore_mem>> -> memref<1x!tpu.dma_semaphore, #tpu.memory_space<semaphore_mem>>
    %dma_start3A_124 = tpu.memref_squeeze %dma_start3A_123 : memref<1x!tpu.dma_semaphore, #tpu.memory_space<semaphore_mem>> -> memref<!tpu.dma_semaphore, #tpu.memory_space<semaphore_mem>>
    %dma_start3A_125 = arith.constant 128 : i32
    %dma_start3A_126 = tpu.memref_slice %arg14[%dma_start3A_117, %dma_start3A_125] : memref<2x1024xi32, #tpu.memory_space<vmem>> -> memref<1x128xi32, #tpu.memory_space<vmem>>
    %dma_start3A_127 = tpu.memref_squeeze %dma_start3A_126 : memref<1x128xi32, #tpu.memory_space<vmem>> -> memref<128xi32, #tpu.memory_space<vmem>>
    %dma_start3A_128 = tpu.memref_slice %arg2[%add3A_93] : memref<3276800xi32, #tpu.memory_space<hbm>> -> memref<128xi32, #tpu.memory_space<hbm>>
    tpu.enqueue_dma source(%dma_start3A_128 : memref<128xi32, #tpu.memory_space<hbm>>) target(%dma_start3A_127 : memref<128xi32, #tpu.memory_space<vmem>>) target_semaphore(%dma_start3A_124 : memref<!tpu.dma_semaphore, #tpu.memory_space<semaphore_mem>>)
    %dma_start3A_129 = arith.constant 0 : i32
    %dma_start3A_130 = arith.constant 0 : i32
    %dma_start3A_131 = arith.constant 256 : i32
    %dma_start3A_132 = tpu.memref_slice %arg14[%dma_start3A_129, %dma_start3A_131] : memref<2x1024xi32, #tpu.memory_space<vmem>> -> memref<1x128xi32, #tpu.memory_space<vmem>>
    %dma_start3A_133 = tpu.memref_squeeze %dma_start3A_132 : memref<1x128xi32, #tpu.memory_space<vmem>> -> memref<128xi32, #tpu.memory_space<vmem>>
    %dma_start3A_134 = tpu.memref_slice %arg2[%add3A_95] : memref<3276800xi32, #tpu.memory_space<hbm>> -> memref<128xi32, #tpu.memory_space<hbm>>
    %dma_start3A_135 = tpu.memref_slice %arg19[%dma_start3A_130] : memref<2x!tpu.dma_semaphore, #tpu.memory_space<semaphore_mem>> -> memref<1x!tpu.dma_semaphore, #tpu.memory_space<semaphore_mem>>
    %dma_start3A_136 = tpu.memref_squeeze %dma_start3A_135 : memref<1x!tpu.dma_semaphore, #tpu.memory_space<semaphore_mem>> -> memref<!tpu.dma_semaphore, #tpu.memory_space<semaphore_mem>>
    %dma_start3A_137 = arith.constant 256 : i32
    %dma_start3A_138 = tpu.memref_slice %arg14[%dma_start3A_129, %dma_start3A_137] : memref<2x1024xi32, #tpu.memory_space<vmem>> -> memref<1x128xi32, #tpu.memory_space<vmem>>
    %dma_start3A_139 = tpu.memref_squeeze %dma_start3A_138 : memref<1x128xi32, #tpu.memory_space<vmem>> -> memref<128xi32, #tpu.memory_space<vmem>>
    %dma_start3A_140 = tpu.memref_slice %arg2[%add3A_95] : memref<3276800xi32, #tpu.memory_space<hbm>> -> memref<128xi32, #tpu.memory_space<hbm>>
    tpu.enqueue_dma source(%dma_start3A_140 : memref<128xi32, #tpu.memory_space<hbm>>) target(%dma_start3A_139 : memref<128xi32, #tpu.memory_space<vmem>>) target_semaphore(%dma_start3A_136 : memref<!tpu.dma_semaphore, #tpu.memory_space<semaphore_mem>>)
    %dma_start3A_141 = arith.constant 0 : i32
    %dma_start3A_142 = arith.constant 0 : i32
    %dma_start3A_143 = arith.constant 384 : i32
    %dma_start3A_144 = tpu.memref_slice %arg14[%dma_start3A_141, %dma_start3A_143] : memref<2x1024xi32, #tpu.memory_space<vmem>> -> memref<1x128xi32, #tpu.memory_space<vmem>>
    %dma_start3A_145 = tpu.memref_squeeze %dma_start3A_144 : memref<1x128xi32, #tpu.memory_space<vmem>> -> memref<128xi32, #tpu.memory_space<vmem>>
    %dma_start3A_146 = tpu.memref_slice %arg2[%add3A_97] : memref<3276800xi32, #tpu.memory_space<hbm>> -> memref<128xi32, #tpu.memory_space<hbm>>
    %dma_start3A_147 = tpu.memref_slice %arg19[%dma_start3A_142] : memref<2x!tpu.dma_semaphore, #tpu.memory_space<semaphore_mem>> -> memref<1x!tpu.dma_semaphore, #tpu.memory_space<semaphore_mem>>
    %dma_start3A_148 = tpu.memref_squeeze %dma_start3A_147 : memref<1x!tpu.dma_semaphore, #tpu.memory_space<semaphore_mem>> -> memref<!tpu.dma_semaphore, #tpu.memory_space<semaphore_mem>>
    %dma_start3A_149 = arith.constant 384 : i32
    %dma_start3A_150 = tpu.memref_slice %arg14[%dma_start3A_141, %dma_start3A_149] : memref<2x1024xi32, #tpu.memory_space<vmem>> -> memref<1x128xi32, #tpu.memory_space<vmem>>
    %dma_start3A_151 = tpu.memref_squeeze %dma_start3A_150 : memref<1x128xi32, #tpu.memory_space<vmem>> -> memref<128xi32, #tpu.memory_space<vmem>>
    %dma_start3A_152 = tpu.memref_slice %arg2[%add3A_97] : memref<3276800xi32, #tpu.memory_space<hbm>> -> memref<128xi32, #tpu.memory_space<hbm>>
    tpu.enqueue_dma source(%dma_start3A_152 : memref<128xi32, #tpu.memory_space<hbm>>) target(%dma_start3A_151 : memref<128xi32, #tpu.memory_space<vmem>>) target_semaphore(%dma_start3A_148 : memref<!tpu.dma_semaphore, #tpu.memory_space<semaphore_mem>>)
    %dma_start3A_153 = arith.constant 0 : i32
    %dma_start3A_154 = arith.constant 0 : i32
    %dma_start3A_155 = arith.constant 512 : i32
    %dma_start3A_156 = tpu.memref_slice %arg14[%dma_start3A_153, %dma_start3A_155] : memref<2x1024xi32, #tpu.memory_space<vmem>> -> memref<1x128xi32, #tpu.memory_space<vmem>>
    %dma_start3A_157 = tpu.memref_squeeze %dma_start3A_156 : memref<1x128xi32, #tpu.memory_space<vmem>> -> memref<128xi32, #tpu.memory_space<vmem>>
    %dma_start3A_158 = tpu.memref_slice %arg2[%add3A_99] : memref<3276800xi32, #tpu.memory_space<hbm>> -> memref<128xi32, #tpu.memory_space<hbm>>
    %dma_start3A_159 = tpu.memref_slice %arg19[%dma_start3A_154] : memref<2x!tpu.dma_semaphore, #tpu.memory_space<semaphore_mem>> -> memref<1x!tpu.dma_semaphore, #tpu.memory_space<semaphore_mem>>
    %dma_start3A_160 = tpu.memref_squeeze %dma_start3A_159 : memref<1x!tpu.dma_semaphore, #tpu.memory_space<semaphore_mem>> -> memref<!tpu.dma_semaphore, #tpu.memory_space<semaphore_mem>>
    %dma_start3A_161 = arith.constant 512 : i32
    %dma_start3A_162 = tpu.memref_slice %arg14[%dma_start3A_153, %dma_start3A_161] : memref<2x1024xi32, #tpu.memory_space<vmem>> -> memref<1x128xi32, #tpu.memory_space<vmem>>
    %dma_start3A_163 = tpu.memref_squeeze %dma_start3A_162 : memref<1x128xi32, #tpu.memory_space<vmem>> -> memref<128xi32, #tpu.memory_space<vmem>>
    %dma_start3A_164 = tpu.memref_slice %arg2[%add3A_99] : memref<3276800xi32, #tpu.memory_space<hbm>> -> memref<128xi32, #tpu.memory_space<hbm>>
    tpu.enqueue_dma source(%dma_start3A_164 : memref<128xi32, #tpu.memory_space<hbm>>) target(%dma_start3A_163 : memref<128xi32, #tpu.memory_space<vmem>>) target_semaphore(%dma_start3A_160 : memref<!tpu.dma_semaphore, #tpu.memory_space<semaphore_mem>>)
    %dma_start3A_165 = arith.constant 0 : i32
    %dma_start3A_166 = arith.constant 0 : i32
    %dma_start3A_167 = arith.constant 640 : i32
    %dma_start3A_168 = tpu.memref_slice %arg14[%dma_start3A_165, %dma_start3A_167] : memref<2x1024xi32, #tpu.memory_space<vmem>> -> memref<1x128xi32, #tpu.memory_space<vmem>>
    %dma_start3A_169 = tpu.memref_squeeze %dma_start3A_168 : memref<1x128xi32, #tpu.memory_space<vmem>> -> memref<128xi32, #tpu.memory_space<vmem>>
    %dma_start3A_170 = tpu.memref_slice %arg2[%add3A_101] : memref<3276800xi32, #tpu.memory_space<hbm>> -> memref<128xi32, #tpu.memory_space<hbm>>
    %dma_start3A_171 = tpu.memref_slice %arg19[%dma_start3A_166] : memref<2x!tpu.dma_semaphore, #tpu.memory_space<semaphore_mem>> -> memref<1x!tpu.dma_semaphore, #tpu.memory_space<semaphore_mem>>
    %dma_start3A_172 = tpu.memref_squeeze %dma_start3A_171 : memref<1x!tpu.dma_semaphore, #tpu.memory_space<semaphore_mem>> -> memref<!tpu.dma_semaphore, #tpu.memory_space<semaphore_mem>>
    %dma_start3A_173 = arith.constant 640 : i32
    %dma_start3A_174 = tpu.memref_slice %arg14[%dma_start3A_165, %dma_start3A_173] : memref<2x1024xi32, #tpu.memory_space<vmem>> -> memref<1x128xi32, #tpu.memory_space<vmem>>
    %dma_start3A_175 = tpu.memref_squeeze %dma_start3A_174 : memref<1x128xi32, #tpu.memory_space<vmem>> -> memref<128xi32, #tpu.memory_space<vmem>>
    %dma_start3A_176 = tpu.memref_slice %arg2[%add3A_101] : memref<3276800xi32, #tpu.memory_space<hbm>> -> memref<128xi32, #tpu.memory_space<hbm>>
    tpu.enqueue_dma source(%dma_start3A_176 : memref<128xi32, #tpu.memory_space<hbm>>) target(%dma_start3A_175 : memref<128xi32, #tpu.memory_space<vmem>>) target_semaphore(%dma_start3A_172 : memref<!tpu.dma_semaphore, #tpu.memory_space<semaphore_mem>>)
    %dma_start3A_177 = arith.constant 0 : i32
    %dma_start3A_178 = arith.constant 0 : i32
    %dma_start3A_179 = arith.constant 768 : i32
    %dma_start3A_180 = tpu.memref_slice %arg14[%dma_start3A_177, %dma_start3A_179] : memref<2x1024xi32, #tpu.memory_space<vmem>> -> memref<1x128xi32, #tpu.memory_space<vmem>>
    %dma_start3A_181 = tpu.memref_squeeze %dma_start3A_180 : memref<1x128xi32, #tpu.memory_space<vmem>> -> memref<128xi32, #tpu.memory_space<vmem>>
    %dma_start3A_182 = tpu.memref_slice %arg2[%add3A_103] : memref<3276800xi32, #tpu.memory_space<hbm>> -> memref<128xi32, #tpu.memory_space<hbm>>
    %dma_start3A_183 = tpu.memref_slice %arg19[%dma_start3A_178] : memref<2x!tpu.dma_semaphore, #tpu.memory_space<semaphore_mem>> -> memref<1x!tpu.dma_semaphore, #tpu.memory_space<semaphore_mem>>
    %dma_start3A_184 = tpu.memref_squeeze %dma_start3A_183 : memref<1x!tpu.dma_semaphore, #tpu.memory_space<semaphore_mem>> -> memref<!tpu.dma_semaphore, #tpu.memory_space<semaphore_mem>>
    %dma_start3A_185 = arith.constant 768 : i32
    %dma_start3A_186 = tpu.memref_slice %arg14[%dma_start3A_177, %dma_start3A_185] : memref<2x1024xi32, #tpu.memory_space<vmem>> -> memref<1x128xi32, #tpu.memory_space<vmem>>
    %dma_start3A_187 = tpu.memref_squeeze %dma_start3A_186 : memref<1x128xi32, #tpu.memory_space<vmem>> -> memref<128xi32, #tpu.memory_space<vmem>>
    %dma_start3A_188 = tpu.memref_slice %arg2[%add3A_103] : memref<3276800xi32, #tpu.memory_space<hbm>> -> memref<128xi32, #tpu.memory_space<hbm>>
    tpu.enqueue_dma source(%dma_start3A_188 : memref<128xi32, #tpu.memory_space<hbm>>) target(%dma_start3A_187 : memref<128xi32, #tpu.memory_space<vmem>>) target_semaphore(%dma_start3A_184 : memref<!tpu.dma_semaphore, #tpu.memory_space<semaphore_mem>>)
    %dma_start3A_189 = arith.constant 0 : i32
    %dma_start3A_190 = arith.constant 0 : i32
    %dma_start3A_191 = arith.constant 896 : i32
    %dma_start3A_192 = tpu.memref_slice %arg14[%dma_start3A_189, %dma_start3A_191] : memref<2x1024xi32, #tpu.memory_space<vmem>> -> memref<1x128xi32, #tpu.memory_space<vmem>>
    %dma_start3A_193 = tpu.memref_squeeze %dma_start3A_192 : memref<1x128xi32, #tpu.memory_space<vmem>> -> memref<128xi32, #tpu.memory_space<vmem>>
    %dma_start3A_194 = tpu.memref_slice %arg2[%add3A_105] : memref<3276800xi32, #tpu.memory_space<hbm>> -> memref<128xi32, #tpu.memory_space<hbm>>
    %dma_start3A_195 = tpu.memref_slice %arg19[%dma_start3A_190] : memref<2x!tpu.dma_semaphore, #tpu.memory_space<semaphore_mem>> -> memref<1x!tpu.dma_semaphore, #tpu.memory_space<semaphore_mem>>
    %dma_start3A_196 = tpu.memref_squeeze %dma_start3A_195 : memref<1x!tpu.dma_semaphore, #tpu.memory_space<semaphore_mem>> -> memref<!tpu.dma_semaphore, #tpu.memory_space<semaphore_mem>>
    %dma_start3A_197 = arith.constant 896 : i32
    %dma_start3A_198 = tpu.memref_slice %arg14[%dma_start3A_189, %dma_start3A_197] : memref<2x1024xi32, #tpu.memory_space<vmem>> -> memref<1x128xi32, #tpu.memory_space<vmem>>
    %dma_start3A_199 = tpu.memref_squeeze %dma_start3A_198 : memref<1x128xi32, #tpu.memory_space<vmem>> -> memref<128xi32, #tpu.memory_space<vmem>>
    %dma_start3A_200 = tpu.memref_slice %arg2[%add3A_105] : memref<3276800xi32, #tpu.memory_space<hbm>> -> memref<128xi32, #tpu.memory_space<hbm>>
    tpu.enqueue_dma source(%dma_start3A_200 : memref<128xi32, #tpu.memory_space<hbm>>) target(%dma_start3A_199 : memref<128xi32, #tpu.memory_space<vmem>>) target_semaphore(%dma_start3A_196 : memref<!tpu.dma_semaphore, #tpu.memory_space<semaphore_mem>>)
    %add3A_201 = arith.constant 1 : i32
    %add3A_202 = arith.addi %mul3A_7, %add3A_201 : i32
    %jit3A_203 = arith.constant 16 : i32
    %div3A_204 = arith.divsi %add3A_202, %jit3A_203 : i32
    %sign3A_205 = arith.constant 0 : i32
    %sign3A_206 = arith.cmpi sgt, %add3A_202, %sign3A_205 : i32
    %sign3A_207 = arith.extui %sign3A_206 : i1 to i32
    %sign3A_208 = arith.constant 0 : i32
    %sign3A_209 = arith.cmpi slt, %add3A_202, %sign3A_208 : i32
    %sign3A_210 = arith.extui %sign3A_209 : i1 to i32
    %sign3A_211 = arith.subi %sign3A_207, %sign3A_210 : i32
    %sign3A_212 = arith.constant 0 : i32
    %sign3A_213 = arith.cmpi sgt, %jit3A_203, %sign3A_212 : i32
    %sign3A_214 = arith.extui %sign3A_213 : i1 to i32
    %sign3A_215 = arith.constant 0 : i32
    %sign3A_216 = arith.cmpi slt, %jit3A_203, %sign3A_215 : i32
    %sign3A_217 = arith.extui %sign3A_216 : i1 to i32
    %sign3A_218 = arith.subi %sign3A_214, %sign3A_217 : i32
    %ne3A_219 = arith.cmpi ne, %sign3A_211, %sign3A_218 : i32
    %rem3A_220 = arith.remsi %add3A_202, %jit3A_203 : i32
    %ne3A_221 = arith.constant 0 : i32
    %ne3A_222 = arith.cmpi ne, %rem3A_220, %ne3A_221 : i32
    %and3A_223 = arith.andi %ne3A_219, %ne3A_222 : i1
    %sub3A_224 = arith.constant 1 : i32
    %sub3A_225 = arith.subi %div3A_204, %sub3A_224 : i32
    %select_n3A_226 = arith.select %and3A_223, %sub3A_225, %div3A_204 : i32
    %jit3A_227 = arith.constant 8 : i32
    %div3A_228 = arith.divsi %select_n3A_226, %jit3A_227 : i32
    %sign3A_229 = arith.constant 0 : i32
    %sign3A_230 = arith.cmpi sgt, %select_n3A_226, %sign3A_229 : i32
    %sign3A_231 = arith.extui %sign3A_230 : i1 to i32
    %sign3A_232 = arith.constant 0 : i32
    %sign3A_233 = arith.cmpi slt, %select_n3A_226, %sign3A_232 : i32
    %sign3A_234 = arith.extui %sign3A_233 : i1 to i32
    %sign3A_235 = arith.subi %sign3A_231, %sign3A_234 : i32
    %sign3A_236 = arith.constant 0 : i32
    %sign3A_237 = arith.cmpi sgt, %jit3A_227, %sign3A_236 : i32
    %sign3A_238 = arith.extui %sign3A_237 : i1 to i32
    %sign3A_239 = arith.constant 0 : i32
    %sign3A_240 = arith.cmpi slt, %jit3A_227, %sign3A_239 : i32
    %sign3A_241 = arith.extui %sign3A_240 : i1 to i32
    %sign3A_242 = arith.subi %sign3A_238, %sign3A_241 : i32
    %ne3A_243 = arith.cmpi ne, %sign3A_235, %sign3A_242 : i32
    %rem3A_244 = arith.remsi %select_n3A_226, %jit3A_227 : i32
    %ne3A_245 = arith.constant 0 : i32
    %ne3A_246 = arith.cmpi ne, %rem3A_244, %ne3A_245 : i32
    %and3A_247 = arith.andi %ne3A_243, %ne3A_246 : i1
    %sub3A_248 = arith.constant 1 : i32
    %sub3A_249 = arith.subi %div3A_228, %sub3A_248 : i32
    %select_n3A_250 = arith.select %and3A_247, %sub3A_249, %div3A_228 : i32
    %mul3A_251 = arith.constant 128 : i32
    %mul3A_252 = arith.muli %select_n3A_250, %mul3A_251 : i32
    %jit3A_253 = arith.constant 16 : i32
    %eq3A_254 = arith.constant 0 : i32
    %eq3A_255 = arith.cmpi eq, %jit3A_253, %eq3A_254 : i32
    %jit3A_256 = arith.constant 1 : i32
    %select_n3A_257 = arith.select %eq3A_255, %jit3A_256, %jit3A_253 : i32
    %rem3A_258 = arith.remsi %add3A_202, %select_n3A_257 : i32
    %ne3A_259 = arith.constant 0 : i32
    %ne3A_260 = arith.cmpi ne, %rem3A_258, %ne3A_259 : i32
    %lt3A_261 = arith.constant 0 : i32
    %lt3A_262 = arith.cmpi slt, %rem3A_258, %lt3A_261 : i32
    %lt3A_263 = arith.constant 0 : i32
    %lt3A_264 = arith.cmpi slt, %select_n3A_257, %lt3A_263 : i32
    %ne3A_265 = arith.xori %lt3A_262, %lt3A_264 : i1
    %and3A_266 = arith.andi %ne3A_265, %ne3A_260 : i1
    %add3A_267 = arith.addi %rem3A_258, %select_n3A_257 : i32
    %select_n3A_268 = arith.select %and3A_266, %add3A_267, %rem3A_258 : i32
    %mul3A_269 = arith.constant 8 : i32
    %mul3A_270 = arith.muli %select_n3A_268, %mul3A_269 : i32
    %add3A_271 = arith.addi %mul3A_252, %mul3A_270 : i32
    %mul3A_272 = arith.constant 1024 : i32
    %mul3A_273 = arith.muli %add3A_271, %mul3A_272 : i32
    %jit3A_274 = arith.constant 8 : i32
    %eq3A_275 = arith.constant 0 : i32
    %eq3A_276 = arith.cmpi eq, %jit3A_274, %eq3A_275 : i32
    %jit3A_277 = arith.constant 1 : i32
    %select_n3A_278 = arith.select %eq3A_276, %jit3A_277, %jit3A_274 : i32
    %rem3A_279 = arith.remsi %select_n3A_226, %select_n3A_278 : i32
    %ne3A_280 = arith.constant 0 : i32
    %ne3A_281 = arith.cmpi ne, %rem3A_279, %ne3A_280 : i32
    %lt3A_282 = arith.constant 0 : i32
    %lt3A_283 = arith.cmpi slt, %rem3A_279, %lt3A_282 : i32
    %lt3A_284 = arith.constant 0 : i32
    %lt3A_285 = arith.cmpi slt, %select_n3A_278, %lt3A_284 : i32
    %ne3A_286 = arith.xori %lt3A_283, %lt3A_285 : i1
    %and3A_287 = arith.andi %ne3A_286, %ne3A_281 : i1
    %add3A_288 = arith.addi %rem3A_279, %select_n3A_278 : i32
    %select_n3A_289 = arith.select %and3A_287, %add3A_288, %rem3A_279 : i32
    %mul3A_290 = arith.constant 128 : i32
    %mul3A_291 = arith.muli %select_n3A_289, %mul3A_290 : i32
    %add3A_292 = arith.addi %mul3A_273, %mul3A_291 : i32
    %add3A_293 = arith.constant 0 : i32
    %add3A_294 = arith.addi %add3A_292, %add3A_293 : i32
    %add3A_295 = arith.constant 1024 : i32
    %add3A_296 = arith.addi %add3A_292, %add3A_295 : i32
    %add3A_297 = arith.constant 2048 : i32
    %add3A_298 = arith.addi %add3A_292, %add3A_297 : i32
    %add3A_299 = arith.constant 3072 : i32
    %add3A_300 = arith.addi %add3A_292, %add3A_299 : i32
    %add3A_301 = arith.constant 4096 : i32
    %add3A_302 = arith.addi %add3A_292, %add3A_301 : i32
    %add3A_303 = arith.constant 5120 : i32
    %add3A_304 = arith.addi %add3A_292, %add3A_303 : i32
    %add3A_305 = arith.constant 6144 : i32
    %add3A_306 = arith.addi %add3A_292, %add3A_305 : i32
    %add3A_307 = arith.constant 7168 : i32
    %add3A_308 = arith.addi %add3A_292, %add3A_307 : i32
    %dma_start3A_309 = arith.constant 1 : i32
    %dma_start3A_310 = arith.constant 1 : i32
    %dma_start3A_311 = arith.constant 0 : i32
    %dma_start3A_312 = tpu.memref_slice %arg14[%dma_start3A_309, %dma_start3A_311] : memref<2x1024xi32, #tpu.memory_space<vmem>> -> memref<1x128xi32, #tpu.memory_space<vmem>>
    %dma_start3A_313 = tpu.memref_squeeze %dma_start3A_312 : memref<1x128xi32, #tpu.memory_space<vmem>> -> memref<128xi32, #tpu.memory_space<vmem>>
    %dma_start3A_314 = tpu.memref_slice %arg2[%add3A_294] : memref<3276800xi32, #tpu.memory_space<hbm>> -> memref<128xi32, #tpu.memory_space<hbm>>
    %dma_start3A_315 = tpu.memref_slice %arg19[%dma_start3A_310] : memref<2x!tpu.dma_semaphore, #tpu.memory_space<semaphore_mem>> -> memref<1x!tpu.dma_semaphore, #tpu.memory_space<semaphore_mem>>
    %dma_start3A_316 = tpu.memref_squeeze %dma_start3A_315 : memref<1x!tpu.dma_semaphore, #tpu.memory_space<semaphore_mem>> -> memref<!tpu.dma_semaphore, #tpu.memory_space<semaphore_mem>>
    %dma_start3A_317 = arith.constant 0 : i32
    %dma_start3A_318 = tpu.memref_slice %arg14[%dma_start3A_309, %dma_start3A_317] : memref<2x1024xi32, #tpu.memory_space<vmem>> -> memref<1x128xi32, #tpu.memory_space<vmem>>
    %dma_start3A_319 = tpu.memref_squeeze %dma_start3A_318 : memref<1x128xi32, #tpu.memory_space<vmem>> -> memref<128xi32, #tpu.memory_space<vmem>>
    %dma_start3A_320 = tpu.memref_slice %arg2[%add3A_294] : memref<3276800xi32, #tpu.memory_space<hbm>> -> memref<128xi32, #tpu.memory_space<hbm>>
    tpu.enqueue_dma source(%dma_start3A_320 : memref<128xi32, #tpu.memory_space<hbm>>) target(%dma_start3A_319 : memref<128xi32, #tpu.memory_space<vmem>>) target_semaphore(%dma_start3A_316 : memref<!tpu.dma_semaphore, #tpu.memory_space<semaphore_mem>>)
    %dma_start3A_321 = arith.constant 1 : i32
    %dma_start3A_322 = arith.constant 1 : i32
    %dma_start3A_323 = arith.constant 128 : i32
    %dma_start3A_324 = tpu.memref_slice %arg14[%dma_start3A_321, %dma_start3A_323] : memref<2x1024xi32, #tpu.memory_space<vmem>> -> memref<1x128xi32, #tpu.memory_space<vmem>>
    %dma_start3A_325 = tpu.memref_squeeze %dma_start3A_324 : memref<1x128xi32, #tpu.memory_space<vmem>> -> memref<128xi32, #tpu.memory_space<vmem>>
    %dma_start3A_326 = tpu.memref_slice %arg2[%add3A_296] : memref<3276800xi32, #tpu.memory_space<hbm>> -> memref<128xi32, #tpu.memory_space<hbm>>
    %dma_start3A_327 = tpu.memref_slice %arg19[%dma_start3A_322] : memref<2x!tpu.dma_semaphore, #tpu.memory_space<semaphore_mem>> -> memref<1x!tpu.dma_semaphore, #tpu.memory_space<semaphore_mem>>
    %dma_start3A_328 = tpu.memref_squeeze %dma_start3A_327 : memref<1x!tpu.dma_semaphore, #tpu.memory_space<semaphore_mem>> -> memref<!tpu.dma_semaphore, #tpu.memory_space<semaphore_mem>>
    %dma_start3A_329 = arith.constant 128 : i32
    %dma_start3A_330 = tpu.memref_slice %arg14[%dma_start3A_321, %dma_start3A_329] : memref<2x1024xi32, #tpu.memory_space<vmem>> -> memref<1x128xi32, #tpu.memory_space<vmem>>
    %dma_start3A_331 = tpu.memref_squeeze %dma_start3A_330 : memref<1x128xi32, #tpu.memory_space<vmem>> -> memref<128xi32, #tpu.memory_space<vmem>>
    %dma_start3A_332 = tpu.memref_slice %arg2[%add3A_296] : memref<3276800xi32, #tpu.memory_space<hbm>> -> memref<128xi32, #tpu.memory_space<hbm>>
    tpu.enqueue_dma source(%dma_start3A_332 : memref<128xi32, #tpu.memory_space<hbm>>) target(%dma_start3A_331 : memref<128xi32, #tpu.memory_space<vmem>>) target_semaphore(%dma_start3A_328 : memref<!tpu.dma_semaphore, #tpu.memory_space<semaphore_mem>>)
    %dma_start3A_333 = arith.constant 1 : i32
    %dma_start3A_334 = arith.constant 1 : i32
    %dma_start3A_335 = arith.constant 256 : i32
    %dma_start3A_336 = tpu.memref_slice %arg14[%dma_start3A_333, %dma_start3A_335] : memref<2x1024xi32, #tpu.memory_space<vmem>> -> memref<1x128xi32, #tpu.memory_space<vmem>>
    %dma_start3A_337 = tpu.memref_squeeze %dma_start3A_336 : memref<1x128xi32, #tpu.memory_space<vmem>> -> memref<128xi32, #tpu.memory_space<vmem>>
    %dma_start3A_338 = tpu.memref_slice %arg2[%add3A_298] : memref<3276800xi32, #tpu.memory_space<hbm>> -> memref<128xi32, #tpu.memory_space<hbm>>
    %dma_start3A_339 = tpu.memref_slice %arg19[%dma_start3A_334] : memref<2x!tpu.dma_semaphore, #tpu.memory_space<semaphore_mem>> -> memref<1x!tpu.dma_semaphore, #tpu.memory_space<semaphore_mem>>
    %dma_start3A_340 = tpu.memref_squeeze %dma_start3A_339 : memref<1x!tpu.dma_semaphore, #tpu.memory_space<semaphore_mem>> -> memref<!tpu.dma_semaphore, #tpu.memory_space<semaphore_mem>>
    %dma_start3A_341 = arith.constant 256 : i32
    %dma_start3A_342 = tpu.memref_slice %arg14[%dma_start3A_333, %dma_start3A_341] : memref<2x1024xi32, #tpu.memory_space<vmem>> -> memref<1x128xi32, #tpu.memory_space<vmem>>
    %dma_start3A_343 = tpu.memref_squeeze %dma_start3A_342 : memref<1x128xi32, #tpu.memory_space<vmem>> -> memref<128xi32, #tpu.memory_space<vmem>>
    %dma_start3A_344 = tpu.memref_slice %arg2[%add3A_298] : memref<3276800xi32, #tpu.memory_space<hbm>> -> memref<128xi32, #tpu.memory_space<hbm>>
    tpu.enqueue_dma source(%dma_start3A_344 : memref<128xi32, #tpu.memory_space<hbm>>) target(%dma_start3A_343 : memref<128xi32, #tpu.memory_space<vmem>>) target_semaphore(%dma_start3A_340 : memref<!tpu.dma_semaphore, #tpu.memory_space<semaphore_mem>>)
    %dma_start3A_345 = arith.constant 1 : i32
    %dma_start3A_346 = arith.constant 1 : i32
    %dma_start3A_347 = arith.constant 384 : i32
    %dma_start3A_348 = tpu.memref_slice %arg14[%dma_start3A_345, %dma_start3A_347] : memref<2x1024xi32, #tpu.memory_space<vmem>> -> memref<1x128xi32, #tpu.memory_space<vmem>>
    %dma_start3A_349 = tpu.memref_squeeze %dma_start3A_348 : memref<1x128xi32, #tpu.memory_space<vmem>> -> memref<128xi32, #tpu.memory_space<vmem>>
    %dma_start3A_350 = tpu.memref_slice %arg2[%add3A_300] : memref<3276800xi32, #tpu.memory_space<hbm>> -> memref<128xi32, #tpu.memory_space<hbm>>
    %dma_start3A_351 = tpu.memref_slice %arg19[%dma_start3A_346] : memref<2x!tpu.dma_semaphore, #tpu.memory_space<semaphore_mem>> -> memref<1x!tpu.dma_semaphore, #tpu.memory_space<semaphore_mem>>
    %dma_start3A_352 = tpu.memref_squeeze %dma_start3A_351 : memref<1x!tpu.dma_semaphore, #tpu.memory_space<semaphore_mem>> -> memref<!tpu.dma_semaphore, #tpu.memory_space<semaphore_mem>>
    %dma_start3A_353 = arith.constant 384 : i32
    %dma_start3A_354 = tpu.memref_slice %arg14[%dma_start3A_345, %dma_start3A_353] : memref<2x1024xi32, #tpu.memory_space<vmem>> -> memref<1x128xi32, #tpu.memory_space<vmem>>
    %dma_start3A_355 = tpu.memref_squeeze %dma_start3A_354 : memref<1x128xi32, #tpu.memory_space<vmem>> -> memref<128xi32, #tpu.memory_space<vmem>>
    %dma_start3A_356 = tpu.memref_slice %arg2[%add3A_300] : memref<3276800xi32, #tpu.memory_space<hbm>> -> memref<128xi32, #tpu.memory_space<hbm>>
    tpu.enqueue_dma source(%dma_start3A_356 : memref<128xi32, #tpu.memory_space<hbm>>) target(%dma_start3A_355 : memref<128xi32, #tpu.memory_space<vmem>>) target_semaphore(%dma_start3A_352 : memref<!tpu.dma_semaphore, #tpu.memory_space<semaphore_mem>>)
    %dma_start3A_357 = arith.constant 1 : i32
    %dma_start3A_358 = arith.constant 1 : i32
    %dma_start3A_359 = arith.constant 512 : i32
    %dma_start3A_360 = tpu.memref_slice %arg14[%dma_start3A_357, %dma_start3A_359] : memref<2x1024xi32, #tpu.memory_space<vmem>> -> memref<1x128xi32, #tpu.memory_space<vmem>>
    %dma_start3A_361 = tpu.memref_squeeze %dma_start3A_360 : memref<1x128xi32, #tpu.memory_space<vmem>> -> memref<128xi32, #tpu.memory_space<vmem>>
    %dma_start3A_362 = tpu.memref_slice %arg2[%add3A_302] : memref<3276800xi32, #tpu.memory_space<hbm>> -> memref<128xi32, #tpu.memory_space<hbm>>
    %dma_start3A_363 = tpu.memref_slice %arg19[%dma_start3A_358] : memref<2x!tpu.dma_semaphore, #tpu.memory_space<semaphore_mem>> -> memref<1x!tpu.dma_semaphore, #tpu.memory_space<semaphore_mem>>
    %dma_start3A_364 = tpu.memref_squeeze %dma_start3A_363 : memref<1x!tpu.dma_semaphore, #tpu.memory_space<semaphore_mem>> -> memref<!tpu.dma_semaphore, #tpu.memory_space<semaphore_mem>>
    %dma_start3A_365 = arith.constant 512 : i32
    %dma_start3A_366 = tpu.memref_slice %arg14[%dma_start3A_357, %dma_start3A_365] : memref<2x1024xi32, #tpu.memory_space<vmem>> -> memref<1x128xi32, #tpu.memory_space<vmem>>
    %dma_start3A_367 = tpu.memref_squeeze %dma_start3A_366 : memref<1x128xi32, #tpu.memory_space<vmem>> -> memref<128xi32, #tpu.memory_space<vmem>>
    %dma_start3A_368 = tpu.memref_slice %arg2[%add3A_302] : memref<3276800xi32, #tpu.memory_space<hbm>> -> memref<128xi32, #tpu.memory_space<hbm>>
    tpu.enqueue_dma source(%dma_start3A_368 : memref<128xi32, #tpu.memory_space<hbm>>) target(%dma_start3A_367 : memref<128xi32, #tpu.memory_space<vmem>>) target_semaphore(%dma_start3A_364 : memref<!tpu.dma_semaphore, #tpu.memory_space<semaphore_mem>>)
    %dma_start3A_369 = arith.constant 1 : i32
    %dma_start3A_370 = arith.constant 1 : i32
    %dma_start3A_371 = arith.constant 640 : i32
    %dma_start3A_372 = tpu.memref_slice %arg14[%dma_start3A_369, %dma_start3A_371] : memref<2x1024xi32, #tpu.memory_space<vmem>> -> memref<1x128xi32, #tpu.memory_space<vmem>>
    %dma_start3A_373 = tpu.memref_squeeze %dma_start3A_372 : memref<1x128xi32, #tpu.memory_space<vmem>> -> memref<128xi32, #tpu.memory_space<vmem>>
    %dma_start3A_374 = tpu.memref_slice %arg2[%add3A_304] : memref<3276800xi32, #tpu.memory_space<hbm>> -> memref<128xi32, #tpu.memory_space<hbm>>
    %dma_start3A_375 = tpu.memref_slice %arg19[%dma_start3A_370] : memref<2x!tpu.dma_semaphore, #tpu.memory_space<semaphore_mem>> -> memref<1x!tpu.dma_semaphore, #tpu.memory_space<semaphore_mem>>
    %dma_start3A_376 = tpu.memref_squeeze %dma_start3A_375 : memref<1x!tpu.dma_semaphore, #tpu.memory_space<semaphore_mem>> -> memref<!tpu.dma_semaphore, #tpu.memory_space<semaphore_mem>>
    %dma_start3A_377 = arith.constant 640 : i32
    %dma_start3A_378 = tpu.memref_slice %arg14[%dma_start3A_369, %dma_start3A_377] : memref<2x1024xi32, #tpu.memory_space<vmem>> -> memref<1x128xi32, #tpu.memory_space<vmem>>
    %dma_start3A_379 = tpu.memref_squeeze %dma_start3A_378 : memref<1x128xi32, #tpu.memory_space<vmem>> -> memref<128xi32, #tpu.memory_space<vmem>>
    %dma_start3A_380 = tpu.memref_slice %arg2[%add3A_304] : memref<3276800xi32, #tpu.memory_space<hbm>> -> memref<128xi32, #tpu.memory_space<hbm>>
    tpu.enqueue_dma source(%dma_start3A_380 : memref<128xi32, #tpu.memory_space<hbm>>) target(%dma_start3A_379 : memref<128xi32, #tpu.memory_space<vmem>>) target_semaphore(%dma_start3A_376 : memref<!tpu.dma_semaphore, #tpu.memory_space<semaphore_mem>>)
    %dma_start3A_381 = arith.constant 1 : i32
    %dma_start3A_382 = arith.constant 1 : i32
    %dma_start3A_383 = arith.constant 768 : i32
    %dma_start3A_384 = tpu.memref_slice %arg14[%dma_start3A_381, %dma_start3A_383] : memref<2x1024xi32, #tpu.memory_space<vmem>> -> memref<1x128xi32, #tpu.memory_space<vmem>>
    %dma_start3A_385 = tpu.memref_squeeze %dma_start3A_384 : memref<1x128xi32, #tpu.memory_space<vmem>> -> memref<128xi32, #tpu.memory_space<vmem>>
    %dma_start3A_386 = tpu.memref_slice %arg2[%add3A_306] : memref<3276800xi32, #tpu.memory_space<hbm>> -> memref<128xi32, #tpu.memory_space<hbm>>
    %dma_start3A_387 = tpu.memref_slice %arg19[%dma_start3A_382] : memref<2x!tpu.dma_semaphore, #tpu.memory_space<semaphore_mem>> -> memref<1x!tpu.dma_semaphore, #tpu.memory_space<semaphore_mem>>
    %dma_start3A_388 = tpu.memref_squeeze %dma_start3A_387 : memref<1x!tpu.dma_semaphore, #tpu.memory_space<semaphore_mem>> -> memref<!tpu.dma_semaphore, #tpu.memory_space<semaphore_mem>>
    %dma_start3A_389 = arith.constant 768 : i32
    %dma_start3A_390 = tpu.memref_slice %arg14[%dma_start3A_381, %dma_start3A_389] : memref<2x1024xi32, #tpu.memory_space<vmem>> -> memref<1x128xi32, #tpu.memory_space<vmem>>
    %dma_start3A_391 = tpu.memref_squeeze %dma_start3A_390 : memref<1x128xi32, #tpu.memory_space<vmem>> -> memref<128xi32, #tpu.memory_space<vmem>>
    %dma_start3A_392 = tpu.memref_slice %arg2[%add3A_306] : memref<3276800xi32, #tpu.memory_space<hbm>> -> memref<128xi32, #tpu.memory_space<hbm>>
    tpu.enqueue_dma source(%dma_start3A_392 : memref<128xi32, #tpu.memory_space<hbm>>) target(%dma_start3A_391 : memref<128xi32, #tpu.memory_space<vmem>>) target_semaphore(%dma_start3A_388 : memref<!tpu.dma_semaphore, #tpu.memory_space<semaphore_mem>>)
    %dma_start3A_393 = arith.constant 1 : i32
    %dma_start3A_394 = arith.constant 1 : i32
    %dma_start3A_395 = arith.constant 896 : i32
    %dma_start3A_396 = tpu.memref_slice %arg14[%dma_start3A_393, %dma_start3A_395] : memref<2x1024xi32, #tpu.memory_space<vmem>> -> memref<1x128xi32, #tpu.memory_space<vmem>>
    %dma_start3A_397 = tpu.memref_squeeze %dma_start3A_396 : memref<1x128xi32, #tpu.memory_space<vmem>> -> memref<128xi32, #tpu.memory_space<vmem>>
    %dma_start3A_398 = tpu.memref_slice %arg2[%add3A_308] : memref<3276800xi32, #tpu.memory_space<hbm>> -> memref<128xi32, #tpu.memory_space<hbm>>
    %dma_start3A_399 = tpu.memref_slice %arg19[%dma_start3A_394] : memref<2x!tpu.dma_semaphore, #tpu.memory_space<semaphore_mem>> -> memref<1x!tpu.dma_semaphore, #tpu.memory_space<semaphore_mem>>
    %dma_start3A_400 = tpu.memref_squeeze %dma_start3A_399 : memref<1x!tpu.dma_semaphore, #tpu.memory_space<semaphore_mem>> -> memref<!tpu.dma_semaphore, #tpu.memory_space<semaphore_mem>>
    %dma_start3A_401 = arith.constant 896 : i32
    %dma_start3A_402 = tpu.memref_slice %arg14[%dma_start3A_393, %dma_start3A_401] : memref<2x1024xi32, #tpu.memory_space<vmem>> -> memref<1x128xi32, #tpu.memory_space<vmem>>
    %dma_start3A_403 = tpu.memref_squeeze %dma_start3A_402 : memref<1x128xi32, #tpu.memory_space<vmem>> -> memref<128xi32, #tpu.memory_space<vmem>>
    %dma_start3A_404 = tpu.memref_slice %arg2[%add3A_308] : memref<3276800xi32, #tpu.memory_space<hbm>> -> memref<128xi32, #tpu.memory_space<hbm>>
    tpu.enqueue_dma source(%dma_start3A_404 : memref<128xi32, #tpu.memory_space<hbm>>) target(%dma_start3A_403 : memref<128xi32, #tpu.memory_space<vmem>>) target_semaphore(%dma_start3A_400 : memref<!tpu.dma_semaphore, #tpu.memory_space<semaphore_mem>>)
    %add3A_405 = arith.constant 0 : i32
    %add3A_406 = arith.addi %mul3A_7, %add3A_405 : i32
    %jit3A_407 = arith.constant 16 : i32
    %div3A_408 = arith.divsi %add3A_406, %jit3A_407 : i32
    %sign3A_409 = arith.constant 0 : i32
    %sign3A_410 = arith.cmpi sgt, %add3A_406, %sign3A_409 : i32
    %sign3A_411 = arith.extui %sign3A_410 : i1 to i32
    %sign3A_412 = arith.constant 0 : i32
    %sign3A_413 = arith.cmpi slt, %add3A_406, %sign3A_412 : i32
    %sign3A_414 = arith.extui %sign3A_413 : i1 to i32
    %sign3A_415 = arith.subi %sign3A_411, %sign3A_414 : i32
    %sign3A_416 = arith.constant 0 : i32
    %sign3A_417 = arith.cmpi sgt, %jit3A_407, %sign3A_416 : i32
    %sign3A_418 = arith.extui %sign3A_417 : i1 to i32
    %sign3A_419 = arith.constant 0 : i32
    %sign3A_420 = arith.cmpi slt, %jit3A_407, %sign3A_419 : i32
    %sign3A_421 = arith.extui %sign3A_420 : i1 to i32
    %sign3A_422 = arith.subi %sign3A_418, %sign3A_421 : i32
    %ne3A_423 = arith.cmpi ne, %sign3A_415, %sign3A_422 : i32
    %rem3A_424 = arith.remsi %add3A_406, %jit3A_407 : i32
    %ne3A_425 = arith.constant 0 : i32
    %ne3A_426 = arith.cmpi ne, %rem3A_424, %ne3A_425 : i32
    %and3A_427 = arith.andi %ne3A_423, %ne3A_426 : i1
    %sub3A_428 = arith.constant 1 : i32
    %sub3A_429 = arith.subi %div3A_408, %sub3A_428 : i32
    %select_n3A_430 = arith.select %and3A_427, %sub3A_429, %div3A_408 : i32
    %jit3A_431 = arith.constant 8 : i32
    %div3A_432 = arith.divsi %select_n3A_430, %jit3A_431 : i32
    %sign3A_433 = arith.constant 0 : i32
    %sign3A_434 = arith.cmpi sgt, %select_n3A_430, %sign3A_433 : i32
    %sign3A_435 = arith.extui %sign3A_434 : i1 to i32
    %sign3A_436 = arith.constant 0 : i32
    %sign3A_437 = arith.cmpi slt, %select_n3A_430, %sign3A_436 : i32
    %sign3A_438 = arith.extui %sign3A_437 : i1 to i32
    %sign3A_439 = arith.subi %sign3A_435, %sign3A_438 : i32
    %sign3A_440 = arith.constant 0 : i32
    %sign3A_441 = arith.cmpi sgt, %jit3A_431, %sign3A_440 : i32
    %sign3A_442 = arith.extui %sign3A_441 : i1 to i32
    %sign3A_443 = arith.constant 0 : i32
    %sign3A_444 = arith.cmpi slt, %jit3A_431, %sign3A_443 : i32
    %sign3A_445 = arith.extui %sign3A_444 : i1 to i32
    %sign3A_446 = arith.subi %sign3A_442, %sign3A_445 : i32
    %ne3A_447 = arith.cmpi ne, %sign3A_439, %sign3A_446 : i32
    %rem3A_448 = arith.remsi %select_n3A_430, %jit3A_431 : i32
    %ne3A_449 = arith.constant 0 : i32
    %ne3A_450 = arith.cmpi ne, %rem3A_448, %ne3A_449 : i32
    %and3A_451 = arith.andi %ne3A_447, %ne3A_450 : i1
    %sub3A_452 = arith.constant 1 : i32
    %sub3A_453 = arith.subi %div3A_432, %sub3A_452 : i32
    %select_n3A_454 = arith.select %and3A_451, %sub3A_453, %div3A_432 : i32
    %mul3A_455 = arith.constant 128 : i32
    %mul3A_456 = arith.muli %select_n3A_454, %mul3A_455 : i32
    %jit3A_457 = arith.constant 16 : i32
    %eq3A_458 = arith.constant 0 : i32
    %eq3A_459 = arith.cmpi eq, %jit3A_457, %eq3A_458 : i32
    %jit3A_460 = arith.constant 1 : i32
    %select_n3A_461 = arith.select %eq3A_459, %jit3A_460, %jit3A_457 : i32
    %rem3A_462 = arith.remsi %add3A_406, %select_n3A_461 : i32
    %ne3A_463 = arith.constant 0 : i32
    %ne3A_464 = arith.cmpi ne, %rem3A_462, %ne3A_463 : i32
    %lt3A_465 = arith.constant 0 : i32
    %lt3A_466 = arith.cmpi slt, %rem3A_462, %lt3A_465 : i32
    %lt3A_467 = arith.constant 0 : i32
    %lt3A_468 = arith.cmpi slt, %select_n3A_461, %lt3A_467 : i32
    %ne3A_469 = arith.xori %lt3A_466, %lt3A_468 : i1
    %and3A_470 = arith.andi %ne3A_469, %ne3A_464 : i1
    %add3A_471 = arith.addi %rem3A_462, %select_n3A_461 : i32
    %select_n3A_472 = arith.select %and3A_470, %add3A_471, %rem3A_462 : i32
    %mul3A_473 = arith.constant 8 : i32
    %mul3A_474 = arith.muli %select_n3A_472, %mul3A_473 : i32
    %add3A_475 = arith.addi %mul3A_456, %mul3A_474 : i32
    %mul3A_476 = arith.constant 1024 : i32
    %mul3A_477 = arith.muli %add3A_475, %mul3A_476 : i32
    %jit3A_478 = arith.constant 8 : i32
    %eq3A_479 = arith.constant 0 : i32
    %eq3A_480 = arith.cmpi eq, %jit3A_478, %eq3A_479 : i32
    %jit3A_481 = arith.constant 1 : i32
    %select_n3A_482 = arith.select %eq3A_480, %jit3A_481, %jit3A_478 : i32
    %rem3A_483 = arith.remsi %select_n3A_430, %select_n3A_482 : i32
    %ne3A_484 = arith.constant 0 : i32
    %ne3A_485 = arith.cmpi ne, %rem3A_483, %ne3A_484 : i32
    %lt3A_486 = arith.constant 0 : i32
    %lt3A_487 = arith.cmpi slt, %rem3A_483, %lt3A_486 : i32
    %lt3A_488 = arith.constant 0 : i32
    %lt3A_489 = arith.cmpi slt, %select_n3A_482, %lt3A_488 : i32
    %ne3A_490 = arith.xori %lt3A_487, %lt3A_489 : i1
    %and3A_491 = arith.andi %ne3A_490, %ne3A_485 : i1
    %add3A_492 = arith.addi %rem3A_483, %select_n3A_482 : i32
    %select_n3A_493 = arith.select %and3A_491, %add3A_492, %rem3A_483 : i32
    %mul3A_494 = arith.constant 128 : i32
    %mul3A_495 = arith.muli %select_n3A_493, %mul3A_494 : i32
    %add3A_496 = arith.addi %mul3A_477, %mul3A_495 : i32
    %add3A_497 = arith.constant 0 : i32
    %add3A_498 = arith.addi %add3A_496, %add3A_497 : i32
    %add3A_499 = arith.constant 0 : i32
    %add3A_500 = arith.addi %add3A_496, %add3A_499 : i32
    %add3A_501 = arith.constant 1024 : i32
    %add3A_502 = arith.addi %add3A_496, %add3A_501 : i32
    %add3A_503 = arith.constant 1024 : i32
    %add3A_504 = arith.addi %add3A_496, %add3A_503 : i32
    %add3A_505 = arith.constant 2048 : i32
    %add3A_506 = arith.addi %add3A_496, %add3A_505 : i32
    %add3A_507 = arith.constant 2048 : i32
    %add3A_508 = arith.addi %add3A_496, %add3A_507 : i32
    %add3A_509 = arith.constant 3072 : i32
    %add3A_510 = arith.addi %add3A_496, %add3A_509 : i32
    %add3A_511 = arith.constant 3072 : i32
    %add3A_512 = arith.addi %add3A_496, %add3A_511 : i32
    %add3A_513 = arith.constant 4096 : i32
    %add3A_514 = arith.addi %add3A_496, %add3A_513 : i32
    %add3A_515 = arith.constant 4096 : i32
    %add3A_516 = arith.addi %add3A_496, %add3A_515 : i32
    %add3A_517 = arith.constant 5120 : i32
    %add3A_518 = arith.addi %add3A_496, %add3A_517 : i32
    %add3A_519 = arith.constant 5120 : i32
    %add3A_520 = arith.addi %add3A_496, %add3A_519 : i32
    %add3A_521 = arith.constant 6144 : i32
    %add3A_522 = arith.addi %add3A_496, %add3A_521 : i32
    %add3A_523 = arith.constant 6144 : i32
    %add3A_524 = arith.addi %add3A_496, %add3A_523 : i32
    %add3A_525 = arith.constant 7168 : i32
    %add3A_526 = arith.addi %add3A_496, %add3A_525 : i32
    %add3A_527 = arith.constant 7168 : i32
    %add3A_528 = arith.addi %add3A_496, %add3A_527 : i32
    %dma_start3A_529 = arith.constant 0 : i32
    %dma_start3A_530 = arith.constant 0 : i32
    %dma_start3A_531 = arith.constant 0 : i32
    %dma_start3A_532 = tpu.memref_slice %arg15[%dma_start3A_529, %dma_start3A_531] : memref<2x1024xi32, #tpu.memory_space<vmem>> -> memref<1x128xi32, #tpu.memory_space<vmem>>
    %dma_start3A_533 = tpu.memref_squeeze %dma_start3A_532 : memref<1x128xi32, #tpu.memory_space<vmem>> -> memref<128xi32, #tpu.memory_space<vmem>>
    %dma_start3A_534 = tpu.memref_slice %arg3[%add3A_498] : memref<3276800xi32, #tpu.memory_space<hbm>> -> memref<128xi32, #tpu.memory_space<hbm>>
    %dma_start3A_535 = tpu.memref_slice %arg20[%dma_start3A_530] : memref<2x!tpu.dma_semaphore, #tpu.memory_space<semaphore_mem>> -> memref<1x!tpu.dma_semaphore, #tpu.memory_space<semaphore_mem>>
    %dma_start3A_536 = tpu.memref_squeeze %dma_start3A_535 : memref<1x!tpu.dma_semaphore, #tpu.memory_space<semaphore_mem>> -> memref<!tpu.dma_semaphore, #tpu.memory_space<semaphore_mem>>
    %dma_start3A_537 = arith.constant 0 : i32
    %dma_start3A_538 = tpu.memref_slice %arg15[%dma_start3A_529, %dma_start3A_537] : memref<2x1024xi32, #tpu.memory_space<vmem>> -> memref<1x128xi32, #tpu.memory_space<vmem>>
    %dma_start3A_539 = tpu.memref_squeeze %dma_start3A_538 : memref<1x128xi32, #tpu.memory_space<vmem>> -> memref<128xi32, #tpu.memory_space<vmem>>
    %dma_start3A_540 = tpu.memref_slice %arg3[%add3A_498] : memref<3276800xi32, #tpu.memory_space<hbm>> -> memref<128xi32, #tpu.memory_space<hbm>>
    tpu.enqueue_dma source(%dma_start3A_540 : memref<128xi32, #tpu.memory_space<hbm>>) target(%dma_start3A_539 : memref<128xi32, #tpu.memory_space<vmem>>) target_semaphore(%dma_start3A_536 : memref<!tpu.dma_semaphore, #tpu.memory_space<semaphore_mem>>)
    %dma_start3A_541 = arith.constant 0 : i32
    %dma_start3A_542 = arith.constant 0 : i32
    %dma_start3A_543 = arith.constant 0 : i32
    %dma_start3A_544 = tpu.memref_slice %arg16[%dma_start3A_541, %dma_start3A_543] : memref<2x1024xi32, #tpu.memory_space<vmem>> -> memref<1x128xi32, #tpu.memory_space<vmem>>
    %dma_start3A_545 = tpu.memref_squeeze %dma_start3A_544 : memref<1x128xi32, #tpu.memory_space<vmem>> -> memref<128xi32, #tpu.memory_space<vmem>>
    %dma_start3A_546 = tpu.memref_slice %arg4[%add3A_500] : memref<3276800xi32, #tpu.memory_space<hbm>> -> memref<128xi32, #tpu.memory_space<hbm>>
    %dma_start3A_547 = tpu.memref_slice %arg20[%dma_start3A_542] : memref<2x!tpu.dma_semaphore, #tpu.memory_space<semaphore_mem>> -> memref<1x!tpu.dma_semaphore, #tpu.memory_space<semaphore_mem>>
    %dma_start3A_548 = tpu.memref_squeeze %dma_start3A_547 : memref<1x!tpu.dma_semaphore, #tpu.memory_space<semaphore_mem>> -> memref<!tpu.dma_semaphore, #tpu.memory_space<semaphore_mem>>
    %dma_start3A_549 = arith.constant 0 : i32
    %dma_start3A_550 = tpu.memref_slice %arg16[%dma_start3A_541, %dma_start3A_549] : memref<2x1024xi32, #tpu.memory_space<vmem>> -> memref<1x128xi32, #tpu.memory_space<vmem>>
    %dma_start3A_551 = tpu.memref_squeeze %dma_start3A_550 : memref<1x128xi32, #tpu.memory_space<vmem>> -> memref<128xi32, #tpu.memory_space<vmem>>
    %dma_start3A_552 = tpu.memref_slice %arg4[%add3A_500] : memref<3276800xi32, #tpu.memory_space<hbm>> -> memref<128xi32, #tpu.memory_space<hbm>>
    tpu.enqueue_dma source(%dma_start3A_552 : memref<128xi32, #tpu.memory_space<hbm>>) target(%dma_start3A_551 : memref<128xi32, #tpu.memory_space<vmem>>) target_semaphore(%dma_start3A_548 : memref<!tpu.dma_semaphore, #tpu.memory_space<semaphore_mem>>)
    %dma_start3A_553 = arith.constant 0 : i32
    %dma_start3A_554 = arith.constant 0 : i32
    %dma_start3A_555 = arith.constant 128 : i32
    %dma_start3A_556 = tpu.memref_slice %arg15[%dma_start3A_553, %dma_start3A_555] : memref<2x1024xi32, #tpu.memory_space<vmem>> -> memref<1x128xi32, #tpu.memory_space<vmem>>
    %dma_start3A_557 = tpu.memref_squeeze %dma_start3A_556 : memref<1x128xi32, #tpu.memory_space<vmem>> -> memref<128xi32, #tpu.memory_space<vmem>>
    %dma_start3A_558 = tpu.memref_slice %arg3[%add3A_502] : memref<3276800xi32, #tpu.memory_space<hbm>> -> memref<128xi32, #tpu.memory_space<hbm>>
    %dma_start3A_559 = tpu.memref_slice %arg20[%dma_start3A_554] : memref<2x!tpu.dma_semaphore, #tpu.memory_space<semaphore_mem>> -> memref<1x!tpu.dma_semaphore, #tpu.memory_space<semaphore_mem>>
    %dma_start3A_560 = tpu.memref_squeeze %dma_start3A_559 : memref<1x!tpu.dma_semaphore, #tpu.memory_space<semaphore_mem>> -> memref<!tpu.dma_semaphore, #tpu.memory_space<semaphore_mem>>
    %dma_start3A_561 = arith.constant 128 : i32
    %dma_start3A_562 = tpu.memref_slice %arg15[%dma_start3A_553, %dma_start3A_561] : memref<2x1024xi32, #tpu.memory_space<vmem>> -> memref<1x128xi32, #tpu.memory_space<vmem>>
    %dma_start3A_563 = tpu.memref_squeeze %dma_start3A_562 : memref<1x128xi32, #tpu.memory_space<vmem>> -> memref<128xi32, #tpu.memory_space<vmem>>
    %dma_start3A_564 = tpu.memref_slice %arg3[%add3A_502] : memref<3276800xi32, #tpu.memory_space<hbm>> -> memref<128xi32, #tpu.memory_space<hbm>>
    tpu.enqueue_dma source(%dma_start3A_564 : memref<128xi32, #tpu.memory_space<hbm>>) target(%dma_start3A_563 : memref<128xi32, #tpu.memory_space<vmem>>) target_semaphore(%dma_start3A_560 : memref<!tpu.dma_semaphore, #tpu.memory_space<semaphore_mem>>)
    %dma_start3A_565 = arith.constant 0 : i32
    %dma_start3A_566 = arith.constant 0 : i32
    %dma_start3A_567 = arith.constant 128 : i32
    %dma_start3A_568 = tpu.memref_slice %arg16[%dma_start3A_565, %dma_start3A_567] : memref<2x1024xi32, #tpu.memory_space<vmem>> -> memref<1x128xi32, #tpu.memory_space<vmem>>
    %dma_start3A_569 = tpu.memref_squeeze %dma_start3A_568 : memref<1x128xi32, #tpu.memory_space<vmem>> -> memref<128xi32, #tpu.memory_space<vmem>>
    %dma_start3A_570 = tpu.memref_slice %arg4[%add3A_504] : memref<3276800xi32, #tpu.memory_space<hbm>> -> memref<128xi32, #tpu.memory_space<hbm>>
    %dma_start3A_571 = tpu.memref_slice %arg20[%dma_start3A_566] : memref<2x!tpu.dma_semaphore, #tpu.memory_space<semaphore_mem>> -> memref<1x!tpu.dma_semaphore, #tpu.memory_space<semaphore_mem>>
    %dma_start3A_572 = tpu.memref_squeeze %dma_start3A_571 : memref<1x!tpu.dma_semaphore, #tpu.memory_space<semaphore_mem>> -> memref<!tpu.dma_semaphore, #tpu.memory_space<semaphore_mem>>
    %dma_start3A_573 = arith.constant 128 : i32
    %dma_start3A_574 = tpu.memref_slice %arg16[%dma_start3A_565, %dma_start3A_573] : memref<2x1024xi32, #tpu.memory_space<vmem>> -> memref<1x128xi32, #tpu.memory_space<vmem>>
    %dma_start3A_575 = tpu.memref_squeeze %dma_start3A_574 : memref<1x128xi32, #tpu.memory_space<vmem>> -> memref<128xi32, #tpu.memory_space<vmem>>
    %dma_start3A_576 = tpu.memref_slice %arg4[%add3A_504] : memref<3276800xi32, #tpu.memory_space<hbm>> -> memref<128xi32, #tpu.memory_space<hbm>>
    tpu.enqueue_dma source(%dma_start3A_576 : memref<128xi32, #tpu.memory_space<hbm>>) target(%dma_start3A_575 : memref<128xi32, #tpu.memory_space<vmem>>) target_semaphore(%dma_start3A_572 : memref<!tpu.dma_semaphore, #tpu.memory_space<semaphore_mem>>)
    %dma_start3A_577 = arith.constant 0 : i32
    %dma_start3A_578 = arith.constant 0 : i32
    %dma_start3A_579 = arith.constant 256 : i32
    %dma_start3A_580 = tpu.memref_slice %arg15[%dma_start3A_577, %dma_start3A_579] : memref<2x1024xi32, #tpu.memory_space<vmem>> -> memref<1x128xi32, #tpu.memory_space<vmem>>
    %dma_start3A_581 = tpu.memref_squeeze %dma_start3A_580 : memref<1x128xi32, #tpu.memory_space<vmem>> -> memref<128xi32, #tpu.memory_space<vmem>>
    %dma_start3A_582 = tpu.memref_slice %arg3[%add3A_506] : memref<3276800xi32, #tpu.memory_space<hbm>> -> memref<128xi32, #tpu.memory_space<hbm>>
    %dma_start3A_583 = tpu.memref_slice %arg20[%dma_start3A_578] : memref<2x!tpu.dma_semaphore, #tpu.memory_space<semaphore_mem>> -> memref<1x!tpu.dma_semaphore, #tpu.memory_space<semaphore_mem>>
    %dma_start3A_584 = tpu.memref_squeeze %dma_start3A_583 : memref<1x!tpu.dma_semaphore, #tpu.memory_space<semaphore_mem>> -> memref<!tpu.dma_semaphore, #tpu.memory_space<semaphore_mem>>
    %dma_start3A_585 = arith.constant 256 : i32
    %dma_start3A_586 = tpu.memref_slice %arg15[%dma_start3A_577, %dma_start3A_585] : memref<2x1024xi32, #tpu.memory_space<vmem>> -> memref<1x128xi32, #tpu.memory_space<vmem>>
    %dma_start3A_587 = tpu.memref_squeeze %dma_start3A_586 : memref<1x128xi32, #tpu.memory_space<vmem>> -> memref<128xi32, #tpu.memory_space<vmem>>
    %dma_start3A_588 = tpu.memref_slice %arg3[%add3A_506] : memref<3276800xi32, #tpu.memory_space<hbm>> -> memref<128xi32, #tpu.memory_space<hbm>>
    tpu.enqueue_dma source(%dma_start3A_588 : memref<128xi32, #tpu.memory_space<hbm>>) target(%dma_start3A_587 : memref<128xi32, #tpu.memory_space<vmem>>) target_semaphore(%dma_start3A_584 : memref<!tpu.dma_semaphore, #tpu.memory_space<semaphore_mem>>)
    %dma_start3A_589 = arith.constant 0 : i32
    %dma_start3A_590 = arith.constant 0 : i32
    %dma_start3A_591 = arith.constant 256 : i32
    %dma_start3A_592 = tpu.memref_slice %arg16[%dma_start3A_589, %dma_start3A_591] : memref<2x1024xi32, #tpu.memory_space<vmem>> -> memref<1x128xi32, #tpu.memory_space<vmem>>
    %dma_start3A_593 = tpu.memref_squeeze %dma_start3A_592 : memref<1x128xi32, #tpu.memory_space<vmem>> -> memref<128xi32, #tpu.memory_space<vmem>>
    %dma_start3A_594 = tpu.memref_slice %arg4[%add3A_508] : memref<3276800xi32, #tpu.memory_space<hbm>> -> memref<128xi32, #tpu.memory_space<hbm>>
    %dma_start3A_595 = tpu.memref_slice %arg20[%dma_start3A_590] : memref<2x!tpu.dma_semaphore, #tpu.memory_space<semaphore_mem>> -> memref<1x!tpu.dma_semaphore, #tpu.memory_space<semaphore_mem>>
    %dma_start3A_596 = tpu.memref_squeeze %dma_start3A_595 : memref<1x!tpu.dma_semaphore, #tpu.memory_space<semaphore_mem>> -> memref<!tpu.dma_semaphore, #tpu.memory_space<semaphore_mem>>
    %dma_start3A_597 = arith.constant 256 : i32
    %dma_start3A_598 = tpu.memref_slice %arg16[%dma_start3A_589, %dma_start3A_597] : memref<2x1024xi32, #tpu.memory_space<vmem>> -> memref<1x128xi32, #tpu.memory_space<vmem>>
    %dma_start3A_599 = tpu.memref_squeeze %dma_start3A_598 : memref<1x128xi32, #tpu.memory_space<vmem>> -> memref<128xi32, #tpu.memory_space<vmem>>
    %dma_start3A_600 = tpu.memref_slice %arg4[%add3A_508] : memref<3276800xi32, #tpu.memory_space<hbm>> -> memref<128xi32, #tpu.memory_space<hbm>>
    tpu.enqueue_dma source(%dma_start3A_600 : memref<128xi32, #tpu.memory_space<hbm>>) target(%dma_start3A_599 : memref<128xi32, #tpu.memory_space<vmem>>) target_semaphore(%dma_start3A_596 : memref<!tpu.dma_semaphore, #tpu.memory_space<semaphore_mem>>)
    %dma_start3A_601 = arith.constant 0 : i32
    %dma_start3A_602 = arith.constant 0 : i32
    %dma_start3A_603 = arith.constant 384 : i32
    %dma_start3A_604 = tpu.memref_slice %arg15[%dma_start3A_601, %dma_start3A_603] : memref<2x1024xi32, #tpu.memory_space<vmem>> -> memref<1x128xi32, #tpu.memory_space<vmem>>
    %dma_start3A_605 = tpu.memref_squeeze %dma_start3A_604 : memref<1x128xi32, #tpu.memory_space<vmem>> -> memref<128xi32, #tpu.memory_space<vmem>>
    %dma_start3A_606 = tpu.memref_slice %arg3[%add3A_510] : memref<3276800xi32, #tpu.memory_space<hbm>> -> memref<128xi32, #tpu.memory_space<hbm>>
    %dma_start3A_607 = tpu.memref_slice %arg20[%dma_start3A_602] : memref<2x!tpu.dma_semaphore, #tpu.memory_space<semaphore_mem>> -> memref<1x!tpu.dma_semaphore, #tpu.memory_space<semaphore_mem>>
    %dma_start3A_608 = tpu.memref_squeeze %dma_start3A_607 : memref<1x!tpu.dma_semaphore, #tpu.memory_space<semaphore_mem>> -> memref<!tpu.dma_semaphore, #tpu.memory_space<semaphore_mem>>
    %dma_start3A_609 = arith.constant 384 : i32
    %dma_start3A_610 = tpu.memref_slice %arg15[%dma_start3A_601, %dma_start3A_609] : memref<2x1024xi32, #tpu.memory_space<vmem>> -> memref<1x128xi32, #tpu.memory_space<vmem>>
    %dma_start3A_611 = tpu.memref_squeeze %dma_start3A_610 : memref<1x128xi32, #tpu.memory_space<vmem>> -> memref<128xi32, #tpu.memory_space<vmem>>
    %dma_start3A_612 = tpu.memref_slice %arg3[%add3A_510] : memref<3276800xi32, #tpu.memory_space<hbm>> -> memref<128xi32, #tpu.memory_space<hbm>>
    tpu.enqueue_dma source(%dma_start3A_612 : memref<128xi32, #tpu.memory_space<hbm>>) target(%dma_start3A_611 : memref<128xi32, #tpu.memory_space<vmem>>) target_semaphore(%dma_start3A_608 : memref<!tpu.dma_semaphore, #tpu.memory_space<semaphore_mem>>)
    %dma_start3A_613 = arith.constant 0 : i32
    %dma_start3A_614 = arith.constant 0 : i32
    %dma_start3A_615 = arith.constant 384 : i32
    %dma_start3A_616 = tpu.memref_slice %arg16[%dma_start3A_613, %dma_start3A_615] : memref<2x1024xi32, #tpu.memory_space<vmem>> -> memref<1x128xi32, #tpu.memory_space<vmem>>
    %dma_start3A_617 = tpu.memref_squeeze %dma_start3A_616 : memref<1x128xi32, #tpu.memory_space<vmem>> -> memref<128xi32, #tpu.memory_space<vmem>>
    %dma_start3A_618 = tpu.memref_slice %arg4[%add3A_512] : memref<3276800xi32, #tpu.memory_space<hbm>> -> memref<128xi32, #tpu.memory_space<hbm>>
    %dma_start3A_619 = tpu.memref_slice %arg20[%dma_start3A_614] : memref<2x!tpu.dma_semaphore, #tpu.memory_space<semaphore_mem>> -> memref<1x!tpu.dma_semaphore, #tpu.memory_space<semaphore_mem>>
    %dma_start3A_620 = tpu.memref_squeeze %dma_start3A_619 : memref<1x!tpu.dma_semaphore, #tpu.memory_space<semaphore_mem>> -> memref<!tpu.dma_semaphore, #tpu.memory_space<semaphore_mem>>
    %dma_start3A_621 = arith.constant 384 : i32
    %dma_start3A_622 = tpu.memref_slice %arg16[%dma_start3A_613, %dma_start3A_621] : memref<2x1024xi32, #tpu.memory_space<vmem>> -> memref<1x128xi32, #tpu.memory_space<vmem>>
    %dma_start3A_623 = tpu.memref_squeeze %dma_start3A_622 : memref<1x128xi32, #tpu.memory_space<vmem>> -> memref<128xi32, #tpu.memory_space<vmem>>
    %dma_start3A_624 = tpu.memref_slice %arg4[%add3A_512] : memref<3276800xi32, #tpu.memory_space<hbm>> -> memref<128xi32, #tpu.memory_space<hbm>>
    tpu.enqueue_dma source(%dma_start3A_624 : memref<128xi32, #tpu.memory_space<hbm>>) target(%dma_start3A_623 : memref<128xi32, #tpu.memory_space<vmem>>) target_semaphore(%dma_start3A_620 : memref<!tpu.dma_semaphore, #tpu.memory_space<semaphore_mem>>)
    %dma_start3A_625 = arith.constant 0 : i32
    %dma_start3A_626 = arith.constant 0 : i32
    %dma_start3A_627 = arith.constant 512 : i32
    %dma_start3A_628 = tpu.memref_slice %arg15[%dma_start3A_625, %dma_start3A_627] : memref<2x1024xi32, #tpu.memory_space<vmem>> -> memref<1x128xi32, #tpu.memory_space<vmem>>
    %dma_start3A_629 = tpu.memref_squeeze %dma_start3A_628 : memref<1x128xi32, #tpu.memory_space<vmem>> -> memref<128xi32, #tpu.memory_space<vmem>>
    %dma_start3A_630 = tpu.memref_slice %arg3[%add3A_514] : memref<3276800xi32, #tpu.memory_space<hbm>> -> memref<128xi32, #tpu.memory_space<hbm>>
    %dma_start3A_631 = tpu.memref_slice %arg20[%dma_start3A_626] : memref<2x!tpu.dma_semaphore, #tpu.memory_space<semaphore_mem>> -> memref<1x!tpu.dma_semaphore, #tpu.memory_space<semaphore_mem>>
    %dma_start3A_632 = tpu.memref_squeeze %dma_start3A_631 : memref<1x!tpu.dma_semaphore, #tpu.memory_space<semaphore_mem>> -> memref<!tpu.dma_semaphore, #tpu.memory_space<semaphore_mem>>
    %dma_start3A_633 = arith.constant 512 : i32
    %dma_start3A_634 = tpu.memref_slice %arg15[%dma_start3A_625, %dma_start3A_633] : memref<2x1024xi32, #tpu.memory_space<vmem>> -> memref<1x128xi32, #tpu.memory_space<vmem>>
    %dma_start3A_635 = tpu.memref_squeeze %dma_start3A_634 : memref<1x128xi32, #tpu.memory_space<vmem>> -> memref<128xi32, #tpu.memory_space<vmem>>
    %dma_start3A_636 = tpu.memref_slice %arg3[%add3A_514] : memref<3276800xi32, #tpu.memory_space<hbm>> -> memref<128xi32, #tpu.memory_space<hbm>>
    tpu.enqueue_dma source(%dma_start3A_636 : memref<128xi32, #tpu.memory_space<hbm>>) target(%dma_start3A_635 : memref<128xi32, #tpu.memory_space<vmem>>) target_semaphore(%dma_start3A_632 : memref<!tpu.dma_semaphore, #tpu.memory_space<semaphore_mem>>)
    %dma_start3A_637 = arith.constant 0 : i32
    %dma_start3A_638 = arith.constant 0 : i32
    %dma_start3A_639 = arith.constant 512 : i32
    %dma_start3A_640 = tpu.memref_slice %arg16[%dma_start3A_637, %dma_start3A_639] : memref<2x1024xi32, #tpu.memory_space<vmem>> -> memref<1x128xi32, #tpu.memory_space<vmem>>
    %dma_start3A_641 = tpu.memref_squeeze %dma_start3A_640 : memref<1x128xi32, #tpu.memory_space<vmem>> -> memref<128xi32, #tpu.memory_space<vmem>>
    %dma_start3A_642 = tpu.memref_slice %arg4[%add3A_516] : memref<3276800xi32, #tpu.memory_space<hbm>> -> memref<128xi32, #tpu.memory_space<hbm>>
    %dma_start3A_643 = tpu.memref_slice %arg20[%dma_start3A_638] : memref<2x!tpu.dma_semaphore, #tpu.memory_space<semaphore_mem>> -> memref<1x!tpu.dma_semaphore, #tpu.memory_space<semaphore_mem>>
    %dma_start3A_644 = tpu.memref_squeeze %dma_start3A_643 : memref<1x!tpu.dma_semaphore, #tpu.memory_space<semaphore_mem>> -> memref<!tpu.dma_semaphore, #tpu.memory_space<semaphore_mem>>
    %dma_start3A_645 = arith.constant 512 : i32
    %dma_start3A_646 = tpu.memref_slice %arg16[%dma_start3A_637, %dma_start3A_645] : memref<2x1024xi32, #tpu.memory_space<vmem>> -> memref<1x128xi32, #tpu.memory_space<vmem>>
    %dma_start3A_647 = tpu.memref_squeeze %dma_start3A_646 : memref<1x128xi32, #tpu.memory_space<vmem>> -> memref<128xi32, #tpu.memory_space<vmem>>
    %dma_start3A_648 = tpu.memref_slice %arg4[%add3A_516] : memref<3276800xi32, #tpu.memory_space<hbm>> -> memref<128xi32, #tpu.memory_space<hbm>>
    tpu.enqueue_dma source(%dma_start3A_648 : memref<128xi32, #tpu.memory_space<hbm>>) target(%dma_start3A_647 : memref<128xi32, #tpu.memory_space<vmem>>) target_semaphore(%dma_start3A_644 : memref<!tpu.dma_semaphore, #tpu.memory_space<semaphore_mem>>)
    %dma_start3A_649 = arith.constant 0 : i32
    %dma_start3A_650 = arith.constant 0 : i32
    %dma_start3A_651 = arith.constant 640 : i32
    %dma_start3A_652 = tpu.memref_slice %arg15[%dma_start3A_649, %dma_start3A_651] : memref<2x1024xi32, #tpu.memory_space<vmem>> -> memref<1x128xi32, #tpu.memory_space<vmem>>
    %dma_start3A_653 = tpu.memref_squeeze %dma_start3A_652 : memref<1x128xi32, #tpu.memory_space<vmem>> -> memref<128xi32, #tpu.memory_space<vmem>>
    %dma_start3A_654 = tpu.memref_slice %arg3[%add3A_518] : memref<3276800xi32, #tpu.memory_space<hbm>> -> memref<128xi32, #tpu.memory_space<hbm>>
    %dma_start3A_655 = tpu.memref_slice %arg20[%dma_start3A_650] : memref<2x!tpu.dma_semaphore, #tpu.memory_space<semaphore_mem>> -> memref<1x!tpu.dma_semaphore, #tpu.memory_space<semaphore_mem>>
    %dma_start3A_656 = tpu.memref_squeeze %dma_start3A_655 : memref<1x!tpu.dma_semaphore, #tpu.memory_space<semaphore_mem>> -> memref<!tpu.dma_semaphore, #tpu.memory_space<semaphore_mem>>
    %dma_start3A_657 = arith.constant 640 : i32
    %dma_start3A_658 = tpu.memref_slice %arg15[%dma_start3A_649, %dma_start3A_657] : memref<2x1024xi32, #tpu.memory_space<vmem>> -> memref<1x128xi32, #tpu.memory_space<vmem>>
    %dma_start3A_659 = tpu.memref_squeeze %dma_start3A_658 : memref<1x128xi32, #tpu.memory_space<vmem>> -> memref<128xi32, #tpu.memory_space<vmem>>
    %dma_start3A_660 = tpu.memref_slice %arg3[%add3A_518] : memref<3276800xi32, #tpu.memory_space<hbm>> -> memref<128xi32, #tpu.memory_space<hbm>>
    tpu.enqueue_dma source(%dma_start3A_660 : memref<128xi32, #tpu.memory_space<hbm>>) target(%dma_start3A_659 : memref<128xi32, #tpu.memory_space<vmem>>) target_semaphore(%dma_start3A_656 : memref<!tpu.dma_semaphore, #tpu.memory_space<semaphore_mem>>)
    %dma_start3A_661 = arith.constant 0 : i32
    %dma_start3A_662 = arith.constant 0 : i32
    %dma_start3A_663 = arith.constant 640 : i32
    %dma_start3A_664 = tpu.memref_slice %arg16[%dma_start3A_661, %dma_start3A_663] : memref<2x1024xi32, #tpu.memory_space<vmem>> -> memref<1x128xi32, #tpu.memory_space<vmem>>
    %dma_start3A_665 = tpu.memref_squeeze %dma_start3A_664 : memref<1x128xi32, #tpu.memory_space<vmem>> -> memref<128xi32, #tpu.memory_space<vmem>>
    %dma_start3A_666 = tpu.memref_slice %arg4[%add3A_520] : memref<3276800xi32, #tpu.memory_space<hbm>> -> memref<128xi32, #tpu.memory_space<hbm>>
    %dma_start3A_667 = tpu.memref_slice %arg20[%dma_start3A_662] : memref<2x!tpu.dma_semaphore, #tpu.memory_space<semaphore_mem>> -> memref<1x!tpu.dma_semaphore, #tpu.memory_space<semaphore_mem>>
    %dma_start3A_668 = tpu.memref_squeeze %dma_start3A_667 : memref<1x!tpu.dma_semaphore, #tpu.memory_space<semaphore_mem>> -> memref<!tpu.dma_semaphore, #tpu.memory_space<semaphore_mem>>
    %dma_start3A_669 = arith.constant 640 : i32
    %dma_start3A_670 = tpu.memref_slice %arg16[%dma_start3A_661, %dma_start3A_669] : memref<2x1024xi32, #tpu.memory_space<vmem>> -> memref<1x128xi32, #tpu.memory_space<vmem>>
    %dma_start3A_671 = tpu.memref_squeeze %dma_start3A_670 : memref<1x128xi32, #tpu.memory_space<vmem>> -> memref<128xi32, #tpu.memory_space<vmem>>
    %dma_start3A_672 = tpu.memref_slice %arg4[%add3A_520] : memref<3276800xi32, #tpu.memory_space<hbm>> -> memref<128xi32, #tpu.memory_space<hbm>>
    tpu.enqueue_dma source(%dma_start3A_672 : memref<128xi32, #tpu.memory_space<hbm>>) target(%dma_start3A_671 : memref<128xi32, #tpu.memory_space<vmem>>) target_semaphore(%dma_start3A_668 : memref<!tpu.dma_semaphore, #tpu.memory_space<semaphore_mem>>)
    %dma_start3A_673 = arith.constant 0 : i32
    %dma_start3A_674 = arith.constant 0 : i32
    %dma_start3A_675 = arith.constant 768 : i32
    %dma_start3A_676 = tpu.memref_slice %arg15[%dma_start3A_673, %dma_start3A_675] : memref<2x1024xi32, #tpu.memory_space<vmem>> -> memref<1x128xi32, #tpu.memory_space<vmem>>
    %dma_start3A_677 = tpu.memref_squeeze %dma_start3A_676 : memref<1x128xi32, #tpu.memory_space<vmem>> -> memref<128xi32, #tpu.memory_space<vmem>>
    %dma_start3A_678 = tpu.memref_slice %arg3[%add3A_522] : memref<3276800xi32, #tpu.memory_space<hbm>> -> memref<128xi32, #tpu.memory_space<hbm>>
    %dma_start3A_679 = tpu.memref_slice %arg20[%dma_start3A_674] : memref<2x!tpu.dma_semaphore, #tpu.memory_space<semaphore_mem>> -> memref<1x!tpu.dma_semaphore, #tpu.memory_space<semaphore_mem>>
    %dma_start3A_680 = tpu.memref_squeeze %dma_start3A_679 : memref<1x!tpu.dma_semaphore, #tpu.memory_space<semaphore_mem>> -> memref<!tpu.dma_semaphore, #tpu.memory_space<semaphore_mem>>
    %dma_start3A_681 = arith.constant 768 : i32
    %dma_start3A_682 = tpu.memref_slice %arg15[%dma_start3A_673, %dma_start3A_681] : memref<2x1024xi32, #tpu.memory_space<vmem>> -> memref<1x128xi32, #tpu.memory_space<vmem>>
    %dma_start3A_683 = tpu.memref_squeeze %dma_start3A_682 : memref<1x128xi32, #tpu.memory_space<vmem>> -> memref<128xi32, #tpu.memory_space<vmem>>
    %dma_start3A_684 = tpu.memref_slice %arg3[%add3A_522] : memref<3276800xi32, #tpu.memory_space<hbm>> -> memref<128xi32, #tpu.memory_space<hbm>>
    tpu.enqueue_dma source(%dma_start3A_684 : memref<128xi32, #tpu.memory_space<hbm>>) target(%dma_start3A_683 : memref<128xi32, #tpu.memory_space<vmem>>) target_semaphore(%dma_start3A_680 : memref<!tpu.dma_semaphore, #tpu.memory_space<semaphore_mem>>)
    %dma_start3A_685 = arith.constant 0 : i32
    %dma_start3A_686 = arith.constant 0 : i32
    %dma_start3A_687 = arith.constant 768 : i32
    %dma_start3A_688 = tpu.memref_slice %arg16[%dma_start3A_685, %dma_start3A_687] : memref<2x1024xi32, #tpu.memory_space<vmem>> -> memref<1x128xi32, #tpu.memory_space<vmem>>
    %dma_start3A_689 = tpu.memref_squeeze %dma_start3A_688 : memref<1x128xi32, #tpu.memory_space<vmem>> -> memref<128xi32, #tpu.memory_space<vmem>>
    %dma_start3A_690 = tpu.memref_slice %arg4[%add3A_524] : memref<3276800xi32, #tpu.memory_space<hbm>> -> memref<128xi32, #tpu.memory_space<hbm>>
    %dma_start3A_691 = tpu.memref_slice %arg20[%dma_start3A_686] : memref<2x!tpu.dma_semaphore, #tpu.memory_space<semaphore_mem>> -> memref<1x!tpu.dma_semaphore, #tpu.memory_space<semaphore_mem>>
    %dma_start3A_692 = tpu.memref_squeeze %dma_start3A_691 : memref<1x!tpu.dma_semaphore, #tpu.memory_space<semaphore_mem>> -> memref<!tpu.dma_semaphore, #tpu.memory_space<semaphore_mem>>
    %dma_start3A_693 = arith.constant 768 : i32
    %dma_start3A_694 = tpu.memref_slice %arg16[%dma_start3A_685, %dma_start3A_693] : memref<2x1024xi32, #tpu.memory_space<vmem>> -> memref<1x128xi32, #tpu.memory_space<vmem>>
    %dma_start3A_695 = tpu.memref_squeeze %dma_start3A_694 : memref<1x128xi32, #tpu.memory_space<vmem>> -> memref<128xi32, #tpu.memory_space<vmem>>
    %dma_start3A_696 = tpu.memref_slice %arg4[%add3A_524] : memref<3276800xi32, #tpu.memory_space<hbm>> -> memref<128xi32, #tpu.memory_space<hbm>>
    tpu.enqueue_dma source(%dma_start3A_696 : memref<128xi32, #tpu.memory_space<hbm>>) target(%dma_start3A_695 : memref<128xi32, #tpu.memory_space<vmem>>) target_semaphore(%dma_start3A_692 : memref<!tpu.dma_semaphore, #tpu.memory_space<semaphore_mem>>)
    %dma_start3A_697 = arith.constant 0 : i32
    %dma_start3A_698 = arith.constant 0 : i32
    %dma_start3A_699 = arith.constant 896 : i32
    %dma_start3A_700 = tpu.memref_slice %arg15[%dma_start3A_697, %dma_start3A_699] : memref<2x1024xi32, #tpu.memory_space<vmem>> -> memref<1x128xi32, #tpu.memory_space<vmem>>
    %dma_start3A_701 = tpu.memref_squeeze %dma_start3A_700 : memref<1x128xi32, #tpu.memory_space<vmem>> -> memref<128xi32, #tpu.memory_space<vmem>>
    %dma_start3A_702 = tpu.memref_slice %arg3[%add3A_526] : memref<3276800xi32, #tpu.memory_space<hbm>> -> memref<128xi32, #tpu.memory_space<hbm>>
    %dma_start3A_703 = tpu.memref_slice %arg20[%dma_start3A_698] : memref<2x!tpu.dma_semaphore, #tpu.memory_space<semaphore_mem>> -> memref<1x!tpu.dma_semaphore, #tpu.memory_space<semaphore_mem>>
    %dma_start3A_704 = tpu.memref_squeeze %dma_start3A_703 : memref<1x!tpu.dma_semaphore, #tpu.memory_space<semaphore_mem>> -> memref<!tpu.dma_semaphore, #tpu.memory_space<semaphore_mem>>
    %dma_start3A_705 = arith.constant 896 : i32
    %dma_start3A_706 = tpu.memref_slice %arg15[%dma_start3A_697, %dma_start3A_705] : memref<2x1024xi32, #tpu.memory_space<vmem>> -> memref<1x128xi32, #tpu.memory_space<vmem>>
    %dma_start3A_707 = tpu.memref_squeeze %dma_start3A_706 : memref<1x128xi32, #tpu.memory_space<vmem>> -> memref<128xi32, #tpu.memory_space<vmem>>
    %dma_start3A_708 = tpu.memref_slice %arg3[%add3A_526] : memref<3276800xi32, #tpu.memory_space<hbm>> -> memref<128xi32, #tpu.memory_space<hbm>>
    tpu.enqueue_dma source(%dma_start3A_708 : memref<128xi32, #tpu.memory_space<hbm>>) target(%dma_start3A_707 : memref<128xi32, #tpu.memory_space<vmem>>) target_semaphore(%dma_start3A_704 : memref<!tpu.dma_semaphore, #tpu.memory_space<semaphore_mem>>)
    %dma_start3A_709 = arith.constant 0 : i32
    %dma_start3A_710 = arith.constant 0 : i32
    %dma_start3A_711 = arith.constant 896 : i32
    %dma_start3A_712 = tpu.memref_slice %arg16[%dma_start3A_709, %dma_start3A_711] : memref<2x1024xi32, #tpu.memory_space<vmem>> -> memref<1x128xi32, #tpu.memory_space<vmem>>
    %dma_start3A_713 = tpu.memref_squeeze %dma_start3A_712 : memref<1x128xi32, #tpu.memory_space<vmem>> -> memref<128xi32, #tpu.memory_space<vmem>>
    %dma_start3A_714 = tpu.memref_slice %arg4[%add3A_528] : memref<3276800xi32, #tpu.memory_space<hbm>> -> memref<128xi32, #tpu.memory_space<hbm>>
    %dma_start3A_715 = tpu.memref_slice %arg20[%dma_start3A_710] : memref<2x!tpu.dma_semaphore, #tpu.memory_space<semaphore_mem>> -> memref<1x!tpu.dma_semaphore, #tpu.memory_space<semaphore_mem>>
    %dma_start3A_716 = tpu.memref_squeeze %dma_start3A_715 : memref<1x!tpu.dma_semaphore, #tpu.memory_space<semaphore_mem>> -> memref<!tpu.dma_semaphore, #tpu.memory_space<semaphore_mem>>
    %dma_start3A_717 = arith.constant 896 : i32
    %dma_start3A_718 = tpu.memref_slice %arg16[%dma_start3A_709, %dma_start3A_717] : memref<2x1024xi32, #tpu.memory_space<vmem>> -> memref<1x128xi32, #tpu.memory_space<vmem>>
    %dma_start3A_719 = tpu.memref_squeeze %dma_start3A_718 : memref<1x128xi32, #tpu.memory_space<vmem>> -> memref<128xi32, #tpu.memory_space<vmem>>
    %dma_start3A_720 = tpu.memref_slice %arg4[%add3A_528] : memref<3276800xi32, #tpu.memory_space<hbm>> -> memref<128xi32, #tpu.memory_space<hbm>>
    tpu.enqueue_dma source(%dma_start3A_720 : memref<128xi32, #tpu.memory_space<hbm>>) target(%dma_start3A_719 : memref<128xi32, #tpu.memory_space<vmem>>) target_semaphore(%dma_start3A_716 : memref<!tpu.dma_semaphore, #tpu.memory_space<semaphore_mem>>)
    %add3A_721 = arith.constant 1 : i32
    %add3A_722 = arith.addi %mul3A_7, %add3A_721 : i32
    %jit3A_723 = arith.constant 16 : i32
    %div3A_724 = arith.divsi %add3A_722, %jit3A_723 : i32
    %sign3A_725 = arith.constant 0 : i32
    %sign3A_726 = arith.cmpi sgt, %add3A_722, %sign3A_725 : i32
    %sign3A_727 = arith.extui %sign3A_726 : i1 to i32
    %sign3A_728 = arith.constant 0 : i32
    %sign3A_729 = arith.cmpi slt, %add3A_722, %sign3A_728 : i32
    %sign3A_730 = arith.extui %sign3A_729 : i1 to i32
    %sign3A_731 = arith.subi %sign3A_727, %sign3A_730 : i32
    %sign3A_732 = arith.constant 0 : i32
    %sign3A_733 = arith.cmpi sgt, %jit3A_723, %sign3A_732 : i32
    %sign3A_734 = arith.extui %sign3A_733 : i1 to i32
    %sign3A_735 = arith.constant 0 : i32
    %sign3A_736 = arith.cmpi slt, %jit3A_723, %sign3A_735 : i32
    %sign3A_737 = arith.extui %sign3A_736 : i1 to i32
    %sign3A_738 = arith.subi %sign3A_734, %sign3A_737 : i32
    %ne3A_739 = arith.cmpi ne, %sign3A_731, %sign3A_738 : i32
    %rem3A_740 = arith.remsi %add3A_722, %jit3A_723 : i32
    %ne3A_741 = arith.constant 0 : i32
    %ne3A_742 = arith.cmpi ne, %rem3A_740, %ne3A_741 : i32
    %and3A_743 = arith.andi %ne3A_739, %ne3A_742 : i1
    %sub3A_744 = arith.constant 1 : i32
    %sub3A_745 = arith.subi %div3A_724, %sub3A_744 : i32
    %select_n3A_746 = arith.select %and3A_743, %sub3A_745, %div3A_724 : i32
    %jit3A_747 = arith.constant 8 : i32
    %div3A_748 = arith.divsi %select_n3A_746, %jit3A_747 : i32
    %sign3A_749 = arith.constant 0 : i32
    %sign3A_750 = arith.cmpi sgt, %select_n3A_746, %sign3A_749 : i32
    %sign3A_751 = arith.extui %sign3A_750 : i1 to i32
    %sign3A_752 = arith.constant 0 : i32
    %sign3A_753 = arith.cmpi slt, %select_n3A_746, %sign3A_752 : i32
    %sign3A_754 = arith.extui %sign3A_753 : i1 to i32
    %sign3A_755 = arith.subi %sign3A_751, %sign3A_754 : i32
    %sign3A_756 = arith.constant 0 : i32
    %sign3A_757 = arith.cmpi sgt, %jit3A_747, %sign3A_756 : i32
    %sign3A_758 = arith.extui %sign3A_757 : i1 to i32
    %sign3A_759 = arith.constant 0 : i32
    %sign3A_760 = arith.cmpi slt, %jit3A_747, %sign3A_759 : i32
    %sign3A_761 = arith.extui %sign3A_760 : i1 to i32
    %sign3A_762 = arith.subi %sign3A_758, %sign3A_761 : i32
    %ne3A_763 = arith.cmpi ne, %sign3A_755, %sign3A_762 : i32
    %rem3A_764 = arith.remsi %select_n3A_746, %jit3A_747 : i32
    %ne3A_765 = arith.constant 0 : i32
    %ne3A_766 = arith.cmpi ne, %rem3A_764, %ne3A_765 : i32
    %and3A_767 = arith.andi %ne3A_763, %ne3A_766 : i1
    %sub3A_768 = arith.constant 1 : i32
    %sub3A_769 = arith.subi %div3A_748, %sub3A_768 : i32
    %select_n3A_770 = arith.select %and3A_767, %sub3A_769, %div3A_748 : i32
    %mul3A_771 = arith.constant 128 : i32
    %mul3A_772 = arith.muli %select_n3A_770, %mul3A_771 : i32
    %jit3A_773 = arith.constant 16 : i32
    %eq3A_774 = arith.constant 0 : i32
    %eq3A_775 = arith.cmpi eq, %jit3A_773, %eq3A_774 : i32
    %jit3A_776 = arith.constant 1 : i32
    %select_n3A_777 = arith.select %eq3A_775, %jit3A_776, %jit3A_773 : i32
    %rem3A_778 = arith.remsi %add3A_722, %select_n3A_777 : i32
    %ne3A_779 = arith.constant 0 : i32
    %ne3A_780 = arith.cmpi ne, %rem3A_778, %ne3A_779 : i32
    %lt3A_781 = arith.constant 0 : i32
    %lt3A_782 = arith.cmpi slt, %rem3A_778, %lt3A_781 : i32
    %lt3A_783 = arith.constant 0 : i32
    %lt3A_784 = arith.cmpi slt, %select_n3A_777, %lt3A_783 : i32
    %ne3A_785 = arith.xori %lt3A_782, %lt3A_784 : i1
    %and3A_786 = arith.andi %ne3A_785, %ne3A_780 : i1
    %add3A_787 = arith.addi %rem3A_778, %select_n3A_777 : i32
    %select_n3A_788 = arith.select %and3A_786, %add3A_787, %rem3A_778 : i32
    %mul3A_789 = arith.constant 8 : i32
    %mul3A_790 = arith.muli %select_n3A_788, %mul3A_789 : i32
    %add3A_791 = arith.addi %mul3A_772, %mul3A_790 : i32
    %mul3A_792 = arith.constant 1024 : i32
    %mul3A_793 = arith.muli %add3A_791, %mul3A_792 : i32
    %jit3A_794 = arith.constant 8 : i32
    %eq3A_795 = arith.constant 0 : i32
    %eq3A_796 = arith.cmpi eq, %jit3A_794, %eq3A_795 : i32
    %jit3A_797 = arith.constant 1 : i32
    %select_n3A_798 = arith.select %eq3A_796, %jit3A_797, %jit3A_794 : i32
    %rem3A_799 = arith.remsi %select_n3A_746, %select_n3A_798 : i32
    %ne3A_800 = arith.constant 0 : i32
    %ne3A_801 = arith.cmpi ne, %rem3A_799, %ne3A_800 : i32
    %lt3A_802 = arith.constant 0 : i32
    %lt3A_803 = arith.cmpi slt, %rem3A_799, %lt3A_802 : i32
    %lt3A_804 = arith.constant 0 : i32
    %lt3A_805 = arith.cmpi slt, %select_n3A_798, %lt3A_804 : i32
    %ne3A_806 = arith.xori %lt3A_803, %lt3A_805 : i1
    %and3A_807 = arith.andi %ne3A_806, %ne3A_801 : i1
    %add3A_808 = arith.addi %rem3A_799, %select_n3A_798 : i32
    %select_n3A_809 = arith.select %and3A_807, %add3A_808, %rem3A_799 : i32
    %mul3A_810 = arith.constant 128 : i32
    %mul3A_811 = arith.muli %select_n3A_809, %mul3A_810 : i32
    %add3A_812 = arith.addi %mul3A_793, %mul3A_811 : i32
    %add3A_813 = arith.constant 0 : i32
    %add3A_814 = arith.addi %add3A_812, %add3A_813 : i32
    %add3A_815 = arith.constant 0 : i32
    %add3A_816 = arith.addi %add3A_812, %add3A_815 : i32
    %add3A_817 = arith.constant 1024 : i32
    %add3A_818 = arith.addi %add3A_812, %add3A_817 : i32
    %add3A_819 = arith.constant 1024 : i32
    %add3A_820 = arith.addi %add3A_812, %add3A_819 : i32
    %add3A_821 = arith.constant 2048 : i32
    %add3A_822 = arith.addi %add3A_812, %add3A_821 : i32
    %add3A_823 = arith.constant 2048 : i32
    %add3A_824 = arith.addi %add3A_812, %add3A_823 : i32
    %add3A_825 = arith.constant 3072 : i32
    %add3A_826 = arith.addi %add3A_812, %add3A_825 : i32
    %add3A_827 = arith.constant 3072 : i32
    %add3A_828 = arith.addi %add3A_812, %add3A_827 : i32
    %add3A_829 = arith.constant 4096 : i32
    %add3A_830 = arith.addi %add3A_812, %add3A_829 : i32
    %add3A_831 = arith.constant 4096 : i32
    %add3A_832 = arith.addi %add3A_812, %add3A_831 : i32
    %add3A_833 = arith.constant 5120 : i32
    %add3A_834 = arith.addi %add3A_812, %add3A_833 : i32
    %add3A_835 = arith.constant 5120 : i32
    %add3A_836 = arith.addi %add3A_812, %add3A_835 : i32
    %add3A_837 = arith.constant 6144 : i32
    %add3A_838 = arith.addi %add3A_812, %add3A_837 : i32
    %add3A_839 = arith.constant 6144 : i32
    %add3A_840 = arith.addi %add3A_812, %add3A_839 : i32
    %add3A_841 = arith.constant 7168 : i32
    %add3A_842 = arith.addi %add3A_812, %add3A_841 : i32
    %add3A_843 = arith.constant 7168 : i32
    %add3A_844 = arith.addi %add3A_812, %add3A_843 : i32
    %dma_start3A_845 = arith.constant 1 : i32
    %dma_start3A_846 = arith.constant 1 : i32
    %dma_start3A_847 = arith.constant 0 : i32
    %dma_start3A_848 = tpu.memref_slice %arg15[%dma_start3A_845, %dma_start3A_847] : memref<2x1024xi32, #tpu.memory_space<vmem>> -> memref<1x128xi32, #tpu.memory_space<vmem>>
    %dma_start3A_849 = tpu.memref_squeeze %dma_start3A_848 : memref<1x128xi32, #tpu.memory_space<vmem>> -> memref<128xi32, #tpu.memory_space<vmem>>
    %dma_start3A_850 = tpu.memref_slice %arg3[%add3A_814] : memref<3276800xi32, #tpu.memory_space<hbm>> -> memref<128xi32, #tpu.memory_space<hbm>>
    %dma_start3A_851 = tpu.memref_slice %arg20[%dma_start3A_846] : memref<2x!tpu.dma_semaphore, #tpu.memory_space<semaphore_mem>> -> memref<1x!tpu.dma_semaphore, #tpu.memory_space<semaphore_mem>>
    %dma_start3A_852 = tpu.memref_squeeze %dma_start3A_851 : memref<1x!tpu.dma_semaphore, #tpu.memory_space<semaphore_mem>> -> memref<!tpu.dma_semaphore, #tpu.memory_space<semaphore_mem>>
    %dma_start3A_853 = arith.constant 0 : i32
    %dma_start3A_854 = tpu.memref_slice %arg15[%dma_start3A_845, %dma_start3A_853] : memref<2x1024xi32, #tpu.memory_space<vmem>> -> memref<1x128xi32, #tpu.memory_space<vmem>>
    %dma_start3A_855 = tpu.memref_squeeze %dma_start3A_854 : memref<1x128xi32, #tpu.memory_space<vmem>> -> memref<128xi32, #tpu.memory_space<vmem>>
    %dma_start3A_856 = tpu.memref_slice %arg3[%add3A_814] : memref<3276800xi32, #tpu.memory_space<hbm>> -> memref<128xi32, #tpu.memory_space<hbm>>
    tpu.enqueue_dma source(%dma_start3A_856 : memref<128xi32, #tpu.memory_space<hbm>>) target(%dma_start3A_855 : memref<128xi32, #tpu.memory_space<vmem>>) target_semaphore(%dma_start3A_852 : memref<!tpu.dma_semaphore, #tpu.memory_space<semaphore_mem>>)
    %dma_start3A_857 = arith.constant 1 : i32
    %dma_start3A_858 = arith.constant 1 : i32
    %dma_start3A_859 = arith.constant 0 : i32
    %dma_start3A_860 = tpu.memref_slice %arg16[%dma_start3A_857, %dma_start3A_859] : memref<2x1024xi32, #tpu.memory_space<vmem>> -> memref<1x128xi32, #tpu.memory_space<vmem>>
    %dma_start3A_861 = tpu.memref_squeeze %dma_start3A_860 : memref<1x128xi32, #tpu.memory_space<vmem>> -> memref<128xi32, #tpu.memory_space<vmem>>
    %dma_start3A_862 = tpu.memref_slice %arg4[%add3A_816] : memref<3276800xi32, #tpu.memory_space<hbm>> -> memref<128xi32, #tpu.memory_space<hbm>>
    %dma_start3A_863 = tpu.memref_slice %arg20[%dma_start3A_858] : memref<2x!tpu.dma_semaphore, #tpu.memory_space<semaphore_mem>> -> memref<1x!tpu.dma_semaphore, #tpu.memory_space<semaphore_mem>>
    %dma_start3A_864 = tpu.memref_squeeze %dma_start3A_863 : memref<1x!tpu.dma_semaphore, #tpu.memory_space<semaphore_mem>> -> memref<!tpu.dma_semaphore, #tpu.memory_space<semaphore_mem>>
    %dma_start3A_865 = arith.constant 0 : i32
    %dma_start3A_866 = tpu.memref_slice %arg16[%dma_start3A_857, %dma_start3A_865] : memref<2x1024xi32, #tpu.memory_space<vmem>> -> memref<1x128xi32, #tpu.memory_space<vmem>>
    %dma_start3A_867 = tpu.memref_squeeze %dma_start3A_866 : memref<1x128xi32, #tpu.memory_space<vmem>> -> memref<128xi32, #tpu.memory_space<vmem>>
    %dma_start3A_868 = tpu.memref_slice %arg4[%add3A_816] : memref<3276800xi32, #tpu.memory_space<hbm>> -> memref<128xi32, #tpu.memory_space<hbm>>
    tpu.enqueue_dma source(%dma_start3A_868 : memref<128xi32, #tpu.memory_space<hbm>>) target(%dma_start3A_867 : memref<128xi32, #tpu.memory_space<vmem>>) target_semaphore(%dma_start3A_864 : memref<!tpu.dma_semaphore, #tpu.memory_space<semaphore_mem>>)
    %dma_start3A_869 = arith.constant 1 : i32
    %dma_start3A_870 = arith.constant 1 : i32
    %dma_start3A_871 = arith.constant 128 : i32
    %dma_start3A_872 = tpu.memref_slice %arg15[%dma_start3A_869, %dma_start3A_871] : memref<2x1024xi32, #tpu.memory_space<vmem>> -> memref<1x128xi32, #tpu.memory_space<vmem>>
    %dma_start3A_873 = tpu.memref_squeeze %dma_start3A_872 : memref<1x128xi32, #tpu.memory_space<vmem>> -> memref<128xi32, #tpu.memory_space<vmem>>
    %dma_start3A_874 = tpu.memref_slice %arg3[%add3A_818] : memref<3276800xi32, #tpu.memory_space<hbm>> -> memref<128xi32, #tpu.memory_space<hbm>>
    %dma_start3A_875 = tpu.memref_slice %arg20[%dma_start3A_870] : memref<2x!tpu.dma_semaphore, #tpu.memory_space<semaphore_mem>> -> memref<1x!tpu.dma_semaphore, #tpu.memory_space<semaphore_mem>>
    %dma_start3A_876 = tpu.memref_squeeze %dma_start3A_875 : memref<1x!tpu.dma_semaphore, #tpu.memory_space<semaphore_mem>> -> memref<!tpu.dma_semaphore, #tpu.memory_space<semaphore_mem>>
    %dma_start3A_877 = arith.constant 128 : i32
    %dma_start3A_878 = tpu.memref_slice %arg15[%dma_start3A_869, %dma_start3A_877] : memref<2x1024xi32, #tpu.memory_space<vmem>> -> memref<1x128xi32, #tpu.memory_space<vmem>>
    %dma_start3A_879 = tpu.memref_squeeze %dma_start3A_878 : memref<1x128xi32, #tpu.memory_space<vmem>> -> memref<128xi32, #tpu.memory_space<vmem>>
    %dma_start3A_880 = tpu.memref_slice %arg3[%add3A_818] : memref<3276800xi32, #tpu.memory_space<hbm>> -> memref<128xi32, #tpu.memory_space<hbm>>
    tpu.enqueue_dma source(%dma_start3A_880 : memref<128xi32, #tpu.memory_space<hbm>>) target(%dma_start3A_879 : memref<128xi32, #tpu.memory_space<vmem>>) target_semaphore(%dma_start3A_876 : memref<!tpu.dma_semaphore, #tpu.memory_space<semaphore_mem>>)
    %dma_start3A_881 = arith.constant 1 : i32
    %dma_start3A_882 = arith.constant 1 : i32
    %dma_start3A_883 = arith.constant 128 : i32
    %dma_start3A_884 = tpu.memref_slice %arg16[%dma_start3A_881, %dma_start3A_883] : memref<2x1024xi32, #tpu.memory_space<vmem>> -> memref<1x128xi32, #tpu.memory_space<vmem>>
    %dma_start3A_885 = tpu.memref_squeeze %dma_start3A_884 : memref<1x128xi32, #tpu.memory_space<vmem>> -> memref<128xi32, #tpu.memory_space<vmem>>
    %dma_start3A_886 = tpu.memref_slice %arg4[%add3A_820] : memref<3276800xi32, #tpu.memory_space<hbm>> -> memref<128xi32, #tpu.memory_space<hbm>>
    %dma_start3A_887 = tpu.memref_slice %arg20[%dma_start3A_882] : memref<2x!tpu.dma_semaphore, #tpu.memory_space<semaphore_mem>> -> memref<1x!tpu.dma_semaphore, #tpu.memory_space<semaphore_mem>>
    %dma_start3A_888 = tpu.memref_squeeze %dma_start3A_887 : memref<1x!tpu.dma_semaphore, #tpu.memory_space<semaphore_mem>> -> memref<!tpu.dma_semaphore, #tpu.memory_space<semaphore_mem>>
    %dma_start3A_889 = arith.constant 128 : i32
    %dma_start3A_890 = tpu.memref_slice %arg16[%dma_start3A_881, %dma_start3A_889] : memref<2x1024xi32, #tpu.memory_space<vmem>> -> memref<1x128xi32, #tpu.memory_space<vmem>>
    %dma_start3A_891 = tpu.memref_squeeze %dma_start3A_890 : memref<1x128xi32, #tpu.memory_space<vmem>> -> memref<128xi32, #tpu.memory_space<vmem>>
    %dma_start3A_892 = tpu.memref_slice %arg4[%add3A_820] : memref<3276800xi32, #tpu.memory_space<hbm>> -> memref<128xi32, #tpu.memory_space<hbm>>
    tpu.enqueue_dma source(%dma_start3A_892 : memref<128xi32, #tpu.memory_space<hbm>>) target(%dma_start3A_891 : memref<128xi32, #tpu.memory_space<vmem>>) target_semaphore(%dma_start3A_888 : memref<!tpu.dma_semaphore, #tpu.memory_space<semaphore_mem>>)
    %dma_start3A_893 = arith.constant 1 : i32
    %dma_start3A_894 = arith.constant 1 : i32
    %dma_start3A_895 = arith.constant 256 : i32
    %dma_start3A_896 = tpu.memref_slice %arg15[%dma_start3A_893, %dma_start3A_895] : memref<2x1024xi32, #tpu.memory_space<vmem>> -> memref<1x128xi32, #tpu.memory_space<vmem>>
    %dma_start3A_897 = tpu.memref_squeeze %dma_start3A_896 : memref<1x128xi32, #tpu.memory_space<vmem>> -> memref<128xi32, #tpu.memory_space<vmem>>
    %dma_start3A_898 = tpu.memref_slice %arg3[%add3A_822] : memref<3276800xi32, #tpu.memory_space<hbm>> -> memref<128xi32, #tpu.memory_space<hbm>>
    %dma_start3A_899 = tpu.memref_slice %arg20[%dma_start3A_894] : memref<2x!tpu.dma_semaphore, #tpu.memory_space<semaphore_mem>> -> memref<1x!tpu.dma_semaphore, #tpu.memory_space<semaphore_mem>>
    %dma_start3A_900 = tpu.memref_squeeze %dma_start3A_899 : memref<1x!tpu.dma_semaphore, #tpu.memory_space<semaphore_mem>> -> memref<!tpu.dma_semaphore, #tpu.memory_space<semaphore_mem>>
    %dma_start3A_901 = arith.constant 256 : i32
    %dma_start3A_902 = tpu.memref_slice %arg15[%dma_start3A_893, %dma_start3A_901] : memref<2x1024xi32, #tpu.memory_space<vmem>> -> memref<1x128xi32, #tpu.memory_space<vmem>>
    %dma_start3A_903 = tpu.memref_squeeze %dma_start3A_902 : memref<1x128xi32, #tpu.memory_space<vmem>> -> memref<128xi32, #tpu.memory_space<vmem>>
    %dma_start3A_904 = tpu.memref_slice %arg3[%add3A_822] : memref<3276800xi32, #tpu.memory_space<hbm>> -> memref<128xi32, #tpu.memory_space<hbm>>
    tpu.enqueue_dma source(%dma_start3A_904 : memref<128xi32, #tpu.memory_space<hbm>>) target(%dma_start3A_903 : memref<128xi32, #tpu.memory_space<vmem>>) target_semaphore(%dma_start3A_900 : memref<!tpu.dma_semaphore, #tpu.memory_space<semaphore_mem>>)
    %dma_start3A_905 = arith.constant 1 : i32
    %dma_start3A_906 = arith.constant 1 : i32
    %dma_start3A_907 = arith.constant 256 : i32
    %dma_start3A_908 = tpu.memref_slice %arg16[%dma_start3A_905, %dma_start3A_907] : memref<2x1024xi32, #tpu.memory_space<vmem>> -> memref<1x128xi32, #tpu.memory_space<vmem>>
    %dma_start3A_909 = tpu.memref_squeeze %dma_start3A_908 : memref<1x128xi32, #tpu.memory_space<vmem>> -> memref<128xi32, #tpu.memory_space<vmem>>
    %dma_start3A_910 = tpu.memref_slice %arg4[%add3A_824] : memref<3276800xi32, #tpu.memory_space<hbm>> -> memref<128xi32, #tpu.memory_space<hbm>>
    %dma_start3A_911 = tpu.memref_slice %arg20[%dma_start3A_906] : memref<2x!tpu.dma_semaphore, #tpu.memory_space<semaphore_mem>> -> memref<1x!tpu.dma_semaphore, #tpu.memory_space<semaphore_mem>>
    %dma_start3A_912 = tpu.memref_squeeze %dma_start3A_911 : memref<1x!tpu.dma_semaphore, #tpu.memory_space<semaphore_mem>> -> memref<!tpu.dma_semaphore, #tpu.memory_space<semaphore_mem>>
    %dma_start3A_913 = arith.constant 256 : i32
    %dma_start3A_914 = tpu.memref_slice %arg16[%dma_start3A_905, %dma_start3A_913] : memref<2x1024xi32, #tpu.memory_space<vmem>> -> memref<1x128xi32, #tpu.memory_space<vmem>>
    %dma_start3A_915 = tpu.memref_squeeze %dma_start3A_914 : memref<1x128xi32, #tpu.memory_space<vmem>> -> memref<128xi32, #tpu.memory_space<vmem>>
    %dma_start3A_916 = tpu.memref_slice %arg4[%add3A_824] : memref<3276800xi32, #tpu.memory_space<hbm>> -> memref<128xi32, #tpu.memory_space<hbm>>
    tpu.enqueue_dma source(%dma_start3A_916 : memref<128xi32, #tpu.memory_space<hbm>>) target(%dma_start3A_915 : memref<128xi32, #tpu.memory_space<vmem>>) target_semaphore(%dma_start3A_912 : memref<!tpu.dma_semaphore, #tpu.memory_space<semaphore_mem>>)
    %dma_start3A_917 = arith.constant 1 : i32
    %dma_start3A_918 = arith.constant 1 : i32
    %dma_start3A_919 = arith.constant 384 : i32
    %dma_start3A_920 = tpu.memref_slice %arg15[%dma_start3A_917, %dma_start3A_919] : memref<2x1024xi32, #tpu.memory_space<vmem>> -> memref<1x128xi32, #tpu.memory_space<vmem>>
    %dma_start3A_921 = tpu.memref_squeeze %dma_start3A_920 : memref<1x128xi32, #tpu.memory_space<vmem>> -> memref<128xi32, #tpu.memory_space<vmem>>
    %dma_start3A_922 = tpu.memref_slice %arg3[%add3A_826] : memref<3276800xi32, #tpu.memory_space<hbm>> -> memref<128xi32, #tpu.memory_space<hbm>>
    %dma_start3A_923 = tpu.memref_slice %arg20[%dma_start3A_918] : memref<2x!tpu.dma_semaphore, #tpu.memory_space<semaphore_mem>> -> memref<1x!tpu.dma_semaphore, #tpu.memory_space<semaphore_mem>>
    %dma_start3A_924 = tpu.memref_squeeze %dma_start3A_923 : memref<1x!tpu.dma_semaphore, #tpu.memory_space<semaphore_mem>> -> memref<!tpu.dma_semaphore, #tpu.memory_space<semaphore_mem>>
    %dma_start3A_925 = arith.constant 384 : i32
    %dma_start3A_926 = tpu.memref_slice %arg15[%dma_start3A_917, %dma_start3A_925] : memref<2x1024xi32, #tpu.memory_space<vmem>> -> memref<1x128xi32, #tpu.memory_space<vmem>>
    %dma_start3A_927 = tpu.memref_squeeze %dma_start3A_926 : memref<1x128xi32, #tpu.memory_space<vmem>> -> memref<128xi32, #tpu.memory_space<vmem>>
    %dma_start3A_928 = tpu.memref_slice %arg3[%add3A_826] : memref<3276800xi32, #tpu.memory_space<hbm>> -> memref<128xi32, #tpu.memory_space<hbm>>
    tpu.enqueue_dma source(%dma_start3A_928 : memref<128xi32, #tpu.memory_space<hbm>>) target(%dma_start3A_927 : memref<128xi32, #tpu.memory_space<vmem>>) target_semaphore(%dma_start3A_924 : memref<!tpu.dma_semaphore, #tpu.memory_space<semaphore_mem>>)
    %dma_start3A_929 = arith.constant 1 : i32
    %dma_start3A_930 = arith.constant 1 : i32
    %dma_start3A_931 = arith.constant 384 : i32
    %dma_start3A_932 = tpu.memref_slice %arg16[%dma_start3A_929, %dma_start3A_931] : memref<2x1024xi32, #tpu.memory_space<vmem>> -> memref<1x128xi32, #tpu.memory_space<vmem>>
    %dma_start3A_933 = tpu.memref_squeeze %dma_start3A_932 : memref<1x128xi32, #tpu.memory_space<vmem>> -> memref<128xi32, #tpu.memory_space<vmem>>
    %dma_start3A_934 = tpu.memref_slice %arg4[%add3A_828] : memref<3276800xi32, #tpu.memory_space<hbm>> -> memref<128xi32, #tpu.memory_space<hbm>>
    %dma_start3A_935 = tpu.memref_slice %arg20[%dma_start3A_930] : memref<2x!tpu.dma_semaphore, #tpu.memory_space<semaphore_mem>> -> memref<1x!tpu.dma_semaphore, #tpu.memory_space<semaphore_mem>>
    %dma_start3A_936 = tpu.memref_squeeze %dma_start3A_935 : memref<1x!tpu.dma_semaphore, #tpu.memory_space<semaphore_mem>> -> memref<!tpu.dma_semaphore, #tpu.memory_space<semaphore_mem>>
    %dma_start3A_937 = arith.constant 384 : i32
    %dma_start3A_938 = tpu.memref_slice %arg16[%dma_start3A_929, %dma_start3A_937] : memref<2x1024xi32, #tpu.memory_space<vmem>> -> memref<1x128xi32, #tpu.memory_space<vmem>>
    %dma_start3A_939 = tpu.memref_squeeze %dma_start3A_938 : memref<1x128xi32, #tpu.memory_space<vmem>> -> memref<128xi32, #tpu.memory_space<vmem>>
    %dma_start3A_940 = tpu.memref_slice %arg4[%add3A_828] : memref<3276800xi32, #tpu.memory_space<hbm>> -> memref<128xi32, #tpu.memory_space<hbm>>
    tpu.enqueue_dma source(%dma_start3A_940 : memref<128xi32, #tpu.memory_space<hbm>>) target(%dma_start3A_939 : memref<128xi32, #tpu.memory_space<vmem>>) target_semaphore(%dma_start3A_936 : memref<!tpu.dma_semaphore, #tpu.memory_space<semaphore_mem>>)
    %dma_start3A_941 = arith.constant 1 : i32
    %dma_start3A_942 = arith.constant 1 : i32
    %dma_start3A_943 = arith.constant 512 : i32
    %dma_start3A_944 = tpu.memref_slice %arg15[%dma_start3A_941, %dma_start3A_943] : memref<2x1024xi32, #tpu.memory_space<vmem>> -> memref<1x128xi32, #tpu.memory_space<vmem>>
    %dma_start3A_945 = tpu.memref_squeeze %dma_start3A_944 : memref<1x128xi32, #tpu.memory_space<vmem>> -> memref<128xi32, #tpu.memory_space<vmem>>
    %dma_start3A_946 = tpu.memref_slice %arg3[%add3A_830] : memref<3276800xi32, #tpu.memory_space<hbm>> -> memref<128xi32, #tpu.memory_space<hbm>>
    %dma_start3A_947 = tpu.memref_slice %arg20[%dma_start3A_942] : memref<2x!tpu.dma_semaphore, #tpu.memory_space<semaphore_mem>> -> memref<1x!tpu.dma_semaphore, #tpu.memory_space<semaphore_mem>>
    %dma_start3A_948 = tpu.memref_squeeze %dma_start3A_947 : memref<1x!tpu.dma_semaphore, #tpu.memory_space<semaphore_mem>> -> memref<!tpu.dma_semaphore, #tpu.memory_space<semaphore_mem>>
    %dma_start3A_949 = arith.constant 512 : i32
    %dma_start3A_950 = tpu.memref_slice %arg15[%dma_start3A_941, %dma_start3A_949] : memref<2x1024xi32, #tpu.memory_space<vmem>> -> memref<1x128xi32, #tpu.memory_space<vmem>>
    %dma_start3A_951 = tpu.memref_squeeze %dma_start3A_950 : memref<1x128xi32, #tpu.memory_space<vmem>> -> memref<128xi32, #tpu.memory_space<vmem>>
    %dma_start3A_952 = tpu.memref_slice %arg3[%add3A_830] : memref<3276800xi32, #tpu.memory_space<hbm>> -> memref<128xi32, #tpu.memory_space<hbm>>
    tpu.enqueue_dma source(%dma_start3A_952 : memref<128xi32, #tpu.memory_space<hbm>>) target(%dma_start3A_951 : memref<128xi32, #tpu.memory_space<vmem>>) target_semaphore(%dma_start3A_948 : memref<!tpu.dma_semaphore, #tpu.memory_space<semaphore_mem>>)
    %dma_start3A_953 = arith.constant 1 : i32
    %dma_start3A_954 = arith.constant 1 : i32
    %dma_start3A_955 = arith.constant 512 : i32
    %dma_start3A_956 = tpu.memref_slice %arg16[%dma_start3A_953, %dma_start3A_955] : memref<2x1024xi32, #tpu.memory_space<vmem>> -> memref<1x128xi32, #tpu.memory_space<vmem>>
    %dma_start3A_957 = tpu.memref_squeeze %dma_start3A_956 : memref<1x128xi32, #tpu.memory_space<vmem>> -> memref<128xi32, #tpu.memory_space<vmem>>
    %dma_start3A_958 = tpu.memref_slice %arg4[%add3A_832] : memref<3276800xi32, #tpu.memory_space<hbm>> -> memref<128xi32, #tpu.memory_space<hbm>>
    %dma_start3A_959 = tpu.memref_slice %arg20[%dma_start3A_954] : memref<2x!tpu.dma_semaphore, #tpu.memory_space<semaphore_mem>> -> memref<1x!tpu.dma_semaphore, #tpu.memory_space<semaphore_mem>>
    %dma_start3A_960 = tpu.memref_squeeze %dma_start3A_959 : memref<1x!tpu.dma_semaphore, #tpu.memory_space<semaphore_mem>> -> memref<!tpu.dma_semaphore, #tpu.memory_space<semaphore_mem>>
    %dma_start3A_961 = arith.constant 512 : i32
    %dma_start3A_962 = tpu.memref_slice %arg16[%dma_start3A_953, %dma_start3A_961] : memref<2x1024xi32, #tpu.memory_space<vmem>> -> memref<1x128xi32, #tpu.memory_space<vmem>>
    %dma_start3A_963 = tpu.memref_squeeze %dma_start3A_962 : memref<1x128xi32, #tpu.memory_space<vmem>> -> memref<128xi32, #tpu.memory_space<vmem>>
    %dma_start3A_964 = tpu.memref_slice %arg4[%add3A_832] : memref<3276800xi32, #tpu.memory_space<hbm>> -> memref<128xi32, #tpu.memory_space<hbm>>
    tpu.enqueue_dma source(%dma_start3A_964 : memref<128xi32, #tpu.memory_space<hbm>>) target(%dma_start3A_963 : memref<128xi32, #tpu.memory_space<vmem>>) target_semaphore(%dma_start3A_960 : memref<!tpu.dma_semaphore, #tpu.memory_space<semaphore_mem>>)
    %dma_start3A_965 = arith.constant 1 : i32
    %dma_start3A_966 = arith.constant 1 : i32
    %dma_start3A_967 = arith.constant 640 : i32
    %dma_start3A_968 = tpu.memref_slice %arg15[%dma_start3A_965, %dma_start3A_967] : memref<2x1024xi32, #tpu.memory_space<vmem>> -> memref<1x128xi32, #tpu.memory_space<vmem>>
    %dma_start3A_969 = tpu.memref_squeeze %dma_start3A_968 : memref<1x128xi32, #tpu.memory_space<vmem>> -> memref<128xi32, #tpu.memory_space<vmem>>
    %dma_start3A_970 = tpu.memref_slice %arg3[%add3A_834] : memref<3276800xi32, #tpu.memory_space<hbm>> -> memref<128xi32, #tpu.memory_space<hbm>>
    %dma_start3A_971 = tpu.memref_slice %arg20[%dma_start3A_966] : memref<2x!tpu.dma_semaphore, #tpu.memory_space<semaphore_mem>> -> memref<1x!tpu.dma_semaphore, #tpu.memory_space<semaphore_mem>>
    %dma_start3A_972 = tpu.memref_squeeze %dma_start3A_971 : memref<1x!tpu.dma_semaphore, #tpu.memory_space<semaphore_mem>> -> memref<!tpu.dma_semaphore, #tpu.memory_space<semaphore_mem>>
    %dma_start3A_973 = arith.constant 640 : i32
    %dma_start3A_974 = tpu.memref_slice %arg15[%dma_start3A_965, %dma_start3A_973] : memref<2x1024xi32, #tpu.memory_space<vmem>> -> memref<1x128xi32, #tpu.memory_space<vmem>>
    %dma_start3A_975 = tpu.memref_squeeze %dma_start3A_974 : memref<1x128xi32, #tpu.memory_space<vmem>> -> memref<128xi32, #tpu.memory_space<vmem>>
    %dma_start3A_976 = tpu.memref_slice %arg3[%add3A_834] : memref<3276800xi32, #tpu.memory_space<hbm>> -> memref<128xi32, #tpu.memory_space<hbm>>
    tpu.enqueue_dma source(%dma_start3A_976 : memref<128xi32, #tpu.memory_space<hbm>>) target(%dma_start3A_975 : memref<128xi32, #tpu.memory_space<vmem>>) target_semaphore(%dma_start3A_972 : memref<!tpu.dma_semaphore, #tpu.memory_space<semaphore_mem>>)
    %dma_start3A_977 = arith.constant 1 : i32
    %dma_start3A_978 = arith.constant 1 : i32
    %dma_start3A_979 = arith.constant 640 : i32
    %dma_start3A_980 = tpu.memref_slice %arg16[%dma_start3A_977, %dma_start3A_979] : memref<2x1024xi32, #tpu.memory_space<vmem>> -> memref<1x128xi32, #tpu.memory_space<vmem>>
    %dma_start3A_981 = tpu.memref_squeeze %dma_start3A_980 : memref<1x128xi32, #tpu.memory_space<vmem>> -> memref<128xi32, #tpu.memory_space<vmem>>
    %dma_start3A_982 = tpu.memref_slice %arg4[%add3A_836] : memref<3276800xi32, #tpu.memory_space<hbm>> -> memref<128xi32, #tpu.memory_space<hbm>>
    %dma_start3A_983 = tpu.memref_slice %arg20[%dma_start3A_978] : memref<2x!tpu.dma_semaphore, #tpu.memory_space<semaphore_mem>> -> memref<1x!tpu.dma_semaphore, #tpu.memory_space<semaphore_mem>>
    %dma_start3A_984 = tpu.memref_squeeze %dma_start3A_983 : memref<1x!tpu.dma_semaphore, #tpu.memory_space<semaphore_mem>> -> memref<!tpu.dma_semaphore, #tpu.memory_space<semaphore_mem>>
    %dma_start3A_985 = arith.constant 640 : i32
    %dma_start3A_986 = tpu.memref_slice %arg16[%dma_start3A_977, %dma_start3A_985] : memref<2x1024xi32, #tpu.memory_space<vmem>> -> memref<1x128xi32, #tpu.memory_space<vmem>>
    %dma_start3A_987 = tpu.memref_squeeze %dma_start3A_986 : memref<1x128xi32, #tpu.memory_space<vmem>> -> memref<128xi32, #tpu.memory_space<vmem>>
    %dma_start3A_988 = tpu.memref_slice %arg4[%add3A_836] : memref<3276800xi32, #tpu.memory_space<hbm>> -> memref<128xi32, #tpu.memory_space<hbm>>
    tpu.enqueue_dma source(%dma_start3A_988 : memref<128xi32, #tpu.memory_space<hbm>>) target(%dma_start3A_987 : memref<128xi32, #tpu.memory_space<vmem>>) target_semaphore(%dma_start3A_984 : memref<!tpu.dma_semaphore, #tpu.memory_space<semaphore_mem>>)
    %dma_start3A_989 = arith.constant 1 : i32
    %dma_start3A_990 = arith.constant 1 : i32
    %dma_start3A_991 = arith.constant 768 : i32
    %dma_start3A_992 = tpu.memref_slice %arg15[%dma_start3A_989, %dma_start3A_991] : memref<2x1024xi32, #tpu.memory_space<vmem>> -> memref<1x128xi32, #tpu.memory_space<vmem>>
    %dma_start3A_993 = tpu.memref_squeeze %dma_start3A_992 : memref<1x128xi32, #tpu.memory_space<vmem>> -> memref<128xi32, #tpu.memory_space<vmem>>
    %dma_start3A_994 = tpu.memref_slice %arg3[%add3A_838] : memref<3276800xi32, #tpu.memory_space<hbm>> -> memref<128xi32, #tpu.memory_space<hbm>>
    %dma_start3A_995 = tpu.memref_slice %arg20[%dma_start3A_990] : memref<2x!tpu.dma_semaphore, #tpu.memory_space<semaphore_mem>> -> memref<1x!tpu.dma_semaphore, #tpu.memory_space<semaphore_mem>>
    %dma_start3A_996 = tpu.memref_squeeze %dma_start3A_995 : memref<1x!tpu.dma_semaphore, #tpu.memory_space<semaphore_mem>> -> memref<!tpu.dma_semaphore, #tpu.memory_space<semaphore_mem>>
    %dma_start3A_997 = arith.constant 768 : i32
    %dma_start3A_998 = tpu.memref_slice %arg15[%dma_start3A_989, %dma_start3A_997] : memref<2x1024xi32, #tpu.memory_space<vmem>> -> memref<1x128xi32, #tpu.memory_space<vmem>>
    %dma_start3A_999 = tpu.memref_squeeze %dma_start3A_998 : memref<1x128xi32, #tpu.memory_space<vmem>> -> memref<128xi32, #tpu.memory_space<vmem>>
    %dma_start3A_1000 = tpu.memref_slice %arg3[%add3A_838] : memref<3276800xi32, #tpu.memory_space<hbm>> -> memref<128xi32, #tpu.memory_space<hbm>>
    tpu.enqueue_dma source(%dma_start3A_1000 : memref<128xi32, #tpu.memory_space<hbm>>) target(%dma_start3A_999 : memref<128xi32, #tpu.memory_space<vmem>>) target_semaphore(%dma_start3A_996 : memref<!tpu.dma_semaphore, #tpu.memory_space<semaphore_mem>>)
    %dma_start3A_1001 = arith.constant 1 : i32
    %dma_start3A_1002 = arith.constant 1 : i32
    %dma_start3A_1003 = arith.constant 768 : i32
    %dma_start3A_1004 = tpu.memref_slice %arg16[%dma_start3A_1001, %dma_start3A_1003] : memref<2x1024xi32, #tpu.memory_space<vmem>> -> memref<1x128xi32, #tpu.memory_space<vmem>>
    %dma_start3A_1005 = tpu.memref_squeeze %dma_start3A_1004 : memref<1x128xi32, #tpu.memory_space<vmem>> -> memref<128xi32, #tpu.memory_space<vmem>>
    %dma_start3A_1006 = tpu.memref_slice %arg4[%add3A_840] : memref<3276800xi32, #tpu.memory_space<hbm>> -> memref<128xi32, #tpu.memory_space<hbm>>
    %dma_start3A_1007 = tpu.memref_slice %arg20[%dma_start3A_1002] : memref<2x!tpu.dma_semaphore, #tpu.memory_space<semaphore_mem>> -> memref<1x!tpu.dma_semaphore, #tpu.memory_space<semaphore_mem>>
    %dma_start3A_1008 = tpu.memref_squeeze %dma_start3A_1007 : memref<1x!tpu.dma_semaphore, #tpu.memory_space<semaphore_mem>> -> memref<!tpu.dma_semaphore, #tpu.memory_space<semaphore_mem>>
    %dma_start3A_1009 = arith.constant 768 : i32
    %dma_start3A_1010 = tpu.memref_slice %arg16[%dma_start3A_1001, %dma_start3A_1009] : memref<2x1024xi32, #tpu.memory_space<vmem>> -> memref<1x128xi32, #tpu.memory_space<vmem>>
    %dma_start3A_1011 = tpu.memref_squeeze %dma_start3A_1010 : memref<1x128xi32, #tpu.memory_space<vmem>> -> memref<128xi32, #tpu.memory_space<vmem>>
    %dma_start3A_1012 = tpu.memref_slice %arg4[%add3A_840] : memref<3276800xi32, #tpu.memory_space<hbm>> -> memref<128xi32, #tpu.memory_space<hbm>>
    tpu.enqueue_dma source(%dma_start3A_1012 : memref<128xi32, #tpu.memory_space<hbm>>) target(%dma_start3A_1011 : memref<128xi32, #tpu.memory_space<vmem>>) target_semaphore(%dma_start3A_1008 : memref<!tpu.dma_semaphore, #tpu.memory_space<semaphore_mem>>)
    %dma_start3A_1013 = arith.constant 1 : i32
    %dma_start3A_1014 = arith.constant 1 : i32
    %dma_start3A_1015 = arith.constant 896 : i32
    %dma_start3A_1016 = tpu.memref_slice %arg15[%dma_start3A_1013, %dma_start3A_1015] : memref<2x1024xi32, #tpu.memory_space<vmem>> -> memref<1x128xi32, #tpu.memory_space<vmem>>
    %dma_start3A_1017 = tpu.memref_squeeze %dma_start3A_1016 : memref<1x128xi32, #tpu.memory_space<vmem>> -> memref<128xi32, #tpu.memory_space<vmem>>
    %dma_start3A_1018 = tpu.memref_slice %arg3[%add3A_842] : memref<3276800xi32, #tpu.memory_space<hbm>> -> memref<128xi32, #tpu.memory_space<hbm>>
    %dma_start3A_1019 = tpu.memref_slice %arg20[%dma_start3A_1014] : memref<2x!tpu.dma_semaphore, #tpu.memory_space<semaphore_mem>> -> memref<1x!tpu.dma_semaphore, #tpu.memory_space<semaphore_mem>>
    %dma_start3A_1020 = tpu.memref_squeeze %dma_start3A_1019 : memref<1x!tpu.dma_semaphore, #tpu.memory_space<semaphore_mem>> -> memref<!tpu.dma_semaphore, #tpu.memory_space<semaphore_mem>>
    %dma_start3A_1021 = arith.constant 896 : i32
    %dma_start3A_1022 = tpu.memref_slice %arg15[%dma_start3A_1013, %dma_start3A_1021] : memref<2x1024xi32, #tpu.memory_space<vmem>> -> memref<1x128xi32, #tpu.memory_space<vmem>>
    %dma_start3A_1023 = tpu.memref_squeeze %dma_start3A_1022 : memref<1x128xi32, #tpu.memory_space<vmem>> -> memref<128xi32, #tpu.memory_space<vmem>>
    %dma_start3A_1024 = tpu.memref_slice %arg3[%add3A_842] : memref<3276800xi32, #tpu.memory_space<hbm>> -> memref<128xi32, #tpu.memory_space<hbm>>
    tpu.enqueue_dma source(%dma_start3A_1024 : memref<128xi32, #tpu.memory_space<hbm>>) target(%dma_start3A_1023 : memref<128xi32, #tpu.memory_space<vmem>>) target_semaphore(%dma_start3A_1020 : memref<!tpu.dma_semaphore, #tpu.memory_space<semaphore_mem>>)
    %dma_start3A_1025 = arith.constant 1 : i32
    %dma_start3A_1026 = arith.constant 1 : i32
    %dma_start3A_1027 = arith.constant 896 : i32
    %dma_start3A_1028 = tpu.memref_slice %arg16[%dma_start3A_1025, %dma_start3A_1027] : memref<2x1024xi32, #tpu.memory_space<vmem>> -> memref<1x128xi32, #tpu.memory_space<vmem>>
    %dma_start3A_1029 = tpu.memref_squeeze %dma_start3A_1028 : memref<1x128xi32, #tpu.memory_space<vmem>> -> memref<128xi32, #tpu.memory_space<vmem>>
    %dma_start3A_1030 = tpu.memref_slice %arg4[%add3A_844] : memref<3276800xi32, #tpu.memory_space<hbm>> -> memref<128xi32, #tpu.memory_space<hbm>>
    %dma_start3A_1031 = tpu.memref_slice %arg20[%dma_start3A_1026] : memref<2x!tpu.dma_semaphore, #tpu.memory_space<semaphore_mem>> -> memref<1x!tpu.dma_semaphore, #tpu.memory_space<semaphore_mem>>
    %dma_start3A_1032 = tpu.memref_squeeze %dma_start3A_1031 : memref<1x!tpu.dma_semaphore, #tpu.memory_space<semaphore_mem>> -> memref<!tpu.dma_semaphore, #tpu.memory_space<semaphore_mem>>
    %dma_start3A_1033 = arith.constant 896 : i32
    %dma_start3A_1034 = tpu.memref_slice %arg16[%dma_start3A_1025, %dma_start3A_1033] : memref<2x1024xi32, #tpu.memory_space<vmem>> -> memref<1x128xi32, #tpu.memory_space<vmem>>
    %dma_start3A_1035 = tpu.memref_squeeze %dma_start3A_1034 : memref<1x128xi32, #tpu.memory_space<vmem>> -> memref<128xi32, #tpu.memory_space<vmem>>
    %dma_start3A_1036 = tpu.memref_slice %arg4[%add3A_844] : memref<3276800xi32, #tpu.memory_space<hbm>> -> memref<128xi32, #tpu.memory_space<hbm>>
    tpu.enqueue_dma source(%dma_start3A_1036 : memref<128xi32, #tpu.memory_space<hbm>>) target(%dma_start3A_1035 : memref<128xi32, #tpu.memory_space<vmem>>) target_semaphore(%dma_start3A_1032 : memref<!tpu.dma_semaphore, #tpu.memory_space<semaphore_mem>>)
    %add3A_1037 = arith.constant 0 : i32
    %add3A_1038 = arith.addi %mul3A_7, %add3A_1037 : i32
    %jit3A_1039 = arith.constant 16 : i32
    %div3A_1040 = arith.divsi %add3A_1038, %jit3A_1039 : i32
    %sign3A_1041 = arith.constant 0 : i32
    %sign3A_1042 = arith.cmpi sgt, %add3A_1038, %sign3A_1041 : i32
    %sign3A_1043 = arith.extui %sign3A_1042 : i1 to i32
    %sign3A_1044 = arith.constant 0 : i32
    %sign3A_1045 = arith.cmpi slt, %add3A_1038, %sign3A_1044 : i32
    %sign3A_1046 = arith.extui %sign3A_1045 : i1 to i32
    %sign3A_1047 = arith.subi %sign3A_1043, %sign3A_1046 : i32
    %sign3A_1048 = arith.constant 0 : i32
    %sign3A_1049 = arith.cmpi sgt, %jit3A_1039, %sign3A_1048 : i32
    %sign3A_1050 = arith.extui %sign3A_1049 : i1 to i32
    %sign3A_1051 = arith.constant 0 : i32
    %sign3A_1052 = arith.cmpi slt, %jit3A_1039, %sign3A_1051 : i32
    %sign3A_1053 = arith.extui %sign3A_1052 : i1 to i32
    %sign3A_1054 = arith.subi %sign3A_1050, %sign3A_1053 : i32
    %ne3A_1055 = arith.cmpi ne, %sign3A_1047, %sign3A_1054 : i32
    %rem3A_1056 = arith.remsi %add3A_1038, %jit3A_1039 : i32
    %ne3A_1057 = arith.constant 0 : i32
    %ne3A_1058 = arith.cmpi ne, %rem3A_1056, %ne3A_1057 : i32
    %and3A_1059 = arith.andi %ne3A_1055, %ne3A_1058 : i1
    %sub3A_1060 = arith.constant 1 : i32
    %sub3A_1061 = arith.subi %div3A_1040, %sub3A_1060 : i32
    %select_n3A_1062 = arith.select %and3A_1059, %sub3A_1061, %div3A_1040 : i32
    %jit3A_1063 = arith.constant 8 : i32
    %div3A_1064 = arith.divsi %select_n3A_1062, %jit3A_1063 : i32
    %sign3A_1065 = arith.constant 0 : i32
    %sign3A_1066 = arith.cmpi sgt, %select_n3A_1062, %sign3A_1065 : i32
    %sign3A_1067 = arith.extui %sign3A_1066 : i1 to i32
    %sign3A_1068 = arith.constant 0 : i32
    %sign3A_1069 = arith.cmpi slt, %select_n3A_1062, %sign3A_1068 : i32
    %sign3A_1070 = arith.extui %sign3A_1069 : i1 to i32
    %sign3A_1071 = arith.subi %sign3A_1067, %sign3A_1070 : i32
    %sign3A_1072 = arith.constant 0 : i32
    %sign3A_1073 = arith.cmpi sgt, %jit3A_1063, %sign3A_1072 : i32
    %sign3A_1074 = arith.extui %sign3A_1073 : i1 to i32
    %sign3A_1075 = arith.constant 0 : i32
    %sign3A_1076 = arith.cmpi slt, %jit3A_1063, %sign3A_1075 : i32
    %sign3A_1077 = arith.extui %sign3A_1076 : i1 to i32
    %sign3A_1078 = arith.subi %sign3A_1074, %sign3A_1077 : i32
    %ne3A_1079 = arith.cmpi ne, %sign3A_1071, %sign3A_1078 : i32
    %rem3A_1080 = arith.remsi %select_n3A_1062, %jit3A_1063 : i32
    %ne3A_1081 = arith.constant 0 : i32
    %ne3A_1082 = arith.cmpi ne, %rem3A_1080, %ne3A_1081 : i32
    %and3A_1083 = arith.andi %ne3A_1079, %ne3A_1082 : i1
    %sub3A_1084 = arith.constant 1 : i32
    %sub3A_1085 = arith.subi %div3A_1064, %sub3A_1084 : i32
    %select_n3A_1086 = arith.select %and3A_1083, %sub3A_1085, %div3A_1064 : i32
    %mul3A_1087 = arith.constant 128 : i32
    %mul3A_1088 = arith.muli %select_n3A_1086, %mul3A_1087 : i32
    %jit3A_1089 = arith.constant 16 : i32
    %eq3A_1090 = arith.constant 0 : i32
    %eq3A_1091 = arith.cmpi eq, %jit3A_1089, %eq3A_1090 : i32
    %jit3A_1092 = arith.constant 1 : i32
    %select_n3A_1093 = arith.select %eq3A_1091, %jit3A_1092, %jit3A_1089 : i32
    %rem3A_1094 = arith.remsi %add3A_1038, %select_n3A_1093 : i32
    %ne3A_1095 = arith.constant 0 : i32
    %ne3A_1096 = arith.cmpi ne, %rem3A_1094, %ne3A_1095 : i32
    %lt3A_1097 = arith.constant 0 : i32
    %lt3A_1098 = arith.cmpi slt, %rem3A_1094, %lt3A_1097 : i32
    %lt3A_1099 = arith.constant 0 : i32
    %lt3A_1100 = arith.cmpi slt, %select_n3A_1093, %lt3A_1099 : i32
    %ne3A_1101 = arith.xori %lt3A_1098, %lt3A_1100 : i1
    %and3A_1102 = arith.andi %ne3A_1101, %ne3A_1096 : i1
    %add3A_1103 = arith.addi %rem3A_1094, %select_n3A_1093 : i32
    %select_n3A_1104 = arith.select %and3A_1102, %add3A_1103, %rem3A_1094 : i32
    %mul3A_1105 = arith.constant 8 : i32
    %mul3A_1106 = arith.muli %select_n3A_1104, %mul3A_1105 : i32
    %add3A_1107 = arith.addi %mul3A_1088, %mul3A_1106 : i32
    %mul3A_1108 = arith.constant 1024 : i32
    %mul3A_1109 = arith.muli %add3A_1107, %mul3A_1108 : i32
    %jit3A_1110 = arith.constant 8 : i32
    %eq3A_1111 = arith.constant 0 : i32
    %eq3A_1112 = arith.cmpi eq, %jit3A_1110, %eq3A_1111 : i32
    %jit3A_1113 = arith.constant 1 : i32
    %select_n3A_1114 = arith.select %eq3A_1112, %jit3A_1113, %jit3A_1110 : i32
    %rem3A_1115 = arith.remsi %select_n3A_1062, %select_n3A_1114 : i32
    %ne3A_1116 = arith.constant 0 : i32
    %ne3A_1117 = arith.cmpi ne, %rem3A_1115, %ne3A_1116 : i32
    %lt3A_1118 = arith.constant 0 : i32
    %lt3A_1119 = arith.cmpi slt, %rem3A_1115, %lt3A_1118 : i32
    %lt3A_1120 = arith.constant 0 : i32
    %lt3A_1121 = arith.cmpi slt, %select_n3A_1114, %lt3A_1120 : i32
    %ne3A_1122 = arith.xori %lt3A_1119, %lt3A_1121 : i1
    %and3A_1123 = arith.andi %ne3A_1122, %ne3A_1117 : i1
    %add3A_1124 = arith.addi %rem3A_1115, %select_n3A_1114 : i32
    %select_n3A_1125 = arith.select %and3A_1123, %add3A_1124, %rem3A_1115 : i32
    %mul3A_1126 = arith.constant 128 : i32
    %mul3A_1127 = arith.muli %select_n3A_1125, %mul3A_1126 : i32
    %add3A_1128 = arith.addi %mul3A_1109, %mul3A_1127 : i32
    %add3A_1129 = arith.constant 0 : i32
    %add3A_1130 = arith.addi %add3A_1128, %add3A_1129 : i32
    %add3A_1131 = arith.constant 1024 : i32
    %add3A_1132 = arith.addi %add3A_1128, %add3A_1131 : i32
    %add3A_1133 = arith.constant 2048 : i32
    %add3A_1134 = arith.addi %add3A_1128, %add3A_1133 : i32
    %add3A_1135 = arith.constant 3072 : i32
    %add3A_1136 = arith.addi %add3A_1128, %add3A_1135 : i32
    %add3A_1137 = arith.constant 4096 : i32
    %add3A_1138 = arith.addi %add3A_1128, %add3A_1137 : i32
    %add3A_1139 = arith.constant 5120 : i32
    %add3A_1140 = arith.addi %add3A_1128, %add3A_1139 : i32
    %add3A_1141 = arith.constant 6144 : i32
    %add3A_1142 = arith.addi %add3A_1128, %add3A_1141 : i32
    %add3A_1143 = arith.constant 7168 : i32
    %add3A_1144 = arith.addi %add3A_1128, %add3A_1143 : i32
    %dma_wait3A = arith.constant 0 : i32
    %dma_wait3A_1145 = arith.constant 0 : i32
    %dma_wait3A_1146 = arith.constant 0 : i32
    %dma_wait3A_1147 = tpu.memref_slice %arg14[%dma_wait3A, %dma_wait3A_1146] : memref<2x1024xi32, #tpu.memory_space<vmem>> -> memref<1x128xi32, #tpu.memory_space<vmem>>
    %dma_wait3A_1148 = tpu.memref_squeeze %dma_wait3A_1147 : memref<1x128xi32, #tpu.memory_space<vmem>> -> memref<128xi32, #tpu.memory_space<vmem>>
    %dma_wait3A_1149 = tpu.memref_slice %arg2[%add3A_1130] : memref<3276800xi32, #tpu.memory_space<hbm>> -> memref<128xi32, #tpu.memory_space<hbm>>
    %dma_wait3A_1150 = tpu.memref_slice %arg19[%dma_wait3A_1145] : memref<2x!tpu.dma_semaphore, #tpu.memory_space<semaphore_mem>> -> memref<1x!tpu.dma_semaphore, #tpu.memory_space<semaphore_mem>>
    %dma_wait3A_1151 = tpu.memref_squeeze %dma_wait3A_1150 : memref<1x!tpu.dma_semaphore, #tpu.memory_space<semaphore_mem>> -> memref<!tpu.dma_semaphore, #tpu.memory_space<semaphore_mem>>
    %dma_wait3A_1152 = arith.constant 0 : i32
    %dma_wait3A_1153 = tpu.memref_slice %arg14[%dma_wait3A, %dma_wait3A_1152] : memref<2x1024xi32, #tpu.memory_space<vmem>> -> memref<1x128xi32, #tpu.memory_space<vmem>>
    %dma_wait3A_1154 = tpu.memref_squeeze %dma_wait3A_1153 : memref<1x128xi32, #tpu.memory_space<vmem>> -> memref<128xi32, #tpu.memory_space<vmem>>
    %dma_wait3A_1155 = tpu.memref_slice %arg2[%add3A_1130] : memref<3276800xi32, #tpu.memory_space<hbm>> -> memref<128xi32, #tpu.memory_space<hbm>>
    tpu.wait_dma2 semaphore(%dma_wait3A_1151 : memref<!tpu.dma_semaphore, #tpu.memory_space<semaphore_mem>>) src(%dma_wait3A_1155 : memref<128xi32, #tpu.memory_space<hbm>>) dst(%dma_wait3A_1154 : memref<128xi32, #tpu.memory_space<vmem>>)
    %dma_wait3A_1156 = arith.constant 0 : i32
    %dma_wait3A_1157 = arith.constant 0 : i32
    %dma_wait3A_1158 = arith.constant 128 : i32
    %dma_wait3A_1159 = tpu.memref_slice %arg14[%dma_wait3A_1156, %dma_wait3A_1158] : memref<2x1024xi32, #tpu.memory_space<vmem>> -> memref<1x128xi32, #tpu.memory_space<vmem>>
    %dma_wait3A_1160 = tpu.memref_squeeze %dma_wait3A_1159 : memref<1x128xi32, #tpu.memory_space<vmem>> -> memref<128xi32, #tpu.memory_space<vmem>>
    %dma_wait3A_1161 = tpu.memref_slice %arg2[%add3A_1132] : memref<3276800xi32, #tpu.memory_space<hbm>> -> memref<128xi32, #tpu.memory_space<hbm>>
    %dma_wait3A_1162 = tpu.memref_slice %arg19[%dma_wait3A_1157] : memref<2x!tpu.dma_semaphore, #tpu.memory_space<semaphore_mem>> -> memref<1x!tpu.dma_semaphore, #tpu.memory_space<semaphore_mem>>
    %dma_wait3A_1163 = tpu.memref_squeeze %dma_wait3A_1162 : memref<1x!tpu.dma_semaphore, #tpu.memory_space<semaphore_mem>> -> memref<!tpu.dma_semaphore, #tpu.memory_space<semaphore_mem>>
    %dma_wait3A_1164 = arith.constant 128 : i32
    %dma_wait3A_1165 = tpu.memref_slice %arg14[%dma_wait3A_1156, %dma_wait3A_1164] : memref<2x1024xi32, #tpu.memory_space<vmem>> -> memref<1x128xi32, #tpu.memory_space<vmem>>
    %dma_wait3A_1166 = tpu.memref_squeeze %dma_wait3A_1165 : memref<1x128xi32, #tpu.memory_space<vmem>> -> memref<128xi32, #tpu.memory_space<vmem>>
    %dma_wait3A_1167 = tpu.memref_slice %arg2[%add3A_1132] : memref<3276800xi32, #tpu.memory_space<hbm>> -> memref<128xi32, #tpu.memory_space<hbm>>
    tpu.wait_dma2 semaphore(%dma_wait3A_1163 : memref<!tpu.dma_semaphore, #tpu.memory_space<semaphore_mem>>) src(%dma_wait3A_1167 : memref<128xi32, #tpu.memory_space<hbm>>) dst(%dma_wait3A_1166 : memref<128xi32, #tpu.memory_space<vmem>>)
    %dma_wait3A_1168 = arith.constant 0 : i32
    %dma_wait3A_1169 = arith.constant 0 : i32
    %dma_wait3A_1170 = arith.constant 256 : i32
    %dma_wait3A_1171 = tpu.memref_slice %arg14[%dma_wait3A_1168, %dma_wait3A_1170] : memref<2x1024xi32, #tpu.memory_space<vmem>> -> memref<1x128xi32, #tpu.memory_space<vmem>>
    %dma_wait3A_1172 = tpu.memref_squeeze %dma_wait3A_1171 : memref<1x128xi32, #tpu.memory_space<vmem>> -> memref<128xi32, #tpu.memory_space<vmem>>
    %dma_wait3A_1173 = tpu.memref_slice %arg2[%add3A_1134] : memref<3276800xi32, #tpu.memory_space<hbm>> -> memref<128xi32, #tpu.memory_space<hbm>>
    %dma_wait3A_1174 = tpu.memref_slice %arg19[%dma_wait3A_1169] : memref<2x!tpu.dma_semaphore, #tpu.memory_space<semaphore_mem>> -> memref<1x!tpu.dma_semaphore, #tpu.memory_space<semaphore_mem>>
    %dma_wait3A_1175 = tpu.memref_squeeze %dma_wait3A_1174 : memref<1x!tpu.dma_semaphore, #tpu.memory_space<semaphore_mem>> -> memref<!tpu.dma_semaphore, #tpu.memory_space<semaphore_mem>>
    %dma_wait3A_1176 = arith.constant 256 : i32
    %dma_wait3A_1177 = tpu.memref_slice %arg14[%dma_wait3A_1168, %dma_wait3A_1176] : memref<2x1024xi32, #tpu.memory_space<vmem>> -> memref<1x128xi32, #tpu.memory_space<vmem>>
    %dma_wait3A_1178 = tpu.memref_squeeze %dma_wait3A_1177 : memref<1x128xi32, #tpu.memory_space<vmem>> -> memref<128xi32, #tpu.memory_space<vmem>>
    %dma_wait3A_1179 = tpu.memref_slice %arg2[%add3A_1134] : memref<3276800xi32, #tpu.memory_space<hbm>> -> memref<128xi32, #tpu.memory_space<hbm>>
    tpu.wait_dma2 semaphore(%dma_wait3A_1175 : memref<!tpu.dma_semaphore, #tpu.memory_space<semaphore_mem>>) src(%dma_wait3A_1179 : memref<128xi32, #tpu.memory_space<hbm>>) dst(%dma_wait3A_1178 : memref<128xi32, #tpu.memory_space<vmem>>)
    %dma_wait3A_1180 = arith.constant 0 : i32
    %dma_wait3A_1181 = arith.constant 0 : i32
    %dma_wait3A_1182 = arith.constant 384 : i32
    %dma_wait3A_1183 = tpu.memref_slice %arg14[%dma_wait3A_1180, %dma_wait3A_1182] : memref<2x1024xi32, #tpu.memory_space<vmem>> -> memref<1x128xi32, #tpu.memory_space<vmem>>
    %dma_wait3A_1184 = tpu.memref_squeeze %dma_wait3A_1183 : memref<1x128xi32, #tpu.memory_space<vmem>> -> memref<128xi32, #tpu.memory_space<vmem>>
    %dma_wait3A_1185 = tpu.memref_slice %arg2[%add3A_1136] : memref<3276800xi32, #tpu.memory_space<hbm>> -> memref<128xi32, #tpu.memory_space<hbm>>
    %dma_wait3A_1186 = tpu.memref_slice %arg19[%dma_wait3A_1181] : memref<2x!tpu.dma_semaphore, #tpu.memory_space<semaphore_mem>> -> memref<1x!tpu.dma_semaphore, #tpu.memory_space<semaphore_mem>>
    %dma_wait3A_1187 = tpu.memref_squeeze %dma_wait3A_1186 : memref<1x!tpu.dma_semaphore, #tpu.memory_space<semaphore_mem>> -> memref<!tpu.dma_semaphore, #tpu.memory_space<semaphore_mem>>
    %dma_wait3A_1188 = arith.constant 384 : i32
    %dma_wait3A_1189 = tpu.memref_slice %arg14[%dma_wait3A_1180, %dma_wait3A_1188] : memref<2x1024xi32, #tpu.memory_space<vmem>> -> memref<1x128xi32, #tpu.memory_space<vmem>>
    %dma_wait3A_1190 = tpu.memref_squeeze %dma_wait3A_1189 : memref<1x128xi32, #tpu.memory_space<vmem>> -> memref<128xi32, #tpu.memory_space<vmem>>
    %dma_wait3A_1191 = tpu.memref_slice %arg2[%add3A_1136] : memref<3276800xi32, #tpu.memory_space<hbm>> -> memref<128xi32, #tpu.memory_space<hbm>>
    tpu.wait_dma2 semaphore(%dma_wait3A_1187 : memref<!tpu.dma_semaphore, #tpu.memory_space<semaphore_mem>>) src(%dma_wait3A_1191 : memref<128xi32, #tpu.memory_space<hbm>>) dst(%dma_wait3A_1190 : memref<128xi32, #tpu.memory_space<vmem>>)
    %dma_wait3A_1192 = arith.constant 0 : i32
    %dma_wait3A_1193 = arith.constant 0 : i32
    %dma_wait3A_1194 = arith.constant 512 : i32
    %dma_wait3A_1195 = tpu.memref_slice %arg14[%dma_wait3A_1192, %dma_wait3A_1194] : memref<2x1024xi32, #tpu.memory_space<vmem>> -> memref<1x128xi32, #tpu.memory_space<vmem>>
    %dma_wait3A_1196 = tpu.memref_squeeze %dma_wait3A_1195 : memref<1x128xi32, #tpu.memory_space<vmem>> -> memref<128xi32, #tpu.memory_space<vmem>>
    %dma_wait3A_1197 = tpu.memref_slice %arg2[%add3A_1138] : memref<3276800xi32, #tpu.memory_space<hbm>> -> memref<128xi32, #tpu.memory_space<hbm>>
    %dma_wait3A_1198 = tpu.memref_slice %arg19[%dma_wait3A_1193] : memref<2x!tpu.dma_semaphore, #tpu.memory_space<semaphore_mem>> -> memref<1x!tpu.dma_semaphore, #tpu.memory_space<semaphore_mem>>
    %dma_wait3A_1199 = tpu.memref_squeeze %dma_wait3A_1198 : memref<1x!tpu.dma_semaphore, #tpu.memory_space<semaphore_mem>> -> memref<!tpu.dma_semaphore, #tpu.memory_space<semaphore_mem>>
    %dma_wait3A_1200 = arith.constant 512 : i32
    %dma_wait3A_1201 = tpu.memref_slice %arg14[%dma_wait3A_1192, %dma_wait3A_1200] : memref<2x1024xi32, #tpu.memory_space<vmem>> -> memref<1x128xi32, #tpu.memory_space<vmem>>
    %dma_wait3A_1202 = tpu.memref_squeeze %dma_wait3A_1201 : memref<1x128xi32, #tpu.memory_space<vmem>> -> memref<128xi32, #tpu.memory_space<vmem>>
    %dma_wait3A_1203 = tpu.memref_slice %arg2[%add3A_1138] : memref<3276800xi32, #tpu.memory_space<hbm>> -> memref<128xi32, #tpu.memory_space<hbm>>
    tpu.wait_dma2 semaphore(%dma_wait3A_1199 : memref<!tpu.dma_semaphore, #tpu.memory_space<semaphore_mem>>) src(%dma_wait3A_1203 : memref<128xi32, #tpu.memory_space<hbm>>) dst(%dma_wait3A_1202 : memref<128xi32, #tpu.memory_space<vmem>>)
    %dma_wait3A_1204 = arith.constant 0 : i32
    %dma_wait3A_1205 = arith.constant 0 : i32
    %dma_wait3A_1206 = arith.constant 640 : i32
    %dma_wait3A_1207 = tpu.memref_slice %arg14[%dma_wait3A_1204, %dma_wait3A_1206] : memref<2x1024xi32, #tpu.memory_space<vmem>> -> memref<1x128xi32, #tpu.memory_space<vmem>>
    %dma_wait3A_1208 = tpu.memref_squeeze %dma_wait3A_1207 : memref<1x128xi32, #tpu.memory_space<vmem>> -> memref<128xi32, #tpu.memory_space<vmem>>
    %dma_wait3A_1209 = tpu.memref_slice %arg2[%add3A_1140] : memref<3276800xi32, #tpu.memory_space<hbm>> -> memref<128xi32, #tpu.memory_space<hbm>>
    %dma_wait3A_1210 = tpu.memref_slice %arg19[%dma_wait3A_1205] : memref<2x!tpu.dma_semaphore, #tpu.memory_space<semaphore_mem>> -> memref<1x!tpu.dma_semaphore, #tpu.memory_space<semaphore_mem>>
    %dma_wait3A_1211 = tpu.memref_squeeze %dma_wait3A_1210 : memref<1x!tpu.dma_semaphore, #tpu.memory_space<semaphore_mem>> -> memref<!tpu.dma_semaphore, #tpu.memory_space<semaphore_mem>>
    %dma_wait3A_1212 = arith.constant 640 : i32
    %dma_wait3A_1213 = tpu.memref_slice %arg14[%dma_wait3A_1204, %dma_wait3A_1212] : memref<2x1024xi32, #tpu.memory_space<vmem>> -> memref<1x128xi32, #tpu.memory_space<vmem>>
    %dma_wait3A_1214 = tpu.memref_squeeze %dma_wait3A_1213 : memref<1x128xi32, #tpu.memory_space<vmem>> -> memref<128xi32, #tpu.memory_space<vmem>>
    %dma_wait3A_1215 = tpu.memref_slice %arg2[%add3A_1140] : memref<3276800xi32, #tpu.memory_space<hbm>> -> memref<128xi32, #tpu.memory_space<hbm>>
    tpu.wait_dma2 semaphore(%dma_wait3A_1211 : memref<!tpu.dma_semaphore, #tpu.memory_space<semaphore_mem>>) src(%dma_wait3A_1215 : memref<128xi32, #tpu.memory_space<hbm>>) dst(%dma_wait3A_1214 : memref<128xi32, #tpu.memory_space<vmem>>)
    %dma_wait3A_1216 = arith.constant 0 : i32
    %dma_wait3A_1217 = arith.constant 0 : i32
    %dma_wait3A_1218 = arith.constant 768 : i32
    %dma_wait3A_1219 = tpu.memref_slice %arg14[%dma_wait3A_1216, %dma_wait3A_1218] : memref<2x1024xi32, #tpu.memory_space<vmem>> -> memref<1x128xi32, #tpu.memory_space<vmem>>
    %dma_wait3A_1220 = tpu.memref_squeeze %dma_wait3A_1219 : memref<1x128xi32, #tpu.memory_space<vmem>> -> memref<128xi32, #tpu.memory_space<vmem>>
    %dma_wait3A_1221 = tpu.memref_slice %arg2[%add3A_1142] : memref<3276800xi32, #tpu.memory_space<hbm>> -> memref<128xi32, #tpu.memory_space<hbm>>
    %dma_wait3A_1222 = tpu.memref_slice %arg19[%dma_wait3A_1217] : memref<2x!tpu.dma_semaphore, #tpu.memory_space<semaphore_mem>> -> memref<1x!tpu.dma_semaphore, #tpu.memory_space<semaphore_mem>>
    %dma_wait3A_1223 = tpu.memref_squeeze %dma_wait3A_1222 : memref<1x!tpu.dma_semaphore, #tpu.memory_space<semaphore_mem>> -> memref<!tpu.dma_semaphore, #tpu.memory_space<semaphore_mem>>
    %dma_wait3A_1224 = arith.constant 768 : i32
    %dma_wait3A_1225 = tpu.memref_slice %arg14[%dma_wait3A_1216, %dma_wait3A_1224] : memref<2x1024xi32, #tpu.memory_space<vmem>> -> memref<1x128xi32, #tpu.memory_space<vmem>>
    %dma_wait3A_1226 = tpu.memref_squeeze %dma_wait3A_1225 : memref<1x128xi32, #tpu.memory_space<vmem>> -> memref<128xi32, #tpu.memory_space<vmem>>
    %dma_wait3A_1227 = tpu.memref_slice %arg2[%add3A_1142] : memref<3276800xi32, #tpu.memory_space<hbm>> -> memref<128xi32, #tpu.memory_space<hbm>>
    tpu.wait_dma2 semaphore(%dma_wait3A_1223 : memref<!tpu.dma_semaphore, #tpu.memory_space<semaphore_mem>>) src(%dma_wait3A_1227 : memref<128xi32, #tpu.memory_space<hbm>>) dst(%dma_wait3A_1226 : memref<128xi32, #tpu.memory_space<vmem>>)
    %dma_wait3A_1228 = arith.constant 0 : i32
    %dma_wait3A_1229 = arith.constant 0 : i32
    %dma_wait3A_1230 = arith.constant 896 : i32
    %dma_wait3A_1231 = tpu.memref_slice %arg14[%dma_wait3A_1228, %dma_wait3A_1230] : memref<2x1024xi32, #tpu.memory_space<vmem>> -> memref<1x128xi32, #tpu.memory_space<vmem>>
    %dma_wait3A_1232 = tpu.memref_squeeze %dma_wait3A_1231 : memref<1x128xi32, #tpu.memory_space<vmem>> -> memref<128xi32, #tpu.memory_space<vmem>>
    %dma_wait3A_1233 = tpu.memref_slice %arg2[%add3A_1144] : memref<3276800xi32, #tpu.memory_space<hbm>> -> memref<128xi32, #tpu.memory_space<hbm>>
    %dma_wait3A_1234 = tpu.memref_slice %arg19[%dma_wait3A_1229] : memref<2x!tpu.dma_semaphore, #tpu.memory_space<semaphore_mem>> -> memref<1x!tpu.dma_semaphore, #tpu.memory_space<semaphore_mem>>
    %dma_wait3A_1235 = tpu.memref_squeeze %dma_wait3A_1234 : memref<1x!tpu.dma_semaphore, #tpu.memory_space<semaphore_mem>> -> memref<!tpu.dma_semaphore, #tpu.memory_space<semaphore_mem>>
    %dma_wait3A_1236 = arith.constant 896 : i32
    %dma_wait3A_1237 = tpu.memref_slice %arg14[%dma_wait3A_1228, %dma_wait3A_1236] : memref<2x1024xi32, #tpu.memory_space<vmem>> -> memref<1x128xi32, #tpu.memory_space<vmem>>
    %dma_wait3A_1238 = tpu.memref_squeeze %dma_wait3A_1237 : memref<1x128xi32, #tpu.memory_space<vmem>> -> memref<128xi32, #tpu.memory_space<vmem>>
    %dma_wait3A_1239 = tpu.memref_slice %arg2[%add3A_1144] : memref<3276800xi32, #tpu.memory_space<hbm>> -> memref<128xi32, #tpu.memory_space<hbm>>
    tpu.wait_dma2 semaphore(%dma_wait3A_1235 : memref<!tpu.dma_semaphore, #tpu.memory_space<semaphore_mem>>) src(%dma_wait3A_1239 : memref<128xi32, #tpu.memory_space<hbm>>) dst(%dma_wait3A_1238 : memref<128xi32, #tpu.memory_space<vmem>>)
    %dma_start3A_1240 = arith.constant 0 : i32
    %dma_start3A_1241 = arith.constant 0 : i32
    %dma_start3A_1242 = arith.constant 0 : i32
    %dma_start3A_1243 = arith.constant 0 : i32
    %dma_start3A_1244 = arith.constant 0 : i32
    %dma_start3A_1245 = tpu.memref_slice %arg17[%dma_start3A_1241, %dma_start3A_1243, %dma_start3A_1244] : memref<2x1024x16xf32, #tpu.memory_space<vmem>> -> memref<1x1024x16xf32, #tpu.memory_space<vmem>>
    %dma_start3A_1246 = tpu.memref_squeeze %dma_start3A_1245 : memref<1x1024x16xf32, #tpu.memory_space<vmem>> -> memref<1024x16xf32, #tpu.memory_space<vmem>>
    %dma_start3A_1247 = arith.constant 0 : i32
    %dma_start3A_1248 = tpu.memref_slice %arg14[%dma_start3A_1240, %dma_start3A_1247] : memref<2x1024xi32, #tpu.memory_space<vmem>> -> memref<1x1024xi32, #tpu.memory_space<vmem>>
    %dma_start3A_1249 = tpu.memref_squeeze %dma_start3A_1248 : memref<1x1024xi32, #tpu.memory_space<vmem>> -> memref<1024xi32, #tpu.memory_space<vmem>>
    %dma_start3A_1250 = arith.constant 0 : i32
    %dma_start3A_1251 = arith.constant 0 : i32
    %dma_start3A_1252 = tpu.memref_slice %arg5[%dma_start3A_1250, %dma_start3A_1251] : memref<1000000x16xf32, #tpu.memory_space<hbm>> -> memref<1000000x16xf32, #tpu.memory_space<hbm>>
    %dma_start3A_1253 = tpu.memref_slice %arg21[%dma_start3A_1242] : memref<2x!tpu.dma_semaphore, #tpu.memory_space<semaphore_mem>> -> memref<1x!tpu.dma_semaphore, #tpu.memory_space<semaphore_mem>>
    %dma_start3A_1254 = tpu.memref_squeeze %dma_start3A_1253 : memref<1x!tpu.dma_semaphore, #tpu.memory_space<semaphore_mem>> -> memref<!tpu.dma_semaphore, #tpu.memory_space<semaphore_mem>>
    tpu.enqueue_indirect_dma source(%dma_start3A_1252 : memref<1000000x16xf32, #tpu.memory_space<hbm>>) target(%dma_start3A_1246 : memref<1024x16xf32, #tpu.memory_space<vmem>>) offsets(%dma_start3A_1249 : memref<1024xi32, #tpu.memory_space<vmem>>) semaphore(%dma_start3A_1254 : memref<!tpu.dma_semaphore, #tpu.memory_space<semaphore_mem>>)
    %scan3A_1255 = arith.constant 0 : i32
    %scan3A_1256 = arith.constant 0 : i32
    %scan3A_1257 = arith.constant 100 : i32
    %scan3A_1258 = arith.addi %scan3A_1256, %scan3A_1257 : i32
    %scan3A_1259 = arith.constant 1 : i32
    scf.for %scan3A_1395 = %scan3A_1256 to %scan3A_1258 step %scan3A_1259  : i32 {
      %jit3A_1396 = arith.constant 2 : i32
      %eq3A_1397 = arith.constant 0 : i32
      %eq3A_1398 = arith.cmpi eq, %jit3A_1396, %eq3A_1397 : i32
      %jit3A_1399 = arith.constant 1 : i32
      %select_n3A_1400 = arith.select %eq3A_1398, %jit3A_1399, %jit3A_1396 : i32
      %rem3A_1401 = arith.remsi %scan3A_1395, %select_n3A_1400 : i32
      %ne3A_1402 = arith.constant 0 : i32
      %ne3A_1403 = arith.cmpi ne, %rem3A_1401, %ne3A_1402 : i32
      %lt3A_1404 = arith.constant 0 : i32
      %lt3A_1405 = arith.cmpi slt, %rem3A_1401, %lt3A_1404 : i32
      %lt3A_1406 = arith.constant 0 : i32
      %lt3A_1407 = arith.cmpi slt, %select_n3A_1400, %lt3A_1406 : i32
      %ne3A_1408 = arith.xori %lt3A_1405, %lt3A_1407 : i1
      %and3A_1409 = arith.andi %ne3A_1408, %ne3A_1403 : i1
      %add3A_1410 = arith.addi %rem3A_1401, %select_n3A_1400 : i32
      %select_n3A_1411 = arith.select %and3A_1409, %add3A_1410, %rem3A_1401 : i32
      %sub3A_1412 = arith.constant 1 : i32
      %sub3A_1413 = arith.subi %sub3A_1412, %select_n3A_1411 : i32
      %add3A_1414 = arith.constant 1 : i32
      %add3A_1415 = arith.addi %scan3A_1395, %add3A_1414 : i32
      %lt3A_1416 = arith.constant 100 : i32
      %lt3A_1417 = arith.cmpi slt, %add3A_1415, %lt3A_1416 : i32
      %convert_element_type3A = arith.extui %lt3A_1417 : i1 to i32
      %cond3A = arith.constant 0 : i32
      %cond3A_1418 = arith.cmpi ne, %convert_element_type3A, %cond3A : i32
      scf.if %cond3A_1418 {
        %add3A_1804 = arith.constant 1 : i32
        %add3A_1805 = arith.addi %scan3A_1395, %add3A_1804 : i32
        %add3A_1806 = arith.addi %mul3A_7, %add3A_1805 : i32
        %jit3A_1807 = arith.constant 16 : i32
        %div3A_1808 = arith.divsi %add3A_1806, %jit3A_1807 : i32
        %sign3A_1809 = arith.constant 0 : i32
        %sign3A_1810 = arith.cmpi sgt, %add3A_1806, %sign3A_1809 : i32
        %sign3A_1811 = arith.extui %sign3A_1810 : i1 to i32
        %sign3A_1812 = arith.constant 0 : i32
        %sign3A_1813 = arith.cmpi slt, %add3A_1806, %sign3A_1812 : i32
        %sign3A_1814 = arith.extui %sign3A_1813 : i1 to i32
        %sign3A_1815 = arith.subi %sign3A_1811, %sign3A_1814 : i32
        %sign3A_1816 = arith.constant 0 : i32
        %sign3A_1817 = arith.cmpi sgt, %jit3A_1807, %sign3A_1816 : i32
        %sign3A_1818 = arith.extui %sign3A_1817 : i1 to i32
        %sign3A_1819 = arith.constant 0 : i32
        %sign3A_1820 = arith.cmpi slt, %jit3A_1807, %sign3A_1819 : i32
        %sign3A_1821 = arith.extui %sign3A_1820 : i1 to i32
        %sign3A_1822 = arith.subi %sign3A_1818, %sign3A_1821 : i32
        %ne3A_1823 = arith.cmpi ne, %sign3A_1815, %sign3A_1822 : i32
        %rem3A_1824 = arith.remsi %add3A_1806, %jit3A_1807 : i32
        %ne3A_1825 = arith.constant 0 : i32
        %ne3A_1826 = arith.cmpi ne, %rem3A_1824, %ne3A_1825 : i32
        %and3A_1827 = arith.andi %ne3A_1823, %ne3A_1826 : i1
        %sub3A_1828 = arith.constant 1 : i32
        %sub3A_1829 = arith.subi %div3A_1808, %sub3A_1828 : i32
        %select_n3A_1830 = arith.select %and3A_1827, %sub3A_1829, %div3A_1808 : i32
        %jit3A_1831 = arith.constant 8 : i32
        %div3A_1832 = arith.divsi %select_n3A_1830, %jit3A_1831 : i32
        %sign3A_1833 = arith.constant 0 : i32
        %sign3A_1834 = arith.cmpi sgt, %select_n3A_1830, %sign3A_1833 : i32
        %sign3A_1835 = arith.extui %sign3A_1834 : i1 to i32
        %sign3A_1836 = arith.constant 0 : i32
        %sign3A_1837 = arith.cmpi slt, %select_n3A_1830, %sign3A_1836 : i32
        %sign3A_1838 = arith.extui %sign3A_1837 : i1 to i32
        %sign3A_1839 = arith.subi %sign3A_1835, %sign3A_1838 : i32
        %sign3A_1840 = arith.constant 0 : i32
        %sign3A_1841 = arith.cmpi sgt, %jit3A_1831, %sign3A_1840 : i32
        %sign3A_1842 = arith.extui %sign3A_1841 : i1 to i32
        %sign3A_1843 = arith.constant 0 : i32
        %sign3A_1844 = arith.cmpi slt, %jit3A_1831, %sign3A_1843 : i32
        %sign3A_1845 = arith.extui %sign3A_1844 : i1 to i32
        %sign3A_1846 = arith.subi %sign3A_1842, %sign3A_1845 : i32
        %ne3A_1847 = arith.cmpi ne, %sign3A_1839, %sign3A_1846 : i32
        %rem3A_1848 = arith.remsi %select_n3A_1830, %jit3A_1831 : i32
        %ne3A_1849 = arith.constant 0 : i32
        %ne3A_1850 = arith.cmpi ne, %rem3A_1848, %ne3A_1849 : i32
        %and3A_1851 = arith.andi %ne3A_1847, %ne3A_1850 : i1
        %sub3A_1852 = arith.constant 1 : i32
        %sub3A_1853 = arith.subi %div3A_1832, %sub3A_1852 : i32
        %select_n3A_1854 = arith.select %and3A_1851, %sub3A_1853, %div3A_1832 : i32
        %mul3A_1855 = arith.constant 128 : i32
        %mul3A_1856 = arith.muli %select_n3A_1854, %mul3A_1855 : i32
        %jit3A_1857 = arith.constant 16 : i32
        %eq3A_1858 = arith.constant 0 : i32
        %eq3A_1859 = arith.cmpi eq, %jit3A_1857, %eq3A_1858 : i32
        %jit3A_1860 = arith.constant 1 : i32
        %select_n3A_1861 = arith.select %eq3A_1859, %jit3A_1860, %jit3A_1857 : i32
        %rem3A_1862 = arith.remsi %add3A_1806, %select_n3A_1861 : i32
        %ne3A_1863 = arith.constant 0 : i32
        %ne3A_1864 = arith.cmpi ne, %rem3A_1862, %ne3A_1863 : i32
        %lt3A_1865 = arith.constant 0 : i32
        %lt3A_1866 = arith.cmpi slt, %rem3A_1862, %lt3A_1865 : i32
        %lt3A_1867 = arith.constant 0 : i32
        %lt3A_1868 = arith.cmpi slt, %select_n3A_1861, %lt3A_1867 : i32
        %ne3A_1869 = arith.xori %lt3A_1866, %lt3A_1868 : i1
        %and3A_1870 = arith.andi %ne3A_1869, %ne3A_1864 : i1
        %add3A_1871 = arith.addi %rem3A_1862, %select_n3A_1861 : i32
        %select_n3A_1872 = arith.select %and3A_1870, %add3A_1871, %rem3A_1862 : i32
        %mul3A_1873 = arith.constant 8 : i32
        %mul3A_1874 = arith.muli %select_n3A_1872, %mul3A_1873 : i32
        %add3A_1875 = arith.addi %mul3A_1856, %mul3A_1874 : i32
        %mul3A_1876 = arith.constant 1024 : i32
        %mul3A_1877 = arith.muli %add3A_1875, %mul3A_1876 : i32
        %jit3A_1878 = arith.constant 8 : i32
        %eq3A_1879 = arith.constant 0 : i32
        %eq3A_1880 = arith.cmpi eq, %jit3A_1878, %eq3A_1879 : i32
        %jit3A_1881 = arith.constant 1 : i32
        %select_n3A_1882 = arith.select %eq3A_1880, %jit3A_1881, %jit3A_1878 : i32
        %rem3A_1883 = arith.remsi %select_n3A_1830, %select_n3A_1882 : i32
        %ne3A_1884 = arith.constant 0 : i32
        %ne3A_1885 = arith.cmpi ne, %rem3A_1883, %ne3A_1884 : i32
        %lt3A_1886 = arith.constant 0 : i32
        %lt3A_1887 = arith.cmpi slt, %rem3A_1883, %lt3A_1886 : i32
        %lt3A_1888 = arith.constant 0 : i32
        %lt3A_1889 = arith.cmpi slt, %select_n3A_1882, %lt3A_1888 : i32
        %ne3A_1890 = arith.xori %lt3A_1887, %lt3A_1889 : i1
        %and3A_1891 = arith.andi %ne3A_1890, %ne3A_1885 : i1
        %add3A_1892 = arith.addi %rem3A_1883, %select_n3A_1882 : i32
        %select_n3A_1893 = arith.select %and3A_1891, %add3A_1892, %rem3A_1883 : i32
        %mul3A_1894 = arith.constant 128 : i32
        %mul3A_1895 = arith.muli %select_n3A_1893, %mul3A_1894 : i32
        %add3A_1896 = arith.addi %mul3A_1877, %mul3A_1895 : i32
        %add3A_1897 = arith.constant 0 : i32
        %add3A_1898 = arith.addi %add3A_1896, %add3A_1897 : i32
        %add3A_1899 = arith.constant 1024 : i32
        %add3A_1900 = arith.addi %add3A_1896, %add3A_1899 : i32
        %add3A_1901 = arith.constant 2048 : i32
        %add3A_1902 = arith.addi %add3A_1896, %add3A_1901 : i32
        %add3A_1903 = arith.constant 3072 : i32
        %add3A_1904 = arith.addi %add3A_1896, %add3A_1903 : i32
        %add3A_1905 = arith.constant 4096 : i32
        %add3A_1906 = arith.addi %add3A_1896, %add3A_1905 : i32
        %add3A_1907 = arith.constant 5120 : i32
        %add3A_1908 = arith.addi %add3A_1896, %add3A_1907 : i32
        %add3A_1909 = arith.constant 6144 : i32
        %add3A_1910 = arith.addi %add3A_1896, %add3A_1909 : i32
        %add3A_1911 = arith.constant 7168 : i32
        %add3A_1912 = arith.addi %add3A_1896, %add3A_1911 : i32
        %dma_wait3A_1913 = arith.constant 0 : i32
        %dma_wait3A_1914 = tpu.memref_slice %arg14[%sub3A_1413, %dma_wait3A_1913] : memref<2x1024xi32, #tpu.memory_space<vmem>> -> memref<1x128xi32, #tpu.memory_space<vmem>>
        %dma_wait3A_1915 = tpu.memref_squeeze %dma_wait3A_1914 : memref<1x128xi32, #tpu.memory_space<vmem>> -> memref<128xi32, #tpu.memory_space<vmem>>
        %dma_wait3A_1916 = tpu.memref_slice %arg2[%add3A_1898] : memref<3276800xi32, #tpu.memory_space<hbm>> -> memref<128xi32, #tpu.memory_space<hbm>>
        %dma_wait3A_1917 = tpu.memref_slice %arg19[%sub3A_1413] : memref<2x!tpu.dma_semaphore, #tpu.memory_space<semaphore_mem>> -> memref<1x!tpu.dma_semaphore, #tpu.memory_space<semaphore_mem>>
        %dma_wait3A_1918 = tpu.memref_squeeze %dma_wait3A_1917 : memref<1x!tpu.dma_semaphore, #tpu.memory_space<semaphore_mem>> -> memref<!tpu.dma_semaphore, #tpu.memory_space<semaphore_mem>>
        %dma_wait3A_1919 = arith.constant 0 : i32
        %dma_wait3A_1920 = tpu.memref_slice %arg14[%sub3A_1413, %dma_wait3A_1919] : memref<2x1024xi32, #tpu.memory_space<vmem>> -> memref<1x128xi32, #tpu.memory_space<vmem>>
        %dma_wait3A_1921 = tpu.memref_squeeze %dma_wait3A_1920 : memref<1x128xi32, #tpu.memory_space<vmem>> -> memref<128xi32, #tpu.memory_space<vmem>>
        %dma_wait3A_1922 = tpu.memref_slice %arg2[%add3A_1898] : memref<3276800xi32, #tpu.memory_space<hbm>> -> memref<128xi32, #tpu.memory_space<hbm>>
        tpu.wait_dma2 semaphore(%dma_wait3A_1918 : memref<!tpu.dma_semaphore, #tpu.memory_space<semaphore_mem>>) src(%dma_wait3A_1922 : memref<128xi32, #tpu.memory_space<hbm>>) dst(%dma_wait3A_1921 : memref<128xi32, #tpu.memory_space<vmem>>)
        %dma_wait3A_1923 = arith.constant 128 : i32
        %dma_wait3A_1924 = tpu.memref_slice %arg14[%sub3A_1413, %dma_wait3A_1923] : memref<2x1024xi32, #tpu.memory_space<vmem>> -> memref<1x128xi32, #tpu.memory_space<vmem>>
        %dma_wait3A_1925 = tpu.memref_squeeze %dma_wait3A_1924 : memref<1x128xi32, #tpu.memory_space<vmem>> -> memref<128xi32, #tpu.memory_space<vmem>>
        %dma_wait3A_1926 = tpu.memref_slice %arg2[%add3A_1900] : memref<3276800xi32, #tpu.memory_space<hbm>> -> memref<128xi32, #tpu.memory_space<hbm>>
        %dma_wait3A_1927 = tpu.memref_slice %arg19[%sub3A_1413] : memref<2x!tpu.dma_semaphore, #tpu.memory_space<semaphore_mem>> -> memref<1x!tpu.dma_semaphore, #tpu.memory_space<semaphore_mem>>
        %dma_wait3A_1928 = tpu.memref_squeeze %dma_wait3A_1927 : memref<1x!tpu.dma_semaphore, #tpu.memory_space<semaphore_mem>> -> memref<!tpu.dma_semaphore, #tpu.memory_space<semaphore_mem>>
        %dma_wait3A_1929 = arith.constant 128 : i32
        %dma_wait3A_1930 = tpu.memref_slice %arg14[%sub3A_1413, %dma_wait3A_1929] : memref<2x1024xi32, #tpu.memory_space<vmem>> -> memref<1x128xi32, #tpu.memory_space<vmem>>
        %dma_wait3A_1931 = tpu.memref_squeeze %dma_wait3A_1930 : memref<1x128xi32, #tpu.memory_space<vmem>> -> memref<128xi32, #tpu.memory_space<vmem>>
        %dma_wait3A_1932 = tpu.memref_slice %arg2[%add3A_1900] : memref<3276800xi32, #tpu.memory_space<hbm>> -> memref<128xi32, #tpu.memory_space<hbm>>
        tpu.wait_dma2 semaphore(%dma_wait3A_1928 : memref<!tpu.dma_semaphore, #tpu.memory_space<semaphore_mem>>) src(%dma_wait3A_1932 : memref<128xi32, #tpu.memory_space<hbm>>) dst(%dma_wait3A_1931 : memref<128xi32, #tpu.memory_space<vmem>>)
        %dma_wait3A_1933 = arith.constant 256 : i32
        %dma_wait3A_1934 = tpu.memref_slice %arg14[%sub3A_1413, %dma_wait3A_1933] : memref<2x1024xi32, #tpu.memory_space<vmem>> -> memref<1x128xi32, #tpu.memory_space<vmem>>
        %dma_wait3A_1935 = tpu.memref_squeeze %dma_wait3A_1934 : memref<1x128xi32, #tpu.memory_space<vmem>> -> memref<128xi32, #tpu.memory_space<vmem>>
        %dma_wait3A_1936 = tpu.memref_slice %arg2[%add3A_1902] : memref<3276800xi32, #tpu.memory_space<hbm>> -> memref<128xi32, #tpu.memory_space<hbm>>
        %dma_wait3A_1937 = tpu.memref_slice %arg19[%sub3A_1413] : memref<2x!tpu.dma_semaphore, #tpu.memory_space<semaphore_mem>> -> memref<1x!tpu.dma_semaphore, #tpu.memory_space<semaphore_mem>>
        %dma_wait3A_1938 = tpu.memref_squeeze %dma_wait3A_1937 : memref<1x!tpu.dma_semaphore, #tpu.memory_space<semaphore_mem>> -> memref<!tpu.dma_semaphore, #tpu.memory_space<semaphore_mem>>
        %dma_wait3A_1939 = arith.constant 256 : i32
        %dma_wait3A_1940 = tpu.memref_slice %arg14[%sub3A_1413, %dma_wait3A_1939] : memref<2x1024xi32, #tpu.memory_space<vmem>> -> memref<1x128xi32, #tpu.memory_space<vmem>>
        %dma_wait3A_1941 = tpu.memref_squeeze %dma_wait3A_1940 : memref<1x128xi32, #tpu.memory_space<vmem>> -> memref<128xi32, #tpu.memory_space<vmem>>
        %dma_wait3A_1942 = tpu.memref_slice %arg2[%add3A_1902] : memref<3276800xi32, #tpu.memory_space<hbm>> -> memref<128xi32, #tpu.memory_space<hbm>>
        tpu.wait_dma2 semaphore(%dma_wait3A_1938 : memref<!tpu.dma_semaphore, #tpu.memory_space<semaphore_mem>>) src(%dma_wait3A_1942 : memref<128xi32, #tpu.memory_space<hbm>>) dst(%dma_wait3A_1941 : memref<128xi32, #tpu.memory_space<vmem>>)
        %dma_wait3A_1943 = arith.constant 384 : i32
        %dma_wait3A_1944 = tpu.memref_slice %arg14[%sub3A_1413, %dma_wait3A_1943] : memref<2x1024xi32, #tpu.memory_space<vmem>> -> memref<1x128xi32, #tpu.memory_space<vmem>>
        %dma_wait3A_1945 = tpu.memref_squeeze %dma_wait3A_1944 : memref<1x128xi32, #tpu.memory_space<vmem>> -> memref<128xi32, #tpu.memory_space<vmem>>
        %dma_wait3A_1946 = tpu.memref_slice %arg2[%add3A_1904] : memref<3276800xi32, #tpu.memory_space<hbm>> -> memref<128xi32, #tpu.memory_space<hbm>>
        %dma_wait3A_1947 = tpu.memref_slice %arg19[%sub3A_1413] : memref<2x!tpu.dma_semaphore, #tpu.memory_space<semaphore_mem>> -> memref<1x!tpu.dma_semaphore, #tpu.memory_space<semaphore_mem>>
        %dma_wait3A_1948 = tpu.memref_squeeze %dma_wait3A_1947 : memref<1x!tpu.dma_semaphore, #tpu.memory_space<semaphore_mem>> -> memref<!tpu.dma_semaphore, #tpu.memory_space<semaphore_mem>>
        %dma_wait3A_1949 = arith.constant 384 : i32
        %dma_wait3A_1950 = tpu.memref_slice %arg14[%sub3A_1413, %dma_wait3A_1949] : memref<2x1024xi32, #tpu.memory_space<vmem>> -> memref<1x128xi32, #tpu.memory_space<vmem>>
        %dma_wait3A_1951 = tpu.memref_squeeze %dma_wait3A_1950 : memref<1x128xi32, #tpu.memory_space<vmem>> -> memref<128xi32, #tpu.memory_space<vmem>>
        %dma_wait3A_1952 = tpu.memref_slice %arg2[%add3A_1904] : memref<3276800xi32, #tpu.memory_space<hbm>> -> memref<128xi32, #tpu.memory_space<hbm>>
        tpu.wait_dma2 semaphore(%dma_wait3A_1948 : memref<!tpu.dma_semaphore, #tpu.memory_space<semaphore_mem>>) src(%dma_wait3A_1952 : memref<128xi32, #tpu.memory_space<hbm>>) dst(%dma_wait3A_1951 : memref<128xi32, #tpu.memory_space<vmem>>)
        %dma_wait3A_1953 = arith.constant 512 : i32
        %dma_wait3A_1954 = tpu.memref_slice %arg14[%sub3A_1413, %dma_wait3A_1953] : memref<2x1024xi32, #tpu.memory_space<vmem>> -> memref<1x128xi32, #tpu.memory_space<vmem>>
        %dma_wait3A_1955 = tpu.memref_squeeze %dma_wait3A_1954 : memref<1x128xi32, #tpu.memory_space<vmem>> -> memref<128xi32, #tpu.memory_space<vmem>>
        %dma_wait3A_1956 = tpu.memref_slice %arg2[%add3A_1906] : memref<3276800xi32, #tpu.memory_space<hbm>> -> memref<128xi32, #tpu.memory_space<hbm>>
        %dma_wait3A_1957 = tpu.memref_slice %arg19[%sub3A_1413] : memref<2x!tpu.dma_semaphore, #tpu.memory_space<semaphore_mem>> -> memref<1x!tpu.dma_semaphore, #tpu.memory_space<semaphore_mem>>
        %dma_wait3A_1958 = tpu.memref_squeeze %dma_wait3A_1957 : memref<1x!tpu.dma_semaphore, #tpu.memory_space<semaphore_mem>> -> memref<!tpu.dma_semaphore, #tpu.memory_space<semaphore_mem>>
        %dma_wait3A_1959 = arith.constant 512 : i32
        %dma_wait3A_1960 = tpu.memref_slice %arg14[%sub3A_1413, %dma_wait3A_1959] : memref<2x1024xi32, #tpu.memory_space<vmem>> -> memref<1x128xi32, #tpu.memory_space<vmem>>
        %dma_wait3A_1961 = tpu.memref_squeeze %dma_wait3A_1960 : memref<1x128xi32, #tpu.memory_space<vmem>> -> memref<128xi32, #tpu.memory_space<vmem>>
        %dma_wait3A_1962 = tpu.memref_slice %arg2[%add3A_1906] : memref<3276800xi32, #tpu.memory_space<hbm>> -> memref<128xi32, #tpu.memory_space<hbm>>
        tpu.wait_dma2 semaphore(%dma_wait3A_1958 : memref<!tpu.dma_semaphore, #tpu.memory_space<semaphore_mem>>) src(%dma_wait3A_1962 : memref<128xi32, #tpu.memory_space<hbm>>) dst(%dma_wait3A_1961 : memref<128xi32, #tpu.memory_space<vmem>>)
        %dma_wait3A_1963 = arith.constant 640 : i32
        %dma_wait3A_1964 = tpu.memref_slice %arg14[%sub3A_1413, %dma_wait3A_1963] : memref<2x1024xi32, #tpu.memory_space<vmem>> -> memref<1x128xi32, #tpu.memory_space<vmem>>
        %dma_wait3A_1965 = tpu.memref_squeeze %dma_wait3A_1964 : memref<1x128xi32, #tpu.memory_space<vmem>> -> memref<128xi32, #tpu.memory_space<vmem>>
        %dma_wait3A_1966 = tpu.memref_slice %arg2[%add3A_1908] : memref<3276800xi32, #tpu.memory_space<hbm>> -> memref<128xi32, #tpu.memory_space<hbm>>
        %dma_wait3A_1967 = tpu.memref_slice %arg19[%sub3A_1413] : memref<2x!tpu.dma_semaphore, #tpu.memory_space<semaphore_mem>> -> memref<1x!tpu.dma_semaphore, #tpu.memory_space<semaphore_mem>>
        %dma_wait3A_1968 = tpu.memref_squeeze %dma_wait3A_1967 : memref<1x!tpu.dma_semaphore, #tpu.memory_space<semaphore_mem>> -> memref<!tpu.dma_semaphore, #tpu.memory_space<semaphore_mem>>
        %dma_wait3A_1969 = arith.constant 640 : i32
        %dma_wait3A_1970 = tpu.memref_slice %arg14[%sub3A_1413, %dma_wait3A_1969] : memref<2x1024xi32, #tpu.memory_space<vmem>> -> memref<1x128xi32, #tpu.memory_space<vmem>>
        %dma_wait3A_1971 = tpu.memref_squeeze %dma_wait3A_1970 : memref<1x128xi32, #tpu.memory_space<vmem>> -> memref<128xi32, #tpu.memory_space<vmem>>
        %dma_wait3A_1972 = tpu.memref_slice %arg2[%add3A_1908] : memref<3276800xi32, #tpu.memory_space<hbm>> -> memref<128xi32, #tpu.memory_space<hbm>>
        tpu.wait_dma2 semaphore(%dma_wait3A_1968 : memref<!tpu.dma_semaphore, #tpu.memory_space<semaphore_mem>>) src(%dma_wait3A_1972 : memref<128xi32, #tpu.memory_space<hbm>>) dst(%dma_wait3A_1971 : memref<128xi32, #tpu.memory_space<vmem>>)
        %dma_wait3A_1973 = arith.constant 768 : i32
        %dma_wait3A_1974 = tpu.memref_slice %arg14[%sub3A_1413, %dma_wait3A_1973] : memref<2x1024xi32, #tpu.memory_space<vmem>> -> memref<1x128xi32, #tpu.memory_space<vmem>>
        %dma_wait3A_1975 = tpu.memref_squeeze %dma_wait3A_1974 : memref<1x128xi32, #tpu.memory_space<vmem>> -> memref<128xi32, #tpu.memory_space<vmem>>
        %dma_wait3A_1976 = tpu.memref_slice %arg2[%add3A_1910] : memref<3276800xi32, #tpu.memory_space<hbm>> -> memref<128xi32, #tpu.memory_space<hbm>>
        %dma_wait3A_1977 = tpu.memref_slice %arg19[%sub3A_1413] : memref<2x!tpu.dma_semaphore, #tpu.memory_space<semaphore_mem>> -> memref<1x!tpu.dma_semaphore, #tpu.memory_space<semaphore_mem>>
        %dma_wait3A_1978 = tpu.memref_squeeze %dma_wait3A_1977 : memref<1x!tpu.dma_semaphore, #tpu.memory_space<semaphore_mem>> -> memref<!tpu.dma_semaphore, #tpu.memory_space<semaphore_mem>>
        %dma_wait3A_1979 = arith.constant 768 : i32
        %dma_wait3A_1980 = tpu.memref_slice %arg14[%sub3A_1413, %dma_wait3A_1979] : memref<2x1024xi32, #tpu.memory_space<vmem>> -> memref<1x128xi32, #tpu.memory_space<vmem>>
        %dma_wait3A_1981 = tpu.memref_squeeze %dma_wait3A_1980 : memref<1x128xi32, #tpu.memory_space<vmem>> -> memref<128xi32, #tpu.memory_space<vmem>>
        %dma_wait3A_1982 = tpu.memref_slice %arg2[%add3A_1910] : memref<3276800xi32, #tpu.memory_space<hbm>> -> memref<128xi32, #tpu.memory_space<hbm>>
        tpu.wait_dma2 semaphore(%dma_wait3A_1978 : memref<!tpu.dma_semaphore, #tpu.memory_space<semaphore_mem>>) src(%dma_wait3A_1982 : memref<128xi32, #tpu.memory_space<hbm>>) dst(%dma_wait3A_1981 : memref<128xi32, #tpu.memory_space<vmem>>)
        %dma_wait3A_1983 = arith.constant 896 : i32
        %dma_wait3A_1984 = tpu.memref_slice %arg14[%sub3A_1413, %dma_wait3A_1983] : memref<2x1024xi32, #tpu.memory_space<vmem>> -> memref<1x128xi32, #tpu.memory_space<vmem>>
        %dma_wait3A_1985 = tpu.memref_squeeze %dma_wait3A_1984 : memref<1x128xi32, #tpu.memory_space<vmem>> -> memref<128xi32, #tpu.memory_space<vmem>>
        %dma_wait3A_1986 = tpu.memref_slice %arg2[%add3A_1912] : memref<3276800xi32, #tpu.memory_space<hbm>> -> memref<128xi32, #tpu.memory_space<hbm>>
        %dma_wait3A_1987 = tpu.memref_slice %arg19[%sub3A_1413] : memref<2x!tpu.dma_semaphore, #tpu.memory_space<semaphore_mem>> -> memref<1x!tpu.dma_semaphore, #tpu.memory_space<semaphore_mem>>
        %dma_wait3A_1988 = tpu.memref_squeeze %dma_wait3A_1987 : memref<1x!tpu.dma_semaphore, #tpu.memory_space<semaphore_mem>> -> memref<!tpu.dma_semaphore, #tpu.memory_space<semaphore_mem>>
        %dma_wait3A_1989 = arith.constant 896 : i32
        %dma_wait3A_1990 = tpu.memref_slice %arg14[%sub3A_1413, %dma_wait3A_1989] : memref<2x1024xi32, #tpu.memory_space<vmem>> -> memref<1x128xi32, #tpu.memory_space<vmem>>
        %dma_wait3A_1991 = tpu.memref_squeeze %dma_wait3A_1990 : memref<1x128xi32, #tpu.memory_space<vmem>> -> memref<128xi32, #tpu.memory_space<vmem>>
        %dma_wait3A_1992 = tpu.memref_slice %arg2[%add3A_1912] : memref<3276800xi32, #tpu.memory_space<hbm>> -> memref<128xi32, #tpu.memory_space<hbm>>
        tpu.wait_dma2 semaphore(%dma_wait3A_1988 : memref<!tpu.dma_semaphore, #tpu.memory_space<semaphore_mem>>) src(%dma_wait3A_1992 : memref<128xi32, #tpu.memory_space<hbm>>) dst(%dma_wait3A_1991 : memref<128xi32, #tpu.memory_space<vmem>>)
        %dma_start3A_1993 = arith.constant 0 : i32
        %dma_start3A_1994 = arith.constant 0 : i32
        %dma_start3A_1995 = tpu.memref_slice %arg17[%sub3A_1413, %dma_start3A_1993, %dma_start3A_1994] : memref<2x1024x16xf32, #tpu.memory_space<vmem>> -> memref<1x1024x16xf32, #tpu.memory_space<vmem>>
        %dma_start3A_1996 = tpu.memref_squeeze %dma_start3A_1995 : memref<1x1024x16xf32, #tpu.memory_space<vmem>> -> memref<1024x16xf32, #tpu.memory_space<vmem>>
        %dma_start3A_1997 = arith.constant 0 : i32
        %dma_start3A_1998 = tpu.memref_slice %arg14[%sub3A_1413, %dma_start3A_1997] : memref<2x1024xi32, #tpu.memory_space<vmem>> -> memref<1x1024xi32, #tpu.memory_space<vmem>>
        %dma_start3A_1999 = tpu.memref_squeeze %dma_start3A_1998 : memref<1x1024xi32, #tpu.memory_space<vmem>> -> memref<1024xi32, #tpu.memory_space<vmem>>
        %dma_start3A_2000 = arith.constant 0 : i32
        %dma_start3A_2001 = arith.constant 0 : i32
        %dma_start3A_2002 = tpu.memref_slice %arg5[%dma_start3A_2000, %dma_start3A_2001] : memref<1000000x16xf32, #tpu.memory_space<hbm>> -> memref<1000000x16xf32, #tpu.memory_space<hbm>>
        %dma_start3A_2003 = tpu.memref_slice %arg21[%sub3A_1413] : memref<2x!tpu.dma_semaphore, #tpu.memory_space<semaphore_mem>> -> memref<1x!tpu.dma_semaphore, #tpu.memory_space<semaphore_mem>>
        %dma_start3A_2004 = tpu.memref_squeeze %dma_start3A_2003 : memref<1x!tpu.dma_semaphore, #tpu.memory_space<semaphore_mem>> -> memref<!tpu.dma_semaphore, #tpu.memory_space<semaphore_mem>>
        tpu.enqueue_indirect_dma source(%dma_start3A_2002 : memref<1000000x16xf32, #tpu.memory_space<hbm>>) target(%dma_start3A_1996 : memref<1024x16xf32, #tpu.memory_space<vmem>>) offsets(%dma_start3A_1999 : memref<1024xi32, #tpu.memory_space<vmem>>) semaphore(%dma_start3A_2004 : memref<!tpu.dma_semaphore, #tpu.memory_space<semaphore_mem>>)
      } else {
      }
      %dma_wait3A_1419 = arith.constant 0 : i32
      %dma_wait3A_1420 = arith.constant 0 : i32
      %dma_wait3A_1421 = tpu.memref_slice %arg17[%select_n3A_1411, %dma_wait3A_1419, %dma_wait3A_1420] : memref<2x1024x16xf32, #tpu.memory_space<vmem>> -> memref<1x1024x16xf32, #tpu.memory_space<vmem>>
      %dma_wait3A_1422 = tpu.memref_squeeze %dma_wait3A_1421 : memref<1x1024x16xf32, #tpu.memory_space<vmem>> -> memref<1024x16xf32, #tpu.memory_space<vmem>>
      %dma_wait3A_1423 = arith.constant 0 : i32
      %dma_wait3A_1424 = tpu.memref_slice %arg14[%select_n3A_1411, %dma_wait3A_1423] : memref<2x1024xi32, #tpu.memory_space<vmem>> -> memref<1x1024xi32, #tpu.memory_space<vmem>>
      %dma_wait3A_1425 = tpu.memref_squeeze %dma_wait3A_1424 : memref<1x1024xi32, #tpu.memory_space<vmem>> -> memref<1024xi32, #tpu.memory_space<vmem>>
      %dma_wait3A_1426 = arith.constant 0 : i32
      %dma_wait3A_1427 = arith.constant 0 : i32
      %dma_wait3A_1428 = tpu.memref_slice %arg5[%dma_wait3A_1426, %dma_wait3A_1427] : memref<1000000x16xf32, #tpu.memory_space<hbm>> -> memref<1000000x16xf32, #tpu.memory_space<hbm>>
      %dma_wait3A_1429 = tpu.memref_slice %arg21[%select_n3A_1411] : memref<2x!tpu.dma_semaphore, #tpu.memory_space<semaphore_mem>> -> memref<1x!tpu.dma_semaphore, #tpu.memory_space<semaphore_mem>>
      %dma_wait3A_1430 = tpu.memref_squeeze %dma_wait3A_1429 : memref<1x!tpu.dma_semaphore, #tpu.memory_space<semaphore_mem>> -> memref<!tpu.dma_semaphore, #tpu.memory_space<semaphore_mem>>
      tpu.wait_indirect_dma semaphore(%dma_wait3A_1430 : memref<!tpu.dma_semaphore, #tpu.memory_space<semaphore_mem>>) src(%dma_wait3A_1428 : memref<1000000x16xf32, #tpu.memory_space<hbm>>) dst(%dma_wait3A_1422 : memref<1024x16xf32, #tpu.memory_space<vmem>>)
      %add3A_1431 = arith.constant 2 : i32
      %add3A_1432 = arith.addi %scan3A_1395, %add3A_1431 : i32
      %lt3A_1433 = arith.constant 100 : i32
      %lt3A_1434 = arith.cmpi slt, %add3A_1432, %lt3A_1433 : i32
      %convert_element_type3A_1435 = arith.extui %lt3A_1434 : i1 to i32
      %cond3A_1436 = arith.constant 0 : i32
      %cond3A_1437 = arith.cmpi ne, %convert_element_type3A_1435, %cond3A_1436 : i32
      scf.if %cond3A_1437 {
        %add3A_1804 = arith.constant 2 : i32
        %add3A_1805 = arith.addi %scan3A_1395, %add3A_1804 : i32
        %add3A_1806 = arith.addi %mul3A_7, %add3A_1805 : i32
        %jit3A_1807 = arith.constant 16 : i32
        %div3A_1808 = arith.divsi %add3A_1806, %jit3A_1807 : i32
        %sign3A_1809 = arith.constant 0 : i32
        %sign3A_1810 = arith.cmpi sgt, %add3A_1806, %sign3A_1809 : i32
        %sign3A_1811 = arith.extui %sign3A_1810 : i1 to i32
        %sign3A_1812 = arith.constant 0 : i32
        %sign3A_1813 = arith.cmpi slt, %add3A_1806, %sign3A_1812 : i32
        %sign3A_1814 = arith.extui %sign3A_1813 : i1 to i32
        %sign3A_1815 = arith.subi %sign3A_1811, %sign3A_1814 : i32
        %sign3A_1816 = arith.constant 0 : i32
        %sign3A_1817 = arith.cmpi sgt, %jit3A_1807, %sign3A_1816 : i32
        %sign3A_1818 = arith.extui %sign3A_1817 : i1 to i32
        %sign3A_1819 = arith.constant 0 : i32
        %sign3A_1820 = arith.cmpi slt, %jit3A_1807, %sign3A_1819 : i32
        %sign3A_1821 = arith.extui %sign3A_1820 : i1 to i32
        %sign3A_1822 = arith.subi %sign3A_1818, %sign3A_1821 : i32
        %ne3A_1823 = arith.cmpi ne, %sign3A_1815, %sign3A_1822 : i32
        %rem3A_1824 = arith.remsi %add3A_1806, %jit3A_1807 : i32
        %ne3A_1825 = arith.constant 0 : i32
        %ne3A_1826 = arith.cmpi ne, %rem3A_1824, %ne3A_1825 : i32
        %and3A_1827 = arith.andi %ne3A_1823, %ne3A_1826 : i1
        %sub3A_1828 = arith.constant 1 : i32
        %sub3A_1829 = arith.subi %div3A_1808, %sub3A_1828 : i32
        %select_n3A_1830 = arith.select %and3A_1827, %sub3A_1829, %div3A_1808 : i32
        %jit3A_1831 = arith.constant 8 : i32
        %div3A_1832 = arith.divsi %select_n3A_1830, %jit3A_1831 : i32
        %sign3A_1833 = arith.constant 0 : i32
        %sign3A_1834 = arith.cmpi sgt, %select_n3A_1830, %sign3A_1833 : i32
        %sign3A_1835 = arith.extui %sign3A_1834 : i1 to i32
        %sign3A_1836 = arith.constant 0 : i32
        %sign3A_1837 = arith.cmpi slt, %select_n3A_1830, %sign3A_1836 : i32
        %sign3A_1838 = arith.extui %sign3A_1837 : i1 to i32
        %sign3A_1839 = arith.subi %sign3A_1835, %sign3A_1838 : i32
        %sign3A_1840 = arith.constant 0 : i32
        %sign3A_1841 = arith.cmpi sgt, %jit3A_1831, %sign3A_1840 : i32
        %sign3A_1842 = arith.extui %sign3A_1841 : i1 to i32
        %sign3A_1843 = arith.constant 0 : i32
        %sign3A_1844 = arith.cmpi slt, %jit3A_1831, %sign3A_1843 : i32
        %sign3A_1845 = arith.extui %sign3A_1844 : i1 to i32
        %sign3A_1846 = arith.subi %sign3A_1842, %sign3A_1845 : i32
        %ne3A_1847 = arith.cmpi ne, %sign3A_1839, %sign3A_1846 : i32
        %rem3A_1848 = arith.remsi %select_n3A_1830, %jit3A_1831 : i32
        %ne3A_1849 = arith.constant 0 : i32
        %ne3A_1850 = arith.cmpi ne, %rem3A_1848, %ne3A_1849 : i32
        %and3A_1851 = arith.andi %ne3A_1847, %ne3A_1850 : i1
        %sub3A_1852 = arith.constant 1 : i32
        %sub3A_1853 = arith.subi %div3A_1832, %sub3A_1852 : i32
        %select_n3A_1854 = arith.select %and3A_1851, %sub3A_1853, %div3A_1832 : i32
        %mul3A_1855 = arith.constant 128 : i32
        %mul3A_1856 = arith.muli %select_n3A_1854, %mul3A_1855 : i32
        %jit3A_1857 = arith.constant 16 : i32
        %eq3A_1858 = arith.constant 0 : i32
        %eq3A_1859 = arith.cmpi eq, %jit3A_1857, %eq3A_1858 : i32
        %jit3A_1860 = arith.constant 1 : i32
        %select_n3A_1861 = arith.select %eq3A_1859, %jit3A_1860, %jit3A_1857 : i32
        %rem3A_1862 = arith.remsi %add3A_1806, %select_n3A_1861 : i32
        %ne3A_1863 = arith.constant 0 : i32
        %ne3A_1864 = arith.cmpi ne, %rem3A_1862, %ne3A_1863 : i32
        %lt3A_1865 = arith.constant 0 : i32
        %lt3A_1866 = arith.cmpi slt, %rem3A_1862, %lt3A_1865 : i32
        %lt3A_1867 = arith.constant 0 : i32
        %lt3A_1868 = arith.cmpi slt, %select_n3A_1861, %lt3A_1867 : i32
        %ne3A_1869 = arith.xori %lt3A_1866, %lt3A_1868 : i1
        %and3A_1870 = arith.andi %ne3A_1869, %ne3A_1864 : i1
        %add3A_1871 = arith.addi %rem3A_1862, %select_n3A_1861 : i32
        %select_n3A_1872 = arith.select %and3A_1870, %add3A_1871, %rem3A_1862 : i32
        %mul3A_1873 = arith.constant 8 : i32
        %mul3A_1874 = arith.muli %select_n3A_1872, %mul3A_1873 : i32
        %add3A_1875 = arith.addi %mul3A_1856, %mul3A_1874 : i32
        %mul3A_1876 = arith.constant 1024 : i32
        %mul3A_1877 = arith.muli %add3A_1875, %mul3A_1876 : i32
        %jit3A_1878 = arith.constant 8 : i32
        %eq3A_1879 = arith.constant 0 : i32
        %eq3A_1880 = arith.cmpi eq, %jit3A_1878, %eq3A_1879 : i32
        %jit3A_1881 = arith.constant 1 : i32
        %select_n3A_1882 = arith.select %eq3A_1880, %jit3A_1881, %jit3A_1878 : i32
        %rem3A_1883 = arith.remsi %select_n3A_1830, %select_n3A_1882 : i32
        %ne3A_1884 = arith.constant 0 : i32
        %ne3A_1885 = arith.cmpi ne, %rem3A_1883, %ne3A_1884 : i32
        %lt3A_1886 = arith.constant 0 : i32
        %lt3A_1887 = arith.cmpi slt, %rem3A_1883, %lt3A_1886 : i32
        %lt3A_1888 = arith.constant 0 : i32
        %lt3A_1889 = arith.cmpi slt, %select_n3A_1882, %lt3A_1888 : i32
        %ne3A_1890 = arith.xori %lt3A_1887, %lt3A_1889 : i1
        %and3A_1891 = arith.andi %ne3A_1890, %ne3A_1885 : i1
        %add3A_1892 = arith.addi %rem3A_1883, %select_n3A_1882 : i32
        %select_n3A_1893 = arith.select %and3A_1891, %add3A_1892, %rem3A_1883 : i32
        %mul3A_1894 = arith.constant 128 : i32
        %mul3A_1895 = arith.muli %select_n3A_1893, %mul3A_1894 : i32
        %add3A_1896 = arith.addi %mul3A_1877, %mul3A_1895 : i32
        %add3A_1897 = arith.constant 0 : i32
        %add3A_1898 = arith.addi %add3A_1896, %add3A_1897 : i32
        %add3A_1899 = arith.constant 1024 : i32
        %add3A_1900 = arith.addi %add3A_1896, %add3A_1899 : i32
        %add3A_1901 = arith.constant 2048 : i32
        %add3A_1902 = arith.addi %add3A_1896, %add3A_1901 : i32
        %add3A_1903 = arith.constant 3072 : i32
        %add3A_1904 = arith.addi %add3A_1896, %add3A_1903 : i32
        %add3A_1905 = arith.constant 4096 : i32
        %add3A_1906 = arith.addi %add3A_1896, %add3A_1905 : i32
        %add3A_1907 = arith.constant 5120 : i32
        %add3A_1908 = arith.addi %add3A_1896, %add3A_1907 : i32
        %add3A_1909 = arith.constant 6144 : i32
        %add3A_1910 = arith.addi %add3A_1896, %add3A_1909 : i32
        %add3A_1911 = arith.constant 7168 : i32
        %add3A_1912 = arith.addi %add3A_1896, %add3A_1911 : i32
        %dma_start3A_1913 = arith.constant 0 : i32
        %dma_start3A_1914 = tpu.memref_slice %arg14[%select_n3A_1411, %dma_start3A_1913] : memref<2x1024xi32, #tpu.memory_space<vmem>> -> memref<1x128xi32, #tpu.memory_space<vmem>>
        %dma_start3A_1915 = tpu.memref_squeeze %dma_start3A_1914 : memref<1x128xi32, #tpu.memory_space<vmem>> -> memref<128xi32, #tpu.memory_space<vmem>>
        %dma_start3A_1916 = tpu.memref_slice %arg2[%add3A_1898] : memref<3276800xi32, #tpu.memory_space<hbm>> -> memref<128xi32, #tpu.memory_space<hbm>>
        %dma_start3A_1917 = tpu.memref_slice %arg19[%select_n3A_1411] : memref<2x!tpu.dma_semaphore, #tpu.memory_space<semaphore_mem>> -> memref<1x!tpu.dma_semaphore, #tpu.memory_space<semaphore_mem>>
        %dma_start3A_1918 = tpu.memref_squeeze %dma_start3A_1917 : memref<1x!tpu.dma_semaphore, #tpu.memory_space<semaphore_mem>> -> memref<!tpu.dma_semaphore, #tpu.memory_space<semaphore_mem>>
        %dma_start3A_1919 = arith.constant 0 : i32
        %dma_start3A_1920 = tpu.memref_slice %arg14[%select_n3A_1411, %dma_start3A_1919] : memref<2x1024xi32, #tpu.memory_space<vmem>> -> memref<1x128xi32, #tpu.memory_space<vmem>>
        %dma_start3A_1921 = tpu.memref_squeeze %dma_start3A_1920 : memref<1x128xi32, #tpu.memory_space<vmem>> -> memref<128xi32, #tpu.memory_space<vmem>>
        %dma_start3A_1922 = tpu.memref_slice %arg2[%add3A_1898] : memref<3276800xi32, #tpu.memory_space<hbm>> -> memref<128xi32, #tpu.memory_space<hbm>>
        tpu.enqueue_dma source(%dma_start3A_1922 : memref<128xi32, #tpu.memory_space<hbm>>) target(%dma_start3A_1921 : memref<128xi32, #tpu.memory_space<vmem>>) target_semaphore(%dma_start3A_1918 : memref<!tpu.dma_semaphore, #tpu.memory_space<semaphore_mem>>)
        %dma_start3A_1923 = arith.constant 128 : i32
        %dma_start3A_1924 = tpu.memref_slice %arg14[%select_n3A_1411, %dma_start3A_1923] : memref<2x1024xi32, #tpu.memory_space<vmem>> -> memref<1x128xi32, #tpu.memory_space<vmem>>
        %dma_start3A_1925 = tpu.memref_squeeze %dma_start3A_1924 : memref<1x128xi32, #tpu.memory_space<vmem>> -> memref<128xi32, #tpu.memory_space<vmem>>
        %dma_start3A_1926 = tpu.memref_slice %arg2[%add3A_1900] : memref<3276800xi32, #tpu.memory_space<hbm>> -> memref<128xi32, #tpu.memory_space<hbm>>
        %dma_start3A_1927 = tpu.memref_slice %arg19[%select_n3A_1411] : memref<2x!tpu.dma_semaphore, #tpu.memory_space<semaphore_mem>> -> memref<1x!tpu.dma_semaphore, #tpu.memory_space<semaphore_mem>>
        %dma_start3A_1928 = tpu.memref_squeeze %dma_start3A_1927 : memref<1x!tpu.dma_semaphore, #tpu.memory_space<semaphore_mem>> -> memref<!tpu.dma_semaphore, #tpu.memory_space<semaphore_mem>>
        %dma_start3A_1929 = arith.constant 128 : i32
        %dma_start3A_1930 = tpu.memref_slice %arg14[%select_n3A_1411, %dma_start3A_1929] : memref<2x1024xi32, #tpu.memory_space<vmem>> -> memref<1x128xi32, #tpu.memory_space<vmem>>
        %dma_start3A_1931 = tpu.memref_squeeze %dma_start3A_1930 : memref<1x128xi32, #tpu.memory_space<vmem>> -> memref<128xi32, #tpu.memory_space<vmem>>
        %dma_start3A_1932 = tpu.memref_slice %arg2[%add3A_1900] : memref<3276800xi32, #tpu.memory_space<hbm>> -> memref<128xi32, #tpu.memory_space<hbm>>
        tpu.enqueue_dma source(%dma_start3A_1932 : memref<128xi32, #tpu.memory_space<hbm>>) target(%dma_start3A_1931 : memref<128xi32, #tpu.memory_space<vmem>>) target_semaphore(%dma_start3A_1928 : memref<!tpu.dma_semaphore, #tpu.memory_space<semaphore_mem>>)
        %dma_start3A_1933 = arith.constant 256 : i32
        %dma_start3A_1934 = tpu.memref_slice %arg14[%select_n3A_1411, %dma_start3A_1933] : memref<2x1024xi32, #tpu.memory_space<vmem>> -> memref<1x128xi32, #tpu.memory_space<vmem>>
        %dma_start3A_1935 = tpu.memref_squeeze %dma_start3A_1934 : memref<1x128xi32, #tpu.memory_space<vmem>> -> memref<128xi32, #tpu.memory_space<vmem>>
        %dma_start3A_1936 = tpu.memref_slice %arg2[%add3A_1902] : memref<3276800xi32, #tpu.memory_space<hbm>> -> memref<128xi32, #tpu.memory_space<hbm>>
        %dma_start3A_1937 = tpu.memref_slice %arg19[%select_n3A_1411] : memref<2x!tpu.dma_semaphore, #tpu.memory_space<semaphore_mem>> -> memref<1x!tpu.dma_semaphore, #tpu.memory_space<semaphore_mem>>
        %dma_start3A_1938 = tpu.memref_squeeze %dma_start3A_1937 : memref<1x!tpu.dma_semaphore, #tpu.memory_space<semaphore_mem>> -> memref<!tpu.dma_semaphore, #tpu.memory_space<semaphore_mem>>
        %dma_start3A_1939 = arith.constant 256 : i32
        %dma_start3A_1940 = tpu.memref_slice %arg14[%select_n3A_1411, %dma_start3A_1939] : memref<2x1024xi32, #tpu.memory_space<vmem>> -> memref<1x128xi32, #tpu.memory_space<vmem>>
        %dma_start3A_1941 = tpu.memref_squeeze %dma_start3A_1940 : memref<1x128xi32, #tpu.memory_space<vmem>> -> memref<128xi32, #tpu.memory_space<vmem>>
        %dma_start3A_1942 = tpu.memref_slice %arg2[%add3A_1902] : memref<3276800xi32, #tpu.memory_space<hbm>> -> memref<128xi32, #tpu.memory_space<hbm>>
        tpu.enqueue_dma source(%dma_start3A_1942 : memref<128xi32, #tpu.memory_space<hbm>>) target(%dma_start3A_1941 : memref<128xi32, #tpu.memory_space<vmem>>) target_semaphore(%dma_start3A_1938 : memref<!tpu.dma_semaphore, #tpu.memory_space<semaphore_mem>>)
        %dma_start3A_1943 = arith.constant 384 : i32
        %dma_start3A_1944 = tpu.memref_slice %arg14[%select_n3A_1411, %dma_start3A_1943] : memref<2x1024xi32, #tpu.memory_space<vmem>> -> memref<1x128xi32, #tpu.memory_space<vmem>>
        %dma_start3A_1945 = tpu.memref_squeeze %dma_start3A_1944 : memref<1x128xi32, #tpu.memory_space<vmem>> -> memref<128xi32, #tpu.memory_space<vmem>>
        %dma_start3A_1946 = tpu.memref_slice %arg2[%add3A_1904] : memref<3276800xi32, #tpu.memory_space<hbm>> -> memref<128xi32, #tpu.memory_space<hbm>>
        %dma_start3A_1947 = tpu.memref_slice %arg19[%select_n3A_1411] : memref<2x!tpu.dma_semaphore, #tpu.memory_space<semaphore_mem>> -> memref<1x!tpu.dma_semaphore, #tpu.memory_space<semaphore_mem>>
        %dma_start3A_1948 = tpu.memref_squeeze %dma_start3A_1947 : memref<1x!tpu.dma_semaphore, #tpu.memory_space<semaphore_mem>> -> memref<!tpu.dma_semaphore, #tpu.memory_space<semaphore_mem>>
        %dma_start3A_1949 = arith.constant 384 : i32
        %dma_start3A_1950 = tpu.memref_slice %arg14[%select_n3A_1411, %dma_start3A_1949] : memref<2x1024xi32, #tpu.memory_space<vmem>> -> memref<1x128xi32, #tpu.memory_space<vmem>>
        %dma_start3A_1951 = tpu.memref_squeeze %dma_start3A_1950 : memref<1x128xi32, #tpu.memory_space<vmem>> -> memref<128xi32, #tpu.memory_space<vmem>>
        %dma_start3A_1952 = tpu.memref_slice %arg2[%add3A_1904] : memref<3276800xi32, #tpu.memory_space<hbm>> -> memref<128xi32, #tpu.memory_space<hbm>>
        tpu.enqueue_dma source(%dma_start3A_1952 : memref<128xi32, #tpu.memory_space<hbm>>) target(%dma_start3A_1951 : memref<128xi32, #tpu.memory_space<vmem>>) target_semaphore(%dma_start3A_1948 : memref<!tpu.dma_semaphore, #tpu.memory_space<semaphore_mem>>)
        %dma_start3A_1953 = arith.constant 512 : i32
        %dma_start3A_1954 = tpu.memref_slice %arg14[%select_n3A_1411, %dma_start3A_1953] : memref<2x1024xi32, #tpu.memory_space<vmem>> -> memref<1x128xi32, #tpu.memory_space<vmem>>
        %dma_start3A_1955 = tpu.memref_squeeze %dma_start3A_1954 : memref<1x128xi32, #tpu.memory_space<vmem>> -> memref<128xi32, #tpu.memory_space<vmem>>
        %dma_start3A_1956 = tpu.memref_slice %arg2[%add3A_1906] : memref<3276800xi32, #tpu.memory_space<hbm>> -> memref<128xi32, #tpu.memory_space<hbm>>
        %dma_start3A_1957 = tpu.memref_slice %arg19[%select_n3A_1411] : memref<2x!tpu.dma_semaphore, #tpu.memory_space<semaphore_mem>> -> memref<1x!tpu.dma_semaphore, #tpu.memory_space<semaphore_mem>>
        %dma_start3A_1958 = tpu.memref_squeeze %dma_start3A_1957 : memref<1x!tpu.dma_semaphore, #tpu.memory_space<semaphore_mem>> -> memref<!tpu.dma_semaphore, #tpu.memory_space<semaphore_mem>>
        %dma_start3A_1959 = arith.constant 512 : i32
        %dma_start3A_1960 = tpu.memref_slice %arg14[%select_n3A_1411, %dma_start3A_1959] : memref<2x1024xi32, #tpu.memory_space<vmem>> -> memref<1x128xi32, #tpu.memory_space<vmem>>
        %dma_start3A_1961 = tpu.memref_squeeze %dma_start3A_1960 : memref<1x128xi32, #tpu.memory_space<vmem>> -> memref<128xi32, #tpu.memory_space<vmem>>
        %dma_start3A_1962 = tpu.memref_slice %arg2[%add3A_1906] : memref<3276800xi32, #tpu.memory_space<hbm>> -> memref<128xi32, #tpu.memory_space<hbm>>
        tpu.enqueue_dma source(%dma_start3A_1962 : memref<128xi32, #tpu.memory_space<hbm>>) target(%dma_start3A_1961 : memref<128xi32, #tpu.memory_space<vmem>>) target_semaphore(%dma_start3A_1958 : memref<!tpu.dma_semaphore, #tpu.memory_space<semaphore_mem>>)
        %dma_start3A_1963 = arith.constant 640 : i32
        %dma_start3A_1964 = tpu.memref_slice %arg14[%select_n3A_1411, %dma_start3A_1963] : memref<2x1024xi32, #tpu.memory_space<vmem>> -> memref<1x128xi32, #tpu.memory_space<vmem>>
        %dma_start3A_1965 = tpu.memref_squeeze %dma_start3A_1964 : memref<1x128xi32, #tpu.memory_space<vmem>> -> memref<128xi32, #tpu.memory_space<vmem>>
        %dma_start3A_1966 = tpu.memref_slice %arg2[%add3A_1908] : memref<3276800xi32, #tpu.memory_space<hbm>> -> memref<128xi32, #tpu.memory_space<hbm>>
        %dma_start3A_1967 = tpu.memref_slice %arg19[%select_n3A_1411] : memref<2x!tpu.dma_semaphore, #tpu.memory_space<semaphore_mem>> -> memref<1x!tpu.dma_semaphore, #tpu.memory_space<semaphore_mem>>
        %dma_start3A_1968 = tpu.memref_squeeze %dma_start3A_1967 : memref<1x!tpu.dma_semaphore, #tpu.memory_space<semaphore_mem>> -> memref<!tpu.dma_semaphore, #tpu.memory_space<semaphore_mem>>
        %dma_start3A_1969 = arith.constant 640 : i32
        %dma_start3A_1970 = tpu.memref_slice %arg14[%select_n3A_1411, %dma_start3A_1969] : memref<2x1024xi32, #tpu.memory_space<vmem>> -> memref<1x128xi32, #tpu.memory_space<vmem>>
        %dma_start3A_1971 = tpu.memref_squeeze %dma_start3A_1970 : memref<1x128xi32, #tpu.memory_space<vmem>> -> memref<128xi32, #tpu.memory_space<vmem>>
        %dma_start3A_1972 = tpu.memref_slice %arg2[%add3A_1908] : memref<3276800xi32, #tpu.memory_space<hbm>> -> memref<128xi32, #tpu.memory_space<hbm>>
        tpu.enqueue_dma source(%dma_start3A_1972 : memref<128xi32, #tpu.memory_space<hbm>>) target(%dma_start3A_1971 : memref<128xi32, #tpu.memory_space<vmem>>) target_semaphore(%dma_start3A_1968 : memref<!tpu.dma_semaphore, #tpu.memory_space<semaphore_mem>>)
        %dma_start3A_1973 = arith.constant 768 : i32
        %dma_start3A_1974 = tpu.memref_slice %arg14[%select_n3A_1411, %dma_start3A_1973] : memref<2x1024xi32, #tpu.memory_space<vmem>> -> memref<1x128xi32, #tpu.memory_space<vmem>>
        %dma_start3A_1975 = tpu.memref_squeeze %dma_start3A_1974 : memref<1x128xi32, #tpu.memory_space<vmem>> -> memref<128xi32, #tpu.memory_space<vmem>>
        %dma_start3A_1976 = tpu.memref_slice %arg2[%add3A_1910] : memref<3276800xi32, #tpu.memory_space<hbm>> -> memref<128xi32, #tpu.memory_space<hbm>>
        %dma_start3A_1977 = tpu.memref_slice %arg19[%select_n3A_1411] : memref<2x!tpu.dma_semaphore, #tpu.memory_space<semaphore_mem>> -> memref<1x!tpu.dma_semaphore, #tpu.memory_space<semaphore_mem>>
        %dma_start3A_1978 = tpu.memref_squeeze %dma_start3A_1977 : memref<1x!tpu.dma_semaphore, #tpu.memory_space<semaphore_mem>> -> memref<!tpu.dma_semaphore, #tpu.memory_space<semaphore_mem>>
        %dma_start3A_1979 = arith.constant 768 : i32
        %dma_start3A_1980 = tpu.memref_slice %arg14[%select_n3A_1411, %dma_start3A_1979] : memref<2x1024xi32, #tpu.memory_space<vmem>> -> memref<1x128xi32, #tpu.memory_space<vmem>>
        %dma_start3A_1981 = tpu.memref_squeeze %dma_start3A_1980 : memref<1x128xi32, #tpu.memory_space<vmem>> -> memref<128xi32, #tpu.memory_space<vmem>>
        %dma_start3A_1982 = tpu.memref_slice %arg2[%add3A_1910] : memref<3276800xi32, #tpu.memory_space<hbm>> -> memref<128xi32, #tpu.memory_space<hbm>>
        tpu.enqueue_dma source(%dma_start3A_1982 : memref<128xi32, #tpu.memory_space<hbm>>) target(%dma_start3A_1981 : memref<128xi32, #tpu.memory_space<vmem>>) target_semaphore(%dma_start3A_1978 : memref<!tpu.dma_semaphore, #tpu.memory_space<semaphore_mem>>)
        %dma_start3A_1983 = arith.constant 896 : i32
        %dma_start3A_1984 = tpu.memref_slice %arg14[%select_n3A_1411, %dma_start3A_1983] : memref<2x1024xi32, #tpu.memory_space<vmem>> -> memref<1x128xi32, #tpu.memory_space<vmem>>
        %dma_start3A_1985 = tpu.memref_squeeze %dma_start3A_1984 : memref<1x128xi32, #tpu.memory_space<vmem>> -> memref<128xi32, #tpu.memory_space<vmem>>
        %dma_start3A_1986 = tpu.memref_slice %arg2[%add3A_1912] : memref<3276800xi32, #tpu.memory_space<hbm>> -> memref<128xi32, #tpu.memory_space<hbm>>
        %dma_start3A_1987 = tpu.memref_slice %arg19[%select_n3A_1411] : memref<2x!tpu.dma_semaphore, #tpu.memory_space<semaphore_mem>> -> memref<1x!tpu.dma_semaphore, #tpu.memory_space<semaphore_mem>>
        %dma_start3A_1988 = tpu.memref_squeeze %dma_start3A_1987 : memref<1x!tpu.dma_semaphore, #tpu.memory_space<semaphore_mem>> -> memref<!tpu.dma_semaphore, #tpu.memory_space<semaphore_mem>>
        %dma_start3A_1989 = arith.constant 896 : i32
        %dma_start3A_1990 = tpu.memref_slice %arg14[%select_n3A_1411, %dma_start3A_1989] : memref<2x1024xi32, #tpu.memory_space<vmem>> -> memref<1x128xi32, #tpu.memory_space<vmem>>
        %dma_start3A_1991 = tpu.memref_squeeze %dma_start3A_1990 : memref<1x128xi32, #tpu.memory_space<vmem>> -> memref<128xi32, #tpu.memory_space<vmem>>
        %dma_start3A_1992 = tpu.memref_slice %arg2[%add3A_1912] : memref<3276800xi32, #tpu.memory_space<hbm>> -> memref<128xi32, #tpu.memory_space<hbm>>
        tpu.enqueue_dma source(%dma_start3A_1992 : memref<128xi32, #tpu.memory_space<hbm>>) target(%dma_start3A_1991 : memref<128xi32, #tpu.memory_space<vmem>>) target_semaphore(%dma_start3A_1988 : memref<!tpu.dma_semaphore, #tpu.memory_space<semaphore_mem>>)
      } else {
      }
      %add3A_1438 = arith.addi %mul3A_7, %scan3A_1395 : i32
      %jit3A_1439 = arith.constant 16 : i32
      %div3A_1440 = arith.divsi %add3A_1438, %jit3A_1439 : i32
      %sign3A_1441 = arith.constant 0 : i32
      %sign3A_1442 = arith.cmpi sgt, %add3A_1438, %sign3A_1441 : i32
      %sign3A_1443 = arith.extui %sign3A_1442 : i1 to i32
      %sign3A_1444 = arith.constant 0 : i32
      %sign3A_1445 = arith.cmpi slt, %add3A_1438, %sign3A_1444 : i32
      %sign3A_1446 = arith.extui %sign3A_1445 : i1 to i32
      %sign3A_1447 = arith.subi %sign3A_1443, %sign3A_1446 : i32
      %sign3A_1448 = arith.constant 0 : i32
      %sign3A_1449 = arith.cmpi sgt, %jit3A_1439, %sign3A_1448 : i32
      %sign3A_1450 = arith.extui %sign3A_1449 : i1 to i32
      %sign3A_1451 = arith.constant 0 : i32
      %sign3A_1452 = arith.cmpi slt, %jit3A_1439, %sign3A_1451 : i32
      %sign3A_1453 = arith.extui %sign3A_1452 : i1 to i32
      %sign3A_1454 = arith.subi %sign3A_1450, %sign3A_1453 : i32
      %ne3A_1455 = arith.cmpi ne, %sign3A_1447, %sign3A_1454 : i32
      %rem3A_1456 = arith.remsi %add3A_1438, %jit3A_1439 : i32
      %ne3A_1457 = arith.constant 0 : i32
      %ne3A_1458 = arith.cmpi ne, %rem3A_1456, %ne3A_1457 : i32
      %and3A_1459 = arith.andi %ne3A_1455, %ne3A_1458 : i1
      %sub3A_1460 = arith.constant 1 : i32
      %sub3A_1461 = arith.subi %div3A_1440, %sub3A_1460 : i32
      %select_n3A_1462 = arith.select %and3A_1459, %sub3A_1461, %div3A_1440 : i32
      %jit3A_1463 = arith.constant 8 : i32
      %div3A_1464 = arith.divsi %select_n3A_1462, %jit3A_1463 : i32
      %sign3A_1465 = arith.constant 0 : i32
      %sign3A_1466 = arith.cmpi sgt, %select_n3A_1462, %sign3A_1465 : i32
      %sign3A_1467 = arith.extui %sign3A_1466 : i1 to i32
      %sign3A_1468 = arith.constant 0 : i32
      %sign3A_1469 = arith.cmpi slt, %select_n3A_1462, %sign3A_1468 : i32
      %sign3A_1470 = arith.extui %sign3A_1469 : i1 to i32
      %sign3A_1471 = arith.subi %sign3A_1467, %sign3A_1470 : i32
      %sign3A_1472 = arith.constant 0 : i32
      %sign3A_1473 = arith.cmpi sgt, %jit3A_1463, %sign3A_1472 : i32
      %sign3A_1474 = arith.extui %sign3A_1473 : i1 to i32
      %sign3A_1475 = arith.constant 0 : i32
      %sign3A_1476 = arith.cmpi slt, %jit3A_1463, %sign3A_1475 : i32
      %sign3A_1477 = arith.extui %sign3A_1476 : i1 to i32
      %sign3A_1478 = arith.subi %sign3A_1474, %sign3A_1477 : i32
      %ne3A_1479 = arith.cmpi ne, %sign3A_1471, %sign3A_1478 : i32
      %rem3A_1480 = arith.remsi %select_n3A_1462, %jit3A_1463 : i32
      %ne3A_1481 = arith.constant 0 : i32
      %ne3A_1482 = arith.cmpi ne, %rem3A_1480, %ne3A_1481 : i32
      %and3A_1483 = arith.andi %ne3A_1479, %ne3A_1482 : i1
      %sub3A_1484 = arith.constant 1 : i32
      %sub3A_1485 = arith.subi %div3A_1464, %sub3A_1484 : i32
      %select_n3A_1486 = arith.select %and3A_1483, %sub3A_1485, %div3A_1464 : i32
      %mul3A_1487 = arith.constant 128 : i32
      %mul3A_1488 = arith.muli %select_n3A_1486, %mul3A_1487 : i32
      %jit3A_1489 = arith.constant 16 : i32
      %eq3A_1490 = arith.constant 0 : i32
      %eq3A_1491 = arith.cmpi eq, %jit3A_1489, %eq3A_1490 : i32
      %jit3A_1492 = arith.constant 1 : i32
      %select_n3A_1493 = arith.select %eq3A_1491, %jit3A_1492, %jit3A_1489 : i32
      %rem3A_1494 = arith.remsi %add3A_1438, %select_n3A_1493 : i32
      %ne3A_1495 = arith.constant 0 : i32
      %ne3A_1496 = arith.cmpi ne, %rem3A_1494, %ne3A_1495 : i32
      %lt3A_1497 = arith.constant 0 : i32
      %lt3A_1498 = arith.cmpi slt, %rem3A_1494, %lt3A_1497 : i32
      %lt3A_1499 = arith.constant 0 : i32
      %lt3A_1500 = arith.cmpi slt, %select_n3A_1493, %lt3A_1499 : i32
      %ne3A_1501 = arith.xori %lt3A_1498, %lt3A_1500 : i1
      %and3A_1502 = arith.andi %ne3A_1501, %ne3A_1496 : i1
      %add3A_1503 = arith.addi %rem3A_1494, %select_n3A_1493 : i32
      %select_n3A_1504 = arith.select %and3A_1502, %add3A_1503, %rem3A_1494 : i32
      %mul3A_1505 = arith.constant 8 : i32
      %mul3A_1506 = arith.muli %select_n3A_1504, %mul3A_1505 : i32
      %add3A_1507 = arith.addi %mul3A_1488, %mul3A_1506 : i32
      %mul3A_1508 = arith.constant 1024 : i32
      %mul3A_1509 = arith.muli %add3A_1507, %mul3A_1508 : i32
      %jit3A_1510 = arith.constant 8 : i32
      %eq3A_1511 = arith.constant 0 : i32
      %eq3A_1512 = arith.cmpi eq, %jit3A_1510, %eq3A_1511 : i32
      %jit3A_1513 = arith.constant 1 : i32
      %select_n3A_1514 = arith.select %eq3A_1512, %jit3A_1513, %jit3A_1510 : i32
      %rem3A_1515 = arith.remsi %select_n3A_1462, %select_n3A_1514 : i32
      %ne3A_1516 = arith.constant 0 : i32
      %ne3A_1517 = arith.cmpi ne, %rem3A_1515, %ne3A_1516 : i32
      %lt3A_1518 = arith.constant 0 : i32
      %lt3A_1519 = arith.cmpi slt, %rem3A_1515, %lt3A_1518 : i32
      %lt3A_1520 = arith.constant 0 : i32
      %lt3A_1521 = arith.cmpi slt, %select_n3A_1514, %lt3A_1520 : i32
      %ne3A_1522 = arith.xori %lt3A_1519, %lt3A_1521 : i1
      %and3A_1523 = arith.andi %ne3A_1522, %ne3A_1517 : i1
      %add3A_1524 = arith.addi %rem3A_1515, %select_n3A_1514 : i32
      %select_n3A_1525 = arith.select %and3A_1523, %add3A_1524, %rem3A_1515 : i32
      %mul3A_1526 = arith.constant 128 : i32
      %mul3A_1527 = arith.muli %select_n3A_1525, %mul3A_1526 : i32
      %add3A_1528 = arith.addi %mul3A_1509, %mul3A_1527 : i32
      %add3A_1529 = arith.constant 0 : i32
      %add3A_1530 = arith.addi %add3A_1528, %add3A_1529 : i32
      %add3A_1531 = arith.constant 0 : i32
      %add3A_1532 = arith.addi %add3A_1528, %add3A_1531 : i32
      %add3A_1533 = arith.constant 1024 : i32
      %add3A_1534 = arith.addi %add3A_1528, %add3A_1533 : i32
      %add3A_1535 = arith.constant 1024 : i32
      %add3A_1536 = arith.addi %add3A_1528, %add3A_1535 : i32
      %add3A_1537 = arith.constant 2048 : i32
      %add3A_1538 = arith.addi %add3A_1528, %add3A_1537 : i32
      %add3A_1539 = arith.constant 2048 : i32
      %add3A_1540 = arith.addi %add3A_1528, %add3A_1539 : i32
      %add3A_1541 = arith.constant 3072 : i32
      %add3A_1542 = arith.addi %add3A_1528, %add3A_1541 : i32
      %add3A_1543 = arith.constant 3072 : i32
      %add3A_1544 = arith.addi %add3A_1528, %add3A_1543 : i32
      %add3A_1545 = arith.constant 4096 : i32
      %add3A_1546 = arith.addi %add3A_1528, %add3A_1545 : i32
      %add3A_1547 = arith.constant 4096 : i32
      %add3A_1548 = arith.addi %add3A_1528, %add3A_1547 : i32
      %add3A_1549 = arith.constant 5120 : i32
      %add3A_1550 = arith.addi %add3A_1528, %add3A_1549 : i32
      %add3A_1551 = arith.constant 5120 : i32
      %add3A_1552 = arith.addi %add3A_1528, %add3A_1551 : i32
      %add3A_1553 = arith.constant 6144 : i32
      %add3A_1554 = arith.addi %add3A_1528, %add3A_1553 : i32
      %add3A_1555 = arith.constant 6144 : i32
      %add3A_1556 = arith.addi %add3A_1528, %add3A_1555 : i32
      %add3A_1557 = arith.constant 7168 : i32
      %add3A_1558 = arith.addi %add3A_1528, %add3A_1557 : i32
      %add3A_1559 = arith.constant 7168 : i32
      %add3A_1560 = arith.addi %add3A_1528, %add3A_1559 : i32
      %dma_wait3A_1561 = arith.constant 0 : i32
      %dma_wait3A_1562 = tpu.memref_slice %arg15[%select_n3A_1411, %dma_wait3A_1561] : memref<2x1024xi32, #tpu.memory_space<vmem>> -> memref<1x128xi32, #tpu.memory_space<vmem>>
      %dma_wait3A_1563 = tpu.memref_squeeze %dma_wait3A_1562 : memref<1x128xi32, #tpu.memory_space<vmem>> -> memref<128xi32, #tpu.memory_space<vmem>>
      %dma_wait3A_1564 = tpu.memref_slice %arg3[%add3A_1530] : memref<3276800xi32, #tpu.memory_space<hbm>> -> memref<128xi32, #tpu.memory_space<hbm>>
      %dma_wait3A_1565 = tpu.memref_slice %arg20[%select_n3A_1411] : memref<2x!tpu.dma_semaphore, #tpu.memory_space<semaphore_mem>> -> memref<1x!tpu.dma_semaphore, #tpu.memory_space<semaphore_mem>>
      %dma_wait3A_1566 = tpu.memref_squeeze %dma_wait3A_1565 : memref<1x!tpu.dma_semaphore, #tpu.memory_space<semaphore_mem>> -> memref<!tpu.dma_semaphore, #tpu.memory_space<semaphore_mem>>
      %dma_wait3A_1567 = arith.constant 0 : i32
      %dma_wait3A_1568 = tpu.memref_slice %arg15[%select_n3A_1411, %dma_wait3A_1567] : memref<2x1024xi32, #tpu.memory_space<vmem>> -> memref<1x128xi32, #tpu.memory_space<vmem>>
      %dma_wait3A_1569 = tpu.memref_squeeze %dma_wait3A_1568 : memref<1x128xi32, #tpu.memory_space<vmem>> -> memref<128xi32, #tpu.memory_space<vmem>>
      %dma_wait3A_1570 = tpu.memref_slice %arg3[%add3A_1530] : memref<3276800xi32, #tpu.memory_space<hbm>> -> memref<128xi32, #tpu.memory_space<hbm>>
      tpu.wait_dma2 semaphore(%dma_wait3A_1566 : memref<!tpu.dma_semaphore, #tpu.memory_space<semaphore_mem>>) src(%dma_wait3A_1570 : memref<128xi32, #tpu.memory_space<hbm>>) dst(%dma_wait3A_1569 : memref<128xi32, #tpu.memory_space<vmem>>)
      %dma_wait3A_1571 = arith.constant 0 : i32
      %dma_wait3A_1572 = tpu.memref_slice %arg16[%select_n3A_1411, %dma_wait3A_1571] : memref<2x1024xi32, #tpu.memory_space<vmem>> -> memref<1x128xi32, #tpu.memory_space<vmem>>
      %dma_wait3A_1573 = tpu.memref_squeeze %dma_wait3A_1572 : memref<1x128xi32, #tpu.memory_space<vmem>> -> memref<128xi32, #tpu.memory_space<vmem>>
      %dma_wait3A_1574 = tpu.memref_slice %arg4[%add3A_1532] : memref<3276800xi32, #tpu.memory_space<hbm>> -> memref<128xi32, #tpu.memory_space<hbm>>
      %dma_wait3A_1575 = tpu.memref_slice %arg20[%select_n3A_1411] : memref<2x!tpu.dma_semaphore, #tpu.memory_space<semaphore_mem>> -> memref<1x!tpu.dma_semaphore, #tpu.memory_space<semaphore_mem>>
      %dma_wait3A_1576 = tpu.memref_squeeze %dma_wait3A_1575 : memref<1x!tpu.dma_semaphore, #tpu.memory_space<semaphore_mem>> -> memref<!tpu.dma_semaphore, #tpu.memory_space<semaphore_mem>>
      %dma_wait3A_1577 = arith.constant 0 : i32
      %dma_wait3A_1578 = tpu.memref_slice %arg16[%select_n3A_1411, %dma_wait3A_1577] : memref<2x1024xi32, #tpu.memory_space<vmem>> -> memref<1x128xi32, #tpu.memory_space<vmem>>
      %dma_wait3A_1579 = tpu.memref_squeeze %dma_wait3A_1578 : memref<1x128xi32, #tpu.memory_space<vmem>> -> memref<128xi32, #tpu.memory_space<vmem>>
      %dma_wait3A_1580 = tpu.memref_slice %arg4[%add3A_1532] : memref<3276800xi32, #tpu.memory_space<hbm>> -> memref<128xi32, #tpu.memory_space<hbm>>
      tpu.wait_dma2 semaphore(%dma_wait3A_1576 : memref<!tpu.dma_semaphore, #tpu.memory_space<semaphore_mem>>) src(%dma_wait3A_1580 : memref<128xi32, #tpu.memory_space<hbm>>) dst(%dma_wait3A_1579 : memref<128xi32, #tpu.memory_space<vmem>>)
      %dma_wait3A_1581 = arith.constant 128 : i32
      %dma_wait3A_1582 = tpu.memref_slice %arg15[%select_n3A_1411, %dma_wait3A_1581] : memref<2x1024xi32, #tpu.memory_space<vmem>> -> memref<1x128xi32, #tpu.memory_space<vmem>>
      %dma_wait3A_1583 = tpu.memref_squeeze %dma_wait3A_1582 : memref<1x128xi32, #tpu.memory_space<vmem>> -> memref<128xi32, #tpu.memory_space<vmem>>
      %dma_wait3A_1584 = tpu.memref_slice %arg3[%add3A_1534] : memref<3276800xi32, #tpu.memory_space<hbm>> -> memref<128xi32, #tpu.memory_space<hbm>>
      %dma_wait3A_1585 = tpu.memref_slice %arg20[%select_n3A_1411] : memref<2x!tpu.dma_semaphore, #tpu.memory_space<semaphore_mem>> -> memref<1x!tpu.dma_semaphore, #tpu.memory_space<semaphore_mem>>
      %dma_wait3A_1586 = tpu.memref_squeeze %dma_wait3A_1585 : memref<1x!tpu.dma_semaphore, #tpu.memory_space<semaphore_mem>> -> memref<!tpu.dma_semaphore, #tpu.memory_space<semaphore_mem>>
      %dma_wait3A_1587 = arith.constant 128 : i32
      %dma_wait3A_1588 = tpu.memref_slice %arg15[%select_n3A_1411, %dma_wait3A_1587] : memref<2x1024xi32, #tpu.memory_space<vmem>> -> memref<1x128xi32, #tpu.memory_space<vmem>>
      %dma_wait3A_1589 = tpu.memref_squeeze %dma_wait3A_1588 : memref<1x128xi32, #tpu.memory_space<vmem>> -> memref<128xi32, #tpu.memory_space<vmem>>
      %dma_wait3A_1590 = tpu.memref_slice %arg3[%add3A_1534] : memref<3276800xi32, #tpu.memory_space<hbm>> -> memref<128xi32, #tpu.memory_space<hbm>>
      tpu.wait_dma2 semaphore(%dma_wait3A_1586 : memref<!tpu.dma_semaphore, #tpu.memory_space<semaphore_mem>>) src(%dma_wait3A_1590 : memref<128xi32, #tpu.memory_space<hbm>>) dst(%dma_wait3A_1589 : memref<128xi32, #tpu.memory_space<vmem>>)
      %dma_wait3A_1591 = arith.constant 128 : i32
      %dma_wait3A_1592 = tpu.memref_slice %arg16[%select_n3A_1411, %dma_wait3A_1591] : memref<2x1024xi32, #tpu.memory_space<vmem>> -> memref<1x128xi32, #tpu.memory_space<vmem>>
      %dma_wait3A_1593 = tpu.memref_squeeze %dma_wait3A_1592 : memref<1x128xi32, #tpu.memory_space<vmem>> -> memref<128xi32, #tpu.memory_space<vmem>>
      %dma_wait3A_1594 = tpu.memref_slice %arg4[%add3A_1536] : memref<3276800xi32, #tpu.memory_space<hbm>> -> memref<128xi32, #tpu.memory_space<hbm>>
      %dma_wait3A_1595 = tpu.memref_slice %arg20[%select_n3A_1411] : memref<2x!tpu.dma_semaphore, #tpu.memory_space<semaphore_mem>> -> memref<1x!tpu.dma_semaphore, #tpu.memory_space<semaphore_mem>>
      %dma_wait3A_1596 = tpu.memref_squeeze %dma_wait3A_1595 : memref<1x!tpu.dma_semaphore, #tpu.memory_space<semaphore_mem>> -> memref<!tpu.dma_semaphore, #tpu.memory_space<semaphore_mem>>
      %dma_wait3A_1597 = arith.constant 128 : i32
      %dma_wait3A_1598 = tpu.memref_slice %arg16[%select_n3A_1411, %dma_wait3A_1597] : memref<2x1024xi32, #tpu.memory_space<vmem>> -> memref<1x128xi32, #tpu.memory_space<vmem>>
      %dma_wait3A_1599 = tpu.memref_squeeze %dma_wait3A_1598 : memref<1x128xi32, #tpu.memory_space<vmem>> -> memref<128xi32, #tpu.memory_space<vmem>>
      %dma_wait3A_1600 = tpu.memref_slice %arg4[%add3A_1536] : memref<3276800xi32, #tpu.memory_space<hbm>> -> memref<128xi32, #tpu.memory_space<hbm>>
      tpu.wait_dma2 semaphore(%dma_wait3A_1596 : memref<!tpu.dma_semaphore, #tpu.memory_space<semaphore_mem>>) src(%dma_wait3A_1600 : memref<128xi32, #tpu.memory_space<hbm>>) dst(%dma_wait3A_1599 : memref<128xi32, #tpu.memory_space<vmem>>)
      %dma_wait3A_1601 = arith.constant 256 : i32
      %dma_wait3A_1602 = tpu.memref_slice %arg15[%select_n3A_1411, %dma_wait3A_1601] : memref<2x1024xi32, #tpu.memory_space<vmem>> -> memref<1x128xi32, #tpu.memory_space<vmem>>
      %dma_wait3A_1603 = tpu.memref_squeeze %dma_wait3A_1602 : memref<1x128xi32, #tpu.memory_space<vmem>> -> memref<128xi32, #tpu.memory_space<vmem>>
      %dma_wait3A_1604 = tpu.memref_slice %arg3[%add3A_1538] : memref<3276800xi32, #tpu.memory_space<hbm>> -> memref<128xi32, #tpu.memory_space<hbm>>
      %dma_wait3A_1605 = tpu.memref_slice %arg20[%select_n3A_1411] : memref<2x!tpu.dma_semaphore, #tpu.memory_space<semaphore_mem>> -> memref<1x!tpu.dma_semaphore, #tpu.memory_space<semaphore_mem>>
      %dma_wait3A_1606 = tpu.memref_squeeze %dma_wait3A_1605 : memref<1x!tpu.dma_semaphore, #tpu.memory_space<semaphore_mem>> -> memref<!tpu.dma_semaphore, #tpu.memory_space<semaphore_mem>>
      %dma_wait3A_1607 = arith.constant 256 : i32
      %dma_wait3A_1608 = tpu.memref_slice %arg15[%select_n3A_1411, %dma_wait3A_1607] : memref<2x1024xi32, #tpu.memory_space<vmem>> -> memref<1x128xi32, #tpu.memory_space<vmem>>
      %dma_wait3A_1609 = tpu.memref_squeeze %dma_wait3A_1608 : memref<1x128xi32, #tpu.memory_space<vmem>> -> memref<128xi32, #tpu.memory_space<vmem>>
      %dma_wait3A_1610 = tpu.memref_slice %arg3[%add3A_1538] : memref<3276800xi32, #tpu.memory_space<hbm>> -> memref<128xi32, #tpu.memory_space<hbm>>
      tpu.wait_dma2 semaphore(%dma_wait3A_1606 : memref<!tpu.dma_semaphore, #tpu.memory_space<semaphore_mem>>) src(%dma_wait3A_1610 : memref<128xi32, #tpu.memory_space<hbm>>) dst(%dma_wait3A_1609 : memref<128xi32, #tpu.memory_space<vmem>>)
      %dma_wait3A_1611 = arith.constant 256 : i32
      %dma_wait3A_1612 = tpu.memref_slice %arg16[%select_n3A_1411, %dma_wait3A_1611] : memref<2x1024xi32, #tpu.memory_space<vmem>> -> memref<1x128xi32, #tpu.memory_space<vmem>>
      %dma_wait3A_1613 = tpu.memref_squeeze %dma_wait3A_1612 : memref<1x128xi32, #tpu.memory_space<vmem>> -> memref<128xi32, #tpu.memory_space<vmem>>
      %dma_wait3A_1614 = tpu.memref_slice %arg4[%add3A_1540] : memref<3276800xi32, #tpu.memory_space<hbm>> -> memref<128xi32, #tpu.memory_space<hbm>>
      %dma_wait3A_1615 = tpu.memref_slice %arg20[%select_n3A_1411] : memref<2x!tpu.dma_semaphore, #tpu.memory_space<semaphore_mem>> -> memref<1x!tpu.dma_semaphore, #tpu.memory_space<semaphore_mem>>
      %dma_wait3A_1616 = tpu.memref_squeeze %dma_wait3A_1615 : memref<1x!tpu.dma_semaphore, #tpu.memory_space<semaphore_mem>> -> memref<!tpu.dma_semaphore, #tpu.memory_space<semaphore_mem>>
      %dma_wait3A_1617 = arith.constant 256 : i32
      %dma_wait3A_1618 = tpu.memref_slice %arg16[%select_n3A_1411, %dma_wait3A_1617] : memref<2x1024xi32, #tpu.memory_space<vmem>> -> memref<1x128xi32, #tpu.memory_space<vmem>>
      %dma_wait3A_1619 = tpu.memref_squeeze %dma_wait3A_1618 : memref<1x128xi32, #tpu.memory_space<vmem>> -> memref<128xi32, #tpu.memory_space<vmem>>
      %dma_wait3A_1620 = tpu.memref_slice %arg4[%add3A_1540] : memref<3276800xi32, #tpu.memory_space<hbm>> -> memref<128xi32, #tpu.memory_space<hbm>>
      tpu.wait_dma2 semaphore(%dma_wait3A_1616 : memref<!tpu.dma_semaphore, #tpu.memory_space<semaphore_mem>>) src(%dma_wait3A_1620 : memref<128xi32, #tpu.memory_space<hbm>>) dst(%dma_wait3A_1619 : memref<128xi32, #tpu.memory_space<vmem>>)
      %dma_wait3A_1621 = arith.constant 384 : i32
      %dma_wait3A_1622 = tpu.memref_slice %arg15[%select_n3A_1411, %dma_wait3A_1621] : memref<2x1024xi32, #tpu.memory_space<vmem>> -> memref<1x128xi32, #tpu.memory_space<vmem>>
      %dma_wait3A_1623 = tpu.memref_squeeze %dma_wait3A_1622 : memref<1x128xi32, #tpu.memory_space<vmem>> -> memref<128xi32, #tpu.memory_space<vmem>>
      %dma_wait3A_1624 = tpu.memref_slice %arg3[%add3A_1542] : memref<3276800xi32, #tpu.memory_space<hbm>> -> memref<128xi32, #tpu.memory_space<hbm>>
      %dma_wait3A_1625 = tpu.memref_slice %arg20[%select_n3A_1411] : memref<2x!tpu.dma_semaphore, #tpu.memory_space<semaphore_mem>> -> memref<1x!tpu.dma_semaphore, #tpu.memory_space<semaphore_mem>>
      %dma_wait3A_1626 = tpu.memref_squeeze %dma_wait3A_1625 : memref<1x!tpu.dma_semaphore, #tpu.memory_space<semaphore_mem>> -> memref<!tpu.dma_semaphore, #tpu.memory_space<semaphore_mem>>
      %dma_wait3A_1627 = arith.constant 384 : i32
      %dma_wait3A_1628 = tpu.memref_slice %arg15[%select_n3A_1411, %dma_wait3A_1627] : memref<2x1024xi32, #tpu.memory_space<vmem>> -> memref<1x128xi32, #tpu.memory_space<vmem>>
      %dma_wait3A_1629 = tpu.memref_squeeze %dma_wait3A_1628 : memref<1x128xi32, #tpu.memory_space<vmem>> -> memref<128xi32, #tpu.memory_space<vmem>>
      %dma_wait3A_1630 = tpu.memref_slice %arg3[%add3A_1542] : memref<3276800xi32, #tpu.memory_space<hbm>> -> memref<128xi32, #tpu.memory_space<hbm>>
      tpu.wait_dma2 semaphore(%dma_wait3A_1626 : memref<!tpu.dma_semaphore, #tpu.memory_space<semaphore_mem>>) src(%dma_wait3A_1630 : memref<128xi32, #tpu.memory_space<hbm>>) dst(%dma_wait3A_1629 : memref<128xi32, #tpu.memory_space<vmem>>)
      %dma_wait3A_1631 = arith.constant 384 : i32
      %dma_wait3A_1632 = tpu.memref_slice %arg16[%select_n3A_1411, %dma_wait3A_1631] : memref<2x1024xi32, #tpu.memory_space<vmem>> -> memref<1x128xi32, #tpu.memory_space<vmem>>
      %dma_wait3A_1633 = tpu.memref_squeeze %dma_wait3A_1632 : memref<1x128xi32, #tpu.memory_space<vmem>> -> memref<128xi32, #tpu.memory_space<vmem>>
      %dma_wait3A_1634 = tpu.memref_slice %arg4[%add3A_1544] : memref<3276800xi32, #tpu.memory_space<hbm>> -> memref<128xi32, #tpu.memory_space<hbm>>
      %dma_wait3A_1635 = tpu.memref_slice %arg20[%select_n3A_1411] : memref<2x!tpu.dma_semaphore, #tpu.memory_space<semaphore_mem>> -> memref<1x!tpu.dma_semaphore, #tpu.memory_space<semaphore_mem>>
      %dma_wait3A_1636 = tpu.memref_squeeze %dma_wait3A_1635 : memref<1x!tpu.dma_semaphore, #tpu.memory_space<semaphore_mem>> -> memref<!tpu.dma_semaphore, #tpu.memory_space<semaphore_mem>>
      %dma_wait3A_1637 = arith.constant 384 : i32
      %dma_wait3A_1638 = tpu.memref_slice %arg16[%select_n3A_1411, %dma_wait3A_1637] : memref<2x1024xi32, #tpu.memory_space<vmem>> -> memref<1x128xi32, #tpu.memory_space<vmem>>
      %dma_wait3A_1639 = tpu.memref_squeeze %dma_wait3A_1638 : memref<1x128xi32, #tpu.memory_space<vmem>> -> memref<128xi32, #tpu.memory_space<vmem>>
      %dma_wait3A_1640 = tpu.memref_slice %arg4[%add3A_1544] : memref<3276800xi32, #tpu.memory_space<hbm>> -> memref<128xi32, #tpu.memory_space<hbm>>
      tpu.wait_dma2 semaphore(%dma_wait3A_1636 : memref<!tpu.dma_semaphore, #tpu.memory_space<semaphore_mem>>) src(%dma_wait3A_1640 : memref<128xi32, #tpu.memory_space<hbm>>) dst(%dma_wait3A_1639 : memref<128xi32, #tpu.memory_space<vmem>>)
      %dma_wait3A_1641 = arith.constant 512 : i32
      %dma_wait3A_1642 = tpu.memref_slice %arg15[%select_n3A_1411, %dma_wait3A_1641] : memref<2x1024xi32, #tpu.memory_space<vmem>> -> memref<1x128xi32, #tpu.memory_space<vmem>>
      %dma_wait3A_1643 = tpu.memref_squeeze %dma_wait3A_1642 : memref<1x128xi32, #tpu.memory_space<vmem>> -> memref<128xi32, #tpu.memory_space<vmem>>
      %dma_wait3A_1644 = tpu.memref_slice %arg3[%add3A_1546] : memref<3276800xi32, #tpu.memory_space<hbm>> -> memref<128xi32, #tpu.memory_space<hbm>>
      %dma_wait3A_1645 = tpu.memref_slice %arg20[%select_n3A_1411] : memref<2x!tpu.dma_semaphore, #tpu.memory_space<semaphore_mem>> -> memref<1x!tpu.dma_semaphore, #tpu.memory_space<semaphore_mem>>
      %dma_wait3A_1646 = tpu.memref_squeeze %dma_wait3A_1645 : memref<1x!tpu.dma_semaphore, #tpu.memory_space<semaphore_mem>> -> memref<!tpu.dma_semaphore, #tpu.memory_space<semaphore_mem>>
      %dma_wait3A_1647 = arith.constant 512 : i32
      %dma_wait3A_1648 = tpu.memref_slice %arg15[%select_n3A_1411, %dma_wait3A_1647] : memref<2x1024xi32, #tpu.memory_space<vmem>> -> memref<1x128xi32, #tpu.memory_space<vmem>>
      %dma_wait3A_1649 = tpu.memref_squeeze %dma_wait3A_1648 : memref<1x128xi32, #tpu.memory_space<vmem>> -> memref<128xi32, #tpu.memory_space<vmem>>
      %dma_wait3A_1650 = tpu.memref_slice %arg3[%add3A_1546] : memref<3276800xi32, #tpu.memory_space<hbm>> -> memref<128xi32, #tpu.memory_space<hbm>>
      tpu.wait_dma2 semaphore(%dma_wait3A_1646 : memref<!tpu.dma_semaphore, #tpu.memory_space<semaphore_mem>>) src(%dma_wait3A_1650 : memref<128xi32, #tpu.memory_space<hbm>>) dst(%dma_wait3A_1649 : memref<128xi32, #tpu.memory_space<vmem>>)
      %dma_wait3A_1651 = arith.constant 512 : i32
      %dma_wait3A_1652 = tpu.memref_slice %arg16[%select_n3A_1411, %dma_wait3A_1651] : memref<2x1024xi32, #tpu.memory_space<vmem>> -> memref<1x128xi32, #tpu.memory_space<vmem>>
      %dma_wait3A_1653 = tpu.memref_squeeze %dma_wait3A_1652 : memref<1x128xi32, #tpu.memory_space<vmem>> -> memref<128xi32, #tpu.memory_space<vmem>>
      %dma_wait3A_1654 = tpu.memref_slice %arg4[%add3A_1548] : memref<3276800xi32, #tpu.memory_space<hbm>> -> memref<128xi32, #tpu.memory_space<hbm>>
      %dma_wait3A_1655 = tpu.memref_slice %arg20[%select_n3A_1411] : memref<2x!tpu.dma_semaphore, #tpu.memory_space<semaphore_mem>> -> memref<1x!tpu.dma_semaphore, #tpu.memory_space<semaphore_mem>>
      %dma_wait3A_1656 = tpu.memref_squeeze %dma_wait3A_1655 : memref<1x!tpu.dma_semaphore, #tpu.memory_space<semaphore_mem>> -> memref<!tpu.dma_semaphore, #tpu.memory_space<semaphore_mem>>
      %dma_wait3A_1657 = arith.constant 512 : i32
      %dma_wait3A_1658 = tpu.memref_slice %arg16[%select_n3A_1411, %dma_wait3A_1657] : memref<2x1024xi32, #tpu.memory_space<vmem>> -> memref<1x128xi32, #tpu.memory_space<vmem>>
      %dma_wait3A_1659 = tpu.memref_squeeze %dma_wait3A_1658 : memref<1x128xi32, #tpu.memory_space<vmem>> -> memref<128xi32, #tpu.memory_space<vmem>>
      %dma_wait3A_1660 = tpu.memref_slice %arg4[%add3A_1548] : memref<3276800xi32, #tpu.memory_space<hbm>> -> memref<128xi32, #tpu.memory_space<hbm>>
      tpu.wait_dma2 semaphore(%dma_wait3A_1656 : memref<!tpu.dma_semaphore, #tpu.memory_space<semaphore_mem>>) src(%dma_wait3A_1660 : memref<128xi32, #tpu.memory_space<hbm>>) dst(%dma_wait3A_1659 : memref<128xi32, #tpu.memory_space<vmem>>)
      %dma_wait3A_1661 = arith.constant 640 : i32
      %dma_wait3A_1662 = tpu.memref_slice %arg15[%select_n3A_1411, %dma_wait3A_1661] : memref<2x1024xi32, #tpu.memory_space<vmem>> -> memref<1x128xi32, #tpu.memory_space<vmem>>
      %dma_wait3A_1663 = tpu.memref_squeeze %dma_wait3A_1662 : memref<1x128xi32, #tpu.memory_space<vmem>> -> memref<128xi32, #tpu.memory_space<vmem>>
      %dma_wait3A_1664 = tpu.memref_slice %arg3[%add3A_1550] : memref<3276800xi32, #tpu.memory_space<hbm>> -> memref<128xi32, #tpu.memory_space<hbm>>
      %dma_wait3A_1665 = tpu.memref_slice %arg20[%select_n3A_1411] : memref<2x!tpu.dma_semaphore, #tpu.memory_space<semaphore_mem>> -> memref<1x!tpu.dma_semaphore, #tpu.memory_space<semaphore_mem>>
      %dma_wait3A_1666 = tpu.memref_squeeze %dma_wait3A_1665 : memref<1x!tpu.dma_semaphore, #tpu.memory_space<semaphore_mem>> -> memref<!tpu.dma_semaphore, #tpu.memory_space<semaphore_mem>>
      %dma_wait3A_1667 = arith.constant 640 : i32
      %dma_wait3A_1668 = tpu.memref_slice %arg15[%select_n3A_1411, %dma_wait3A_1667] : memref<2x1024xi32, #tpu.memory_space<vmem>> -> memref<1x128xi32, #tpu.memory_space<vmem>>
      %dma_wait3A_1669 = tpu.memref_squeeze %dma_wait3A_1668 : memref<1x128xi32, #tpu.memory_space<vmem>> -> memref<128xi32, #tpu.memory_space<vmem>>
      %dma_wait3A_1670 = tpu.memref_slice %arg3[%add3A_1550] : memref<3276800xi32, #tpu.memory_space<hbm>> -> memref<128xi32, #tpu.memory_space<hbm>>
      tpu.wait_dma2 semaphore(%dma_wait3A_1666 : memref<!tpu.dma_semaphore, #tpu.memory_space<semaphore_mem>>) src(%dma_wait3A_1670 : memref<128xi32, #tpu.memory_space<hbm>>) dst(%dma_wait3A_1669 : memref<128xi32, #tpu.memory_space<vmem>>)
      %dma_wait3A_1671 = arith.constant 640 : i32
      %dma_wait3A_1672 = tpu.memref_slice %arg16[%select_n3A_1411, %dma_wait3A_1671] : memref<2x1024xi32, #tpu.memory_space<vmem>> -> memref<1x128xi32, #tpu.memory_space<vmem>>
      %dma_wait3A_1673 = tpu.memref_squeeze %dma_wait3A_1672 : memref<1x128xi32, #tpu.memory_space<vmem>> -> memref<128xi32, #tpu.memory_space<vmem>>
      %dma_wait3A_1674 = tpu.memref_slice %arg4[%add3A_1552] : memref<3276800xi32, #tpu.memory_space<hbm>> -> memref<128xi32, #tpu.memory_space<hbm>>
      %dma_wait3A_1675 = tpu.memref_slice %arg20[%select_n3A_1411] : memref<2x!tpu.dma_semaphore, #tpu.memory_space<semaphore_mem>> -> memref<1x!tpu.dma_semaphore, #tpu.memory_space<semaphore_mem>>
      %dma_wait3A_1676 = tpu.memref_squeeze %dma_wait3A_1675 : memref<1x!tpu.dma_semaphore, #tpu.memory_space<semaphore_mem>> -> memref<!tpu.dma_semaphore, #tpu.memory_space<semaphore_mem>>
      %dma_wait3A_1677 = arith.constant 640 : i32
      %dma_wait3A_1678 = tpu.memref_slice %arg16[%select_n3A_1411, %dma_wait3A_1677] : memref<2x1024xi32, #tpu.memory_space<vmem>> -> memref<1x128xi32, #tpu.memory_space<vmem>>
      %dma_wait3A_1679 = tpu.memref_squeeze %dma_wait3A_1678 : memref<1x128xi32, #tpu.memory_space<vmem>> -> memref<128xi32, #tpu.memory_space<vmem>>
      %dma_wait3A_1680 = tpu.memref_slice %arg4[%add3A_1552] : memref<3276800xi32, #tpu.memory_space<hbm>> -> memref<128xi32, #tpu.memory_space<hbm>>
      tpu.wait_dma2 semaphore(%dma_wait3A_1676 : memref<!tpu.dma_semaphore, #tpu.memory_space<semaphore_mem>>) src(%dma_wait3A_1680 : memref<128xi32, #tpu.memory_space<hbm>>) dst(%dma_wait3A_1679 : memref<128xi32, #tpu.memory_space<vmem>>)
      %dma_wait3A_1681 = arith.constant 768 : i32
      %dma_wait3A_1682 = tpu.memref_slice %arg15[%select_n3A_1411, %dma_wait3A_1681] : memref<2x1024xi32, #tpu.memory_space<vmem>> -> memref<1x128xi32, #tpu.memory_space<vmem>>
      %dma_wait3A_1683 = tpu.memref_squeeze %dma_wait3A_1682 : memref<1x128xi32, #tpu.memory_space<vmem>> -> memref<128xi32, #tpu.memory_space<vmem>>
      %dma_wait3A_1684 = tpu.memref_slice %arg3[%add3A_1554] : memref<3276800xi32, #tpu.memory_space<hbm>> -> memref<128xi32, #tpu.memory_space<hbm>>
      %dma_wait3A_1685 = tpu.memref_slice %arg20[%select_n3A_1411] : memref<2x!tpu.dma_semaphore, #tpu.memory_space<semaphore_mem>> -> memref<1x!tpu.dma_semaphore, #tpu.memory_space<semaphore_mem>>
      %dma_wait3A_1686 = tpu.memref_squeeze %dma_wait3A_1685 : memref<1x!tpu.dma_semaphore, #tpu.memory_space<semaphore_mem>> -> memref<!tpu.dma_semaphore, #tpu.memory_space<semaphore_mem>>
      %dma_wait3A_1687 = arith.constant 768 : i32
      %dma_wait3A_1688 = tpu.memref_slice %arg15[%select_n3A_1411, %dma_wait3A_1687] : memref<2x1024xi32, #tpu.memory_space<vmem>> -> memref<1x128xi32, #tpu.memory_space<vmem>>
      %dma_wait3A_1689 = tpu.memref_squeeze %dma_wait3A_1688 : memref<1x128xi32, #tpu.memory_space<vmem>> -> memref<128xi32, #tpu.memory_space<vmem>>
      %dma_wait3A_1690 = tpu.memref_slice %arg3[%add3A_1554] : memref<3276800xi32, #tpu.memory_space<hbm>> -> memref<128xi32, #tpu.memory_space<hbm>>
      tpu.wait_dma2 semaphore(%dma_wait3A_1686 : memref<!tpu.dma_semaphore, #tpu.memory_space<semaphore_mem>>) src(%dma_wait3A_1690 : memref<128xi32, #tpu.memory_space<hbm>>) dst(%dma_wait3A_1689 : memref<128xi32, #tpu.memory_space<vmem>>)
      %dma_wait3A_1691 = arith.constant 768 : i32
      %dma_wait3A_1692 = tpu.memref_slice %arg16[%select_n3A_1411, %dma_wait3A_1691] : memref<2x1024xi32, #tpu.memory_space<vmem>> -> memref<1x128xi32, #tpu.memory_space<vmem>>
      %dma_wait3A_1693 = tpu.memref_squeeze %dma_wait3A_1692 : memref<1x128xi32, #tpu.memory_space<vmem>> -> memref<128xi32, #tpu.memory_space<vmem>>
      %dma_wait3A_1694 = tpu.memref_slice %arg4[%add3A_1556] : memref<3276800xi32, #tpu.memory_space<hbm>> -> memref<128xi32, #tpu.memory_space<hbm>>
      %dma_wait3A_1695 = tpu.memref_slice %arg20[%select_n3A_1411] : memref<2x!tpu.dma_semaphore, #tpu.memory_space<semaphore_mem>> -> memref<1x!tpu.dma_semaphore, #tpu.memory_space<semaphore_mem>>
      %dma_wait3A_1696 = tpu.memref_squeeze %dma_wait3A_1695 : memref<1x!tpu.dma_semaphore, #tpu.memory_space<semaphore_mem>> -> memref<!tpu.dma_semaphore, #tpu.memory_space<semaphore_mem>>
      %dma_wait3A_1697 = arith.constant 768 : i32
      %dma_wait3A_1698 = tpu.memref_slice %arg16[%select_n3A_1411, %dma_wait3A_1697] : memref<2x1024xi32, #tpu.memory_space<vmem>> -> memref<1x128xi32, #tpu.memory_space<vmem>>
      %dma_wait3A_1699 = tpu.memref_squeeze %dma_wait3A_1698 : memref<1x128xi32, #tpu.memory_space<vmem>> -> memref<128xi32, #tpu.memory_space<vmem>>
      %dma_wait3A_1700 = tpu.memref_slice %arg4[%add3A_1556] : memref<3276800xi32, #tpu.memory_space<hbm>> -> memref<128xi32, #tpu.memory_space<hbm>>
      tpu.wait_dma2 semaphore(%dma_wait3A_1696 : memref<!tpu.dma_semaphore, #tpu.memory_space<semaphore_mem>>) src(%dma_wait3A_1700 : memref<128xi32, #tpu.memory_space<hbm>>) dst(%dma_wait3A_1699 : memref<128xi32, #tpu.memory_space<vmem>>)
      %dma_wait3A_1701 = arith.constant 896 : i32
      %dma_wait3A_1702 = tpu.memref_slice %arg15[%select_n3A_1411, %dma_wait3A_1701] : memref<2x1024xi32, #tpu.memory_space<vmem>> -> memref<1x128xi32, #tpu.memory_space<vmem>>
      %dma_wait3A_1703 = tpu.memref_squeeze %dma_wait3A_1702 : memref<1x128xi32, #tpu.memory_space<vmem>> -> memref<128xi32, #tpu.memory_space<vmem>>
      %dma_wait3A_1704 = tpu.memref_slice %arg3[%add3A_1558] : memref<3276800xi32, #tpu.memory_space<hbm>> -> memref<128xi32, #tpu.memory_space<hbm>>
      %dma_wait3A_1705 = tpu.memref_slice %arg20[%select_n3A_1411] : memref<2x!tpu.dma_semaphore, #tpu.memory_space<semaphore_mem>> -> memref<1x!tpu.dma_semaphore, #tpu.memory_space<semaphore_mem>>
      %dma_wait3A_1706 = tpu.memref_squeeze %dma_wait3A_1705 : memref<1x!tpu.dma_semaphore, #tpu.memory_space<semaphore_mem>> -> memref<!tpu.dma_semaphore, #tpu.memory_space<semaphore_mem>>
      %dma_wait3A_1707 = arith.constant 896 : i32
      %dma_wait3A_1708 = tpu.memref_slice %arg15[%select_n3A_1411, %dma_wait3A_1707] : memref<2x1024xi32, #tpu.memory_space<vmem>> -> memref<1x128xi32, #tpu.memory_space<vmem>>
      %dma_wait3A_1709 = tpu.memref_squeeze %dma_wait3A_1708 : memref<1x128xi32, #tpu.memory_space<vmem>> -> memref<128xi32, #tpu.memory_space<vmem>>
      %dma_wait3A_1710 = tpu.memref_slice %arg3[%add3A_1558] : memref<3276800xi32, #tpu.memory_space<hbm>> -> memref<128xi32, #tpu.memory_space<hbm>>
      tpu.wait_dma2 semaphore(%dma_wait3A_1706 : memref<!tpu.dma_semaphore, #tpu.memory_space<semaphore_mem>>) src(%dma_wait3A_1710 : memref<128xi32, #tpu.memory_space<hbm>>) dst(%dma_wait3A_1709 : memref<128xi32, #tpu.memory_space<vmem>>)
      %dma_wait3A_1711 = arith.constant 896 : i32
      %dma_wait3A_1712 = tpu.memref_slice %arg16[%select_n3A_1411, %dma_wait3A_1711] : memref<2x1024xi32, #tpu.memory_space<vmem>> -> memref<1x128xi32, #tpu.memory_space<vmem>>
      %dma_wait3A_1713 = tpu.memref_squeeze %dma_wait3A_1712 : memref<1x128xi32, #tpu.memory_space<vmem>> -> memref<128xi32, #tpu.memory_space<vmem>>
      %dma_wait3A_1714 = tpu.memref_slice %arg4[%add3A_1560] : memref<3276800xi32, #tpu.memory_space<hbm>> -> memref<128xi32, #tpu.memory_space<hbm>>
      %dma_wait3A_1715 = tpu.memref_slice %arg20[%select_n3A_1411] : memref<2x!tpu.dma_semaphore, #tpu.memory_space<semaphore_mem>> -> memref<1x!tpu.dma_semaphore, #tpu.memory_space<semaphore_mem>>
      %dma_wait3A_1716 = tpu.memref_squeeze %dma_wait3A_1715 : memref<1x!tpu.dma_semaphore, #tpu.memory_space<semaphore_mem>> -> memref<!tpu.dma_semaphore, #tpu.memory_space<semaphore_mem>>
      %dma_wait3A_1717 = arith.constant 896 : i32
      %dma_wait3A_1718 = tpu.memref_slice %arg16[%select_n3A_1411, %dma_wait3A_1717] : memref<2x1024xi32, #tpu.memory_space<vmem>> -> memref<1x128xi32, #tpu.memory_space<vmem>>
      %dma_wait3A_1719 = tpu.memref_squeeze %dma_wait3A_1718 : memref<1x128xi32, #tpu.memory_space<vmem>> -> memref<128xi32, #tpu.memory_space<vmem>>
      %dma_wait3A_1720 = tpu.memref_slice %arg4[%add3A_1560] : memref<3276800xi32, #tpu.memory_space<hbm>> -> memref<128xi32, #tpu.memory_space<hbm>>
      tpu.wait_dma2 semaphore(%dma_wait3A_1716 : memref<!tpu.dma_semaphore, #tpu.memory_space<semaphore_mem>>) src(%dma_wait3A_1720 : memref<128xi32, #tpu.memory_space<hbm>>) dst(%dma_wait3A_1719 : memref<128xi32, #tpu.memory_space<vmem>>)
      %ge3A = arith.constant 2 : i32
      %ge3A_1721 = arith.cmpi sge, %scan3A_1395, %ge3A : i32
      %convert_element_type3A_1722 = arith.extui %ge3A_1721 : i1 to i32
      %cond3A_1723 = arith.constant 0 : i32
      %cond3A_1724 = arith.cmpi ne, %convert_element_type3A_1722, %cond3A_1723 : i32
      scf.if %cond3A_1724 {
        %sub3A_1804 = arith.constant 2 : i32
        %sub3A_1805 = arith.subi %scan3A_1395, %sub3A_1804 : i32
        %add3A_1806 = arith.addi %mul3A_7, %sub3A_1805 : i32
        %jit3A_1807 = arith.constant 16 : i32
        %div3A_1808 = arith.divsi %add3A_1806, %jit3A_1807 : i32
        %sign3A_1809 = arith.constant 0 : i32
        %sign3A_1810 = arith.cmpi sgt, %add3A_1806, %sign3A_1809 : i32
        %sign3A_1811 = arith.extui %sign3A_1810 : i1 to i32
        %sign3A_1812 = arith.constant 0 : i32
        %sign3A_1813 = arith.cmpi slt, %add3A_1806, %sign3A_1812 : i32
        %sign3A_1814 = arith.extui %sign3A_1813 : i1 to i32
        %sign3A_1815 = arith.subi %sign3A_1811, %sign3A_1814 : i32
        %sign3A_1816 = arith.constant 0 : i32
        %sign3A_1817 = arith.cmpi sgt, %jit3A_1807, %sign3A_1816 : i32
        %sign3A_1818 = arith.extui %sign3A_1817 : i1 to i32
        %sign3A_1819 = arith.constant 0 : i32
        %sign3A_1820 = arith.cmpi slt, %jit3A_1807, %sign3A_1819 : i32
        %sign3A_1821 = arith.extui %sign3A_1820 : i1 to i32
        %sign3A_1822 = arith.subi %sign3A_1818, %sign3A_1821 : i32
        %ne3A_1823 = arith.cmpi ne, %sign3A_1815, %sign3A_1822 : i32
        %rem3A_1824 = arith.remsi %add3A_1806, %jit3A_1807 : i32
        %ne3A_1825 = arith.constant 0 : i32
        %ne3A_1826 = arith.cmpi ne, %rem3A_1824, %ne3A_1825 : i32
        %and3A_1827 = arith.andi %ne3A_1823, %ne3A_1826 : i1
        %sub3A_1828 = arith.constant 1 : i32
        %sub3A_1829 = arith.subi %div3A_1808, %sub3A_1828 : i32
        %select_n3A_1830 = arith.select %and3A_1827, %sub3A_1829, %div3A_1808 : i32
        %mul3A_1831 = arith.constant 262144 : i32
        %mul3A_1832 = arith.muli %select_n3A_1830, %mul3A_1831 : i32
        %jit3A_1833 = arith.constant 16 : i32
        %eq3A_1834 = arith.constant 0 : i32
        %eq3A_1835 = arith.cmpi eq, %jit3A_1833, %eq3A_1834 : i32
        %jit3A_1836 = arith.constant 1 : i32
        %select_n3A_1837 = arith.select %eq3A_1835, %jit3A_1836, %jit3A_1833 : i32
        %rem3A_1838 = arith.remsi %add3A_1806, %select_n3A_1837 : i32
        %ne3A_1839 = arith.constant 0 : i32
        %ne3A_1840 = arith.cmpi ne, %rem3A_1838, %ne3A_1839 : i32
        %lt3A_1841 = arith.constant 0 : i32
        %lt3A_1842 = arith.cmpi slt, %rem3A_1838, %lt3A_1841 : i32
        %lt3A_1843 = arith.constant 0 : i32
        %lt3A_1844 = arith.cmpi slt, %select_n3A_1837, %lt3A_1843 : i32
        %ne3A_1845 = arith.xori %lt3A_1842, %lt3A_1844 : i1
        %and3A_1846 = arith.andi %ne3A_1845, %ne3A_1840 : i1
        %add3A_1847 = arith.addi %rem3A_1838, %select_n3A_1837 : i32
        %select_n3A_1848 = arith.select %and3A_1846, %add3A_1847, %rem3A_1838 : i32
        %mul3A_1849 = arith.constant 8192 : i32
        %mul3A_1850 = arith.muli %select_n3A_1848, %mul3A_1849 : i32
        %add3A_1851 = arith.addi %mul3A_1832, %mul3A_1850 : i32
        %mul3A_1852 = arith.constant 2 : i32
        %mul3A_1853 = arith.muli %select_n3A_1411, %mul3A_1852 : i32
        %mul3A_1854 = arith.constant 8192 : i32
        %mul3A_1855 = arith.muli %mul3A_1853, %mul3A_1854 : i32
        %mul3A_1856 = arith.constant 2 : i32
        %mul3A_1857 = arith.muli %select_n3A_1411, %mul3A_1856 : i32
        %add3A_1858 = arith.constant 1 : i32
        %add3A_1859 = arith.addi %mul3A_1857, %add3A_1858 : i32
        %mul3A_1860 = arith.constant 8192 : i32
        %mul3A_1861 = arith.muli %add3A_1859, %mul3A_1860 : i32
        %add3A_1862 = arith.constant 131072 : i32
        %add3A_1863 = arith.addi %add3A_1851, %add3A_1862 : i32
        %dma_wait3A_1864 = tpu.memref_slice %arg18[%mul3A_1855] : memref<32768xf32, #tpu.memory_space<vmem>> -> memref<8192xf32, #tpu.memory_space<vmem>>
        %dma_wait3A_1865 = tpu.memref_slice %arg9[%add3A_1851] : memref<52428800xf32, #tpu.memory_space<hbm>> -> memref<8192xf32, #tpu.memory_space<hbm>>
        %dma_wait3A_1866 = tpu.memref_slice %arg22[%select_n3A_1411] : memref<2x!tpu.dma_semaphore, #tpu.memory_space<semaphore_mem>> -> memref<1x!tpu.dma_semaphore, #tpu.memory_space<semaphore_mem>>
        %dma_wait3A_1867 = tpu.memref_squeeze %dma_wait3A_1866 : memref<1x!tpu.dma_semaphore, #tpu.memory_space<semaphore_mem>> -> memref<!tpu.dma_semaphore, #tpu.memory_space<semaphore_mem>>
        %dma_wait3A_1868 = tpu.memref_slice %arg9[%add3A_1851] : memref<52428800xf32, #tpu.memory_space<hbm>> -> memref<8192xf32, #tpu.memory_space<hbm>>
        %dma_wait3A_1869 = tpu.memref_slice %arg18[%mul3A_1855] : memref<32768xf32, #tpu.memory_space<vmem>> -> memref<8192xf32, #tpu.memory_space<vmem>>
        tpu.wait_dma2 semaphore(%dma_wait3A_1867 : memref<!tpu.dma_semaphore, #tpu.memory_space<semaphore_mem>>) src(%dma_wait3A_1869 : memref<8192xf32, #tpu.memory_space<vmem>>) dst(%dma_wait3A_1868 : memref<8192xf32, #tpu.memory_space<hbm>>)
        %dma_wait3A_1870 = tpu.memref_slice %arg18[%mul3A_1861] : memref<32768xf32, #tpu.memory_space<vmem>> -> memref<8192xf32, #tpu.memory_space<vmem>>
        %dma_wait3A_1871 = tpu.memref_slice %arg9[%add3A_1863] : memref<52428800xf32, #tpu.memory_space<hbm>> -> memref<8192xf32, #tpu.memory_space<hbm>>
        %dma_wait3A_1872 = tpu.memref_slice %arg22[%select_n3A_1411] : memref<2x!tpu.dma_semaphore, #tpu.memory_space<semaphore_mem>> -> memref<1x!tpu.dma_semaphore, #tpu.memory_space<semaphore_mem>>
        %dma_wait3A_1873 = tpu.memref_squeeze %dma_wait3A_1872 : memref<1x!tpu.dma_semaphore, #tpu.memory_space<semaphore_mem>> -> memref<!tpu.dma_semaphore, #tpu.memory_space<semaphore_mem>>
        %dma_wait3A_1874 = tpu.memref_slice %arg9[%add3A_1863] : memref<52428800xf32, #tpu.memory_space<hbm>> -> memref<8192xf32, #tpu.memory_space<hbm>>
        %dma_wait3A_1875 = tpu.memref_slice %arg18[%mul3A_1861] : memref<32768xf32, #tpu.memory_space<vmem>> -> memref<8192xf32, #tpu.memory_space<vmem>>
        tpu.wait_dma2 semaphore(%dma_wait3A_1873 : memref<!tpu.dma_semaphore, #tpu.memory_space<semaphore_mem>>) src(%dma_wait3A_1875 : memref<8192xf32, #tpu.memory_space<vmem>>) dst(%dma_wait3A_1874 : memref<8192xf32, #tpu.memory_space<hbm>>)
      } else {
      }
      %parallel_loop3A = arith.constant 0 : i32
      %parallel_loop3A_1725 = arith.constant 64 : i32
      %parallel_loop3A_1726 = arith.constant 1 : i32
      scf.for %parallel_loop3A_1804 = %parallel_loop3A to %parallel_loop3A_1725 step %parallel_loop3A_1726  : i32 {
        %parallel_loop3A_1805 = arith.constant 16 : i32
        %parallel_loop3A_1806 = arith.muli %parallel_loop3A_1804, %parallel_loop3A_1805 : i32
        %parallel_loop3A_1807 = arith.index_cast %select_n3A_1411 : i32 to index
        %parallel_loop3A_1808 = arith.index_cast %parallel_loop3A_1806 : i32 to index
        %parallel_loop3A_1809 = tpu.vector_load %arg15[%parallel_loop3A_1807, %parallel_loop3A_1808] {strides = array<i32>} : memref<2x1024xi32, #tpu.memory_space<vmem>>, vector<16xi32>,
        %parallel_loop3A_1810 = arith.constant 16 : i32
        %parallel_loop3A_1811 = arith.muli %parallel_loop3A_1804, %parallel_loop3A_1810 : i32
        %parallel_loop3A_1812 = arith.index_cast %select_n3A_1411 : i32 to index
        %parallel_loop3A_1813 = arith.index_cast %parallel_loop3A_1811 : i32 to index
        %parallel_loop3A_1814 = tpu.vector_load %arg16[%parallel_loop3A_1812, %parallel_loop3A_1813] {strides = array<i32>} : memref<2x1024xi32, #tpu.memory_space<vmem>>, vector<16xi32>,
        %parallel_loop3A_1815 = arith.constant 8 : i32
        %parallel_loop3A_1816 = vector.broadcast %parallel_loop3A_1815 : i32 to vector<16xi32>
        %parallel_loop3A_1817 = arith.muli %parallel_loop3A_1809, %parallel_loop3A_1816 : vector<16xi32>
        %parallel_loop3A_1818 = arith.addi %parallel_loop3A_1817, %parallel_loop3A_1814 : vector<16xi32>
        %parallel_loop3A_1819 = arith.constant 16 : i32
        %parallel_loop3A_1820 = vector.broadcast %parallel_loop3A_1819 : i32 to vector<16xi32>
        %parallel_loop3A_1821 = arith.muli %parallel_loop3A_1818, %parallel_loop3A_1820 : vector<16xi32>
        %parallel_loop3A_1822 = arith.constant 16 : i32
        %parallel_loop3A_1823 = arith.muli %parallel_loop3A_1804, %parallel_loop3A_1822 : i32
        %parallel_loop3A_1824 = vector.broadcast %parallel_loop3A_1823 : i32 to vector<16xi32>
        %parallel_loop3A_1825 = arith.addi %parallel_loop3A_1824, %iota3A : vector<16xi32>
        %parallel_loop3A_1826 = arith.constant 2 : i32
        %parallel_loop3A_1827 = arith.muli %select_n3A_1411, %parallel_loop3A_1826 : i32
        %parallel_loop3A_1828 = arith.constant 8192 : i32
        %parallel_loop3A_1829 = arith.muli %parallel_loop3A_1827, %parallel_loop3A_1828 : i32
        %parallel_loop3A_1830 = arith.constant 8 : i32
        %parallel_loop3A_1831 = arith.divsi %parallel_loop3A_1804, %parallel_loop3A_1830 : i32
        %parallel_loop3A_1832 = arith.constant 0 : i32
        %parallel_loop3A_1833 = arith.cmpi sgt, %parallel_loop3A_1804, %parallel_loop3A_1832 : i32
        %parallel_loop3A_1834 = arith.extui %parallel_loop3A_1833 : i1 to i32
        %parallel_loop3A_1835 = arith.constant 0 : i32
        %parallel_loop3A_1836 = arith.cmpi slt, %parallel_loop3A_1804, %parallel_loop3A_1835 : i32
        %parallel_loop3A_1837 = arith.extui %parallel_loop3A_1836 : i1 to i32
        %parallel_loop3A_1838 = arith.subi %parallel_loop3A_1834, %parallel_loop3A_1837 : i32
        %parallel_loop3A_1839 = arith.constant 0 : i32
        %parallel_loop3A_1840 = arith.cmpi sgt, %parallel_loop3A_1830, %parallel_loop3A_1839 : i32
        %parallel_loop3A_1841 = arith.extui %parallel_loop3A_1840 : i1 to i32
        %parallel_loop3A_1842 = arith.constant 0 : i32
        %parallel_loop3A_1843 = arith.cmpi slt, %parallel_loop3A_1830, %parallel_loop3A_1842 : i32
        %parallel_loop3A_1844 = arith.extui %parallel_loop3A_1843 : i1 to i32
        %parallel_loop3A_1845 = arith.subi %parallel_loop3A_1841, %parallel_loop3A_1844 : i32
        %parallel_loop3A_1846 = arith.cmpi ne, %parallel_loop3A_1838, %parallel_loop3A_1845 : i32
        %parallel_loop3A_1847 = arith.remsi %parallel_loop3A_1804, %parallel_loop3A_1830 : i32
        %parallel_loop3A_1848 = arith.constant 0 : i32
        %parallel_loop3A_1849 = arith.cmpi ne, %parallel_loop3A_1847, %parallel_loop3A_1848 : i32
        %parallel_loop3A_1850 = arith.andi %parallel_loop3A_1846, %parallel_loop3A_1849 : i1
        %parallel_loop3A_1851 = arith.constant 1 : i32
        %parallel_loop3A_1852 = arith.subi %parallel_loop3A_1831, %parallel_loop3A_1851 : i32
        %parallel_loop3A_1853 = arith.select %parallel_loop3A_1850, %parallel_loop3A_1852, %parallel_loop3A_1831 : i32
        %parallel_loop3A_1854 = arith.constant 1024 : i32
        %parallel_loop3A_1855 = arith.muli %parallel_loop3A_1853, %parallel_loop3A_1854 : i32
        %parallel_loop3A_1856 = arith.addi %parallel_loop3A_1829, %parallel_loop3A_1855 : i32
        %parallel_loop3A_1857 = arith.constant 8 : i32
        %parallel_loop3A_1858 = arith.constant 0 : i32
        %parallel_loop3A_1859 = arith.cmpi eq, %parallel_loop3A_1857, %parallel_loop3A_1858 : i32
        %parallel_loop3A_1860 = arith.constant 1 : i32
        %parallel_loop3A_1861 = arith.select %parallel_loop3A_1859, %parallel_loop3A_1860, %parallel_loop3A_1857 : i32
        %parallel_loop3A_1862 = arith.remsi %parallel_loop3A_1804, %parallel_loop3A_1861 : i32
        %parallel_loop3A_1863 = arith.constant 0 : i32
        %parallel_loop3A_1864 = arith.cmpi ne, %parallel_loop3A_1862, %parallel_loop3A_1863 : i32
        %parallel_loop3A_1865 = arith.constant 0 : i32
        %parallel_loop3A_1866 = arith.cmpi slt, %parallel_loop3A_1862, %parallel_loop3A_1865 : i32
        %parallel_loop3A_1867 = arith.constant 0 : i32
        %parallel_loop3A_1868 = arith.cmpi slt, %parallel_loop3A_1861, %parallel_loop3A_1867 : i32
        %parallel_loop3A_1869 = arith.xori %parallel_loop3A_1866, %parallel_loop3A_1868 : i1
        %parallel_loop3A_1870 = arith.andi %parallel_loop3A_1869, %parallel_loop3A_1864 : i1
        %parallel_loop3A_1871 = arith.addi %parallel_loop3A_1862, %parallel_loop3A_1861 : i32
        %parallel_loop3A_1872 = arith.select %parallel_loop3A_1870, %parallel_loop3A_1871, %parallel_loop3A_1862 : i32
        %parallel_loop3A_1873 = arith.constant 16 : i32
        %parallel_loop3A_1874 = arith.muli %parallel_loop3A_1872, %parallel_loop3A_1873 : i32
        %parallel_loop3A_1875 = arith.addi %parallel_loop3A_1856, %parallel_loop3A_1874 : i32
        %parallel_loop3A_1876 = arith.constant 0 : i32
        %parallel_loop3A_1877 = vector.broadcast %parallel_loop3A_1876 : i32 to vector<16xi32>
        %parallel_loop3A_1878 = arith.constant 0 : i32
        %parallel_loop3A_1879 = arith.constant 0 : i32
        %parallel_loop3A_1880 = tpu.memref_slice %arg17[%select_n3A_1411, %parallel_loop3A_1878, %parallel_loop3A_1879] : memref<2x1024x16xf32, #tpu.memory_space<vmem>> -> memref<1x1024x16xf32, #tpu.memory_space<vmem>>
        %parallel_loop3A_1881 = tpu.memref_squeeze %parallel_loop3A_1880 : memref<1x1024x16xf32, #tpu.memory_space<vmem>> -> memref<1024x16xf32, #tpu.memory_space<vmem>>
        %parallel_loop3A_1882 = tpu.vector_load_idx %parallel_loop3A_1881[%parallel_loop3A_1825, %parallel_loop3A_1877] : memref<1024x16xf32, #tpu.memory_space<vmem>>[vector<16xi32>, vector<16xi32>], vector<16xf32>,
        %parallel_loop3A_1883 = arith.constant 0 : i32
        %parallel_loop3A_1884 = vector.broadcast %parallel_loop3A_1883 : i32 to vector<16xi32>
        %parallel_loop3A_1885 = arith.addi %parallel_loop3A_1821, %parallel_loop3A_1884 : vector<16xi32>
        %parallel_loop3A_1886 = tpu.vector_load_idx %arg13[%parallel_loop3A_1885] : memref<12288xf32, #tpu.memory_space<vmem>>[vector<16xi32>], vector<16xf32>,
        %parallel_loop3A_1887 = arith.addf %parallel_loop3A_1882, %parallel_loop3A_1886 : vector<16xf32>
        %parallel_loop3A_1888 = arith.constant 1 : i32
        %parallel_loop3A_1889 = vector.broadcast %parallel_loop3A_1888 : i32 to vector<16xi32>
        %parallel_loop3A_1890 = arith.constant 0 : i32
        %parallel_loop3A_1891 = arith.constant 0 : i32
        %parallel_loop3A_1892 = tpu.memref_slice %arg17[%select_n3A_1411, %parallel_loop3A_1890, %parallel_loop3A_1891] : memref<2x1024x16xf32, #tpu.memory_space<vmem>> -> memref<1x1024x16xf32, #tpu.memory_space<vmem>>
        %parallel_loop3A_1893 = tpu.memref_squeeze %parallel_loop3A_1892 : memref<1x1024x16xf32, #tpu.memory_space<vmem>> -> memref<1024x16xf32, #tpu.memory_space<vmem>>
        %parallel_loop3A_1894 = tpu.vector_load_idx %parallel_loop3A_1893[%parallel_loop3A_1825, %parallel_loop3A_1889] : memref<1024x16xf32, #tpu.memory_space<vmem>>[vector<16xi32>, vector<16xi32>], vector<16xf32>,
        %parallel_loop3A_1895 = arith.constant 1 : i32
        %parallel_loop3A_1896 = vector.broadcast %parallel_loop3A_1895 : i32 to vector<16xi32>
        %parallel_loop3A_1897 = arith.addi %parallel_loop3A_1821, %parallel_loop3A_1896 : vector<16xi32>
        %parallel_loop3A_1898 = tpu.vector_load_idx %arg13[%parallel_loop3A_1897] : memref<12288xf32, #tpu.memory_space<vmem>>[vector<16xi32>], vector<16xf32>,
        %parallel_loop3A_1899 = arith.addf %parallel_loop3A_1894, %parallel_loop3A_1898 : vector<16xf32>
        %parallel_loop3A_1900 = arith.constant 2 : i32
        %parallel_loop3A_1901 = vector.broadcast %parallel_loop3A_1900 : i32 to vector<16xi32>
        %parallel_loop3A_1902 = arith.constant 0 : i32
        %parallel_loop3A_1903 = arith.constant 0 : i32
        %parallel_loop3A_1904 = tpu.memref_slice %arg17[%select_n3A_1411, %parallel_loop3A_1902, %parallel_loop3A_1903] : memref<2x1024x16xf32, #tpu.memory_space<vmem>> -> memref<1x1024x16xf32, #tpu.memory_space<vmem>>
        %parallel_loop3A_1905 = tpu.memref_squeeze %parallel_loop3A_1904 : memref<1x1024x16xf32, #tpu.memory_space<vmem>> -> memref<1024x16xf32, #tpu.memory_space<vmem>>
        %parallel_loop3A_1906 = tpu.vector_load_idx %parallel_loop3A_1905[%parallel_loop3A_1825, %parallel_loop3A_1901] : memref<1024x16xf32, #tpu.memory_space<vmem>>[vector<16xi32>, vector<16xi32>], vector<16xf32>,
        %parallel_loop3A_1907 = arith.constant 2 : i32
        %parallel_loop3A_1908 = vector.broadcast %parallel_loop3A_1907 : i32 to vector<16xi32>
        %parallel_loop3A_1909 = arith.addi %parallel_loop3A_1821, %parallel_loop3A_1908 : vector<16xi32>
        %parallel_loop3A_1910 = tpu.vector_load_idx %arg13[%parallel_loop3A_1909] : memref<12288xf32, #tpu.memory_space<vmem>>[vector<16xi32>], vector<16xf32>,
        %parallel_loop3A_1911 = arith.addf %parallel_loop3A_1906, %parallel_loop3A_1910 : vector<16xf32>
        %parallel_loop3A_1912 = arith.constant 3 : i32
        %parallel_loop3A_1913 = vector.broadcast %parallel_loop3A_1912 : i32 to vector<16xi32>
        %parallel_loop3A_1914 = arith.constant 0 : i32
        %parallel_loop3A_1915 = arith.constant 0 : i32
        %parallel_loop3A_1916 = tpu.memref_slice %arg17[%select_n3A_1411, %parallel_loop3A_1914, %parallel_loop3A_1915] : memref<2x1024x16xf32, #tpu.memory_space<vmem>> -> memref<1x1024x16xf32, #tpu.memory_space<vmem>>
        %parallel_loop3A_1917 = tpu.memref_squeeze %parallel_loop3A_1916 : memref<1x1024x16xf32, #tpu.memory_space<vmem>> -> memref<1024x16xf32, #tpu.memory_space<vmem>>
        %parallel_loop3A_1918 = tpu.vector_load_idx %parallel_loop3A_1917[%parallel_loop3A_1825, %parallel_loop3A_1913] : memref<1024x16xf32, #tpu.memory_space<vmem>>[vector<16xi32>, vector<16xi32>], vector<16xf32>,
        %parallel_loop3A_1919 = arith.constant 3 : i32
        %parallel_loop3A_1920 = vector.broadcast %parallel_loop3A_1919 : i32 to vector<16xi32>
        %parallel_loop3A_1921 = arith.addi %parallel_loop3A_1821, %parallel_loop3A_1920 : vector<16xi32>
        %parallel_loop3A_1922 = tpu.vector_load_idx %arg13[%parallel_loop3A_1921] : memref<12288xf32, #tpu.memory_space<vmem>>[vector<16xi32>], vector<16xf32>,
        %parallel_loop3A_1923 = arith.addf %parallel_loop3A_1918, %parallel_loop3A_1922 : vector<16xf32>
        %parallel_loop3A_1924 = arith.constant 4 : i32
        %parallel_loop3A_1925 = vector.broadcast %parallel_loop3A_1924 : i32 to vector<16xi32>
        %parallel_loop3A_1926 = arith.constant 0 : i32
        %parallel_loop3A_1927 = arith.constant 0 : i32
        %parallel_loop3A_1928 = tpu.memref_slice %arg17[%select_n3A_1411, %parallel_loop3A_1926, %parallel_loop3A_1927] : memref<2x1024x16xf32, #tpu.memory_space<vmem>> -> memref<1x1024x16xf32, #tpu.memory_space<vmem>>
        %parallel_loop3A_1929 = tpu.memref_squeeze %parallel_loop3A_1928 : memref<1x1024x16xf32, #tpu.memory_space<vmem>> -> memref<1024x16xf32, #tpu.memory_space<vmem>>
        %parallel_loop3A_1930 = tpu.vector_load_idx %parallel_loop3A_1929[%parallel_loop3A_1825, %parallel_loop3A_1925] : memref<1024x16xf32, #tpu.memory_space<vmem>>[vector<16xi32>, vector<16xi32>], vector<16xf32>,
        %parallel_loop3A_1931 = arith.constant 4 : i32
        %parallel_loop3A_1932 = vector.broadcast %parallel_loop3A_1931 : i32 to vector<16xi32>
        %parallel_loop3A_1933 = arith.addi %parallel_loop3A_1821, %parallel_loop3A_1932 : vector<16xi32>
        %parallel_loop3A_1934 = tpu.vector_load_idx %arg13[%parallel_loop3A_1933] : memref<12288xf32, #tpu.memory_space<vmem>>[vector<16xi32>], vector<16xf32>,
        %parallel_loop3A_1935 = arith.addf %parallel_loop3A_1930, %parallel_loop3A_1934 : vector<16xf32>
        %parallel_loop3A_1936 = arith.constant 5 : i32
        %parallel_loop3A_1937 = vector.broadcast %parallel_loop3A_1936 : i32 to vector<16xi32>
        %parallel_loop3A_1938 = arith.constant 0 : i32
        %parallel_loop3A_1939 = arith.constant 0 : i32
        %parallel_loop3A_1940 = tpu.memref_slice %arg17[%select_n3A_1411, %parallel_loop3A_1938, %parallel_loop3A_1939] : memref<2x1024x16xf32, #tpu.memory_space<vmem>> -> memref<1x1024x16xf32, #tpu.memory_space<vmem>>
        %parallel_loop3A_1941 = tpu.memref_squeeze %parallel_loop3A_1940 : memref<1x1024x16xf32, #tpu.memory_space<vmem>> -> memref<1024x16xf32, #tpu.memory_space<vmem>>
        %parallel_loop3A_1942 = tpu.vector_load_idx %parallel_loop3A_1941[%parallel_loop3A_1825, %parallel_loop3A_1937] : memref<1024x16xf32, #tpu.memory_space<vmem>>[vector<16xi32>, vector<16xi32>], vector<16xf32>,
        %parallel_loop3A_1943 = arith.constant 5 : i32
        %parallel_loop3A_1944 = vector.broadcast %parallel_loop3A_1943 : i32 to vector<16xi32>
        %parallel_loop3A_1945 = arith.addi %parallel_loop3A_1821, %parallel_loop3A_1944 : vector<16xi32>
        %parallel_loop3A_1946 = tpu.vector_load_idx %arg13[%parallel_loop3A_1945] : memref<12288xf32, #tpu.memory_space<vmem>>[vector<16xi32>], vector<16xf32>,
        %parallel_loop3A_1947 = arith.addf %parallel_loop3A_1942, %parallel_loop3A_1946 : vector<16xf32>
        %parallel_loop3A_1948 = arith.constant 6 : i32
        %parallel_loop3A_1949 = vector.broadcast %parallel_loop3A_1948 : i32 to vector<16xi32>
        %parallel_loop3A_1950 = arith.constant 0 : i32
        %parallel_loop3A_1951 = arith.constant 0 : i32
        %parallel_loop3A_1952 = tpu.memref_slice %arg17[%select_n3A_1411, %parallel_loop3A_1950, %parallel_loop3A_1951] : memref<2x1024x16xf32, #tpu.memory_space<vmem>> -> memref<1x1024x16xf32, #tpu.memory_space<vmem>>
        %parallel_loop3A_1953 = tpu.memref_squeeze %parallel_loop3A_1952 : memref<1x1024x16xf32, #tpu.memory_space<vmem>> -> memref<1024x16xf32, #tpu.memory_space<vmem>>
        %parallel_loop3A_1954 = tpu.vector_load_idx %parallel_loop3A_1953[%parallel_loop3A_1825, %parallel_loop3A_1949] : memref<1024x16xf32, #tpu.memory_space<vmem>>[vector<16xi32>, vector<16xi32>], vector<16xf32>,
        %parallel_loop3A_1955 = arith.constant 6 : i32
        %parallel_loop3A_1956 = vector.broadcast %parallel_loop3A_1955 : i32 to vector<16xi32>
        %parallel_loop3A_1957 = arith.addi %parallel_loop3A_1821, %parallel_loop3A_1956 : vector<16xi32>
        %parallel_loop3A_1958 = tpu.vector_load_idx %arg13[%parallel_loop3A_1957] : memref<12288xf32, #tpu.memory_space<vmem>>[vector<16xi32>], vector<16xf32>,
        %parallel_loop3A_1959 = arith.addf %parallel_loop3A_1954, %parallel_loop3A_1958 : vector<16xf32>
        %parallel_loop3A_1960 = arith.constant 7 : i32
        %parallel_loop3A_1961 = vector.broadcast %parallel_loop3A_1960 : i32 to vector<16xi32>
        %parallel_loop3A_1962 = arith.constant 0 : i32
        %parallel_loop3A_1963 = arith.constant 0 : i32
        %parallel_loop3A_1964 = tpu.memref_slice %arg17[%select_n3A_1411, %parallel_loop3A_1962, %parallel_loop3A_1963] : memref<2x1024x16xf32, #tpu.memory_space<vmem>> -> memref<1x1024x16xf32, #tpu.memory_space<vmem>>
        %parallel_loop3A_1965 = tpu.memref_squeeze %parallel_loop3A_1964 : memref<1x1024x16xf32, #tpu.memory_space<vmem>> -> memref<1024x16xf32, #tpu.memory_space<vmem>>
        %parallel_loop3A_1966 = tpu.vector_load_idx %parallel_loop3A_1965[%parallel_loop3A_1825, %parallel_loop3A_1961] : memref<1024x16xf32, #tpu.memory_space<vmem>>[vector<16xi32>, vector<16xi32>], vector<16xf32>,
        %parallel_loop3A_1967 = arith.constant 7 : i32
        %parallel_loop3A_1968 = vector.broadcast %parallel_loop3A_1967 : i32 to vector<16xi32>
        %parallel_loop3A_1969 = arith.addi %parallel_loop3A_1821, %parallel_loop3A_1968 : vector<16xi32>
        %parallel_loop3A_1970 = tpu.vector_load_idx %arg13[%parallel_loop3A_1969] : memref<12288xf32, #tpu.memory_space<vmem>>[vector<16xi32>], vector<16xf32>,
        %parallel_loop3A_1971 = arith.addf %parallel_loop3A_1966, %parallel_loop3A_1970 : vector<16xf32>
        %parallel_loop3A_1972 = arith.constant 8 : i32
        %parallel_loop3A_1973 = vector.broadcast %parallel_loop3A_1972 : i32 to vector<16xi32>
        %parallel_loop3A_1974 = arith.constant 0 : i32
        %parallel_loop3A_1975 = arith.constant 0 : i32
        %parallel_loop3A_1976 = tpu.memref_slice %arg17[%select_n3A_1411, %parallel_loop3A_1974, %parallel_loop3A_1975] : memref<2x1024x16xf32, #tpu.memory_space<vmem>> -> memref<1x1024x16xf32, #tpu.memory_space<vmem>>
        %parallel_loop3A_1977 = tpu.memref_squeeze %parallel_loop3A_1976 : memref<1x1024x16xf32, #tpu.memory_space<vmem>> -> memref<1024x16xf32, #tpu.memory_space<vmem>>
        %parallel_loop3A_1978 = tpu.vector_load_idx %parallel_loop3A_1977[%parallel_loop3A_1825, %parallel_loop3A_1973] : memref<1024x16xf32, #tpu.memory_space<vmem>>[vector<16xi32>, vector<16xi32>], vector<16xf32>,
        %parallel_loop3A_1979 = arith.constant 8 : i32
        %parallel_loop3A_1980 = vector.broadcast %parallel_loop3A_1979 : i32 to vector<16xi32>
        %parallel_loop3A_1981 = arith.addi %parallel_loop3A_1821, %parallel_loop3A_1980 : vector<16xi32>
        %parallel_loop3A_1982 = tpu.vector_load_idx %arg13[%parallel_loop3A_1981] : memref<12288xf32, #tpu.memory_space<vmem>>[vector<16xi32>], vector<16xf32>,
        %parallel_loop3A_1983 = arith.addf %parallel_loop3A_1978, %parallel_loop3A_1982 : vector<16xf32>
        %parallel_loop3A_1984 = arith.constant 9 : i32
        %parallel_loop3A_1985 = vector.broadcast %parallel_loop3A_1984 : i32 to vector<16xi32>
        %parallel_loop3A_1986 = arith.constant 0 : i32
        %parallel_loop3A_1987 = arith.constant 0 : i32
        %parallel_loop3A_1988 = tpu.memref_slice %arg17[%select_n3A_1411, %parallel_loop3A_1986, %parallel_loop3A_1987] : memref<2x1024x16xf32, #tpu.memory_space<vmem>> -> memref<1x1024x16xf32, #tpu.memory_space<vmem>>
        %parallel_loop3A_1989 = tpu.memref_squeeze %parallel_loop3A_1988 : memref<1x1024x16xf32, #tpu.memory_space<vmem>> -> memref<1024x16xf32, #tpu.memory_space<vmem>>
        %parallel_loop3A_1990 = tpu.vector_load_idx %parallel_loop3A_1989[%parallel_loop3A_1825, %parallel_loop3A_1985] : memref<1024x16xf32, #tpu.memory_space<vmem>>[vector<16xi32>, vector<16xi32>], vector<16xf32>,
        %parallel_loop3A_1991 = arith.constant 9 : i32
        %parallel_loop3A_1992 = vector.broadcast %parallel_loop3A_1991 : i32 to vector<16xi32>
        %parallel_loop3A_1993 = arith.addi %parallel_loop3A_1821, %parallel_loop3A_1992 : vector<16xi32>
        %parallel_loop3A_1994 = tpu.vector_load_idx %arg13[%parallel_loop3A_1993] : memref<12288xf32, #tpu.memory_space<vmem>>[vector<16xi32>], vector<16xf32>,
        %parallel_loop3A_1995 = arith.addf %parallel_loop3A_1990, %parallel_loop3A_1994 : vector<16xf32>
        %parallel_loop3A_1996 = arith.constant 10 : i32
        %parallel_loop3A_1997 = vector.broadcast %parallel_loop3A_1996 : i32 to vector<16xi32>
        %parallel_loop3A_1998 = arith.constant 0 : i32
        %parallel_loop3A_1999 = arith.constant 0 : i32
        %parallel_loop3A_2000 = tpu.memref_slice %arg17[%select_n3A_1411, %parallel_loop3A_1998, %parallel_loop3A_1999] : memref<2x1024x16xf32, #tpu.memory_space<vmem>> -> memref<1x1024x16xf32, #tpu.memory_space<vmem>>
        %parallel_loop3A_2001 = tpu.memref_squeeze %parallel_loop3A_2000 : memref<1x1024x16xf32, #tpu.memory_space<vmem>> -> memref<1024x16xf32, #tpu.memory_space<vmem>>
        %parallel_loop3A_2002 = tpu.vector_load_idx %parallel_loop3A_2001[%parallel_loop3A_1825, %parallel_loop3A_1997] : memref<1024x16xf32, #tpu.memory_space<vmem>>[vector<16xi32>, vector<16xi32>], vector<16xf32>,
        %parallel_loop3A_2003 = arith.constant 10 : i32
        %parallel_loop3A_2004 = vector.broadcast %parallel_loop3A_2003 : i32 to vector<16xi32>
        %parallel_loop3A_2005 = arith.addi %parallel_loop3A_1821, %parallel_loop3A_2004 : vector<16xi32>
        %parallel_loop3A_2006 = tpu.vector_load_idx %arg13[%parallel_loop3A_2005] : memref<12288xf32, #tpu.memory_space<vmem>>[vector<16xi32>], vector<16xf32>,
        %parallel_loop3A_2007 = arith.addf %parallel_loop3A_2002, %parallel_loop3A_2006 : vector<16xf32>
        %parallel_loop3A_2008 = arith.constant 11 : i32
        %parallel_loop3A_2009 = vector.broadcast %parallel_loop3A_2008 : i32 to vector<16xi32>
        %parallel_loop3A_2010 = arith.constant 0 : i32
        %parallel_loop3A_2011 = arith.constant 0 : i32
        %parallel_loop3A_2012 = tpu.memref_slice %arg17[%select_n3A_1411, %parallel_loop3A_2010, %parallel_loop3A_2011] : memref<2x1024x16xf32, #tpu.memory_space<vmem>> -> memref<1x1024x16xf32, #tpu.memory_space<vmem>>
        %parallel_loop3A_2013 = tpu.memref_squeeze %parallel_loop3A_2012 : memref<1x1024x16xf32, #tpu.memory_space<vmem>> -> memref<1024x16xf32, #tpu.memory_space<vmem>>
        %parallel_loop3A_2014 = tpu.vector_load_idx %parallel_loop3A_2013[%parallel_loop3A_1825, %parallel_loop3A_2009] : memref<1024x16xf32, #tpu.memory_space<vmem>>[vector<16xi32>, vector<16xi32>], vector<16xf32>,
        %parallel_loop3A_2015 = arith.constant 11 : i32
        %parallel_loop3A_2016 = vector.broadcast %parallel_loop3A_2015 : i32 to vector<16xi32>
        %parallel_loop3A_2017 = arith.addi %parallel_loop3A_1821, %parallel_loop3A_2016 : vector<16xi32>
        %parallel_loop3A_2018 = tpu.vector_load_idx %arg13[%parallel_loop3A_2017] : memref<12288xf32, #tpu.memory_space<vmem>>[vector<16xi32>], vector<16xf32>,
        %parallel_loop3A_2019 = arith.addf %parallel_loop3A_2014, %parallel_loop3A_2018 : vector<16xf32>
        %parallel_loop3A_2020 = arith.constant 12 : i32
        %parallel_loop3A_2021 = vector.broadcast %parallel_loop3A_2020 : i32 to vector<16xi32>
        %parallel_loop3A_2022 = arith.constant 0 : i32
        %parallel_loop3A_2023 = arith.constant 0 : i32
        %parallel_loop3A_2024 = tpu.memref_slice %arg17[%select_n3A_1411, %parallel_loop3A_2022, %parallel_loop3A_2023] : memref<2x1024x16xf32, #tpu.memory_space<vmem>> -> memref<1x1024x16xf32, #tpu.memory_space<vmem>>
        %parallel_loop3A_2025 = tpu.memref_squeeze %parallel_loop3A_2024 : memref<1x1024x16xf32, #tpu.memory_space<vmem>> -> memref<1024x16xf32, #tpu.memory_space<vmem>>
        %parallel_loop3A_2026 = tpu.vector_load_idx %parallel_loop3A_2025[%parallel_loop3A_1825, %parallel_loop3A_2021] : memref<1024x16xf32, #tpu.memory_space<vmem>>[vector<16xi32>, vector<16xi32>], vector<16xf32>,
        %parallel_loop3A_2027 = arith.constant 12 : i32
        %parallel_loop3A_2028 = vector.broadcast %parallel_loop3A_2027 : i32 to vector<16xi32>
        %parallel_loop3A_2029 = arith.addi %parallel_loop3A_1821, %parallel_loop3A_2028 : vector<16xi32>
        %parallel_loop3A_2030 = tpu.vector_load_idx %arg13[%parallel_loop3A_2029] : memref<12288xf32, #tpu.memory_space<vmem>>[vector<16xi32>], vector<16xf32>,
        %parallel_loop3A_2031 = arith.addf %parallel_loop3A_2026, %parallel_loop3A_2030 : vector<16xf32>
        %parallel_loop3A_2032 = arith.constant 13 : i32
        %parallel_loop3A_2033 = vector.broadcast %parallel_loop3A_2032 : i32 to vector<16xi32>
        %parallel_loop3A_2034 = arith.constant 0 : i32
        %parallel_loop3A_2035 = arith.constant 0 : i32
        %parallel_loop3A_2036 = tpu.memref_slice %arg17[%select_n3A_1411, %parallel_loop3A_2034, %parallel_loop3A_2035] : memref<2x1024x16xf32, #tpu.memory_space<vmem>> -> memref<1x1024x16xf32, #tpu.memory_space<vmem>>
        %parallel_loop3A_2037 = tpu.memref_squeeze %parallel_loop3A_2036 : memref<1x1024x16xf32, #tpu.memory_space<vmem>> -> memref<1024x16xf32, #tpu.memory_space<vmem>>
        %parallel_loop3A_2038 = tpu.vector_load_idx %parallel_loop3A_2037[%parallel_loop3A_1825, %parallel_loop3A_2033] : memref<1024x16xf32, #tpu.memory_space<vmem>>[vector<16xi32>, vector<16xi32>], vector<16xf32>,
        %parallel_loop3A_2039 = arith.constant 13 : i32
        %parallel_loop3A_2040 = vector.broadcast %parallel_loop3A_2039 : i32 to vector<16xi32>
        %parallel_loop3A_2041 = arith.addi %parallel_loop3A_1821, %parallel_loop3A_2040 : vector<16xi32>
        %parallel_loop3A_2042 = tpu.vector_load_idx %arg13[%parallel_loop3A_2041] : memref<12288xf32, #tpu.memory_space<vmem>>[vector<16xi32>], vector<16xf32>,
        %parallel_loop3A_2043 = arith.addf %parallel_loop3A_2038, %parallel_loop3A_2042 : vector<16xf32>
        %parallel_loop3A_2044 = arith.constant 14 : i32
        %parallel_loop3A_2045 = vector.broadcast %parallel_loop3A_2044 : i32 to vector<16xi32>
        %parallel_loop3A_2046 = arith.constant 0 : i32
        %parallel_loop3A_2047 = arith.constant 0 : i32
        %parallel_loop3A_2048 = tpu.memref_slice %arg17[%select_n3A_1411, %parallel_loop3A_2046, %parallel_loop3A_2047] : memref<2x1024x16xf32, #tpu.memory_space<vmem>> -> memref<1x1024x16xf32, #tpu.memory_space<vmem>>
        %parallel_loop3A_2049 = tpu.memref_squeeze %parallel_loop3A_2048 : memref<1x1024x16xf32, #tpu.memory_space<vmem>> -> memref<1024x16xf32, #tpu.memory_space<vmem>>
        %parallel_loop3A_2050 = tpu.vector_load_idx %parallel_loop3A_2049[%parallel_loop3A_1825, %parallel_loop3A_2045] : memref<1024x16xf32, #tpu.memory_space<vmem>>[vector<16xi32>, vector<16xi32>], vector<16xf32>,
        %parallel_loop3A_2051 = arith.constant 14 : i32
        %parallel_loop3A_2052 = vector.broadcast %parallel_loop3A_2051 : i32 to vector<16xi32>
        %parallel_loop3A_2053 = arith.addi %parallel_loop3A_1821, %parallel_loop3A_2052 : vector<16xi32>
        %parallel_loop3A_2054 = tpu.vector_load_idx %arg13[%parallel_loop3A_2053] : memref<12288xf32, #tpu.memory_space<vmem>>[vector<16xi32>], vector<16xf32>,
        %parallel_loop3A_2055 = arith.addf %parallel_loop3A_2050, %parallel_loop3A_2054 : vector<16xf32>
        %parallel_loop3A_2056 = arith.constant 15 : i32
        %parallel_loop3A_2057 = vector.broadcast %parallel_loop3A_2056 : i32 to vector<16xi32>
        %parallel_loop3A_2058 = arith.constant 0 : i32
        %parallel_loop3A_2059 = arith.constant 0 : i32
        %parallel_loop3A_2060 = tpu.memref_slice %arg17[%select_n3A_1411, %parallel_loop3A_2058, %parallel_loop3A_2059] : memref<2x1024x16xf32, #tpu.memory_space<vmem>> -> memref<1x1024x16xf32, #tpu.memory_space<vmem>>
        %parallel_loop3A_2061 = tpu.memref_squeeze %parallel_loop3A_2060 : memref<1x1024x16xf32, #tpu.memory_space<vmem>> -> memref<1024x16xf32, #tpu.memory_space<vmem>>
        %parallel_loop3A_2062 = tpu.vector_load_idx %parallel_loop3A_2061[%parallel_loop3A_1825, %parallel_loop3A_2057] : memref<1024x16xf32, #tpu.memory_space<vmem>>[vector<16xi32>, vector<16xi32>], vector<16xf32>,
        %parallel_loop3A_2063 = arith.constant 15 : i32
        %parallel_loop3A_2064 = vector.broadcast %parallel_loop3A_2063 : i32 to vector<16xi32>
        %parallel_loop3A_2065 = arith.addi %parallel_loop3A_1821, %parallel_loop3A_2064 : vector<16xi32>
        %parallel_loop3A_2066 = tpu.vector_load_idx %arg13[%parallel_loop3A_2065] : memref<12288xf32, #tpu.memory_space<vmem>>[vector<16xi32>], vector<16xf32>,
        %parallel_loop3A_2067 = arith.addf %parallel_loop3A_2062, %parallel_loop3A_2066 : vector<16xf32>
        %parallel_loop3A_2068 = arith.constant 0 : i32
        %parallel_loop3A_2069 = arith.addi %parallel_loop3A_1875, %parallel_loop3A_2068 : i32
        %parallel_loop3A_2070 = arith.constant 0 : i32
        %parallel_loop3A_2071 = arith.addi %parallel_loop3A_2069, %parallel_loop3A_2070 : i32
        %parallel_loop3A_2072 = arith.index_cast %parallel_loop3A_2071 : i32 to index
        %parallel_loop3A_2073 = tpu.vector_load %arg18[%parallel_loop3A_2072] {strides = array<i32>} : memref<32768xf32, #tpu.memory_space<vmem>>, vector<16xf32>,
        tpu.vector_store %arg18[%parallel_loop3A_2072], %parallel_loop3A_1887 {strides = array<i32>} : memref<32768xf32, #tpu.memory_space<vmem>>, vector<16xf32>,
        %parallel_loop3A_2074 = arith.constant 0 : i32
        %parallel_loop3A_2075 = arith.addi %parallel_loop3A_1875, %parallel_loop3A_2074 : i32
        %parallel_loop3A_2076 = arith.constant 128 : i32
        %parallel_loop3A_2077 = arith.addi %parallel_loop3A_2075, %parallel_loop3A_2076 : i32
        %parallel_loop3A_2078 = arith.index_cast %parallel_loop3A_2077 : i32 to index
        %parallel_loop3A_2079 = tpu.vector_load %arg18[%parallel_loop3A_2078] {strides = array<i32>} : memref<32768xf32, #tpu.memory_space<vmem>>, vector<16xf32>,
        tpu.vector_store %arg18[%parallel_loop3A_2078], %parallel_loop3A_1899 {strides = array<i32>} : memref<32768xf32, #tpu.memory_space<vmem>>, vector<16xf32>,
        %parallel_loop3A_2080 = arith.constant 0 : i32
        %parallel_loop3A_2081 = arith.addi %parallel_loop3A_1875, %parallel_loop3A_2080 : i32
        %parallel_loop3A_2082 = arith.constant 256 : i32
        %parallel_loop3A_2083 = arith.addi %parallel_loop3A_2081, %parallel_loop3A_2082 : i32
        %parallel_loop3A_2084 = arith.index_cast %parallel_loop3A_2083 : i32 to index
        %parallel_loop3A_2085 = tpu.vector_load %arg18[%parallel_loop3A_2084] {strides = array<i32>} : memref<32768xf32, #tpu.memory_space<vmem>>, vector<16xf32>,
        tpu.vector_store %arg18[%parallel_loop3A_2084], %parallel_loop3A_1911 {strides = array<i32>} : memref<32768xf32, #tpu.memory_space<vmem>>, vector<16xf32>,
        %parallel_loop3A_2086 = arith.constant 0 : i32
        %parallel_loop3A_2087 = arith.addi %parallel_loop3A_1875, %parallel_loop3A_2086 : i32
        %parallel_loop3A_2088 = arith.constant 384 : i32
        %parallel_loop3A_2089 = arith.addi %parallel_loop3A_2087, %parallel_loop3A_2088 : i32
        %parallel_loop3A_2090 = arith.index_cast %parallel_loop3A_2089 : i32 to index
        %parallel_loop3A_2091 = tpu.vector_load %arg18[%parallel_loop3A_2090] {strides = array<i32>} : memref<32768xf32, #tpu.memory_space<vmem>>, vector<16xf32>,
        tpu.vector_store %arg18[%parallel_loop3A_2090], %parallel_loop3A_1923 {strides = array<i32>} : memref<32768xf32, #tpu.memory_space<vmem>>, vector<16xf32>,
        %parallel_loop3A_2092 = arith.constant 0 : i32
        %parallel_loop3A_2093 = arith.addi %parallel_loop3A_1875, %parallel_loop3A_2092 : i32
        %parallel_loop3A_2094 = arith.constant 512 : i32
        %parallel_loop3A_2095 = arith.addi %parallel_loop3A_2093, %parallel_loop3A_2094 : i32
        %parallel_loop3A_2096 = arith.index_cast %parallel_loop3A_2095 : i32 to index
        %parallel_loop3A_2097 = tpu.vector_load %arg18[%parallel_loop3A_2096] {strides = array<i32>} : memref<32768xf32, #tpu.memory_space<vmem>>, vector<16xf32>,
        tpu.vector_store %arg18[%parallel_loop3A_2096], %parallel_loop3A_1935 {strides = array<i32>} : memref<32768xf32, #tpu.memory_space<vmem>>, vector<16xf32>,
        %parallel_loop3A_2098 = arith.constant 0 : i32
        %parallel_loop3A_2099 = arith.addi %parallel_loop3A_1875, %parallel_loop3A_2098 : i32
        %parallel_loop3A_2100 = arith.constant 640 : i32
        %parallel_loop3A_2101 = arith.addi %parallel_loop3A_2099, %parallel_loop3A_2100 : i32
        %parallel_loop3A_2102 = arith.index_cast %parallel_loop3A_2101 : i32 to index
        %parallel_loop3A_2103 = tpu.vector_load %arg18[%parallel_loop3A_2102] {strides = array<i32>} : memref<32768xf32, #tpu.memory_space<vmem>>, vector<16xf32>,
        tpu.vector_store %arg18[%parallel_loop3A_2102], %parallel_loop3A_1947 {strides = array<i32>} : memref<32768xf32, #tpu.memory_space<vmem>>, vector<16xf32>,
        %parallel_loop3A_2104 = arith.constant 0 : i32
        %parallel_loop3A_2105 = arith.addi %parallel_loop3A_1875, %parallel_loop3A_2104 : i32
        %parallel_loop3A_2106 = arith.constant 768 : i32
        %parallel_loop3A_2107 = arith.addi %parallel_loop3A_2105, %parallel_loop3A_2106 : i32
        %parallel_loop3A_2108 = arith.index_cast %parallel_loop3A_2107 : i32 to index
        %parallel_loop3A_2109 = tpu.vector_load %arg18[%parallel_loop3A_2108] {strides = array<i32>} : memref<32768xf32, #tpu.memory_space<vmem>>, vector<16xf32>,
        tpu.vector_store %arg18[%parallel_loop3A_2108], %parallel_loop3A_1959 {strides = array<i32>} : memref<32768xf32, #tpu.memory_space<vmem>>, vector<16xf32>,
        %parallel_loop3A_2110 = arith.constant 0 : i32
        %parallel_loop3A_2111 = arith.addi %parallel_loop3A_1875, %parallel_loop3A_2110 : i32
        %parallel_loop3A_2112 = arith.constant 896 : i32
        %parallel_loop3A_2113 = arith.addi %parallel_loop3A_2111, %parallel_loop3A_2112 : i32
        %parallel_loop3A_2114 = arith.index_cast %parallel_loop3A_2113 : i32 to index
        %parallel_loop3A_2115 = tpu.vector_load %arg18[%parallel_loop3A_2114] {strides = array<i32>} : memref<32768xf32, #tpu.memory_space<vmem>>, vector<16xf32>,
        tpu.vector_store %arg18[%parallel_loop3A_2114], %parallel_loop3A_1971 {strides = array<i32>} : memref<32768xf32, #tpu.memory_space<vmem>>, vector<16xf32>,
        %parallel_loop3A_2116 = arith.constant 8192 : i32
        %parallel_loop3A_2117 = arith.addi %parallel_loop3A_1875, %parallel_loop3A_2116 : i32
        %parallel_loop3A_2118 = arith.constant 0 : i32
        %parallel_loop3A_2119 = arith.addi %parallel_loop3A_2117, %parallel_loop3A_2118 : i32
        %parallel_loop3A_2120 = arith.index_cast %parallel_loop3A_2119 : i32 to index
        %parallel_loop3A_2121 = tpu.vector_load %arg18[%parallel_loop3A_2120] {strides = array<i32>} : memref<32768xf32, #tpu.memory_space<vmem>>, vector<16xf32>,
        tpu.vector_store %arg18[%parallel_loop3A_2120], %parallel_loop3A_1983 {strides = array<i32>} : memref<32768xf32, #tpu.memory_space<vmem>>, vector<16xf32>,
        %parallel_loop3A_2122 = arith.constant 8192 : i32
        %parallel_loop3A_2123 = arith.addi %parallel_loop3A_1875, %parallel_loop3A_2122 : i32
        %parallel_loop3A_2124 = arith.constant 128 : i32
        %parallel_loop3A_2125 = arith.addi %parallel_loop3A_2123, %parallel_loop3A_2124 : i32
        %parallel_loop3A_2126 = arith.index_cast %parallel_loop3A_2125 : i32 to index
        %parallel_loop3A_2127 = tpu.vector_load %arg18[%parallel_loop3A_2126] {strides = array<i32>} : memref<32768xf32, #tpu.memory_space<vmem>>, vector<16xf32>,
        tpu.vector_store %arg18[%parallel_loop3A_2126], %parallel_loop3A_1995 {strides = array<i32>} : memref<32768xf32, #tpu.memory_space<vmem>>, vector<16xf32>,
        %parallel_loop3A_2128 = arith.constant 8192 : i32
        %parallel_loop3A_2129 = arith.addi %parallel_loop3A_1875, %parallel_loop3A_2128 : i32
        %parallel_loop3A_2130 = arith.constant 256 : i32
        %parallel_loop3A_2131 = arith.addi %parallel_loop3A_2129, %parallel_loop3A_2130 : i32
        %parallel_loop3A_2132 = arith.index_cast %parallel_loop3A_2131 : i32 to index
        %parallel_loop3A_2133 = tpu.vector_load %arg18[%parallel_loop3A_2132] {strides = array<i32>} : memref<32768xf32, #tpu.memory_space<vmem>>, vector<16xf32>,
        tpu.vector_store %arg18[%parallel_loop3A_2132], %parallel_loop3A_2007 {strides = array<i32>} : memref<32768xf32, #tpu.memory_space<vmem>>, vector<16xf32>,
        %parallel_loop3A_2134 = arith.constant 8192 : i32
        %parallel_loop3A_2135 = arith.addi %parallel_loop3A_1875, %parallel_loop3A_2134 : i32
        %parallel_loop3A_2136 = arith.constant 384 : i32
        %parallel_loop3A_2137 = arith.addi %parallel_loop3A_2135, %parallel_loop3A_2136 : i32
        %parallel_loop3A_2138 = arith.index_cast %parallel_loop3A_2137 : i32 to index
        %parallel_loop3A_2139 = tpu.vector_load %arg18[%parallel_loop3A_2138] {strides = array<i32>} : memref<32768xf32, #tpu.memory_space<vmem>>, vector<16xf32>,
        tpu.vector_store %arg18[%parallel_loop3A_2138], %parallel_loop3A_2019 {strides = array<i32>} : memref<32768xf32, #tpu.memory_space<vmem>>, vector<16xf32>,
        %parallel_loop3A_2140 = arith.constant 8192 : i32
        %parallel_loop3A_2141 = arith.addi %parallel_loop3A_1875, %parallel_loop3A_2140 : i32
        %parallel_loop3A_2142 = arith.constant 512 : i32
        %parallel_loop3A_2143 = arith.addi %parallel_loop3A_2141, %parallel_loop3A_2142 : i32
        %parallel_loop3A_2144 = arith.index_cast %parallel_loop3A_2143 : i32 to index
        %parallel_loop3A_2145 = tpu.vector_load %arg18[%parallel_loop3A_2144] {strides = array<i32>} : memref<32768xf32, #tpu.memory_space<vmem>>, vector<16xf32>,
        tpu.vector_store %arg18[%parallel_loop3A_2144], %parallel_loop3A_2031 {strides = array<i32>} : memref<32768xf32, #tpu.memory_space<vmem>>, vector<16xf32>,
        %parallel_loop3A_2146 = arith.constant 8192 : i32
        %parallel_loop3A_2147 = arith.addi %parallel_loop3A_1875, %parallel_loop3A_2146 : i32
        %parallel_loop3A_2148 = arith.constant 640 : i32
        %parallel_loop3A_2149 = arith.addi %parallel_loop3A_2147, %parallel_loop3A_2148 : i32
        %parallel_loop3A_2150 = arith.index_cast %parallel_loop3A_2149 : i32 to index
        %parallel_loop3A_2151 = tpu.vector_load %arg18[%parallel_loop3A_2150] {strides = array<i32>} : memref<32768xf32, #tpu.memory_space<vmem>>, vector<16xf32>,
        tpu.vector_store %arg18[%parallel_loop3A_2150], %parallel_loop3A_2043 {strides = array<i32>} : memref<32768xf32, #tpu.memory_space<vmem>>, vector<16xf32>,
        %parallel_loop3A_2152 = arith.constant 8192 : i32
        %parallel_loop3A_2153 = arith.addi %parallel_loop3A_1875, %parallel_loop3A_2152 : i32
        %parallel_loop3A_2154 = arith.constant 768 : i32
        %parallel_loop3A_2155 = arith.addi %parallel_loop3A_2153, %parallel_loop3A_2154 : i32
        %parallel_loop3A_2156 = arith.index_cast %parallel_loop3A_2155 : i32 to index
        %parallel_loop3A_2157 = tpu.vector_load %arg18[%parallel_loop3A_2156] {strides = array<i32>} : memref<32768xf32, #tpu.memory_space<vmem>>, vector<16xf32>,
        tpu.vector_store %arg18[%parallel_loop3A_2156], %parallel_loop3A_2055 {strides = array<i32>} : memref<32768xf32, #tpu.memory_space<vmem>>, vector<16xf32>,
        %parallel_loop3A_2158 = arith.constant 8192 : i32
        %parallel_loop3A_2159 = arith.addi %parallel_loop3A_1875, %parallel_loop3A_2158 : i32
        %parallel_loop3A_2160 = arith.constant 896 : i32
        %parallel_loop3A_2161 = arith.addi %parallel_loop3A_2159, %parallel_loop3A_2160 : i32
        %parallel_loop3A_2162 = arith.index_cast %parallel_loop3A_2161 : i32 to index
        %parallel_loop3A_2163 = tpu.vector_load %arg18[%parallel_loop3A_2162] {strides = array<i32>} : memref<32768xf32, #tpu.memory_space<vmem>>, vector<16xf32>,
        tpu.vector_store %arg18[%parallel_loop3A_2162], %parallel_loop3A_2067 {strides = array<i32>} : memref<32768xf32, #tpu.memory_space<vmem>>, vector<16xf32>,
      } {sc.loop_unroll_factor = 4 : i64, sc.parallel_access}
      %add3A_1727 = arith.addi %mul3A_7, %scan3A_1395 : i32
      %jit3A_1728 = arith.constant 16 : i32
      %div3A_1729 = arith.divsi %add3A_1727, %jit3A_1728 : i32
      %sign3A_1730 = arith.constant 0 : i32
      %sign3A_1731 = arith.cmpi sgt, %add3A_1727, %sign3A_1730 : i32
      %sign3A_1732 = arith.extui %sign3A_1731 : i1 to i32
      %sign3A_1733 = arith.constant 0 : i32
      %sign3A_1734 = arith.cmpi slt, %add3A_1727, %sign3A_1733 : i32
      %sign3A_1735 = arith.extui %sign3A_1734 : i1 to i32
      %sign3A_1736 = arith.subi %sign3A_1732, %sign3A_1735 : i32
      %sign3A_1737 = arith.constant 0 : i32
      %sign3A_1738 = arith.cmpi sgt, %jit3A_1728, %sign3A_1737 : i32
      %sign3A_1739 = arith.extui %sign3A_1738 : i1 to i32
      %sign3A_1740 = arith.constant 0 : i32
      %sign3A_1741 = arith.cmpi slt, %jit3A_1728, %sign3A_1740 : i32
      %sign3A_1742 = arith.extui %sign3A_1741 : i1 to i32
      %sign3A_1743 = arith.subi %sign3A_1739, %sign3A_1742 : i32
      %ne3A_1744 = arith.cmpi ne, %sign3A_1736, %sign3A_1743 : i32
      %rem3A_1745 = arith.remsi %add3A_1727, %jit3A_1728 : i32
      %ne3A_1746 = arith.constant 0 : i32
      %ne3A_1747 = arith.cmpi ne, %rem3A_1745, %ne3A_1746 : i32
      %and3A_1748 = arith.andi %ne3A_1744, %ne3A_1747 : i1
      %sub3A_1749 = arith.constant 1 : i32
      %sub3A_1750 = arith.subi %div3A_1729, %sub3A_1749 : i32
      %select_n3A_1751 = arith.select %and3A_1748, %sub3A_1750, %div3A_1729 : i32
      %mul3A_1752 = arith.constant 262144 : i32
      %mul3A_1753 = arith.muli %select_n3A_1751, %mul3A_1752 : i32
      %jit3A_1754 = arith.constant 16 : i32
      %eq3A_1755 = arith.constant 0 : i32
      %eq3A_1756 = arith.cmpi eq, %jit3A_1754, %eq3A_1755 : i32
      %jit3A_1757 = arith.constant 1 : i32
      %select_n3A_1758 = arith.select %eq3A_1756, %jit3A_1757, %jit3A_1754 : i32
      %rem3A_1759 = arith.remsi %add3A_1727, %select_n3A_1758 : i32
      %ne3A_1760 = arith.constant 0 : i32
      %ne3A_1761 = arith.cmpi ne, %rem3A_1759, %ne3A_1760 : i32
      %lt3A_1762 = arith.constant 0 : i32
      %lt3A_1763 = arith.cmpi slt, %rem3A_1759, %lt3A_1762 : i32
      %lt3A_1764 = arith.constant 0 : i32
      %lt3A_1765 = arith.cmpi slt, %select_n3A_1758, %lt3A_1764 : i32
      %ne3A_1766 = arith.xori %lt3A_1763, %lt3A_1765 : i1
      %and3A_1767 = arith.andi %ne3A_1766, %ne3A_1761 : i1
      %add3A_1768 = arith.addi %rem3A_1759, %select_n3A_1758 : i32
      %select_n3A_1769 = arith.select %and3A_1767, %add3A_1768, %rem3A_1759 : i32
      %mul3A_1770 = arith.constant 8192 : i32
      %mul3A_1771 = arith.muli %select_n3A_1769, %mul3A_1770 : i32
      %add3A_1772 = arith.addi %mul3A_1753, %mul3A_1771 : i32
      %mul3A_1773 = arith.constant 2 : i32
      %mul3A_1774 = arith.muli %select_n3A_1411, %mul3A_1773 : i32
      %mul3A_1775 = arith.constant 8192 : i32
      %mul3A_1776 = arith.muli %mul3A_1774, %mul3A_1775 : i32
      %mul3A_1777 = arith.constant 2 : i32
      %mul3A_1778 = arith.muli %select_n3A_1411, %mul3A_1777 : i32
      %add3A_1779 = arith.constant 1 : i32
      %add3A_1780 = arith.addi %mul3A_1778, %add3A_1779 : i32
      %mul3A_1781 = arith.constant 8192 : i32
      %mul3A_1782 = arith.muli %add3A_1780, %mul3A_1781 : i32
      %add3A_1783 = arith.constant 131072 : i32
      %add3A_1784 = arith.addi %add3A_1772, %add3A_1783 : i32
      %dma_start3A_1785 = tpu.memref_slice %arg18[%mul3A_1776] : memref<32768xf32, #tpu.memory_space<vmem>> -> memref<8192xf32, #tpu.memory_space<vmem>>
      %dma_start3A_1786 = tpu.memref_slice %arg9[%add3A_1772] : memref<52428800xf32, #tpu.memory_space<hbm>> -> memref<8192xf32, #tpu.memory_space<hbm>>
      %dma_start3A_1787 = tpu.memref_slice %arg22[%select_n3A_1411] : memref<2x!tpu.dma_semaphore, #tpu.memory_space<semaphore_mem>> -> memref<1x!tpu.dma_semaphore, #tpu.memory_space<semaphore_mem>>
      %dma_start3A_1788 = tpu.memref_squeeze %dma_start3A_1787 : memref<1x!tpu.dma_semaphore, #tpu.memory_space<semaphore_mem>> -> memref<!tpu.dma_semaphore, #tpu.memory_space<semaphore_mem>>
      %dma_start3A_1789 = tpu.memref_slice %arg9[%add3A_1772] : memref<52428800xf32, #tpu.memory_space<hbm>> -> memref<8192xf32, #tpu.memory_space<hbm>>
      %dma_start3A_1790 = tpu.memref_slice %arg18[%mul3A_1776] : memref<32768xf32, #tpu.memory_space<vmem>> -> memref<8192xf32, #tpu.memory_space<vmem>>
      tpu.enqueue_dma source(%dma_start3A_1790 : memref<8192xf32, #tpu.memory_space<vmem>>) target(%dma_start3A_1789 : memref<8192xf32, #tpu.memory_space<hbm>>) target_semaphore(%dma_start3A_1788 : memref<!tpu.dma_semaphore, #tpu.memory_space<semaphore_mem>>)
      %dma_start3A_1791 = tpu.memref_slice %arg18[%mul3A_1782] : memref<32768xf32, #tpu.memory_space<vmem>> -> memref<8192xf32, #tpu.memory_space<vmem>>
      %dma_start3A_1792 = tpu.memref_slice %arg9[%add3A_1784] : memref<52428800xf32, #tpu.memory_space<hbm>> -> memref<8192xf32, #tpu.memory_space<hbm>>
      %dma_start3A_1793 = tpu.memref_slice %arg22[%select_n3A_1411] : memref<2x!tpu.dma_semaphore, #tpu.memory_space<semaphore_mem>> -> memref<1x!tpu.dma_semaphore, #tpu.memory_space<semaphore_mem>>
      %dma_start3A_1794 = tpu.memref_squeeze %dma_start3A_1793 : memref<1x!tpu.dma_semaphore, #tpu.memory_space<semaphore_mem>> -> memref<!tpu.dma_semaphore, #tpu.memory_space<semaphore_mem>>
      %dma_start3A_1795 = tpu.memref_slice %arg9[%add3A_1784] : memref<52428800xf32, #tpu.memory_space<hbm>> -> memref<8192xf32, #tpu.memory_space<hbm>>
      %dma_start3A_1796 = tpu.memref_slice %arg18[%mul3A_1782] : memref<32768xf32, #tpu.memory_space<vmem>> -> memref<8192xf32, #tpu.memory_space<vmem>>
      tpu.enqueue_dma source(%dma_start3A_1796 : memref<8192xf32, #tpu.memory_space<vmem>>) target(%dma_start3A_1795 : memref<8192xf32, #tpu.memory_space<hbm>>) target_semaphore(%dma_start3A_1794 : memref<!tpu.dma_semaphore, #tpu.memory_space<semaphore_mem>>)
      %add3A_1797 = arith.constant 2 : i32
      %add3A_1798 = arith.addi %scan3A_1395, %add3A_1797 : i32
      %lt3A_1799 = arith.constant 100 : i32
      %lt3A_1800 = arith.cmpi slt, %add3A_1798, %lt3A_1799 : i32
      %convert_element_type3A_1801 = arith.extui %lt3A_1800 : i1 to i32
      %cond3A_1802 = arith.constant 0 : i32
      %cond3A_1803 = arith.cmpi ne, %convert_element_type3A_1801, %cond3A_1802 : i32
      scf.if %cond3A_1803 {
        %add3A_1804 = arith.constant 2 : i32
        %add3A_1805 = arith.addi %scan3A_1395, %add3A_1804 : i32
        %add3A_1806 = arith.addi %mul3A_7, %add3A_1805 : i32
        %jit3A_1807 = arith.constant 16 : i32
        %div3A_1808 = arith.divsi %add3A_1806, %jit3A_1807 : i32
        %sign3A_1809 = arith.constant 0 : i32
        %sign3A_1810 = arith.cmpi sgt, %add3A_1806, %sign3A_1809 : i32
        %sign3A_1811 = arith.extui %sign3A_1810 : i1 to i32
        %sign3A_1812 = arith.constant 0 : i32
        %sign3A_1813 = arith.cmpi slt, %add3A_1806, %sign3A_1812 : i32
        %sign3A_1814 = arith.extui %sign3A_1813 : i1 to i32
        %sign3A_1815 = arith.subi %sign3A_1811, %sign3A_1814 : i32
        %sign3A_1816 = arith.constant 0 : i32
        %sign3A_1817 = arith.cmpi sgt, %jit3A_1807, %sign3A_1816 : i32
        %sign3A_1818 = arith.extui %sign3A_1817 : i1 to i32
        %sign3A_1819 = arith.constant 0 : i32
        %sign3A_1820 = arith.cmpi slt, %jit3A_1807, %sign3A_1819 : i32
        %sign3A_1821 = arith.extui %sign3A_1820 : i1 to i32
        %sign3A_1822 = arith.subi %sign3A_1818, %sign3A_1821 : i32
        %ne3A_1823 = arith.cmpi ne, %sign3A_1815, %sign3A_1822 : i32
        %rem3A_1824 = arith.remsi %add3A_1806, %jit3A_1807 : i32
        %ne3A_1825 = arith.constant 0 : i32
        %ne3A_1826 = arith.cmpi ne, %rem3A_1824, %ne3A_1825 : i32
        %and3A_1827 = arith.andi %ne3A_1823, %ne3A_1826 : i1
        %sub3A_1828 = arith.constant 1 : i32
        %sub3A_1829 = arith.subi %div3A_1808, %sub3A_1828 : i32
        %select_n3A_1830 = arith.select %and3A_1827, %sub3A_1829, %div3A_1808 : i32
        %jit3A_1831 = arith.constant 8 : i32
        %div3A_1832 = arith.divsi %select_n3A_1830, %jit3A_1831 : i32
        %sign3A_1833 = arith.constant 0 : i32
        %sign3A_1834 = arith.cmpi sgt, %select_n3A_1830, %sign3A_1833 : i32
        %sign3A_1835 = arith.extui %sign3A_1834 : i1 to i32
        %sign3A_1836 = arith.constant 0 : i32
        %sign3A_1837 = arith.cmpi slt, %select_n3A_1830, %sign3A_1836 : i32
        %sign3A_1838 = arith.extui %sign3A_1837 : i1 to i32
        %sign3A_1839 = arith.subi %sign3A_1835, %sign3A_1838 : i32
        %sign3A_1840 = arith.constant 0 : i32
        %sign3A_1841 = arith.cmpi sgt, %jit3A_1831, %sign3A_1840 : i32
        %sign3A_1842 = arith.extui %sign3A_1841 : i1 to i32
        %sign3A_1843 = arith.constant 0 : i32
        %sign3A_1844 = arith.cmpi slt, %jit3A_1831, %sign3A_1843 : i32
        %sign3A_1845 = arith.extui %sign3A_1844 : i1 to i32
        %sign3A_1846 = arith.subi %sign3A_1842, %sign3A_1845 : i32
        %ne3A_1847 = arith.cmpi ne, %sign3A_1839, %sign3A_1846 : i32
        %rem3A_1848 = arith.remsi %select_n3A_1830, %jit3A_1831 : i32
        %ne3A_1849 = arith.constant 0 : i32
        %ne3A_1850 = arith.cmpi ne, %rem3A_1848, %ne3A_1849 : i32
        %and3A_1851 = arith.andi %ne3A_1847, %ne3A_1850 : i1
        %sub3A_1852 = arith.constant 1 : i32
        %sub3A_1853 = arith.subi %div3A_1832, %sub3A_1852 : i32
        %select_n3A_1854 = arith.select %and3A_1851, %sub3A_1853, %div3A_1832 : i32
        %mul3A_1855 = arith.constant 128 : i32
        %mul3A_1856 = arith.muli %select_n3A_1854, %mul3A_1855 : i32
        %jit3A_1857 = arith.constant 16 : i32
        %eq3A_1858 = arith.constant 0 : i32
        %eq3A_1859 = arith.cmpi eq, %jit3A_1857, %eq3A_1858 : i32
        %jit3A_1860 = arith.constant 1 : i32
        %select_n3A_1861 = arith.select %eq3A_1859, %jit3A_1860, %jit3A_1857 : i32
        %rem3A_1862 = arith.remsi %add3A_1806, %select_n3A_1861 : i32
        %ne3A_1863 = arith.constant 0 : i32
        %ne3A_1864 = arith.cmpi ne, %rem3A_1862, %ne3A_1863 : i32
        %lt3A_1865 = arith.constant 0 : i32
        %lt3A_1866 = arith.cmpi slt, %rem3A_1862, %lt3A_1865 : i32
        %lt3A_1867 = arith.constant 0 : i32
        %lt3A_1868 = arith.cmpi slt, %select_n3A_1861, %lt3A_1867 : i32
        %ne3A_1869 = arith.xori %lt3A_1866, %lt3A_1868 : i1
        %and3A_1870 = arith.andi %ne3A_1869, %ne3A_1864 : i1
        %add3A_1871 = arith.addi %rem3A_1862, %select_n3A_1861 : i32
        %select_n3A_1872 = arith.select %and3A_1870, %add3A_1871, %rem3A_1862 : i32
        %mul3A_1873 = arith.constant 8 : i32
        %mul3A_1874 = arith.muli %select_n3A_1872, %mul3A_1873 : i32
        %add3A_1875 = arith.addi %mul3A_1856, %mul3A_1874 : i32
        %mul3A_1876 = arith.constant 1024 : i32
        %mul3A_1877 = arith.muli %add3A_1875, %mul3A_1876 : i32
        %jit3A_1878 = arith.constant 8 : i32
        %eq3A_1879 = arith.constant 0 : i32
        %eq3A_1880 = arith.cmpi eq, %jit3A_1878, %eq3A_1879 : i32
        %jit3A_1881 = arith.constant 1 : i32
        %select_n3A_1882 = arith.select %eq3A_1880, %jit3A_1881, %jit3A_1878 : i32
        %rem3A_1883 = arith.remsi %select_n3A_1830, %select_n3A_1882 : i32
        %ne3A_1884 = arith.constant 0 : i32
        %ne3A_1885 = arith.cmpi ne, %rem3A_1883, %ne3A_1884 : i32
        %lt3A_1886 = arith.constant 0 : i32
        %lt3A_1887 = arith.cmpi slt, %rem3A_1883, %lt3A_1886 : i32
        %lt3A_1888 = arith.constant 0 : i32
        %lt3A_1889 = arith.cmpi slt, %select_n3A_1882, %lt3A_1888 : i32
        %ne3A_1890 = arith.xori %lt3A_1887, %lt3A_1889 : i1
        %and3A_1891 = arith.andi %ne3A_1890, %ne3A_1885 : i1
        %add3A_1892 = arith.addi %rem3A_1883, %select_n3A_1882 : i32
        %select_n3A_1893 = arith.select %and3A_1891, %add3A_1892, %rem3A_1883 : i32
        %mul3A_1894 = arith.constant 128 : i32
        %mul3A_1895 = arith.muli %select_n3A_1893, %mul3A_1894 : i32
        %add3A_1896 = arith.addi %mul3A_1877, %mul3A_1895 : i32
        %add3A_1897 = arith.constant 0 : i32
        %add3A_1898 = arith.addi %add3A_1896, %add3A_1897 : i32
        %add3A_1899 = arith.constant 0 : i32
        %add3A_1900 = arith.addi %add3A_1896, %add3A_1899 : i32
        %add3A_1901 = arith.constant 1024 : i32
        %add3A_1902 = arith.addi %add3A_1896, %add3A_1901 : i32
        %add3A_1903 = arith.constant 1024 : i32
        %add3A_1904 = arith.addi %add3A_1896, %add3A_1903 : i32
        %add3A_1905 = arith.constant 2048 : i32
        %add3A_1906 = arith.addi %add3A_1896, %add3A_1905 : i32
        %add3A_1907 = arith.constant 2048 : i32
        %add3A_1908 = arith.addi %add3A_1896, %add3A_1907 : i32
        %add3A_1909 = arith.constant 3072 : i32
        %add3A_1910 = arith.addi %add3A_1896, %add3A_1909 : i32
        %add3A_1911 = arith.constant 3072 : i32
        %add3A_1912 = arith.addi %add3A_1896, %add3A_1911 : i32
        %add3A_1913 = arith.constant 4096 : i32
        %add3A_1914 = arith.addi %add3A_1896, %add3A_1913 : i32
        %add3A_1915 = arith.constant 4096 : i32
        %add3A_1916 = arith.addi %add3A_1896, %add3A_1915 : i32
        %add3A_1917 = arith.constant 5120 : i32
        %add3A_1918 = arith.addi %add3A_1896, %add3A_1917 : i32
        %add3A_1919 = arith.constant 5120 : i32
        %add3A_1920 = arith.addi %add3A_1896, %add3A_1919 : i32
        %add3A_1921 = arith.constant 6144 : i32
        %add3A_1922 = arith.addi %add3A_1896, %add3A_1921 : i32
        %add3A_1923 = arith.constant 6144 : i32
        %add3A_1924 = arith.addi %add3A_1896, %add3A_1923 : i32
        %add3A_1925 = arith.constant 7168 : i32
        %add3A_1926 = arith.addi %add3A_1896, %add3A_1925 : i32
        %add3A_1927 = arith.constant 7168 : i32
        %add3A_1928 = arith.addi %add3A_1896, %add3A_1927 : i32
        %dma_start3A_1929 = arith.constant 0 : i32
        %dma_start3A_1930 = tpu.memref_slice %arg15[%select_n3A_1411, %dma_start3A_1929] : memref<2x1024xi32, #tpu.memory_space<vmem>> -> memref<1x128xi32, #tpu.memory_space<vmem>>
        %dma_start3A_1931 = tpu.memref_squeeze %dma_start3A_1930 : memref<1x128xi32, #tpu.memory_space<vmem>> -> memref<128xi32, #tpu.memory_space<vmem>>
        %dma_start3A_1932 = tpu.memref_slice %arg3[%add3A_1898] : memref<3276800xi32, #tpu.memory_space<hbm>> -> memref<128xi32, #tpu.memory_space<hbm>>
        %dma_start3A_1933 = tpu.memref_slice %arg20[%select_n3A_1411] : memref<2x!tpu.dma_semaphore, #tpu.memory_space<semaphore_mem>> -> memref<1x!tpu.dma_semaphore, #tpu.memory_space<semaphore_mem>>
        %dma_start3A_1934 = tpu.memref_squeeze %dma_start3A_1933 : memref<1x!tpu.dma_semaphore, #tpu.memory_space<semaphore_mem>> -> memref<!tpu.dma_semaphore, #tpu.memory_space<semaphore_mem>>
        %dma_start3A_1935 = arith.constant 0 : i32
        %dma_start3A_1936 = tpu.memref_slice %arg15[%select_n3A_1411, %dma_start3A_1935] : memref<2x1024xi32, #tpu.memory_space<vmem>> -> memref<1x128xi32, #tpu.memory_space<vmem>>
        %dma_start3A_1937 = tpu.memref_squeeze %dma_start3A_1936 : memref<1x128xi32, #tpu.memory_space<vmem>> -> memref<128xi32, #tpu.memory_space<vmem>>
        %dma_start3A_1938 = tpu.memref_slice %arg3[%add3A_1898] : memref<3276800xi32, #tpu.memory_space<hbm>> -> memref<128xi32, #tpu.memory_space<hbm>>
        tpu.enqueue_dma source(%dma_start3A_1938 : memref<128xi32, #tpu.memory_space<hbm>>) target(%dma_start3A_1937 : memref<128xi32, #tpu.memory_space<vmem>>) target_semaphore(%dma_start3A_1934 : memref<!tpu.dma_semaphore, #tpu.memory_space<semaphore_mem>>)
        %dma_start3A_1939 = arith.constant 0 : i32
        %dma_start3A_1940 = tpu.memref_slice %arg16[%select_n3A_1411, %dma_start3A_1939] : memref<2x1024xi32, #tpu.memory_space<vmem>> -> memref<1x128xi32, #tpu.memory_space<vmem>>
        %dma_start3A_1941 = tpu.memref_squeeze %dma_start3A_1940 : memref<1x128xi32, #tpu.memory_space<vmem>> -> memref<128xi32, #tpu.memory_space<vmem>>
        %dma_start3A_1942 = tpu.memref_slice %arg4[%add3A_1900] : memref<3276800xi32, #tpu.memory_space<hbm>> -> memref<128xi32, #tpu.memory_space<hbm>>
        %dma_start3A_1943 = tpu.memref_slice %arg20[%select_n3A_1411] : memref<2x!tpu.dma_semaphore, #tpu.memory_space<semaphore_mem>> -> memref<1x!tpu.dma_semaphore, #tpu.memory_space<semaphore_mem>>
        %dma_start3A_1944 = tpu.memref_squeeze %dma_start3A_1943 : memref<1x!tpu.dma_semaphore, #tpu.memory_space<semaphore_mem>> -> memref<!tpu.dma_semaphore, #tpu.memory_space<semaphore_mem>>
        %dma_start3A_1945 = arith.constant 0 : i32
        %dma_start3A_1946 = tpu.memref_slice %arg16[%select_n3A_1411, %dma_start3A_1945] : memref<2x1024xi32, #tpu.memory_space<vmem>> -> memref<1x128xi32, #tpu.memory_space<vmem>>
        %dma_start3A_1947 = tpu.memref_squeeze %dma_start3A_1946 : memref<1x128xi32, #tpu.memory_space<vmem>> -> memref<128xi32, #tpu.memory_space<vmem>>
        %dma_start3A_1948 = tpu.memref_slice %arg4[%add3A_1900] : memref<3276800xi32, #tpu.memory_space<hbm>> -> memref<128xi32, #tpu.memory_space<hbm>>
        tpu.enqueue_dma source(%dma_start3A_1948 : memref<128xi32, #tpu.memory_space<hbm>>) target(%dma_start3A_1947 : memref<128xi32, #tpu.memory_space<vmem>>) target_semaphore(%dma_start3A_1944 : memref<!tpu.dma_semaphore, #tpu.memory_space<semaphore_mem>>)
        %dma_start3A_1949 = arith.constant 128 : i32
        %dma_start3A_1950 = tpu.memref_slice %arg15[%select_n3A_1411, %dma_start3A_1949] : memref<2x1024xi32, #tpu.memory_space<vmem>> -> memref<1x128xi32, #tpu.memory_space<vmem>>
        %dma_start3A_1951 = tpu.memref_squeeze %dma_start3A_1950 : memref<1x128xi32, #tpu.memory_space<vmem>> -> memref<128xi32, #tpu.memory_space<vmem>>
        %dma_start3A_1952 = tpu.memref_slice %arg3[%add3A_1902] : memref<3276800xi32, #tpu.memory_space<hbm>> -> memref<128xi32, #tpu.memory_space<hbm>>
        %dma_start3A_1953 = tpu.memref_slice %arg20[%select_n3A_1411] : memref<2x!tpu.dma_semaphore, #tpu.memory_space<semaphore_mem>> -> memref<1x!tpu.dma_semaphore, #tpu.memory_space<semaphore_mem>>
        %dma_start3A_1954 = tpu.memref_squeeze %dma_start3A_1953 : memref<1x!tpu.dma_semaphore, #tpu.memory_space<semaphore_mem>> -> memref<!tpu.dma_semaphore, #tpu.memory_space<semaphore_mem>>
        %dma_start3A_1955 = arith.constant 128 : i32
        %dma_start3A_1956 = tpu.memref_slice %arg15[%select_n3A_1411, %dma_start3A_1955] : memref<2x1024xi32, #tpu.memory_space<vmem>> -> memref<1x128xi32, #tpu.memory_space<vmem>>
        %dma_start3A_1957 = tpu.memref_squeeze %dma_start3A_1956 : memref<1x128xi32, #tpu.memory_space<vmem>> -> memref<128xi32, #tpu.memory_space<vmem>>
        %dma_start3A_1958 = tpu.memref_slice %arg3[%add3A_1902] : memref<3276800xi32, #tpu.memory_space<hbm>> -> memref<128xi32, #tpu.memory_space<hbm>>
        tpu.enqueue_dma source(%dma_start3A_1958 : memref<128xi32, #tpu.memory_space<hbm>>) target(%dma_start3A_1957 : memref<128xi32, #tpu.memory_space<vmem>>) target_semaphore(%dma_start3A_1954 : memref<!tpu.dma_semaphore, #tpu.memory_space<semaphore_mem>>)
        %dma_start3A_1959 = arith.constant 128 : i32
        %dma_start3A_1960 = tpu.memref_slice %arg16[%select_n3A_1411, %dma_start3A_1959] : memref<2x1024xi32, #tpu.memory_space<vmem>> -> memref<1x128xi32, #tpu.memory_space<vmem>>
        %dma_start3A_1961 = tpu.memref_squeeze %dma_start3A_1960 : memref<1x128xi32, #tpu.memory_space<vmem>> -> memref<128xi32, #tpu.memory_space<vmem>>
        %dma_start3A_1962 = tpu.memref_slice %arg4[%add3A_1904] : memref<3276800xi32, #tpu.memory_space<hbm>> -> memref<128xi32, #tpu.memory_space<hbm>>
        %dma_start3A_1963 = tpu.memref_slice %arg20[%select_n3A_1411] : memref<2x!tpu.dma_semaphore, #tpu.memory_space<semaphore_mem>> -> memref<1x!tpu.dma_semaphore, #tpu.memory_space<semaphore_mem>>
        %dma_start3A_1964 = tpu.memref_squeeze %dma_start3A_1963 : memref<1x!tpu.dma_semaphore, #tpu.memory_space<semaphore_mem>> -> memref<!tpu.dma_semaphore, #tpu.memory_space<semaphore_mem>>
        %dma_start3A_1965 = arith.constant 128 : i32
        %dma_start3A_1966 = tpu.memref_slice %arg16[%select_n3A_1411, %dma_start3A_1965] : memref<2x1024xi32, #tpu.memory_space<vmem>> -> memref<1x128xi32, #tpu.memory_space<vmem>>
        %dma_start3A_1967 = tpu.memref_squeeze %dma_start3A_1966 : memref<1x128xi32, #tpu.memory_space<vmem>> -> memref<128xi32, #tpu.memory_space<vmem>>
        %dma_start3A_1968 = tpu.memref_slice %arg4[%add3A_1904] : memref<3276800xi32, #tpu.memory_space<hbm>> -> memref<128xi32, #tpu.memory_space<hbm>>
        tpu.enqueue_dma source(%dma_start3A_1968 : memref<128xi32, #tpu.memory_space<hbm>>) target(%dma_start3A_1967 : memref<128xi32, #tpu.memory_space<vmem>>) target_semaphore(%dma_start3A_1964 : memref<!tpu.dma_semaphore, #tpu.memory_space<semaphore_mem>>)
        %dma_start3A_1969 = arith.constant 256 : i32
        %dma_start3A_1970 = tpu.memref_slice %arg15[%select_n3A_1411, %dma_start3A_1969] : memref<2x1024xi32, #tpu.memory_space<vmem>> -> memref<1x128xi32, #tpu.memory_space<vmem>>
        %dma_start3A_1971 = tpu.memref_squeeze %dma_start3A_1970 : memref<1x128xi32, #tpu.memory_space<vmem>> -> memref<128xi32, #tpu.memory_space<vmem>>
        %dma_start3A_1972 = tpu.memref_slice %arg3[%add3A_1906] : memref<3276800xi32, #tpu.memory_space<hbm>> -> memref<128xi32, #tpu.memory_space<hbm>>
        %dma_start3A_1973 = tpu.memref_slice %arg20[%select_n3A_1411] : memref<2x!tpu.dma_semaphore, #tpu.memory_space<semaphore_mem>> -> memref<1x!tpu.dma_semaphore, #tpu.memory_space<semaphore_mem>>
        %dma_start3A_1974 = tpu.memref_squeeze %dma_start3A_1973 : memref<1x!tpu.dma_semaphore, #tpu.memory_space<semaphore_mem>> -> memref<!tpu.dma_semaphore, #tpu.memory_space<semaphore_mem>>
        %dma_start3A_1975 = arith.constant 256 : i32
        %dma_start3A_1976 = tpu.memref_slice %arg15[%select_n3A_1411, %dma_start3A_1975] : memref<2x1024xi32, #tpu.memory_space<vmem>> -> memref<1x128xi32, #tpu.memory_space<vmem>>
        %dma_start3A_1977 = tpu.memref_squeeze %dma_start3A_1976 : memref<1x128xi32, #tpu.memory_space<vmem>> -> memref<128xi32, #tpu.memory_space<vmem>>
        %dma_start3A_1978 = tpu.memref_slice %arg3[%add3A_1906] : memref<3276800xi32, #tpu.memory_space<hbm>> -> memref<128xi32, #tpu.memory_space<hbm>>
        tpu.enqueue_dma source(%dma_start3A_1978 : memref<128xi32, #tpu.memory_space<hbm>>) target(%dma_start3A_1977 : memref<128xi32, #tpu.memory_space<vmem>>) target_semaphore(%dma_start3A_1974 : memref<!tpu.dma_semaphore, #tpu.memory_space<semaphore_mem>>)
        %dma_start3A_1979 = arith.constant 256 : i32
        %dma_start3A_1980 = tpu.memref_slice %arg16[%select_n3A_1411, %dma_start3A_1979] : memref<2x1024xi32, #tpu.memory_space<vmem>> -> memref<1x128xi32, #tpu.memory_space<vmem>>
        %dma_start3A_1981 = tpu.memref_squeeze %dma_start3A_1980 : memref<1x128xi32, #tpu.memory_space<vmem>> -> memref<128xi32, #tpu.memory_space<vmem>>
        %dma_start3A_1982 = tpu.memref_slice %arg4[%add3A_1908] : memref<3276800xi32, #tpu.memory_space<hbm>> -> memref<128xi32, #tpu.memory_space<hbm>>
        %dma_start3A_1983 = tpu.memref_slice %arg20[%select_n3A_1411] : memref<2x!tpu.dma_semaphore, #tpu.memory_space<semaphore_mem>> -> memref<1x!tpu.dma_semaphore, #tpu.memory_space<semaphore_mem>>
        %dma_start3A_1984 = tpu.memref_squeeze %dma_start3A_1983 : memref<1x!tpu.dma_semaphore, #tpu.memory_space<semaphore_mem>> -> memref<!tpu.dma_semaphore, #tpu.memory_space<semaphore_mem>>
        %dma_start3A_1985 = arith.constant 256 : i32
        %dma_start3A_1986 = tpu.memref_slice %arg16[%select_n3A_1411, %dma_start3A_1985] : memref<2x1024xi32, #tpu.memory_space<vmem>> -> memref<1x128xi32, #tpu.memory_space<vmem>>
        %dma_start3A_1987 = tpu.memref_squeeze %dma_start3A_1986 : memref<1x128xi32, #tpu.memory_space<vmem>> -> memref<128xi32, #tpu.memory_space<vmem>>
        %dma_start3A_1988 = tpu.memref_slice %arg4[%add3A_1908] : memref<3276800xi32, #tpu.memory_space<hbm>> -> memref<128xi32, #tpu.memory_space<hbm>>
        tpu.enqueue_dma source(%dma_start3A_1988 : memref<128xi32, #tpu.memory_space<hbm>>) target(%dma_start3A_1987 : memref<128xi32, #tpu.memory_space<vmem>>) target_semaphore(%dma_start3A_1984 : memref<!tpu.dma_semaphore, #tpu.memory_space<semaphore_mem>>)
        %dma_start3A_1989 = arith.constant 384 : i32
        %dma_start3A_1990 = tpu.memref_slice %arg15[%select_n3A_1411, %dma_start3A_1989] : memref<2x1024xi32, #tpu.memory_space<vmem>> -> memref<1x128xi32, #tpu.memory_space<vmem>>
        %dma_start3A_1991 = tpu.memref_squeeze %dma_start3A_1990 : memref<1x128xi32, #tpu.memory_space<vmem>> -> memref<128xi32, #tpu.memory_space<vmem>>
        %dma_start3A_1992 = tpu.memref_slice %arg3[%add3A_1910] : memref<3276800xi32, #tpu.memory_space<hbm>> -> memref<128xi32, #tpu.memory_space<hbm>>
        %dma_start3A_1993 = tpu.memref_slice %arg20[%select_n3A_1411] : memref<2x!tpu.dma_semaphore, #tpu.memory_space<semaphore_mem>> -> memref<1x!tpu.dma_semaphore, #tpu.memory_space<semaphore_mem>>
        %dma_start3A_1994 = tpu.memref_squeeze %dma_start3A_1993 : memref<1x!tpu.dma_semaphore, #tpu.memory_space<semaphore_mem>> -> memref<!tpu.dma_semaphore, #tpu.memory_space<semaphore_mem>>
        %dma_start3A_1995 = arith.constant 384 : i32
        %dma_start3A_1996 = tpu.memref_slice %arg15[%select_n3A_1411, %dma_start3A_1995] : memref<2x1024xi32, #tpu.memory_space<vmem>> -> memref<1x128xi32, #tpu.memory_space<vmem>>
        %dma_start3A_1997 = tpu.memref_squeeze %dma_start3A_1996 : memref<1x128xi32, #tpu.memory_space<vmem>> -> memref<128xi32, #tpu.memory_space<vmem>>
        %dma_start3A_1998 = tpu.memref_slice %arg3[%add3A_1910] : memref<3276800xi32, #tpu.memory_space<hbm>> -> memref<128xi32, #tpu.memory_space<hbm>>
        tpu.enqueue_dma source(%dma_start3A_1998 : memref<128xi32, #tpu.memory_space<hbm>>) target(%dma_start3A_1997 : memref<128xi32, #tpu.memory_space<vmem>>) target_semaphore(%dma_start3A_1994 : memref<!tpu.dma_semaphore, #tpu.memory_space<semaphore_mem>>)
        %dma_start3A_1999 = arith.constant 384 : i32
        %dma_start3A_2000 = tpu.memref_slice %arg16[%select_n3A_1411, %dma_start3A_1999] : memref<2x1024xi32, #tpu.memory_space<vmem>> -> memref<1x128xi32, #tpu.memory_space<vmem>>
        %dma_start3A_2001 = tpu.memref_squeeze %dma_start3A_2000 : memref<1x128xi32, #tpu.memory_space<vmem>> -> memref<128xi32, #tpu.memory_space<vmem>>
        %dma_start3A_2002 = tpu.memref_slice %arg4[%add3A_1912] : memref<3276800xi32, #tpu.memory_space<hbm>> -> memref<128xi32, #tpu.memory_space<hbm>>
        %dma_start3A_2003 = tpu.memref_slice %arg20[%select_n3A_1411] : memref<2x!tpu.dma_semaphore, #tpu.memory_space<semaphore_mem>> -> memref<1x!tpu.dma_semaphore, #tpu.memory_space<semaphore_mem>>
        %dma_start3A_2004 = tpu.memref_squeeze %dma_start3A_2003 : memref<1x!tpu.dma_semaphore, #tpu.memory_space<semaphore_mem>> -> memref<!tpu.dma_semaphore, #tpu.memory_space<semaphore_mem>>
        %dma_start3A_2005 = arith.constant 384 : i32
        %dma_start3A_2006 = tpu.memref_slice %arg16[%select_n3A_1411, %dma_start3A_2005] : memref<2x1024xi32, #tpu.memory_space<vmem>> -> memref<1x128xi32, #tpu.memory_space<vmem>>
        %dma_start3A_2007 = tpu.memref_squeeze %dma_start3A_2006 : memref<1x128xi32, #tpu.memory_space<vmem>> -> memref<128xi32, #tpu.memory_space<vmem>>
        %dma_start3A_2008 = tpu.memref_slice %arg4[%add3A_1912] : memref<3276800xi32, #tpu.memory_space<hbm>> -> memref<128xi32, #tpu.memory_space<hbm>>
        tpu.enqueue_dma source(%dma_start3A_2008 : memref<128xi32, #tpu.memory_space<hbm>>) target(%dma_start3A_2007 : memref<128xi32, #tpu.memory_space<vmem>>) target_semaphore(%dma_start3A_2004 : memref<!tpu.dma_semaphore, #tpu.memory_space<semaphore_mem>>)
        %dma_start3A_2009 = arith.constant 512 : i32
        %dma_start3A_2010 = tpu.memref_slice %arg15[%select_n3A_1411, %dma_start3A_2009] : memref<2x1024xi32, #tpu.memory_space<vmem>> -> memref<1x128xi32, #tpu.memory_space<vmem>>
        %dma_start3A_2011 = tpu.memref_squeeze %dma_start3A_2010 : memref<1x128xi32, #tpu.memory_space<vmem>> -> memref<128xi32, #tpu.memory_space<vmem>>
        %dma_start3A_2012 = tpu.memref_slice %arg3[%add3A_1914] : memref<3276800xi32, #tpu.memory_space<hbm>> -> memref<128xi32, #tpu.memory_space<hbm>>
        %dma_start3A_2013 = tpu.memref_slice %arg20[%select_n3A_1411] : memref<2x!tpu.dma_semaphore, #tpu.memory_space<semaphore_mem>> -> memref<1x!tpu.dma_semaphore, #tpu.memory_space<semaphore_mem>>
        %dma_start3A_2014 = tpu.memref_squeeze %dma_start3A_2013 : memref<1x!tpu.dma_semaphore, #tpu.memory_space<semaphore_mem>> -> memref<!tpu.dma_semaphore, #tpu.memory_space<semaphore_mem>>
        %dma_start3A_2015 = arith.constant 512 : i32
        %dma_start3A_2016 = tpu.memref_slice %arg15[%select_n3A_1411, %dma_start3A_2015] : memref<2x1024xi32, #tpu.memory_space<vmem>> -> memref<1x128xi32, #tpu.memory_space<vmem>>
        %dma_start3A_2017 = tpu.memref_squeeze %dma_start3A_2016 : memref<1x128xi32, #tpu.memory_space<vmem>> -> memref<128xi32, #tpu.memory_space<vmem>>
        %dma_start3A_2018 = tpu.memref_slice %arg3[%add3A_1914] : memref<3276800xi32, #tpu.memory_space<hbm>> -> memref<128xi32, #tpu.memory_space<hbm>>
        tpu.enqueue_dma source(%dma_start3A_2018 : memref<128xi32, #tpu.memory_space<hbm>>) target(%dma_start3A_2017 : memref<128xi32, #tpu.memory_space<vmem>>) target_semaphore(%dma_start3A_2014 : memref<!tpu.dma_semaphore, #tpu.memory_space<semaphore_mem>>)
        %dma_start3A_2019 = arith.constant 512 : i32
        %dma_start3A_2020 = tpu.memref_slice %arg16[%select_n3A_1411, %dma_start3A_2019] : memref<2x1024xi32, #tpu.memory_space<vmem>> -> memref<1x128xi32, #tpu.memory_space<vmem>>
        %dma_start3A_2021 = tpu.memref_squeeze %dma_start3A_2020 : memref<1x128xi32, #tpu.memory_space<vmem>> -> memref<128xi32, #tpu.memory_space<vmem>>
        %dma_start3A_2022 = tpu.memref_slice %arg4[%add3A_1916] : memref<3276800xi32, #tpu.memory_space<hbm>> -> memref<128xi32, #tpu.memory_space<hbm>>
        %dma_start3A_2023 = tpu.memref_slice %arg20[%select_n3A_1411] : memref<2x!tpu.dma_semaphore, #tpu.memory_space<semaphore_mem>> -> memref<1x!tpu.dma_semaphore, #tpu.memory_space<semaphore_mem>>
        %dma_start3A_2024 = tpu.memref_squeeze %dma_start3A_2023 : memref<1x!tpu.dma_semaphore, #tpu.memory_space<semaphore_mem>> -> memref<!tpu.dma_semaphore, #tpu.memory_space<semaphore_mem>>
        %dma_start3A_2025 = arith.constant 512 : i32
        %dma_start3A_2026 = tpu.memref_slice %arg16[%select_n3A_1411, %dma_start3A_2025] : memref<2x1024xi32, #tpu.memory_space<vmem>> -> memref<1x128xi32, #tpu.memory_space<vmem>>
        %dma_start3A_2027 = tpu.memref_squeeze %dma_start3A_2026 : memref<1x128xi32, #tpu.memory_space<vmem>> -> memref<128xi32, #tpu.memory_space<vmem>>
        %dma_start3A_2028 = tpu.memref_slice %arg4[%add3A_1916] : memref<3276800xi32, #tpu.memory_space<hbm>> -> memref<128xi32, #tpu.memory_space<hbm>>
        tpu.enqueue_dma source(%dma_start3A_2028 : memref<128xi32, #tpu.memory_space<hbm>>) target(%dma_start3A_2027 : memref<128xi32, #tpu.memory_space<vmem>>) target_semaphore(%dma_start3A_2024 : memref<!tpu.dma_semaphore, #tpu.memory_space<semaphore_mem>>)
        %dma_start3A_2029 = arith.constant 640 : i32
        %dma_start3A_2030 = tpu.memref_slice %arg15[%select_n3A_1411, %dma_start3A_2029] : memref<2x1024xi32, #tpu.memory_space<vmem>> -> memref<1x128xi32, #tpu.memory_space<vmem>>
        %dma_start3A_2031 = tpu.memref_squeeze %dma_start3A_2030 : memref<1x128xi32, #tpu.memory_space<vmem>> -> memref<128xi32, #tpu.memory_space<vmem>>
        %dma_start3A_2032 = tpu.memref_slice %arg3[%add3A_1918] : memref<3276800xi32, #tpu.memory_space<hbm>> -> memref<128xi32, #tpu.memory_space<hbm>>
        %dma_start3A_2033 = tpu.memref_slice %arg20[%select_n3A_1411] : memref<2x!tpu.dma_semaphore, #tpu.memory_space<semaphore_mem>> -> memref<1x!tpu.dma_semaphore, #tpu.memory_space<semaphore_mem>>
        %dma_start3A_2034 = tpu.memref_squeeze %dma_start3A_2033 : memref<1x!tpu.dma_semaphore, #tpu.memory_space<semaphore_mem>> -> memref<!tpu.dma_semaphore, #tpu.memory_space<semaphore_mem>>
        %dma_start3A_2035 = arith.constant 640 : i32
        %dma_start3A_2036 = tpu.memref_slice %arg15[%select_n3A_1411, %dma_start3A_2035] : memref<2x1024xi32, #tpu.memory_space<vmem>> -> memref<1x128xi32, #tpu.memory_space<vmem>>
        %dma_start3A_2037 = tpu.memref_squeeze %dma_start3A_2036 : memref<1x128xi32, #tpu.memory_space<vmem>> -> memref<128xi32, #tpu.memory_space<vmem>>
        %dma_start3A_2038 = tpu.memref_slice %arg3[%add3A_1918] : memref<3276800xi32, #tpu.memory_space<hbm>> -> memref<128xi32, #tpu.memory_space<hbm>>
        tpu.enqueue_dma source(%dma_start3A_2038 : memref<128xi32, #tpu.memory_space<hbm>>) target(%dma_start3A_2037 : memref<128xi32, #tpu.memory_space<vmem>>) target_semaphore(%dma_start3A_2034 : memref<!tpu.dma_semaphore, #tpu.memory_space<semaphore_mem>>)
        %dma_start3A_2039 = arith.constant 640 : i32
        %dma_start3A_2040 = tpu.memref_slice %arg16[%select_n3A_1411, %dma_start3A_2039] : memref<2x1024xi32, #tpu.memory_space<vmem>> -> memref<1x128xi32, #tpu.memory_space<vmem>>
        %dma_start3A_2041 = tpu.memref_squeeze %dma_start3A_2040 : memref<1x128xi32, #tpu.memory_space<vmem>> -> memref<128xi32, #tpu.memory_space<vmem>>
        %dma_start3A_2042 = tpu.memref_slice %arg4[%add3A_1920] : memref<3276800xi32, #tpu.memory_space<hbm>> -> memref<128xi32, #tpu.memory_space<hbm>>
        %dma_start3A_2043 = tpu.memref_slice %arg20[%select_n3A_1411] : memref<2x!tpu.dma_semaphore, #tpu.memory_space<semaphore_mem>> -> memref<1x!tpu.dma_semaphore, #tpu.memory_space<semaphore_mem>>
        %dma_start3A_2044 = tpu.memref_squeeze %dma_start3A_2043 : memref<1x!tpu.dma_semaphore, #tpu.memory_space<semaphore_mem>> -> memref<!tpu.dma_semaphore, #tpu.memory_space<semaphore_mem>>
        %dma_start3A_2045 = arith.constant 640 : i32
        %dma_start3A_2046 = tpu.memref_slice %arg16[%select_n3A_1411, %dma_start3A_2045] : memref<2x1024xi32, #tpu.memory_space<vmem>> -> memref<1x128xi32, #tpu.memory_space<vmem>>
        %dma_start3A_2047 = tpu.memref_squeeze %dma_start3A_2046 : memref<1x128xi32, #tpu.memory_space<vmem>> -> memref<128xi32, #tpu.memory_space<vmem>>
        %dma_start3A_2048 = tpu.memref_slice %arg4[%add3A_1920] : memref<3276800xi32, #tpu.memory_space<hbm>> -> memref<128xi32, #tpu.memory_space<hbm>>
        tpu.enqueue_dma source(%dma_start3A_2048 : memref<128xi32, #tpu.memory_space<hbm>>) target(%dma_start3A_2047 : memref<128xi32, #tpu.memory_space<vmem>>) target_semaphore(%dma_start3A_2044 : memref<!tpu.dma_semaphore, #tpu.memory_space<semaphore_mem>>)
        %dma_start3A_2049 = arith.constant 768 : i32
        %dma_start3A_2050 = tpu.memref_slice %arg15[%select_n3A_1411, %dma_start3A_2049] : memref<2x1024xi32, #tpu.memory_space<vmem>> -> memref<1x128xi32, #tpu.memory_space<vmem>>
        %dma_start3A_2051 = tpu.memref_squeeze %dma_start3A_2050 : memref<1x128xi32, #tpu.memory_space<vmem>> -> memref<128xi32, #tpu.memory_space<vmem>>
        %dma_start3A_2052 = tpu.memref_slice %arg3[%add3A_1922] : memref<3276800xi32, #tpu.memory_space<hbm>> -> memref<128xi32, #tpu.memory_space<hbm>>
        %dma_start3A_2053 = tpu.memref_slice %arg20[%select_n3A_1411] : memref<2x!tpu.dma_semaphore, #tpu.memory_space<semaphore_mem>> -> memref<1x!tpu.dma_semaphore, #tpu.memory_space<semaphore_mem>>
        %dma_start3A_2054 = tpu.memref_squeeze %dma_start3A_2053 : memref<1x!tpu.dma_semaphore, #tpu.memory_space<semaphore_mem>> -> memref<!tpu.dma_semaphore, #tpu.memory_space<semaphore_mem>>
        %dma_start3A_2055 = arith.constant 768 : i32
        %dma_start3A_2056 = tpu.memref_slice %arg15[%select_n3A_1411, %dma_start3A_2055] : memref<2x1024xi32, #tpu.memory_space<vmem>> -> memref<1x128xi32, #tpu.memory_space<vmem>>
        %dma_start3A_2057 = tpu.memref_squeeze %dma_start3A_2056 : memref<1x128xi32, #tpu.memory_space<vmem>> -> memref<128xi32, #tpu.memory_space<vmem>>
        %dma_start3A_2058 = tpu.memref_slice %arg3[%add3A_1922] : memref<3276800xi32, #tpu.memory_space<hbm>> -> memref<128xi32, #tpu.memory_space<hbm>>
        tpu.enqueue_dma source(%dma_start3A_2058 : memref<128xi32, #tpu.memory_space<hbm>>) target(%dma_start3A_2057 : memref<128xi32, #tpu.memory_space<vmem>>) target_semaphore(%dma_start3A_2054 : memref<!tpu.dma_semaphore, #tpu.memory_space<semaphore_mem>>)
        %dma_start3A_2059 = arith.constant 768 : i32
        %dma_start3A_2060 = tpu.memref_slice %arg16[%select_n3A_1411, %dma_start3A_2059] : memref<2x1024xi32, #tpu.memory_space<vmem>> -> memref<1x128xi32, #tpu.memory_space<vmem>>
        %dma_start3A_2061 = tpu.memref_squeeze %dma_start3A_2060 : memref<1x128xi32, #tpu.memory_space<vmem>> -> memref<128xi32, #tpu.memory_space<vmem>>
        %dma_start3A_2062 = tpu.memref_slice %arg4[%add3A_1924] : memref<3276800xi32, #tpu.memory_space<hbm>> -> memref<128xi32, #tpu.memory_space<hbm>>
        %dma_start3A_2063 = tpu.memref_slice %arg20[%select_n3A_1411] : memref<2x!tpu.dma_semaphore, #tpu.memory_space<semaphore_mem>> -> memref<1x!tpu.dma_semaphore, #tpu.memory_space<semaphore_mem>>
        %dma_start3A_2064 = tpu.memref_squeeze %dma_start3A_2063 : memref<1x!tpu.dma_semaphore, #tpu.memory_space<semaphore_mem>> -> memref<!tpu.dma_semaphore, #tpu.memory_space<semaphore_mem>>
        %dma_start3A_2065 = arith.constant 768 : i32
        %dma_start3A_2066 = tpu.memref_slice %arg16[%select_n3A_1411, %dma_start3A_2065] : memref<2x1024xi32, #tpu.memory_space<vmem>> -> memref<1x128xi32, #tpu.memory_space<vmem>>
        %dma_start3A_2067 = tpu.memref_squeeze %dma_start3A_2066 : memref<1x128xi32, #tpu.memory_space<vmem>> -> memref<128xi32, #tpu.memory_space<vmem>>
        %dma_start3A_2068 = tpu.memref_slice %arg4[%add3A_1924] : memref<3276800xi32, #tpu.memory_space<hbm>> -> memref<128xi32, #tpu.memory_space<hbm>>
        tpu.enqueue_dma source(%dma_start3A_2068 : memref<128xi32, #tpu.memory_space<hbm>>) target(%dma_start3A_2067 : memref<128xi32, #tpu.memory_space<vmem>>) target_semaphore(%dma_start3A_2064 : memref<!tpu.dma_semaphore, #tpu.memory_space<semaphore_mem>>)
        %dma_start3A_2069 = arith.constant 896 : i32
        %dma_start3A_2070 = tpu.memref_slice %arg15[%select_n3A_1411, %dma_start3A_2069] : memref<2x1024xi32, #tpu.memory_space<vmem>> -> memref<1x128xi32, #tpu.memory_space<vmem>>
        %dma_start3A_2071 = tpu.memref_squeeze %dma_start3A_2070 : memref<1x128xi32, #tpu.memory_space<vmem>> -> memref<128xi32, #tpu.memory_space<vmem>>
        %dma_start3A_2072 = tpu.memref_slice %arg3[%add3A_1926] : memref<3276800xi32, #tpu.memory_space<hbm>> -> memref<128xi32, #tpu.memory_space<hbm>>
        %dma_start3A_2073 = tpu.memref_slice %arg20[%select_n3A_1411] : memref<2x!tpu.dma_semaphore, #tpu.memory_space<semaphore_mem>> -> memref<1x!tpu.dma_semaphore, #tpu.memory_space<semaphore_mem>>
        %dma_start3A_2074 = tpu.memref_squeeze %dma_start3A_2073 : memref<1x!tpu.dma_semaphore, #tpu.memory_space<semaphore_mem>> -> memref<!tpu.dma_semaphore, #tpu.memory_space<semaphore_mem>>
        %dma_start3A_2075 = arith.constant 896 : i32
        %dma_start3A_2076 = tpu.memref_slice %arg15[%select_n3A_1411, %dma_start3A_2075] : memref<2x1024xi32, #tpu.memory_space<vmem>> -> memref<1x128xi32, #tpu.memory_space<vmem>>
        %dma_start3A_2077 = tpu.memref_squeeze %dma_start3A_2076 : memref<1x128xi32, #tpu.memory_space<vmem>> -> memref<128xi32, #tpu.memory_space<vmem>>
        %dma_start3A_2078 = tpu.memref_slice %arg3[%add3A_1926] : memref<3276800xi32, #tpu.memory_space<hbm>> -> memref<128xi32, #tpu.memory_space<hbm>>
        tpu.enqueue_dma source(%dma_start3A_2078 : memref<128xi32, #tpu.memory_space<hbm>>) target(%dma_start3A_2077 : memref<128xi32, #tpu.memory_space<vmem>>) target_semaphore(%dma_start3A_2074 : memref<!tpu.dma_semaphore, #tpu.memory_space<semaphore_mem>>)
        %dma_start3A_2079 = arith.constant 896 : i32
        %dma_start3A_2080 = tpu.memref_slice %arg16[%select_n3A_1411, %dma_start3A_2079] : memref<2x1024xi32, #tpu.memory_space<vmem>> -> memref<1x128xi32, #tpu.memory_space<vmem>>
        %dma_start3A_2081 = tpu.memref_squeeze %dma_start3A_2080 : memref<1x128xi32, #tpu.memory_space<vmem>> -> memref<128xi32, #tpu.memory_space<vmem>>
        %dma_start3A_2082 = tpu.memref_slice %arg4[%add3A_1928] : memref<3276800xi32, #tpu.memory_space<hbm>> -> memref<128xi32, #tpu.memory_space<hbm>>
        %dma_start3A_2083 = tpu.memref_slice %arg20[%select_n3A_1411] : memref<2x!tpu.dma_semaphore, #tpu.memory_space<semaphore_mem>> -> memref<1x!tpu.dma_semaphore, #tpu.memory_space<semaphore_mem>>
        %dma_start3A_2084 = tpu.memref_squeeze %dma_start3A_2083 : memref<1x!tpu.dma_semaphore, #tpu.memory_space<semaphore_mem>> -> memref<!tpu.dma_semaphore, #tpu.memory_space<semaphore_mem>>
        %dma_start3A_2085 = arith.constant 896 : i32
        %dma_start3A_2086 = tpu.memref_slice %arg16[%select_n3A_1411, %dma_start3A_2085] : memref<2x1024xi32, #tpu.memory_space<vmem>> -> memref<1x128xi32, #tpu.memory_space<vmem>>
        %dma_start3A_2087 = tpu.memref_squeeze %dma_start3A_2086 : memref<1x128xi32, #tpu.memory_space<vmem>> -> memref<128xi32, #tpu.memory_space<vmem>>
        %dma_start3A_2088 = tpu.memref_slice %arg4[%add3A_1928] : memref<3276800xi32, #tpu.memory_space<hbm>> -> memref<128xi32, #tpu.memory_space<hbm>>
        tpu.enqueue_dma source(%dma_start3A_2088 : memref<128xi32, #tpu.memory_space<hbm>>) target(%dma_start3A_2087 : memref<128xi32, #tpu.memory_space<vmem>>) target_semaphore(%dma_start3A_2084 : memref<!tpu.dma_semaphore, #tpu.memory_space<semaphore_mem>>)
      } else {
      }
    }
    %scan3A_1260 = arith.constant 100 : i32
    %add3A_1261 = arith.constant 98 : i32
    %add3A_1262 = arith.addi %mul3A_7, %add3A_1261 : i32
    %jit3A_1263 = arith.constant 16 : i32
    %div3A_1264 = arith.divsi %add3A_1262, %jit3A_1263 : i32
    %sign3A_1265 = arith.constant 0 : i32
    %sign3A_1266 = arith.cmpi sgt, %add3A_1262, %sign3A_1265 : i32
    %sign3A_1267 = arith.extui %sign3A_1266 : i1 to i32
    %sign3A_1268 = arith.constant 0 : i32
    %sign3A_1269 = arith.cmpi slt, %add3A_1262, %sign3A_1268 : i32
    %sign3A_1270 = arith.extui %sign3A_1269 : i1 to i32
    %sign3A_1271 = arith.subi %sign3A_1267, %sign3A_1270 : i32
    %sign3A_1272 = arith.constant 0 : i32
    %sign3A_1273 = arith.cmpi sgt, %jit3A_1263, %sign3A_1272 : i32
    %sign3A_1274 = arith.extui %sign3A_1273 : i1 to i32
    %sign3A_1275 = arith.constant 0 : i32
    %sign3A_1276 = arith.cmpi slt, %jit3A_1263, %sign3A_1275 : i32
    %sign3A_1277 = arith.extui %sign3A_1276 : i1 to i32
    %sign3A_1278 = arith.subi %sign3A_1274, %sign3A_1277 : i32
    %ne3A_1279 = arith.cmpi ne, %sign3A_1271, %sign3A_1278 : i32
    %rem3A_1280 = arith.remsi %add3A_1262, %jit3A_1263 : i32
    %ne3A_1281 = arith.constant 0 : i32
    %ne3A_1282 = arith.cmpi ne, %rem3A_1280, %ne3A_1281 : i32
    %and3A_1283 = arith.andi %ne3A_1279, %ne3A_1282 : i1
    %sub3A_1284 = arith.constant 1 : i32
    %sub3A_1285 = arith.subi %div3A_1264, %sub3A_1284 : i32
    %select_n3A_1286 = arith.select %and3A_1283, %sub3A_1285, %div3A_1264 : i32
    %mul3A_1287 = arith.constant 262144 : i32
    %mul3A_1288 = arith.muli %select_n3A_1286, %mul3A_1287 : i32
    %jit3A_1289 = arith.constant 16 : i32
    %eq3A_1290 = arith.constant 0 : i32
    %eq3A_1291 = arith.cmpi eq, %jit3A_1289, %eq3A_1290 : i32
    %jit3A_1292 = arith.constant 1 : i32
    %select_n3A_1293 = arith.select %eq3A_1291, %jit3A_1292, %jit3A_1289 : i32
    %rem3A_1294 = arith.remsi %add3A_1262, %select_n3A_1293 : i32
    %ne3A_1295 = arith.constant 0 : i32
    %ne3A_1296 = arith.cmpi ne, %rem3A_1294, %ne3A_1295 : i32
    %lt3A_1297 = arith.constant 0 : i32
    %lt3A_1298 = arith.cmpi slt, %rem3A_1294, %lt3A_1297 : i32
    %lt3A_1299 = arith.constant 0 : i32
    %lt3A_1300 = arith.cmpi slt, %select_n3A_1293, %lt3A_1299 : i32
    %ne3A_1301 = arith.xori %lt3A_1298, %lt3A_1300 : i1
    %and3A_1302 = arith.andi %ne3A_1301, %ne3A_1296 : i1
    %add3A_1303 = arith.addi %rem3A_1294, %select_n3A_1293 : i32
    %select_n3A_1304 = arith.select %and3A_1302, %add3A_1303, %rem3A_1294 : i32
    %mul3A_1305 = arith.constant 8192 : i32
    %mul3A_1306 = arith.muli %select_n3A_1304, %mul3A_1305 : i32
    %add3A_1307 = arith.addi %mul3A_1288, %mul3A_1306 : i32
    %add3A_1308 = arith.constant 131072 : i32
    %add3A_1309 = arith.addi %add3A_1307, %add3A_1308 : i32
    %dma_wait3A_1310 = arith.constant 0 : i32
    %dma_wait3A_1311 = arith.constant 0 : i32
    %dma_wait3A_1312 = tpu.memref_slice %arg18[%dma_wait3A_1311] : memref<32768xf32, #tpu.memory_space<vmem>> -> memref<8192xf32, #tpu.memory_space<vmem>>
    %dma_wait3A_1313 = tpu.memref_slice %arg9[%add3A_1307] : memref<52428800xf32, #tpu.memory_space<hbm>> -> memref<8192xf32, #tpu.memory_space<hbm>>
    %dma_wait3A_1314 = tpu.memref_slice %arg22[%dma_wait3A_1310] : memref<2x!tpu.dma_semaphore, #tpu.memory_space<semaphore_mem>> -> memref<1x!tpu.dma_semaphore, #tpu.memory_space<semaphore_mem>>
    %dma_wait3A_1315 = tpu.memref_squeeze %dma_wait3A_1314 : memref<1x!tpu.dma_semaphore, #tpu.memory_space<semaphore_mem>> -> memref<!tpu.dma_semaphore, #tpu.memory_space<semaphore_mem>>
    %dma_wait3A_1316 = tpu.memref_slice %arg9[%add3A_1307] : memref<52428800xf32, #tpu.memory_space<hbm>> -> memref<8192xf32, #tpu.memory_space<hbm>>
    %dma_wait3A_1317 = arith.constant 0 : i32
    %dma_wait3A_1318 = tpu.memref_slice %arg18[%dma_wait3A_1317] : memref<32768xf32, #tpu.memory_space<vmem>> -> memref<8192xf32, #tpu.memory_space<vmem>>
    tpu.wait_dma2 semaphore(%dma_wait3A_1315 : memref<!tpu.dma_semaphore, #tpu.memory_space<semaphore_mem>>) src(%dma_wait3A_1318 : memref<8192xf32, #tpu.memory_space<vmem>>) dst(%dma_wait3A_1316 : memref<8192xf32, #tpu.memory_space<hbm>>)
    %dma_wait3A_1319 = arith.constant 0 : i32
    %dma_wait3A_1320 = arith.constant 8192 : i32
    %dma_wait3A_1321 = tpu.memref_slice %arg18[%dma_wait3A_1320] : memref<32768xf32, #tpu.memory_space<vmem>> -> memref<8192xf32, #tpu.memory_space<vmem>>
    %dma_wait3A_1322 = tpu.memref_slice %arg9[%add3A_1309] : memref<52428800xf32, #tpu.memory_space<hbm>> -> memref<8192xf32, #tpu.memory_space<hbm>>
    %dma_wait3A_1323 = tpu.memref_slice %arg22[%dma_wait3A_1319] : memref<2x!tpu.dma_semaphore, #tpu.memory_space<semaphore_mem>> -> memref<1x!tpu.dma_semaphore, #tpu.memory_space<semaphore_mem>>
    %dma_wait3A_1324 = tpu.memref_squeeze %dma_wait3A_1323 : memref<1x!tpu.dma_semaphore, #tpu.memory_space<semaphore_mem>> -> memref<!tpu.dma_semaphore, #tpu.memory_space<semaphore_mem>>
    %dma_wait3A_1325 = tpu.memref_slice %arg9[%add3A_1309] : memref<52428800xf32, #tpu.memory_space<hbm>> -> memref<8192xf32, #tpu.memory_space<hbm>>
    %dma_wait3A_1326 = arith.constant 8192 : i32
    %dma_wait3A_1327 = tpu.memref_slice %arg18[%dma_wait3A_1326] : memref<32768xf32, #tpu.memory_space<vmem>> -> memref<8192xf32, #tpu.memory_space<vmem>>
    tpu.wait_dma2 semaphore(%dma_wait3A_1324 : memref<!tpu.dma_semaphore, #tpu.memory_space<semaphore_mem>>) src(%dma_wait3A_1327 : memref<8192xf32, #tpu.memory_space<vmem>>) dst(%dma_wait3A_1325 : memref<8192xf32, #tpu.memory_space<hbm>>)
    %add3A_1328 = arith.constant 99 : i32
    %add3A_1329 = arith.addi %mul3A_7, %add3A_1328 : i32
    %jit3A_1330 = arith.constant 16 : i32
    %div3A_1331 = arith.divsi %add3A_1329, %jit3A_1330 : i32
    %sign3A_1332 = arith.constant 0 : i32
    %sign3A_1333 = arith.cmpi sgt, %add3A_1329, %sign3A_1332 : i32
    %sign3A_1334 = arith.extui %sign3A_1333 : i1 to i32
    %sign3A_1335 = arith.constant 0 : i32
    %sign3A_1336 = arith.cmpi slt, %add3A_1329, %sign3A_1335 : i32
    %sign3A_1337 = arith.extui %sign3A_1336 : i1 to i32
    %sign3A_1338 = arith.subi %sign3A_1334, %sign3A_1337 : i32
    %sign3A_1339 = arith.constant 0 : i32
    %sign3A_1340 = arith.cmpi sgt, %jit3A_1330, %sign3A_1339 : i32
    %sign3A_1341 = arith.extui %sign3A_1340 : i1 to i32
    %sign3A_1342 = arith.constant 0 : i32
    %sign3A_1343 = arith.cmpi slt, %jit3A_1330, %sign3A_1342 : i32
    %sign3A_1344 = arith.extui %sign3A_1343 : i1 to i32
    %sign3A_1345 = arith.subi %sign3A_1341, %sign3A_1344 : i32
    %ne3A_1346 = arith.cmpi ne, %sign3A_1338, %sign3A_1345 : i32
    %rem3A_1347 = arith.remsi %add3A_1329, %jit3A_1330 : i32
    %ne3A_1348 = arith.constant 0 : i32
    %ne3A_1349 = arith.cmpi ne, %rem3A_1347, %ne3A_1348 : i32
    %and3A_1350 = arith.andi %ne3A_1346, %ne3A_1349 : i1
    %sub3A_1351 = arith.constant 1 : i32
    %sub3A_1352 = arith.subi %div3A_1331, %sub3A_1351 : i32
    %select_n3A_1353 = arith.select %and3A_1350, %sub3A_1352, %div3A_1331 : i32
    %mul3A_1354 = arith.constant 262144 : i32
    %mul3A_1355 = arith.muli %select_n3A_1353, %mul3A_1354 : i32
    %jit3A_1356 = arith.constant 16 : i32
    %eq3A_1357 = arith.constant 0 : i32
    %eq3A_1358 = arith.cmpi eq, %jit3A_1356, %eq3A_1357 : i32
    %jit3A_1359 = arith.constant 1 : i32
    %select_n3A_1360 = arith.select %eq3A_1358, %jit3A_1359, %jit3A_1356 : i32
    %rem3A_1361 = arith.remsi %add3A_1329, %select_n3A_1360 : i32
    %ne3A_1362 = arith.constant 0 : i32
    %ne3A_1363 = arith.cmpi ne, %rem3A_1361, %ne3A_1362 : i32
    %lt3A_1364 = arith.constant 0 : i32
    %lt3A_1365 = arith.cmpi slt, %rem3A_1361, %lt3A_1364 : i32
    %lt3A_1366 = arith.constant 0 : i32
    %lt3A_1367 = arith.cmpi slt, %select_n3A_1360, %lt3A_1366 : i32
    %ne3A_1368 = arith.xori %lt3A_1365, %lt3A_1367 : i1
    %and3A_1369 = arith.andi %ne3A_1368, %ne3A_1363 : i1
    %add3A_1370 = arith.addi %rem3A_1361, %select_n3A_1360 : i32
    %select_n3A_1371 = arith.select %and3A_1369, %add3A_1370, %rem3A_1361 : i32
    %mul3A_1372 = arith.constant 8192 : i32
    %mul3A_1373 = arith.muli %select_n3A_1371, %mul3A_1372 : i32
    %add3A_1374 = arith.addi %mul3A_1355, %mul3A_1373 : i32
    %add3A_1375 = arith.constant 131072 : i32
    %add3A_1376 = arith.addi %add3A_1374, %add3A_1375 : i32
    %dma_wait3A_1377 = arith.constant 1 : i32
    %dma_wait3A_1378 = arith.constant 16384 : i32
    %dma_wait3A_1379 = tpu.memref_slice %arg18[%dma_wait3A_1378] : memref<32768xf32, #tpu.memory_space<vmem>> -> memref<8192xf32, #tpu.memory_space<vmem>>
    %dma_wait3A_1380 = tpu.memref_slice %arg9[%add3A_1374] : memref<52428800xf32, #tpu.memory_space<hbm>> -> memref<8192xf32, #tpu.memory_space<hbm>>
    %dma_wait3A_1381 = tpu.memref_slice %arg22[%dma_wait3A_1377] : memref<2x!tpu.dma_semaphore, #tpu.memory_space<semaphore_mem>> -> memref<1x!tpu.dma_semaphore, #tpu.memory_space<semaphore_mem>>
    %dma_wait3A_1382 = tpu.memref_squeeze %dma_wait3A_1381 : memref<1x!tpu.dma_semaphore, #tpu.memory_space<semaphore_mem>> -> memref<!tpu.dma_semaphore, #tpu.memory_space<semaphore_mem>>
    %dma_wait3A_1383 = tpu.memref_slice %arg9[%add3A_1374] : memref<52428800xf32, #tpu.memory_space<hbm>> -> memref<8192xf32, #tpu.memory_space<hbm>>
    %dma_wait3A_1384 = arith.constant 16384 : i32
    %dma_wait3A_1385 = tpu.memref_slice %arg18[%dma_wait3A_1384] : memref<32768xf32, #tpu.memory_space<vmem>> -> memref<8192xf32, #tpu.memory_space<vmem>>
    tpu.wait_dma2 semaphore(%dma_wait3A_1382 : memref<!tpu.dma_semaphore, #tpu.memory_space<semaphore_mem>>) src(%dma_wait3A_1385 : memref<8192xf32, #tpu.memory_space<vmem>>) dst(%dma_wait3A_1383 : memref<8192xf32, #tpu.memory_space<hbm>>)
    %dma_wait3A_1386 = arith.constant 1 : i32
    %dma_wait3A_1387 = arith.constant 24576 : i32
    %dma_wait3A_1388 = tpu.memref_slice %arg18[%dma_wait3A_1387] : memref<32768xf32, #tpu.memory_space<vmem>> -> memref<8192xf32, #tpu.memory_space<vmem>>
    %dma_wait3A_1389 = tpu.memref_slice %arg9[%add3A_1376] : memref<52428800xf32, #tpu.memory_space<hbm>> -> memref<8192xf32, #tpu.memory_space<hbm>>
    %dma_wait3A_1390 = tpu.memref_slice %arg22[%dma_wait3A_1386] : memref<2x!tpu.dma_semaphore, #tpu.memory_space<semaphore_mem>> -> memref<1x!tpu.dma_semaphore, #tpu.memory_space<semaphore_mem>>
    %dma_wait3A_1391 = tpu.memref_squeeze %dma_wait3A_1390 : memref<1x!tpu.dma_semaphore, #tpu.memory_space<semaphore_mem>> -> memref<!tpu.dma_semaphore, #tpu.memory_space<semaphore_mem>>
    %dma_wait3A_1392 = tpu.memref_slice %arg9[%add3A_1376] : memref<52428800xf32, #tpu.memory_space<hbm>> -> memref<8192xf32, #tpu.memory_space<hbm>>
    %dma_wait3A_1393 = arith.constant 24576 : i32
    %dma_wait3A_1394 = tpu.memref_slice %arg18[%dma_wait3A_1393] : memref<32768xf32, #tpu.memory_space<vmem>> -> memref<8192xf32, #tpu.memory_space<vmem>>
    tpu.wait_dma2 semaphore(%dma_wait3A_1391 : memref<!tpu.dma_semaphore, #tpu.memory_space<semaphore_mem>>) src(%dma_wait3A_1394 : memref<8192xf32, #tpu.memory_space<vmem>>) dst(%dma_wait3A_1392 : memref<8192xf32, #tpu.memory_space<hbm>>)
    return
  }
}

</mosaic_0001>

<sc_bundles>
// kernel: kernel.3.cloned.1.call-start
scs
__scs_entry_jumppad:
0x0: {  	(pc) =	sbr.rel $0x88, $3  }
0x1: {  	(tag) =	ssettag $0x0;
	lr =	simm.s32 $0x1  }
0x2: {  	[smem:$0x3F9A] =	sst lr;
	_ =	strace $0xD0000000  }
0x3: {  	_ = 	snop  }
0x4: {  	_ = 	snop  }
0x5: {  	_ = 	snop  }
0x6: {  	_ = 	snop  }
0x7: {  	_ = 	snop  }
__scs_overlays_trampoline_lowered:
0x8: {  	[smem:$0x3FA9] =	sst s0  }
0x9: {  	[smem:$0x3FAA] =	sst s1  }
0xa: {  	[smem:$0x3FAB] =	sst s2  }
0xb: {  	[smem:$0x3FAC] =	sst s3  }
0xc: {  	[smem:$0x3FAD] =	sst s4  }
0xd: {  	[smem:$0x3FAE] =	sst s5  }
0xe: {  	[smem:$0x3FAF] =	sst s6  }
0xf: {  	[smem:$0x3FB0] =	sst s7  }
0x10: {  	[smem:$0x3FB1] =	sst s8  }
0x11: {  	[smem:$0x3FB2] =	sst s9;
	s0 =	simm.s32 @!p0 $0x0  }
0x12: {  	s1 =	sld [smem:$0x3F98];
	s0 =	simm.s32 @p0 $0x1  }
0x13: {  	[smem:$0x3FB3] =	sst s0;
	s0 =	simm.s32 @!p1 $0x0  }
0x14: {  	s2 =	sld [smem:$0x3F97];
	s0 =	simm.s32 @p1 $0x1  }
0x15: {  	[smem:$0x3FB4] =	sst s0;
	s0 =	simm.s32 @!p2 $0x0  }
0x16: {  	s3 =	sld [smem:$0x3FDB];
	s0 =	simm.s32 @p2 $0x1  }
0x17: {  	s4 =	simm.s32 $0x1BF5;
	[smem:$0x3FB6] =	sst s0  }
0x18: {  	s0 =	sld [smem:$0x3F99];
	_ =	swait.ge [sflag:s4], $0x0  }
0x19: {  	s7 =	sld [smem:$0x3F9A]  }
0x1a: {  	s8 =	sadd.s32 $0xFFFFE003, lr  }
0x1b: {  	s9 =	sadd.s32 $0xFFFFFEF7, lr;
	s5 =	simm.s32 $0xFFFFFFFF;
	p2 =	slt.u32 s8, $0xFFFFF086  }
0x1c: {  	p1 =	slt.u32 s9, $0xF7A;
	s5 =	simm.s32 @!p2 $0x0  }
0x1d: {  	s5 =	simm.s32 @p1 $0x1;
	p0 =	seq.s32 s7, s2  }
0x1e: {  	s7 =	smul.u32 @!p0 $0xF7A, s2;
	p2 =	seq.s32 @!p0 s5, $0x0  }
0x1f: {  	s9 =	smul.u32 $0xF7A, s1;
	s8 =	simm.s32 @!p0 $0x1BF5;
	p2 =	por !p2, p0  }
0x20: {  	[sflag:s8] =	ssyncset.s32 @!p0 $0xFFFFF086;
	s6 =	sadd.s32 @!p0 s3, s7;
	s7 =	simm.s32 @!p0 $0x108  }
0x21: {  	s3 =	sadd.s32 s3, s9;
	s6 =	sadd.s32 @!p0 $0x88, s6;
	s7 =	simm.s32 @p2 $0x1082  }
0x22: {  	[simem:s7], [sflag:s8] =	dma.local @!p0 [hbm:s6], $0xF7A  }
0x23: {  	s9 =	sor.u32 $0xD0000000, s2;
	s6 =	simm.s32 $0x108;
	_ =	swait.ge @!p0 [sflag:s8], $0x0  }
0x24: {  	s3 =	sadd.s32 $0x88, s3;
	s6 =	simm.s32 @!p1 $0x1082;
	[sflag:s4] =	ssyncset.s32 $0xFFFFF086  }
0x25: {  	[simem:s6], [sflag:s4] =	dma.local [hbm:s3], $0xF7A  }
0x26: {  	[smem:$0x3F9A] =	sst s1;
	(tag) =	ssettag s2;
	_ =	strace s9  }
0x27: {  	s1 =	sld [smem:$0x3FAA]  }
0x28: {  	s2 =	sld [smem:$0x3FAB]  }
0x29: {  	s4 =	sld [smem:$0x3FAD]  }
0x2a: {  	p0 =	seq.s32 s5, $0x0;
	s5 =	sld [smem:$0x3FAE]  }
0x2b: {  	s6 =	sld [smem:$0x3FAF]  }
0x2c: {  	s7 =	sld [smem:$0x3FB0]  }
0x2d: {  	s3 =	simm.s32 $0x108;
	s8 =	sld [smem:$0x3FB1]  }
0x2e: {  	s3 =	simm.s32 @!p0 $0x1082;
	s9 =	sld [smem:$0x3FB2]  }
0x2f: {  	lr =	sadd.s32 s0, s3;
	s0 =	sld [smem:$0x3FA9]  }
0x30: {  	s3 =	sld [smem:$0x3FAC]  }
0x31: {  	[smem:$0x3FB5] =	sst s10  }
0x32: {  	s10 =	sld [smem:$0x3FB3];
	_ =	sdelay $0x3  }
0x33: {  	p0 =	seq.s32 s10, $0x1;
	s10 =	sld [smem:$0x3FB5];
	_ =	sdelay $0x3  }
0x34: {  	[smem:$0x3FB5] =	sst s10  }
0x35: {  	s10 =	sld [smem:$0x3FB4];
	_ =	sdelay $0x3  }
0x36: {  	p1 =	seq.s32 s10, $0x1;
	s10 =	sld [smem:$0x3FB5];
	_ =	sdelay $0x3  }
0x37: {  	[smem:$0x3FB5] =	sst s10  }
0x38: {  	s10 =	sld [smem:$0x3FB6]  }
0x39: {  	_ = 	snop;
	(pc) =	sbr.ind lr, $3  }
0x3a: {  	_ = 	snop  }
0x3b: {  	_ = 	snop  }
0x3c: {  	p2 =	seq.s32 s10, $0x1;
	s10 =	sld [smem:$0x3FB5]  }
0x3d: {  	_ =	shalt  }
0x3e: {  	_ =	shalt  }
0x3f: {  	_ =	shalt  }
0x40: {  	_ =	shalt  }
0x41: {  	_ =	shalt  }
0x42: {  	_ =	shalt  }
0x43: {  	_ =	shalt  }
0x44: {  	_ =	shalt  }
0x45: {  	_ =	shalt  }
0x46: {  	_ =	shalt  }
0x47: {  	_ =	shalt  }
0x48: {  	_ =	shalt  }
0x49: {  	_ =	shalt  }
0x4a: {  	_ =	shalt  }
0x4b: {  	_ =	shalt  }
0x4c: {  	_ =	shalt  }
0x4d: {  	_ =	shalt  }
0x4e: {  	_ =	shalt  }
0x4f: {  	_ =	shalt  }
0x50: {  	_ =	shalt  }
0x51: {  	_ =	shalt  }
0x52: {  	_ =	shalt  }
0x53: {  	_ =	shalt  }
0x54: {  	_ =	shalt  }
0x55: {  	_ =	shalt  }
0x56: {  	_ =	shalt  }
0x57: {  	_ =	shalt  }
0x58: {  	_ =	shalt  }
0x59: {  	_ =	shalt  }
0x5a: {  	_ =	shalt  }
0x5b: {  	_ =	shalt  }
0x5c: {  	_ =	shalt  }
0x5d: {  	_ =	shalt  }
0x5e: {  	_ =	shalt  }
0x5f: {  	_ =	shalt  }
0x60: {  	_ =	shalt  }
0x61: {  	_ =	shalt  }
0x62: {  	_ =	shalt  }
0x63: {  	_ =	shalt  }
0x64: {  	_ =	shalt  }
0x65: {  	_ =	shalt  }
0x66: {  	_ =	shalt  }
0x67: {  	_ =	shalt  }
0x68: {  	_ =	shalt  }
0x69: {  	_ =	shalt  }
0x6a: {  	_ =	shalt  }
0x6b: {  	_ =	shalt  }
0x6c: {  	_ =	shalt  }
0x6d: {  	_ =	shalt  }
0x6e: {  	_ =	shalt  }
0x6f: {  	_ =	shalt  }
0x70: {  	_ =	shalt  }
0x71: {  	_ =	shalt  }
0x72: {  	_ =	shalt  }
0x73: {  	_ =	shalt  }
0x74: {  	_ =	shalt  }
0x75: {  	_ =	shalt  }
0x76: {  	_ =	shalt  }
0x77: {  	_ =	shalt  }
0x78: {  	_ =	shalt  }
0x79: {  	_ =	shalt  }
0x7a: {  	_ =	shalt  }
0x7b: {  	_ =	shalt  }
0x7c: {  	_ =	shalt  }
0x7d: {  	_ =	shalt  }
0x7e: {  	_ =	shalt  }
0x7f: {  	_ =	shalt  }
0x80: {  	_ =	shalt  }
0x81: {  	_ =	shalt  }
0x82: {  	_ =	shalt  }
0x83: {  	_ =	shalt  }
0x84: {  	_ =	shalt  }
0x85: {  	_ =	shalt  }
0x86: {  	_ =	shalt  }
0x87: {  	_ =	shalt  }
.Lfunc_end0:
.L_simem_size_0:
called_computation_lowered:
.L_overlay_start_0:
0x88: {  	s2 =	sld [smem:$0x3FD9]  }
0x89: {  	s3 =	sld [smem:$0x3FFE];
	_ =	sdelay $0x1  }
0x8a: {  	s1 =	srdreg.scid  }
0x8b: {  	s0 =	sand.u32 $0x1, s1  }
0x8c: {  	s17 =	sshll.u32 s0, $0xA;
	s2 =	sadd.s32 s3, s2  }
0x8d: {  	s2 =	sadd.s32 s2, s17  }
0x8e: {  	[smem:$0x3FC1] =	sst s2  }
0x8f: {  	_ = 	snop  }
0x90: {  	s2 =	sld [smem:$0x3FC9]  }
0x91: {  	s18 =	sld [smem:$0x3FC8]  }
0x92: {  	s4 =	sld [smem:$0x3FC7]  }
0x93: {  	s5 =	sld [smem:$0x3FD0];
	(tm) =	ssettm $0x1  }
0x94: {  	s6 =	sld [smem:$0x3FFB];
	_ =	sdelay $0x3  }
0x95: {  	_ =	strace s6  }
0x96: {  	s6 =	sld [smem:$0x3FFC];
	_ =	sdelay $0x3  }
0x97: {  	_ =	strace s6  }
0x98: {  	s6 =	sld [smem:$0x3FFD];
	_ =	sdelay $0x3  }
0x99: {  	_ =	strace s6  }
0x9a: {  	_ =	strace $0x8FFFFFFF  }
0x9b: {  	s19 =	sld [smem:$0x3FDB];
	_ =	sdelay $0x1  }
0x9c: {  	s7 =	simm.s32 $_scs_section_size  }
0x9d: {  	s8 =	simm.s32 $_size__tile_overlayer_lowered;
	s9 =	simm.s32 $_tile_overlayer_lowered  }
0x9e: {  	s22 =	simm.s32 $0x1BFF;
	s21 =	sshll.u32 s9, $0x1;
	s6 =	sadd.s32 s7, s19  }
0x9f: {  	s10 =	simm.s32 $0x0;
	s20 =	sshll.u32 s8, $0x1;
	s8 =	sadd.s32 s21, s6  }
0xa0: {  	[timem:s10], [sflag:s22] =	dma.local [hbm:s8], s20  }
0xa1: {  	_ =	swait.ge [sflag:s22], s20  }
0xa2: {  	s7 =	ssub.s32 $0x0, s20;
	[sflag:s22] =	ssyncset.done $0x0  }
0xa3: {  	[sflag:s22] =	ssyncadd.s32 s7;
	_ =	sdelay $0x1  }
0xa4: {  	s23 =	simm.s32 $0x1B8B  }
0xa5: {  	_ =	swait.ge [sflag:s23], $0x1  }
0xa6: {  	[sflag:s23] =	ssyncset.done $0x0  }
0xa7: {  	s25 =	simm.s32 $0x1B8E;
	s24 =	sld [smem:$0x3FFE];
	[sflag:s23] =	ssyncadd.s32 $0xFFFFFFFF  }
0xa8: {  	s26 =	simm.s32 $execute0_lowered;
	[smem:$0x3FD2] =	sst s25  }
0xa9: {  	s8 =	sshll.u32 s26, $0x1;
	_ =	strace $0x80000046;
	[dreg:$0x1] =	wrdreg $0xFFFFFFFF  }
0xaa: {  	s28 =	simm.s32 $_size_execute0_lowered;
	s6 =	sadd.s32 s6, s8;
	[dreg:$0x0] =	wrdreg $0x0  }
0xab: {  	s8 =	sshll.u32 s28, $0x1;
	[dreg:$0x2] =	wrdreg s6  }
0xac: {  	[dreg:$0x3] =	wrdreg s8  }
0xad: {  	[dreg:$0x4] =	wrdreg $0xC0  }
0xae: {  	_ =	task [dreg:s10], $0x5FFFF  }
0xaf: {  	[dreg:$0x1] =	wrdreg $0xFFFFFFFF  }
0xb0: {  	[dreg:$0x0] =	wrdreg $0x60  }
0xb1: {  	[dreg:$0x2] =	wrdreg s2  }
0xb2: {  	[dreg:$0x3] =	wrdreg s18  }
0xb3: {  	[dreg:$0x4] =	wrdreg s4  }
0xb4: {  	[dreg:$0x5] =	wrdreg s24  }
0xb5: {  	[dreg:$0x6] =	wrdreg s5  }
0xb6: {  	[dreg:$0x7] =	wrdreg $0x9  }
0xb7: {  	_ =	task.clear_ibuf [dreg:s10], $0x8FFFF;
	_ =	strace $0x90000046  }
0xb8: {  	s29 =	simm.s32 $0x9;
	_ =	strace $0x80000048  }
0xb9: {  	_ =	swait.ge [sflag:s29], $0x1  }
0xba: {  	[sflag:s29] =	ssyncadd.s32 $0xFFFFFFFF  }
0xbb: {  	_ =	strace $0x90000048  }
0xbc: {  	_ =	sfence  }
0xbd: {  	s30 =	sld [smem:$0x0];
	_ =	sdelay $0x2  }
0xbe: {  	s31 =	sshll.u32 s1, $0xD;
	s1 =	sshrl.u32 s1, $0x2  }
0xbf: {  	s3 =	sand.u32 $0x4000, s31;
	s1 =	sadd.s32 s1, s30  }
0xc0: {  	s0 =	sor.u32 s3, s0;
	s1 =	sshll.u32 s1, $0x11  }
0xc1: {  	s0 =	sor.u32 s1, s0  }
0xc2: {  	s0 =	sadd.s32 $0x8F2B, s0  }
0xc3: {  	[sflag:s0] =	ssyncadd.remote.s32 $0x1  }
0xc4: {  	_ =	sfence.sel $0xFFFF  }
0xc5: {  	[dreg:$0x0] =	wrdreg $0xFFFFFFFF;
	(pc) =	sbr.abs _section_cstart, $3  }
0xc6: {  	[dreg:$0x1] =	wrdreg $0xFFFFFFFF  }
0xc7: {  	_ =	task.clear_ibuf [dreg:s10], $0x2FFFF;
	_ =	strace $0x9FFFFFFF  }
0xc8: {  	(tm) =	ssettm $0x7FFFFFFF  }
0xc9: {  	_ =	shalt  }
tec
execute0_lowered:
.L_overlay_start_1:
0x0: {  	(tag) =	ssettag $0x1  }
0x1: {  	s18 =	rddreg [dreg:$0x0]  }
0x2: {  	s19 =	rddreg [dreg:$0x1]  }
0x3: {  	s20 =	rddreg [dreg:$0x2]  }
0x4: {  	s0 =	rddreg [dreg:$0x3]  }
0x5: {  	s1 =	srdreg.scid;
	s2 =	stileid.u32  }
0x6: {  	s21 =	rddreg [dreg:$0x4];
	s6 =	simm.s32 $0x0;
	s1 =	sand.u32 $0x1, s1  }
0x7: {  	s2 =	sshll.u32 s2, $0x1;
	[smem:$0x7FF] =	sst s6;
	s7 =	sadd.s32 $0xF42E00, s0  }
0x8: {  	s15 =	sadd.s32 $0xA00, s0;
	_ =	strace $0x80000047;
	[dreg:$0x6] =	wrdreg s7  }
0x9: {  	s17 =	sadd.s32 $0xE00, s0;
	s2 =	sor.u32 s1, s2;
	[dreg:$0x7] =	wrdreg s15  }
0xa: {  	s0 =	sadd.s32 $0xC00, s0;
	[dreg:$0x8] =	wrdreg s17;
	s3 =	smul.u32 $0x19000, s2  }
0xb: {  	s1 =	ssub.s32 $0x2, s1;
	s4 =	sshll.u32 s2, $0xF;
	s5 =	smul.u32 $0x320, s2  }
0xc: {  	s22 =	sshrl.u32 s1, $0x1;
	s4 =	sand.u32 $0x18000, s4;
	s3 =	sand.u32 $0x3E0000, s3  }
0xd: {  	s23 =	smul.u32 $0x64, s2;
	s16 =	sand.u32 $0x380, s5;
	s3 =	sor.u32 s4, s3  }
0xe: {  	[dreg:$0x9] =	wrdreg s0;
	s0 =	ssub.s32 s1, s22;
	s3 =	sor.u32 s16, s3  }
0xf: {  	[dreg:$0xa] =	wrdreg s23;
	s0 =	smax.u32 s0, $0x1;
	s3 =	sshrl.u32 s3, $0x3  }
0x10: {  	[smem:$0x7F5] =	sst s0;
	s24 =	sadd.s32 s18, s3;
	s25 =	sor.u32 $0x80, s3  }
0x11: {  	s26 =	sor.u32 $0x100, s3;
	s28 =	sor.u32 $0x180, s3;
	s5 =	sor.u32 $0x200, s3  }
0x12: {  	s7 =	sor.u32 $0x280, s3;
	s8 =	sor.u32 $0x300, s3;
	s9 =	sor.u32 $0x380, s3  }
0x13: {  	s10 =	sor.u32 $0x400, s3;
	s11 =	sor.u32 $0x480, s3;
	s12 =	sor.u32 $0x500, s3  }
0x14: {  	s13 =	sor.u32 $0x580, s3;
	s14 =	sor.u32 $0x600, s3;
	s15 =	sor.u32 $0x680, s3  }
0x15: {  	s16 =	sor.u32 $0x700, s3;
	s22 =	sadd.s32 s19, s3;
	[dreg:$0xb] =	wrdreg s24  }
0x16: {  	s17 =	sor.u32 $0x780, s3;
	s3 =	sadd.s32 s20, s3;
	[dreg:$0xc] =	wrdreg s22  }
0x17: {  	[dreg:$0xd] =	wrdreg s3;
	s29 =	sadd.s32 s18, s25  }
0x18: {  	s30 =	sadd.s32 s19, s25;
	[dreg:$0xe] =	wrdreg s29  }
0x19: {  	s1 =	sadd.s32 s20, s25;
	[dreg:$0xf] =	wrdreg s30  }
0x1a: {  	s31 =	sadd.s32 s18, s26;
	[dreg:$0x10] =	wrdreg s1  }
0x1b: {  	s3 =	sadd.s32 s19, s26;
	[dreg:$0x11] =	wrdreg s31  }
0x1c: {  	s22 =	sadd.s32 s20, s26;
	[dreg:$0x12] =	wrdreg s3  }
0x1d: {  	s23 =	sadd.s32 s18, s28;
	[dreg:$0x13] =	wrdreg s22  }
0x1e: {  	s24 =	sadd.s32 s19, s28;
	[dreg:$0x14] =	wrdreg s23  }
0x1f: {  	s25 =	sadd.s32 s20, s28;
	[dreg:$0x15] =	wrdreg s24  }
0x20: {  	s26 =	sadd.s32 s18, s5;
	[dreg:$0x16] =	wrdreg s25  }
0x21: {  	s28 =	sadd.s32 s19, s5;
	[dreg:$0x17] =	wrdreg s26  }
0x22: {  	s2 =	sadd.s32 s20, s7;
	[dreg:$0x18] =	wrdreg s28  }
0x23: {  	s4 =	sadd.s32 s19, s8;
	[dreg:$0x1c] =	wrdreg s2  }
0x24: {  	s29 =	sadd.s32 s20, s5;
	[dreg:$0x1e] =	wrdreg s4  }
0x25: {  	s30 =	sadd.s32 s18, s7;
	[dreg:$0x19] =	wrdreg s29  }
0x26: {  	s31 =	sadd.s32 s19, s7;
	[dreg:$0x1a] =	wrdreg s30  }
0x27: {  	s3 =	sadd.s32 s18, s8;
	[dreg:$0x1b] =	wrdreg s31  }
0x28: {  	s5 =	sadd.s32 s20, s8;
	[dreg:$0x1d] =	wrdreg s3  }
0x29: {  	s7 =	sadd.s32 s18, s9;
	[dreg:$0x1f] =	wrdreg s5  }
0x2a: {  	s8 =	sadd.s32 s19, s9;
	[smem:$0x7DA] =	sst s7  }
0x2b: {  	s22 =	sadd.s32 s20, s9;
	[smem:$0x7DB] =	sst s8  }
0x2c: {  	s23 =	sadd.s32 s18, s10;
	[smem:$0x7DC] =	sst s22  }
0x2d: {  	s24 =	sadd.s32 s19, s10;
	[smem:$0x7DD] =	sst s23  }
0x2e: {  	s25 =	sadd.s32 s20, s10;
	[smem:$0x7DE] =	sst s24  }
0x2f: {  	s26 =	sadd.s32 s18, s11;
	[smem:$0x7DF] =	sst s25  }
0x30: {  	s28 =	sadd.s32 s19, s11;
	[smem:$0x7E0] =	sst s26  }
0x31: {  	s2 =	sadd.s32 s20, s12;
	[smem:$0x7E1] =	sst s28  }
0x32: {  	s4 =	sadd.s32 s19, s13;
	[smem:$0x7E5] =	sst s2  }
0x33: {  	s9 =	sadd.s32 s20, s14;
	[smem:$0x7E7] =	sst s4  }
0x34: {  	s10 =	sadd.s32 s18, s15;
	[smem:$0x7EB] =	sst s9  }
0x35: {  	s29 =	sadd.s32 s20, s11;
	[smem:$0x7EC] =	sst s10  }
0x36: {  	s30 =	sadd.s32 s18, s12;
	[smem:$0x7E2] =	sst s29  }
0x37: {  	s31 =	sadd.s32 s19, s12;
	[smem:$0x7E3] =	sst s30  }
0x38: {  	s3 =	sadd.s32 s18, s13;
	[smem:$0x7E4] =	sst s31  }
0x39: {  	s5 =	sadd.s32 s20, s13;
	[smem:$0x7E6] =	sst s3  }
0x3a: {  	s7 =	sadd.s32 s18, s14;
	[smem:$0x7E8] =	sst s5  }
0x3b: {  	s8 =	sadd.s32 s19, s14;
	[smem:$0x7E9] =	sst s7  }
0x3c: {  	s11 =	sadd.s32 s19, s15;
	[smem:$0x7EA] =	sst s8  }
0x3d: {  	s12 =	sadd.s32 s20, s15;
	[smem:$0x7ED] =	sst s11  }
0x3e: {  	s13 =	sadd.s32 s18, s16;
	[smem:$0x7EE] =	sst s12  }
0x3f: {  	s14 =	sadd.s32 s19, s16;
	[smem:$0x7EF] =	sst s13  }
0x40: {  	s15 =	sadd.s32 s20, s16;
	[smem:$0x7F0] =	sst s14  }
0x41: {  	s16 =	sadd.s32 s18, s17;
	[smem:$0x7F1] =	sst s15  }
0x42: {  	s19 =	sadd.s32 s19, s17;
	[smem:$0x7F2] =	sst s16  }
0x43: {  	s22 =	sadd.s32 s20, s17;
	[smem:$0x7F3] =	sst s19  }
0x44: {  	s23 =	sadd.s32 $0x80, s18;
	[smem:$0x7F4] =	sst s22  }
0x45: {  	s24 =	sadd.s32 $0x100, s18;
	[smem:$0x7F6] =	sst s23  }
0x46: {  	s25 =	sadd.s32 $0x180, s18;
	[smem:$0x7F7] =	sst s24  }
0x47: {  	s26 =	sadd.s32 $0x200, s18;
	[smem:$0x7F8] =	sst s25  }
0x48: {  	s28 =	sadd.s32 $0x280, s18;
	[smem:$0x7F9] =	sst s26  }
0x49: {  	v6 =	vlaneseq.u32;
	[smem:$0x7FA] =	sst s28;
	s29 =	sadd.s32 $0x300, s18  }
0x4a: {  	v55 =	vmul.u32 $0x10, v6;
	s2 =	simm.s32 $0x0;
	s30 =	sadd.s32 $0x380, s18;
	[smem:$0x7FB] =	sst s29  }
0x4b: {  	s31 =	sadd.s32 $0x4000, s21;
	s22 =	simm.s32 $0x180;
	[smem:$0x7FC] =	sst s30  }
0x4c: {  	[tilespmem:$0x1FFF0] =	vst v55;
	s23 =	simm.s32 $0x1C0;
	s24 =	simm.s32 $0x240;
	[smem:$0x7FD] =	sst s31  }
.LBB2_1:
0x4d: {  	[smem:$0x7D9] =	sst s2  }
0x4e: {  	s0 =	rddreg [dreg:$0x7];
	s26 =	simm.s32 $0x9  }
0x4f: {  	[tilespmem:s6], [sflag:$0x9] =	stream.linear.gather [hbm4b:s0+s6], $0x180, $0x38;
	[tilespmem:$0x14A40] =	vst v63  }
0x50: {  	_ =	swait.ge [sflag:s26], $0x180  }
0x51: {  	[sflag:s26] =	ssyncset.done $0x0  }
0x52: {  	s28 =	rddreg [dreg:$0x8];
	[sflag:s26] =	ssyncadd.s32 $0xFFFFFE80  }
0x53: {  	[tilespmem:s22], [sflag:$0x9] =	stream.linear.gather [hbm4b:s28+s6], $0x40, $0x38;
	[tilespmem:$0x14A40] =	vst v63  }
0x54: {  	_ =	swait.ge [sflag:s26], $0x40  }
0x55: {  	s30 =	simm.s32 $0x0;
	s1 =	sand.u32 $0x30, s6;
	[sflag:s26] =	ssyncset.done $0x0  }
0x56: {  	s0 =	sand.u32 $0x1F0, s30;
	v0 =	vor.u32 s1, v6;
	s29 =	rddreg [dreg:$0x9];
	[sflag:s26] =	ssyncadd.s32 $0xFFFFFFC0  }
0x57: {  	v2 =	vor.u32 s0, v6;
	[tilespmem:s23], [sflag:$0x9] =	stream.linear.gather [hbm4b:s29+s6], $0x80, $0x38;
	[tilespmem:$0x14A40] =	vst v63  }
0x58: {  	s31 =	sand.u32 $0x70, s6;
	_ =	swait.ge [sflag:s26], $0x80  }
0x59: {  	v3 =	vor.u32 s31, v6;
	[sflag:s26] =	ssyncset.done $0x0  }
0x5a: {  	[sflag:s26] =	ssyncadd.s32 $0xFFFFFF80  }
0x5b: {  	v1 =	vld.idx.msk [tilespmem:v0+s22+$0x0], $0xffff  }
0x5c: {  	v2 =	vld.idx.msk [tilespmem:v2+s6+$0x0], $0xffff;
	_ =	sdelay $0x1  }
0x5d: {  	v0 =	vld.idx.msk [tilespmem:v3+s23+$0x0], $0xffff  }
0x5e: {  	s3 =	simm.s32 $0x0;
	s0 =	simm.s32 $0x2  }
0x5f: {  	s2 =	simm.s32 $0x2;
	s1 =	simm.s32 $0x0;
	s4 =	sand.u32 $0x30, s0;
	v3 =	vor.u32 s6, v6  }
.LBB2_2:
0x60: {  	p0 =	sne.s32 s2, $0x2FF;
	s3 =	sand.u32 $0x1F0, s3;
	v4 =	vor.u32 s4, v6;
	v1 =	vadd.f32 v1, v2  }
0x61: {  	s1 =	sadd.s32 $0x10, s1;
	v2 =	vor.u32 s3, v6  }
0x62: {  	s3 =	sand.u32 $0x70, s1;
	v0 =	vadd.f32 v0, v1  }
0x63: {  	v5 =	vor.u32 s3, v6  }
0x64: {  	[tilespmem:v3+s24+$0x0] =	vst.idx.msk $0xffff, v0  }
0x65: {  	v1 =	vld.idx.msk [tilespmem:v4+s22+$0x0], $0xffff  }
0x66: {  	v2 =	vld.idx.msk [tilespmem:v2+s6+$0x0], $0xffff  }
.Ltmp0:
0x67: {  	(pc) =	sbr.rel @p0 .LBB2_2-.Ltmp0, $3  }
0x68: {  	v0 =	vld.idx.msk [tilespmem:v5+s23+$0x0], $0xffff;
	_ =	sdelay $0x1  }
0x69: {  	s0 =	sadd.s32 $0x2, s0  }
0x6a: {  	s4 =	sand.u32 $0x30, s0;
	s3 =	sshrl.u32 s2, $0x1;
	s2 =	sadd.s32 $0x1, s2;
	v3 =	vor.u32 s1, v6  }
0x6b: {  	v4 =	vor.u32 s4, v6;
	s0 =	sand.u32 $0x1F0, s3;
	v1 =	vadd.f32 v1, v2  }
0x6c: {  	s29 =	sadd.s32 $0x10, s1;
	v61 =	vor.u32 s0, v6  }
0x6d: {  	s1 =	sand.u32 $0x70, s29;
	v0 =	vadd.f32 v0, v1  }
0x6e: {  	v62 =	vor.u32 s1, v6  }
0x6f: {  	[tilespmem:v3+s24+$0x0] =	vst.idx.msk $0xffff, v0  }
0x70: {  	v0 =	vld.idx.msk [tilespmem:v4+s22+$0x0], $0xffff  }
0x71: {  	v2 =	vld.idx.msk [tilespmem:v61+s6+$0x0], $0xffff;
	_ =	sdelay $0x1  }
0x72: {  	v1 =	vld.idx.msk [tilespmem:v62+s23+$0x0], $0xffff;
	_ =	sdelay $0x1  }
0x73: {  	v63 =	vor.u32 s29, v6  }
0x74: {  	v0 =	vadd.f32 v0, v2;
	_ =	sdelay $0x1  }
0x75: {  	v0 =	vadd.f32 v1, v0  }
0x76: {  	s30 =	rddreg [dreg:$0xb]  }
0x77: {  	s3 =	simm.s32 $0x0;
	s31 =	rddreg [dreg:$0xe];
	s1 =	simm.s32 $0x3240;
	[tilespmem:v63+s24+$0x0] =	vst.idx.msk $0xffff, v0  }
0x78: {  	[tilespmem:s1], [sflag:$0x1] =	stream.linear.gather [hbm4b:s30+s3], $0x80, $0x38;
	[tilespmem:$0x14A40] =	vst v63  }
0x79: {  	s2 =	simm.s32 $0x32C0;
	s5 =	rddreg [dreg:$0x14]  }
0x7a: {  	[tilespmem:s2], [sflag:$0x1] =	stream.linear.gather [hbm4b:s31+s3], $0x80, $0x38;
	[tilespmem:$0x14A40] =	vst v63  }
0x7b: {  	s4 =	simm.s32 $0x3340;
	s2 =	rddreg [dreg:$0x11]  }
0x7c: {  	[tilespmem:s4], [sflag:$0x1] =	stream.linear.gather [hbm4b:s2+s3], $0x80, $0x38;
	[tilespmem:$0x14A40] =	vst v63  }
0x7d: {  	s7 =	simm.s32 $0x33C0;
	s8 =	rddreg [dreg:$0x17]  }
0x7e: {  	[tilespmem:s7], [sflag:$0x1] =	stream.linear.gather [hbm4b:s5+s3], $0x80, $0x38;
	[tilespmem:$0x14A40] =	vst v63  }
0x7f: {  	s9 =	simm.s32 $0x3440;
	s10 =	rddreg [dreg:$0x1a]  }
0x80: {  	[tilespmem:s9], [sflag:$0x1] =	stream.linear.gather [hbm4b:s8+s3], $0x80, $0x38;
	[tilespmem:$0x14A40] =	vst v63  }
0x81: {  	s11 =	simm.s32 $0x34C0;
	s12 =	rddreg [dreg:$0x1d]  }
0x82: {  	[tilespmem:s11], [sflag:$0x1] =	stream.linear.gather [hbm4b:s10+s3], $0x80, $0x38;
	[tilespmem:$0x14A40] =	vst v63  }
0x83: {  	s13 =	simm.s32 $0x3540;
	s14 =	sld [smem:$0x7DA]  }
0x84: {  	[tilespmem:s13], [sflag:$0x1] =	stream.linear.gather [hbm4b:s12+s3], $0x80, $0x38;
	[tilespmem:$0x14A40] =	vst v63  }
0x85: {  	s15 =	simm.s32 $0x35C0;
	s16 =	sld [smem:$0x7DD]  }
0x86: {  	[tilespmem:s15], [sflag:$0x1] =	stream.linear.gather [hbm4b:s14+s3], $0x80, $0x38;
	[tilespmem:$0x14A40] =	vst v63  }
0x87: {  	s17 =	simm.s32 $0x3640;
	s18 =	sld [smem:$0x7E0]  }
0x88: {  	[tilespmem:s17], [sflag:$0x2] =	stream.linear.gather [hbm4b:s16+s3], $0x80, $0x38;
	[tilespmem:$0x14A40] =	vst v63  }
0x89: {  	s19 =	simm.s32 $0x36C0;
	s20 =	sld [smem:$0x7E3]  }
0x8a: {  	[tilespmem:s19], [sflag:$0x2] =	stream.linear.gather [hbm4b:s18+s3], $0x80, $0x38;
	[tilespmem:$0x14A40] =	vst v63  }
0x8b: {  	s21 =	simm.s32 $0x3740;
	s25 =	sld [smem:$0x7E6]  }
0x8c: {  	[tilespmem:s21], [sflag:$0x2] =	stream.linear.gather [hbm4b:s20+s3], $0x80, $0x38;
	[tilespmem:$0x14A40] =	vst v63  }
0x8d: {  	s26 =	simm.s32 $0x37C0;
	s28 =	sld [smem:$0x7E9]  }
0x8e: {  	[tilespmem:s26], [sflag:$0x2] =	stream.linear.gather [hbm4b:s25+s3], $0x80, $0x38;
	[tilespmem:$0x14A40] =	vst v63  }
0x8f: {  	s29 =	simm.s32 $0x3840;
	s30 =	sld [smem:$0x7EC]  }
0x90: {  	[tilespmem:s29], [sflag:$0x2] =	stream.linear.gather [hbm4b:s28+s3], $0x80, $0x38;
	[tilespmem:$0x14A40] =	vst v63  }
0x91: {  	s31 =	simm.s32 $0x38C0;
	s2 =	sld [smem:$0x7EF]  }
0x92: {  	[tilespmem:s31], [sflag:$0x2] =	stream.linear.gather [hbm4b:s30+s3], $0x80, $0x38;
	[tilespmem:$0x14A40] =	vst v63  }
0x93: {  	s4 =	simm.s32 $0x3940;
	s5 =	sld [smem:$0x7F2]  }
0x94: {  	[tilespmem:s4], [sflag:$0x2] =	stream.linear.gather [hbm4b:s2+s3], $0x80, $0x38;
	[tilespmem:$0x14A40] =	vst v63  }
0x95: {  	s7 =	simm.s32 $0x39C0;
	s8 =	rddreg [dreg:$0xc]  }
0x96: {  	[tilespmem:s7], [sflag:$0x2] =	stream.linear.gather [hbm4b:s5+s3], $0x80, $0x38;
	[tilespmem:$0x14A40] =	vst v63  }
0x97: {  	s9 =	simm.s32 $0x3A40;
	s10 =	rddreg [dreg:$0xd]  }
0x98: {  	[tilespmem:s9], [sflag:$0x3] =	stream.linear.gather [hbm4b:s8+s3], $0x80, $0x38;
	[tilespmem:$0x14A40] =	vst v63  }
0x99: {  	s11 =	simm.s32 $0x4240;
	s12 =	rddreg [dreg:$0xf]  }
0x9a: {  	[tilespmem:s11], [sflag:$0x3] =	stream.linear.gather [hbm4b:s10+s3], $0x80, $0x38;
	[tilespmem:$0x14A40] =	vst v63  }
0x9b: {  	s13 =	simm.s32 $0x3AC0;
	s14 =	rddreg [dreg:$0x10]  }
0x9c: {  	[tilespmem:s13], [sflag:$0x3] =	stream.linear.gather [hbm4b:s12+s3], $0x80, $0x38;
	[tilespmem:$0x14A40] =	vst v63  }
0x9d: {  	s15 =	simm.s32 $0x42C0;
	s16 =	rddreg [dreg:$0x12]  }
0x9e: {  	[tilespmem:s15], [sflag:$0x3] =	stream.linear.gather [hbm4b:s14+s3], $0x80, $0x38;
	[tilespmem:$0x14A40] =	vst v63  }
0x9f: {  	s17 =	simm.s32 $0x3B40;
	s18 =	rddreg [dreg:$0x13]  }
0xa0: {  	[tilespmem:s17], [sflag:$0x3] =	stream.linear.gather [hbm4b:s16+s3], $0x80, $0x38;
	[tilespmem:$0x14A40] =	vst v63  }
0xa1: {  	s19 =	simm.s32 $0x4340;
	s20 =	rddreg [dreg:$0x15]  }
0xa2: {  	[tilespmem:s19], [sflag:$0x3] =	stream.linear.gather [hbm4b:s18+s3], $0x80, $0x38;
	[tilespmem:$0x14A40] =	vst v63  }
0xa3: {  	s21 =	simm.s32 $0x3BC0;
	s25 =	rddreg [dreg:$0x16]  }
0xa4: {  	[tilespmem:s21], [sflag:$0x3] =	stream.linear.gather [hbm4b:s20+s3], $0x80, $0x38;
	[tilespmem:$0x14A40] =	vst v63  }
0xa5: {  	s26 =	simm.s32 $0x43C0;
	s28 =	rddreg [dreg:$0x18]  }
0xa6: {  	[tilespmem:s26], [sflag:$0x3] =	stream.linear.gather [hbm4b:s25+s3], $0x80, $0x38;
	[tilespmem:$0x14A40] =	vst v63  }
0xa7: {  	s29 =	simm.s32 $0x3C40;
	s30 =	rddreg [dreg:$0x19]  }
0xa8: {  	[tilespmem:s29], [sflag:$0x3] =	stream.linear.gather [hbm4b:s28+s3], $0x80, $0x38;
	[tilespmem:$0x14A40] =	vst v63  }
0xa9: {  	s31 =	simm.s32 $0x4440;
	s2 =	rddreg [dreg:$0x1b]  }
0xaa: {  	[tilespmem:s31], [sflag:$0x3] =	stream.linear.gather [hbm4b:s30+s3], $0x80, $0x38;
	[tilespmem:$0x14A40] =	vst v63  }
0xab: {  	s4 =	simm.s32 $0x3CC0;
	s5 =	rddreg [dreg:$0x1c]  }
0xac: {  	[tilespmem:s4], [sflag:$0x3] =	stream.linear.gather [hbm4b:s2+s3], $0x80, $0x38;
	[tilespmem:$0x14A40] =	vst v63  }
0xad: {  	s7 =	simm.s32 $0x44C0;
	s8 =	rddreg [dreg:$0x1e]  }
0xae: {  	[tilespmem:s7], [sflag:$0x3] =	stream.linear.gather [hbm4b:s5+s3], $0x80, $0x38;
	[tilespmem:$0x14A40] =	vst v63  }
0xaf: {  	s9 =	simm.s32 $0x3D40;
	s10 =	rddreg [dreg:$0x1f]  }
0xb0: {  	[tilespmem:s9], [sflag:$0x3] =	stream.linear.gather [hbm4b:s8+s3], $0x80, $0x38;
	[tilespmem:$0x14A40] =	vst v63  }
0xb1: {  	s11 =	simm.s32 $0x4540;
	s12 =	sld [smem:$0x7DB]  }
0xb2: {  	[tilespmem:s11], [sflag:$0x3] =	stream.linear.gather [hbm4b:s10+s3], $0x80, $0x38;
	[tilespmem:$0x14A40] =	vst v63  }
0xb3: {  	s13 =	simm.s32 $0x3DC0;
	s14 =	sld [smem:$0x7DC]  }
0xb4: {  	[tilespmem:s13], [sflag:$0x3] =	stream.linear.gather [hbm4b:s12+s3], $0x80, $0x38;
	[tilespmem:$0x14A40] =	vst v63  }
0xb5: {  	s15 =	simm.s32 $0x45C0;
	s16 =	sld [smem:$0x7DE]  }
0xb6: {  	[tilespmem:s15], [sflag:$0x3] =	stream.linear.gather [hbm4b:s14+s3], $0x80, $0x38;
	[tilespmem:$0x14A40] =	vst v63  }
0xb7: {  	s17 =	simm.s32 $0x3E40;
	s18 =	sld [smem:$0x7DF]  }
0xb8: {  	[tilespmem:s17], [sflag:$0x4] =	stream.linear.gather [hbm4b:s16+s3], $0x80, $0x38;
	[tilespmem:$0x14A40] =	vst v63  }
0xb9: {  	s19 =	simm.s32 $0x4640;
	s20 =	sld [smem:$0x7E1]  }
0xba: {  	[tilespmem:s19], [sflag:$0x4] =	stream.linear.gather [hbm4b:s18+s3], $0x80, $0x38;
	[tilespmem:$0x14A40] =	vst v63  }
0xbb: {  	s21 =	simm.s32 $0x3EC0;
	s25 =	sld [smem:$0x7E2]  }
0xbc: {  	[tilespmem:s21], [sflag:$0x4] =	stream.linear.gather [hbm4b:s20+s3], $0x80, $0x38;
	[tilespmem:$0x14A40] =	vst v63  }
0xbd: {  	s26 =	simm.s32 $0x46C0;
	s28 =	sld [smem:$0x7E4]  }
0xbe: {  	[tilespmem:s26], [sflag:$0x4] =	stream.linear.gather [hbm4b:s25+s3], $0x80, $0x38;
	[tilespmem:$0x14A40] =	vst v63  }
0xbf: {  	s29 =	simm.s32 $0x3F40;
	s30 =	sld [smem:$0x7E5]  }
0xc0: {  	[tilespmem:s29], [sflag:$0x4] =	stream.linear.gather [hbm4b:s28+s3], $0x80, $0x38;
	[tilespmem:$0x14A40] =	vst v63  }
0xc1: {  	s31 =	simm.s32 $0x4740;
	s2 =	sld [smem:$0x7E7]  }
0xc2: {  	[tilespmem:s31], [sflag:$0x4] =	stream.linear.gather [hbm4b:s30+s3], $0x80, $0x38;
	[tilespmem:$0x14A40] =	vst v63  }
0xc3: {  	s4 =	simm.s32 $0x3FC0;
	s5 =	sld [smem:$0x7E8]  }
0xc4: {  	[tilespmem:s4], [sflag:$0x4] =	stream.linear.gather [hbm4b:s2+s3], $0x80, $0x38;
	[tilespmem:$0x14A40] =	vst v63  }
0xc5: {  	s7 =	simm.s32 $0x47C0;
	s8 =	sld [smem:$0x7EA]  }
0xc6: {  	[tilespmem:s7], [sflag:$0x4] =	stream.linear.gather [hbm4b:s5+s3], $0x80, $0x38;
	[tilespmem:$0x14A40] =	vst v63  }
0xc7: {  	s9 =	simm.s32 $0x4040;
	s10 =	sld [smem:$0x7EB]  }
0xc8: {  	[tilespmem:s9], [sflag:$0x4] =	stream.linear.gather [hbm4b:s8+s3], $0x80, $0x38;
	[tilespmem:$0x14A40] =	vst v63  }
0xc9: {  	s11 =	simm.s32 $0x4840;
	s12 =	sld [smem:$0x7ED]  }
0xca: {  	[tilespmem:s11], [sflag:$0x4] =	stream.linear.gather [hbm4b:s10+s3], $0x80, $0x38;
	[tilespmem:$0x14A40] =	vst v63  }
0xcb: {  	s13 =	simm.s32 $0x40C0;
	s14 =	sld [smem:$0x7EE]  }
0xcc: {  	[tilespmem:s13], [sflag:$0x4] =	stream.linear.gather [hbm4b:s12+s3], $0x80, $0x38;
	[tilespmem:$0x14A40] =	vst v63  }
0xcd: {  	s15 =	simm.s32 $0x48C0;
	s16 =	sld [smem:$0x7F0]  }
0xce: {  	[tilespmem:s15], [sflag:$0x4] =	stream.linear.gather [hbm4b:s14+s3], $0x80, $0x38;
	[tilespmem:$0x14A40] =	vst v63  }
0xcf: {  	s17 =	simm.s32 $0x4140;
	s18 =	sld [smem:$0x7F1]  }
0xd0: {  	[tilespmem:s17], [sflag:$0x4] =	stream.linear.gather [hbm4b:s16+s3], $0x80, $0x38;
	[tilespmem:$0x14A40] =	vst v63  }
0xd1: {  	s19 =	simm.s32 $0x4940;
	s20 =	sld [smem:$0x7F3]  }
0xd2: {  	[tilespmem:s19], [sflag:$0x4] =	stream.linear.gather [hbm4b:s18+s3], $0x80, $0x38;
	[tilespmem:$0x14A40] =	vst v63  }
0xd3: {  	s21 =	simm.s32 $0x41C0;
	s25 =	sld [smem:$0x7F4]  }
0xd4: {  	[tilespmem:s21], [sflag:$0x4] =	stream.linear.gather [hbm4b:s20+s3], $0x80, $0x38;
	[tilespmem:$0x14A40] =	vst v63  }
0xd5: {  	s26 =	simm.s32 $0x49C0;
	s28 =	simm.s32 $0x1  }
0xd6: {  	[tilespmem:s26], [sflag:$0x4] =	stream.linear.gather [hbm4b:s25+s3], $0x80, $0x38;
	[tilespmem:$0x14A40] =	vst v63  }
0xd7: {  	_ =	swait.ge [sflag:s28], $0x80  }
0xd8: {  	[sflag:s28] =	ssyncset.done $0x0  }
0xd9: {  	[sflag:s28] =	ssyncadd.s32 $0xFFFFFF80  }
0xda: {  	_ =	swait.ge [sflag:s28], $0x80  }
0xdb: {  	[sflag:s28] =	ssyncset.done $0x0  }
0xdc: {  	[sflag:s28] =	ssyncadd.s32 $0xFFFFFF80  }
0xdd: {  	_ =	swait.ge [sflag:s28], $0x80  }
0xde: {  	[sflag:s28] =	ssyncset.done $0x0  }
0xdf: {  	[sflag:s28] =	ssyncadd.s32 $0xFFFFFF80  }
0xe0: {  	_ =	swait.ge [sflag:s28], $0x80  }
0xe1: {  	[sflag:s28] =	ssyncset.done $0x0  }
0xe2: {  	[sflag:s28] =	ssyncadd.s32 $0xFFFFFF80  }
0xe3: {  	_ =	swait.ge [sflag:s28], $0x80  }
0xe4: {  	[sflag:s28] =	ssyncset.done $0x0  }
0xe5: {  	[sflag:s28] =	ssyncadd.s32 $0xFFFFFF80  }
0xe6: {  	_ =	swait.ge [sflag:s28], $0x80  }
0xe7: {  	[sflag:s28] =	ssyncset.done $0x0  }
0xe8: {  	[sflag:s28] =	ssyncadd.s32 $0xFFFFFF80  }
0xe9: {  	_ =	swait.ge [sflag:s28], $0x80  }
0xea: {  	[sflag:s28] =	ssyncset.done $0x0  }
0xeb: {  	[sflag:s28] =	ssyncadd.s32 $0xFFFFFF80  }
0xec: {  	p0 =	por $0x0, $0x0;
	_ =	swait.ge [sflag:s28], $0x80  }
0xed: {  	s30 =	simm.s32 $0x400;
	s31 =	simm.s32 $0x4A40;
	[sflag:s28] =	ssyncset.done $0x0  }
0xee: {  	s25 =	simm.s32 $0x0;
	s29 =	rddreg [dreg:$0x6];
	[sflag:s28] =	ssyncadd.s32 $0xFFFFFF80  }
0xef: {  	[tilespmem:s31], [sflag:$0x5] =	stream.indirect.gather [hbm4b:s29+s30], $0x10, s1, s30, $0xb8;
	[tilespmem:$0x14A40] =	vst v63  }
.LBB2_4:
0xf0: {  	s31 =	sand.u32 $0x1, s25;
	p1 =	seq.s32 s25, $0x63  }
0xf1: {  	s1 =	sxor.u32 @!p1 $0x1, s31  }
0xf2: {  	s2 =	sadd.s32 @!p1 $0x1, s1  }
0xf3: {  	_ =	swait.ge @!p1 [sflag:s2], $0x80  }
0xf4: {  	[sflag:s2] =	ssyncset.done @!p1 $0x0  }
0xf5: {  	[sflag:s2] =	ssyncadd.s32 @!p1 $0xFFFFFF80  }
0xf6: {  	_ =	swait.ge @!p1 [sflag:s2], $0x80  }
0xf7: {  	[sflag:s2] =	ssyncset.done @!p1 $0x0  }
0xf8: {  	[sflag:s2] =	ssyncadd.s32 @!p1 $0xFFFFFF80  }
0xf9: {  	_ =	swait.ge @!p1 [sflag:s2], $0x80  }
0xfa: {  	[sflag:s2] =	ssyncset.done @!p1 $0x0  }
0xfb: {  	[sflag:s2] =	ssyncadd.s32 @!p1 $0xFFFFFF80  }
0xfc: {  	_ =	swait.ge @!p1 [sflag:s2], $0x80  }
0xfd: {  	[sflag:s2] =	ssyncset.done @!p1 $0x0  }
0xfe: {  	[sflag:s2] =	ssyncadd.s32 @!p1 $0xFFFFFF80  }
0xff: {  	_ =	swait.ge @!p1 [sflag:s2], $0x80  }
0x100: {  	[sflag:s2] =	ssyncset.done @!p1 $0x0  }
0x101: {  	[sflag:s2] =	ssyncadd.s32 @!p1 $0xFFFFFF80  }
0x102: {  	_ =	swait.ge @!p1 [sflag:s2], $0x80  }
0x103: {  	[sflag:s2] =	ssyncset.done @!p1 $0x0  }
0x104: {  	[sflag:s2] =	ssyncadd.s32 @!p1 $0xFFFFFF80  }
0x105: {  	_ =	swait.ge @!p1 [sflag:s2], $0x80  }
0x106: {  	[sflag:s2] =	ssyncset.done @!p1 $0x0  }
0x107: {  	[sflag:s2] =	ssyncadd.s32 @!p1 $0xFFFFFF80  }
0x108: {  	s4 =	simm.s32 @!p1 $0x400;
	_ =	swait.ge @!p1 [sflag:s2], $0x80  }
0x109: {  	s17 =	sadd.s32 $0x5, s31;
	s3 =	sshll.u32 @!p1 s1, $0xE;
	[sflag:s2] =	ssyncset.done @!p1 $0x0  }
0x10a: {  	[sflag:s2] =	ssyncadd.s32 @!p1 $0xFFFFFF80;
	s2 =	sadd.s32 @!p1 $0x4A40, s3;
	s3 =	sshll.u32 @!p1 s1, $0xA  }
0x10b: {  	s5 =	rddreg [dreg:$0x6];
	s1 =	sadd.s32 @!p1 $0x5, s1;
	s3 =	sor.u32 @!p1 $0x3240, s3  }
0x10c: {  	[tilespmem:s2], [sflag:s1] =	stream.indirect.gather @!p1 [hbm4b:s5+s4], $0x10, s3, s4, $0xb8;
	[tilespmem:$0x14A40] =	vst v63  }
0x10d: {  	_ =	swait.ge [sflag:s17], $0x4000  }
0x10e: {  	s2 =	sadd.s32 $0x2, s25;
	p1 =	sgt.u32 s25, $0x61;
	s14 =	rddreg [dreg:$0xa]  }
0x10f: {  	s2 =	sadd.s32 @!p1 s14, s2  }
0x110: {  	s7 =	simm.s32 @!p1 $0x0;
	[sflag:s17] =	ssyncset.done $0x0;
	s3 =	sshll.u32 @!p1 s2, $0xA  }
0x111: {  	s4 =	sshll.u32 @!p1 s2, $0x7;
	s2 =	sand.u32 @!p1 $0x70, s2;
	s3 =	sand.u32 @!p1 $0x3C00, s3  }
0x112: {  	[sflag:s17] =	ssyncadd.s32 $0xFFFFC000;
	s1 =	sand.u32 @!p1 $0xFFFC000, s4;
	s2 =	sor.u32 @!p1 s2, s3  }
0x113: {  	s5 =	rddreg [dreg:$0x0];
	s4 =	sor.u32 @!p1 s1, s2;
	s2 =	sshll.u32 @!p1 s31, $0xA  }
0x114: {  	s1 =	sadd.s32 @!p1 $0x1, s31;
	s3 =	sor.u32 @!p1 $0x3240, s2;
	s5 =	sadd.s32 @!p1 s5, s4  }
0x115: {  	[tilespmem:s3], [sflag:s1] =	stream.linear.gather @!p1 [hbm4b:s5+s7], $0x80, $0x38;
	[tilespmem:$0x14A40] =	vst v63  }
0x116: {  	s5 =	sld [smem:$0x7F6];
	_ =	sdelay $0x2  }
0x117: {  	s3 =	sor.u32 @!p1 $0x32C0, s2;
	s5 =	sadd.s32 @!p1 s4, s5  }
0x118: {  	[tilespmem:s3], [sflag:s1] =	stream.linear.gather @!p1 [hbm4b:s5+s7], $0x80, $0x38;
	[tilespmem:$0x14A40] =	vst v63  }
0x119: {  	s5 =	sld [smem:$0x7F7];
	_ =	sdelay $0x2  }
0x11a: {  	s3 =	sor.u32 @!p1 $0x3340, s2;
	s5 =	sadd.s32 @!p1 s4, s5  }
0x11b: {  	[tilespmem:s3], [sflag:s1] =	stream.linear.gather @!p1 [hbm4b:s5+s7], $0x80, $0x38;
	[tilespmem:$0x14A40] =	vst v63  }
0x11c: {  	s5 =	sld [smem:$0x7F8];
	_ =	sdelay $0x2  }
0x11d: {  	s3 =	sor.u32 @!p1 $0x33C0, s2;
	s5 =	sadd.s32 @!p1 s4, s5  }
0x11e: {  	[tilespmem:s3], [sflag:s1] =	stream.linear.gather @!p1 [hbm4b:s5+s7], $0x80, $0x38;
	[tilespmem:$0x14A40] =	vst v63  }
0x11f: {  	s5 =	sld [smem:$0x7F9];
	_ =	sdelay $0x2  }
0x120: {  	s3 =	sadd.s32 @!p1 $0x3440, s2;
	s5 =	sadd.s32 @!p1 s4, s5  }
0x121: {  	[tilespmem:s3], [sflag:s1] =	stream.linear.gather @!p1 [hbm4b:s5+s7], $0x80, $0x38;
	[tilespmem:$0x14A40] =	vst v63  }
0x122: {  	s5 =	sld [smem:$0x7FA];
	_ =	sdelay $0x2  }
0x123: {  	s3 =	sadd.s32 @!p1 $0x34C0, s2;
	s5 =	sadd.s32 @!p1 s4, s5  }
0x124: {  	[tilespmem:s3], [sflag:s1] =	stream.linear.gather @!p1 [hbm4b:s5+s7], $0x80, $0x38;
	[tilespmem:$0x14A40] =	vst v63  }
0x125: {  	s5 =	sld [smem:$0x7FB];
	_ =	sdelay $0x2  }
0x126: {  	s3 =	sadd.s32 @!p1 $0x3540, s2;
	s5 =	sadd.s32 @!p1 s4, s5  }
0x127: {  	[tilespmem:s3], [sflag:s1] =	stream.linear.gather @!p1 [hbm4b:s5+s7], $0x80, $0x38;
	[tilespmem:$0x14A40] =	vst v63  }
0x128: {  	s3 =	sld [smem:$0x7FC];
	_ =	sdelay $0x2  }
0x129: {  	s2 =	sadd.s32 @!p1 $0x35C0, s2;
	s3 =	sadd.s32 @!p1 s4, s3  }
0x12a: {  	[tilespmem:s2], [sflag:s1] =	stream.linear.gather @!p1 [hbm4b:s3+s7], $0x80, $0x38;
	[tilespmem:$0x14A40] =	vst v63  }
0x12b: {  	s1 =	sadd.s32 $0x3, s31  }
0x12c: {  	_ =	swait.ge [sflag:s1], $0x80  }
0x12d: {  	[sflag:s1] =	ssyncset.done $0x0  }
0x12e: {  	[sflag:s1] =	ssyncadd.s32 $0xFFFFFF80  }
0x12f: {  	_ =	swait.ge [sflag:s1], $0x80  }
0x130: {  	[sflag:s1] =	ssyncset.done $0x0  }
0x131: {  	[sflag:s1] =	ssyncadd.s32 $0xFFFFFF80  }
0x132: {  	_ =	swait.ge [sflag:s1], $0x80  }
0x133: {  	[sflag:s1] =	ssyncset.done $0x0  }
0x134: {  	[sflag:s1] =	ssyncadd.s32 $0xFFFFFF80  }
0x135: {  	_ =	swait.ge [sflag:s1], $0x80  }
0x136: {  	[sflag:s1] =	ssyncset.done $0x0  }
0x137: {  	[sflag:s1] =	ssyncadd.s32 $0xFFFFFF80  }
0x138: {  	_ =	swait.ge [sflag:s1], $0x80  }
0x139: {  	[sflag:s1] =	ssyncset.done $0x0  }
0x13a: {  	[sflag:s1] =	ssyncadd.s32 $0xFFFFFF80  }
0x13b: {  	_ =	swait.ge [sflag:s1], $0x80  }
0x13c: {  	[sflag:s1] =	ssyncset.done $0x0  }
0x13d: {  	[sflag:s1] =	ssyncadd.s32 $0xFFFFFF80  }
0x13e: {  	_ =	swait.ge [sflag:s1], $0x80  }
0x13f: {  	[sflag:s1] =	ssyncset.done $0x0  }
0x140: {  	[sflag:s1] =	ssyncadd.s32 $0xFFFFFF80  }
0x141: {  	_ =	swait.ge [sflag:s1], $0x80  }
0x142: {  	[sflag:s1] =	ssyncset.done $0x0  }
0x143: {  	[sflag:s1] =	ssyncadd.s32 $0xFFFFFF80  }
0x144: {  	_ =	swait.ge [sflag:s1], $0x80  }
0x145: {  	[sflag:s1] =	ssyncset.done $0x0  }
0x146: {  	[sflag:s1] =	ssyncadd.s32 $0xFFFFFF80  }
0x147: {  	_ =	swait.ge [sflag:s1], $0x80  }
0x148: {  	[sflag:s1] =	ssyncset.done $0x0  }
0x149: {  	[sflag:s1] =	ssyncadd.s32 $0xFFFFFF80  }
0x14a: {  	_ =	swait.ge [sflag:s1], $0x80  }
0x14b: {  	[sflag:s1] =	ssyncset.done $0x0  }
0x14c: {  	[sflag:s1] =	ssyncadd.s32 $0xFFFFFF80  }
0x14d: {  	_ =	swait.ge [sflag:s1], $0x80  }
0x14e: {  	[sflag:s1] =	ssyncset.done $0x0  }
0x14f: {  	[sflag:s1] =	ssyncadd.s32 $0xFFFFFF80  }
0x150: {  	_ =	swait.ge [sflag:s1], $0x80  }
0x151: {  	[sflag:s1] =	ssyncset.done $0x0  }
0x152: {  	[sflag:s1] =	ssyncadd.s32 $0xFFFFFF80  }
0x153: {  	_ =	swait.ge [sflag:s1], $0x80  }
0x154: {  	[sflag:s1] =	ssyncset.done $0x0  }
0x155: {  	[sflag:s1] =	ssyncadd.s32 $0xFFFFFF80  }
0x156: {  	_ =	swait.ge [sflag:s1], $0x80  }
0x157: {  	[sflag:s1] =	ssyncset.done $0x0  }
0x158: {  	[sflag:s1] =	ssyncadd.s32 $0xFFFFFF80  }
0x159: {  	_ =	swait.ge [sflag:s1], $0x80  }
0x15a: {  	p2 =	slt.u32 s25, $0x2;
	[sflag:s1] =	ssyncset.done $0x0  }
0x15b: {  	s18 =	simm.s32 $0x30;
	s2 =	sadd.s32 @!p2 $0x7, s31;
	[sflag:s1] =	ssyncadd.s32 $0xFFFFFF80  }
0x15c: {  	v0 =	vmov s18;
	_ =	swait.ge @!p2 [sflag:s2], $0x2000  }
0x15d: {  	v0 =	vshll.u32 v0, $0x4;
	[sflag:s2] =	ssyncset.done @!p2 $0x0  }
0x15e: {  	v0 =	vor.u32 v55, v0;
	s5 =	simm.s32 $0x1;
	[sflag:s2] =	ssyncadd.s32 @!p2 $0xFFFFE000  }
0x15f: {  	v1 =	vor.u32 $0x1, v0;
	s5 =	simm.s32 @!p0 $0x0;
	_ =	swait.ge @!p2 [sflag:s2], $0x2000  }
0x160: {  	v2 =	vor.u32 $0x2, v0;
	s5 =	sshll.u32 s5, $0xA;
	[sflag:s2] =	ssyncset.done @!p2 $0x0  }
0x161: {  	v4 =	vor.u32 $0x3, v0;
	s10 =	sor.u32 $0x3A60, s5;
	[sflag:s2] =	ssyncadd.s32 @!p2 $0xFFFFE000  }
0x162: {  	s8 =	sshll.u32 s31, $0xE;
	v6 =	vor.u32 $0x4, v0;
	s12 =	sor.u32 $0x4260, s5;
	v3 =	vld [tilespmem:s10+$0x10]  }
0x163: {  	s9 =	sadd.s32 $0x4A40, s8;
	v7 =	vor.u32 $0x5, v0;
	v5 =	vld [tilespmem:s12+$0x10]  }
0x164: {  	v49 =	vld.idx.msk [tilespmem:v1+s9+$0x0], $0xffff;
	v1 =	vor.u32 $0x6, v0  }
0x165: {  	v57 =	vld.idx.msk [tilespmem:v2+s9+$0x0], $0xffff;
	v2 =	vor.u32 $0x7, v0  }
0x166: {  	v32 =	vld.idx.msk [tilespmem:v4+s9+$0x0], $0xffff;
	v4 =	vor.u32 $0x8, v0  }
0x167: {  	v30 =	vld.idx.msk [tilespmem:v6+s9+$0x0], $0xffff;
	v6 =	vor.u32 $0x9, v0  }
0x168: {  	v31 =	vld.idx.msk [tilespmem:v7+s9+$0x0], $0xffff  }
0x169: {  	v27 =	vld.idx.msk [tilespmem:v1+s9+$0x0], $0xffff  }
0x16a: {  	v26 =	vld.idx.msk [tilespmem:v2+s9+$0x0], $0xffff  }
0x16b: {  	v7 =	vor.u32 $0xA, v0;
	v1 =	vor.u32 $0xB, v0;
	v33 =	vld.idx.msk [tilespmem:v4+s9+$0x0], $0xffff  }
0x16c: {  	v2 =	vor.u32 $0xC, v0;
	v4 =	vor.u32 $0xD, v0;
	v25 =	vld.idx.msk [tilespmem:v6+s9+$0x0], $0xffff;
	v6 =	vor.u32 $0xE, v0  }
0x16d: {  	v24 =	vld.idx.msk [tilespmem:v0+s9+$0x0], $0xffff;
	v3 =	vshll.u32 v3, $0x7;
	v5 =	vshll.u32 v5, $0x4;
	v0 =	vor.u32 $0xF, v0  }
0x16e: {  	v3 =	vadd.s32 v3, v5;
	_ =	sdelay $0x3  }
0x16f: {  	v41 =	vld.idx.msk [tilespmem:v0+s9+$0x0], $0xffff  }
0x170: {  	v0 =	vld.idx.msk [tilespmem:v3+s24+$0x0], $0xffff  }
0x171: {  	v56 =	vld.idx.msk [tilespmem:v7+s9+$0x0], $0xffff;
	v8 =	vor.u32 $0x6, v3  }
0x172: {  	v42 =	vld.idx.msk [tilespmem:v2+s9+$0x0], $0xffff;
	v2 =	vor.u32 $0x2, v3  }
0x173: {  	v5 =	vor.u32 $0x3, v3;
	v38 =	vld.idx.msk [tilespmem:v1+s9+$0x0], $0xffff  }
0x174: {  	v7 =	vor.u32 $0x4, v3;
	v44 =	vld.idx.msk [tilespmem:v4+s9+$0x0], $0xffff  }
0x175: {  	v48 =	vld.idx.msk [tilespmem:v6+s9+$0x0], $0xffff;
	[tilespmem:$0x1FDE0] =	vst v0;
	v0 =	vor.u32 $0x5, v3  }
0x176: {  	v16 =	vld.idx.msk [tilespmem:v8+s24+$0x0], $0xffff;
	v8 =	vor.u32 $0xA, v3  }
0x177: {  	v1 =	vor.u32 $0x1, v3;
	v19 =	vld.idx.msk [tilespmem:v2+s24+$0x0], $0xffff  }
0x178: {  	v9 =	vor.u32 $0x9, v3;
	v22 =	vld.idx.msk [tilespmem:v5+s24+$0x0], $0xffff  }
0x179: {  	v2 =	vor.u32 $0xF, v3;
	v35 =	vld.idx.msk [tilespmem:v7+s24+$0x0], $0xffff  }
0x17a: {  	v5 =	vor.u32 $0x7, v3;
	v29 =	vld.idx.msk [tilespmem:v0+s24+$0x0], $0xffff  }
0x17b: {  	v7 =	vor.u32 $0x8, v3;
	v0 =	vld.idx.msk [tilespmem:v8+s24+$0x0], $0xffff  }
0x17c: {  	v10 =	vor.u32 $0xB, v3;
	v20 =	vld.idx.msk [tilespmem:v1+s24+$0x0], $0xffff  }
0x17d: {  	v59 =	vld.idx.msk [tilespmem:v9+s24+$0x0], $0xffff  }
0x17e: {  	v21 =	vld.idx.msk [tilespmem:v2+s24+$0x0], $0xffff  }
0x17f: {  	v23 =	vld.idx.msk [tilespmem:v5+s24+$0x0], $0xffff  }
0x180: {  	v40 =	vld.idx.msk [tilespmem:v7+s24+$0x0], $0xffff;
	[tilespmem:$0x1FDF0] =	vst v0  }
0x181: {  	v0 =	vld.idx.msk [tilespmem:v10+s24+$0x0], $0xffff  }
0x182: {  	v2 =	vor.u32 $0xC, v3;
	_ =	sdelay $0x3  }
0x183: {  	[tilespmem:$0x1FE00] =	vst v0  }
0x184: {  	v0 =	vld.idx.msk [tilespmem:v2+s24+$0x0], $0xffff  }
0x185: {  	v5 =	vor.u32 $0xD, v3;
	_ =	sdelay $0x3  }
0x186: {  	[tilespmem:$0x1FE10] =	vst v0  }
0x187: {  	v0 =	vld.idx.msk [tilespmem:v5+s24+$0x0], $0xffff  }
0x188: {  	v3 =	vor.u32 $0xE, v3;
	_ =	sdelay $0x1  }
0x189: {  	s2 =	simm.s32 $0x0  }
0x18a: {  	v7 =	vmov s2  }
0x18b: {  	v2 =	vshll.u32 v7, $0x4;
	[tilespmem:$0x1FE20] =	vst v0  }
0x18c: {  	v2 =	vor.u32 v55, v2;
	v0 =	vld.idx.msk [tilespmem:v3+s24+$0x0], $0xffff  }
0x18d: {  	v9 =	vor.u32 $0x2, v2;
	_ =	sdelay $0x2  }
0x18e: {  	v5 =	vld [tilespmem:s10+$0xFFFFFFE0]  }
0x18f: {  	v8 =	vld [tilespmem:s12+$0xFFFFFFE0];
	[tilespmem:$0x1FE30] =	vst v0  }
0x190: {  	v7 =	vor.u32 $0x1, v2;
	v0 =	vld.idx.msk [tilespmem:v9+s9+$0x0], $0xffff  }
0x191: {  	v3 =	vor.u32 $0x3, v2  }
0x192: {  	v10 =	vld [tilespmem:s10+$0xFFFFFFF0]  }
0x193: {  	v12 =	vld [tilespmem:s12+$0xFFFFFFF0]  }
0x194: {  	v14 =	vld [tilespmem:s10+$0x0]  }
0x195: {  	v60 =	vld.idx.msk [tilespmem:v7+s9+$0x0], $0xffff;
	[tilespmem:$0x1FE40] =	vst v0  }
0x196: {  	v0 =	vld.idx.msk [tilespmem:v3+s9+$0x0], $0xffff  }
0x197: {  	v11 =	vor.u32 $0x4, v2;
	_ =	sdelay $0x3  }
0x198: {  	[tilespmem:$0x1FE50] =	vst v0  }
0x199: {  	v0 =	vld.idx.msk [tilespmem:v11+s9+$0x0], $0xffff  }
0x19a: {  	v13 =	vor.u32 $0x5, v2;
	_ =	sdelay $0x3  }
0x19b: {  	[tilespmem:$0x1FE70] =	vst v0  }
0x19c: {  	v0 =	vld.idx.msk [tilespmem:v13+s9+$0x0], $0xffff  }
0x19d: {  	v15 =	vor.u32 $0x6, v2;
	_ =	sdelay $0x3  }
0x19e: {  	[tilespmem:$0x1FE80] =	vst v0  }
0x19f: {  	v5 =	vshll.u32 v5, $0x7;
	v8 =	vshll.u32 v8, $0x4;
	v0 =	vld.idx.msk [tilespmem:v15+s9+$0x0], $0xffff  }
0x1a0: {  	v5 =	vadd.s32 v5, v8;
	_ =	sdelay $0x3  }
0x1a1: {  	[tilespmem:$0x1FEA0] =	vst v0  }
0x1a2: {  	v0 =	vld.idx.msk [tilespmem:v5+s24+$0x0], $0xffff  }
0x1a3: {  	v8 =	vor.u32 $0x3, v5;
	_ =	sdelay $0x3  }
0x1a4: {  	v7 =	vor.u32 $0x1, v5;
	[tilespmem:$0x1FD40] =	vst v0  }
0x1a5: {  	v3 =	vor.u32 $0x2, v5;
	v0 =	vld.idx.msk [tilespmem:v8+s24+$0x0], $0xffff  }
0x1a6: {  	v11 =	vor.u32 $0x5, v5;
	_ =	sdelay $0x2  }
0x1a7: {  	v28 =	vld.idx.msk [tilespmem:v7+s24+$0x0], $0xffff  }
0x1a8: {  	v18 =	vld.idx.msk [tilespmem:v3+s24+$0x0], $0xffff;
	[tilespmem:$0x1FE60] =	vst v0  }
0x1a9: {  	v9 =	vor.u32 $0x4, v5;
	v0 =	vld.idx.msk [tilespmem:v11+s24+$0x0], $0xffff  }
0x1aa: {  	v15 =	vor.u32 $0x7, v5;
	_ =	sdelay $0x3  }
0x1ab: {  	v58 =	vld.idx.msk [tilespmem:v9+s24+$0x0], $0xffff;
	[tilespmem:$0x1FE90] =	vst v0  }
0x1ac: {  	v13 =	vor.u32 $0x6, v5;
	v0 =	vld.idx.msk [tilespmem:v15+s24+$0x0], $0xffff  }
0x1ad: {  	v3 =	vor.u32 $0x8, v5;
	_ =	sdelay $0x3  }
0x1ae: {  	v8 =	vor.u32 $0x9, v5;
	v9 =	vor.u32 $0xA, v5;
	v11 =	vor.u32 $0xB, v5;
	v47 =	vld.idx.msk [tilespmem:v13+s24+$0x0], $0xffff;
	[tilespmem:$0x1FEB0] =	vst v0  }
0x1af: {  	v13 =	vor.u32 $0xC, v5;
	v15 =	vor.u32 $0xD, v5;
	v46 =	vld.idx.msk [tilespmem:v3+s24+$0x0], $0xffff;
	v3 =	vshll.u32 v10, $0x7  }
0x1b0: {  	v10 =	vshll.u32 v12, $0x4;
	v12 =	vor.u32 $0xE, v5;
	v5 =	vor.u32 $0xF, v5;
	_ =	sdelay $0x3  }
0x1b1: {  	v43 =	vld.idx.msk [tilespmem:v8+s24+$0x0], $0xffff  }
0x1b2: {  	v3 =	vadd.s32 v3, v10;
	v0 =	vld.idx.msk [tilespmem:v5+s24+$0x0], $0xffff  }
0x1b3: {  	v37 =	vld.idx.msk [tilespmem:v9+s24+$0x0], $0xffff;
	v9 =	vor.u32 $0x2, v3  }
0x1b4: {  	v61 =	vld.idx.msk [tilespmem:v11+s24+$0x0], $0xffff  }
0x1b5: {  	v39 =	vld.idx.msk [tilespmem:v13+s24+$0x0], $0xffff  }
0x1b6: {  	v62 =	vld.idx.msk [tilespmem:v15+s24+$0x0], $0xffff  }
0x1b7: {  	v52 =	vld.idx.msk [tilespmem:v12+s24+$0x0], $0xffff;
	[tilespmem:$0x1FEC0] =	vst v0  }
0x1b8: {  	v8 =	vor.u32 $0x1, v3;
	v0 =	vld.idx.msk [tilespmem:v9+s24+$0x0], $0xffff  }
0x1b9: {  	v11 =	vor.u32 $0x4, v3;
	_ =	sdelay $0x3  }
0x1ba: {  	v53 =	vld.idx.msk [tilespmem:v8+s24+$0x0], $0xffff;
	[tilespmem:$0x1FED0] =	vst v0  }
0x1bb: {  	v10 =	vor.u32 $0x3, v3;
	v0 =	vld.idx.msk [tilespmem:v11+s24+$0x0], $0xffff  }
0x1bc: {  	v8 =	vor.u32 $0x6, v3;
	_ =	sdelay $0x3  }
0x1bd: {  	v54 =	vld.idx.msk [tilespmem:v10+s24+$0x0], $0xffff;
	[tilespmem:$0x1FEE0] =	vst v0  }
0x1be: {  	v5 =	vor.u32 $0x5, v3;
	v0 =	vld.idx.msk [tilespmem:v8+s24+$0x0], $0xffff  }
0x1bf: {  	v10 =	vor.u32 $0x8, v3;
	_ =	sdelay $0x2  }
0x1c0: {  	v11 =	vld [tilespmem:s12+$0x0]  }
0x1c1: {  	v50 =	vld.idx.msk [tilespmem:v5+s24+$0x0], $0xffff;
	[tilespmem:$0x1FEF0] =	vst v0  }
0x1c2: {  	v9 =	vor.u32 $0x7, v3;
	v0 =	vld.idx.msk [tilespmem:v10+s24+$0x0], $0xffff  }
0x1c3: {  	v12 =	vor.u32 $0x9, v3;
	_ =	sdelay $0x3  }
0x1c4: {  	v63 =	vld.idx.msk [tilespmem:v9+s24+$0x0], $0xffff;
	[tilespmem:$0x1FF00] =	vst v0  }
0x1c5: {  	v0 =	vld.idx.msk [tilespmem:v12+s24+$0x0], $0xffff  }
0x1c6: {  	v5 =	vor.u32 $0xA, v3;
	_ =	sdelay $0x3  }
0x1c7: {  	[tilespmem:$0x1FF10] =	vst v0  }
0x1c8: {  	v0 =	vld.idx.msk [tilespmem:v5+s24+$0x0], $0xffff  }
0x1c9: {  	v8 =	vor.u32 $0xB, v3;
	_ =	sdelay $0x3  }
0x1ca: {  	[tilespmem:$0x1FF20] =	vst v0  }
0x1cb: {  	v0 =	vld.idx.msk [tilespmem:v8+s24+$0x0], $0xffff  }
0x1cc: {  	v9 =	vor.u32 $0xC, v3;
	_ =	sdelay $0x3  }
0x1cd: {  	[tilespmem:$0x1FF30] =	vst v0  }
0x1ce: {  	v0 =	vld.idx.msk [tilespmem:v9+s24+$0x0], $0xffff  }
0x1cf: {  	v10 =	vor.u32 $0xD, v3;
	_ =	sdelay $0x3  }
0x1d0: {  	[tilespmem:$0x1FF40] =	vst v0  }
0x1d1: {  	v0 =	vld.idx.msk [tilespmem:v10+s24+$0x0], $0xffff  }
0x1d2: {  	v12 =	vor.u32 $0xE, v3;
	_ =	sdelay $0x3  }
0x1d3: {  	[tilespmem:$0x1FF50] =	vst v0  }
0x1d4: {  	v0 =	vld.idx.msk [tilespmem:v12+s24+$0x0], $0xffff  }
0x1d5: {  	v5 =	vor.u32 $0xF, v3;
	_ =	sdelay $0x3  }
0x1d6: {  	v13 =	vshll.u32 v14, $0x7;
	v11 =	vshll.u32 v11, $0x4;
	[tilespmem:$0x1FF60] =	vst v0  }
0x1d7: {  	v51 =	vadd.s32 v13, v11;
	v0 =	vld.idx.msk [tilespmem:v5+s24+$0x0], $0xffff  }
0x1d8: {  	v8 =	vor.u32 $0x1, v51;
	_ =	sdelay $0x3  }
0x1d9: {  	[tilespmem:$0x1FF70] =	vst v0  }
0x1da: {  	v0 =	vld.idx.msk [tilespmem:v8+s24+$0x0], $0xffff  }
0x1db: {  	v9 =	vor.u32 $0x2, v51;
	_ =	sdelay $0x3  }
0x1dc: {  	[tilespmem:$0x1FF80] =	vst v0  }
0x1dd: {  	v0 =	vld.idx.msk [tilespmem:v9+s24+$0x0], $0xffff  }
0x1de: {  	v10 =	vor.u32 $0x3, v51;
	_ =	sdelay $0x3  }
0x1df: {  	[tilespmem:$0x1FF90] =	vst v0  }
0x1e0: {  	v0 =	vld.idx.msk [tilespmem:v10+s24+$0x0], $0xffff  }
0x1e1: {  	v11 =	vor.u32 $0x4, v51;
	_ =	sdelay $0x3  }
0x1e2: {  	[tilespmem:$0x1FFA0] =	vst v0  }
0x1e3: {  	v0 =	vld.idx.msk [tilespmem:v11+s24+$0x0], $0xffff  }
0x1e4: {  	v5 =	vor.u32 $0x5, v51;
	_ =	sdelay $0x3  }
0x1e5: {  	[tilespmem:$0x1FFB0] =	vst v0  }
0x1e6: {  	v0 =	vld.idx.msk [tilespmem:v5+s24+$0x0], $0xffff  }
0x1e7: {  	v12 =	vor.u32 $0x6, v51;
	_ =	sdelay $0x3  }
0x1e8: {  	[tilespmem:$0x1FFC0] =	vst v0  }
0x1e9: {  	v0 =	vld.idx.msk [tilespmem:v12+s24+$0x0], $0xffff  }
0x1ea: {  	v9 =	vor.u32 $0x7, v51;
	_ =	sdelay $0x3  }
0x1eb: {  	[tilespmem:$0x1FFD0] =	vst v0  }
0x1ec: {  	v0 =	vld.idx.msk [tilespmem:v9+s24+$0x0], $0xffff  }
0x1ed: {  	v11 =	vor.u32 $0x9, v51;
	_ =	sdelay $0x3  }
0x1ee: {  	[tilespmem:$0x1FFE0] =	vst v0  }
0x1ef: {  	v10 =	vor.u32 $0x8, v51;
	v0 =	vld.idx.msk [tilespmem:v11+s24+$0x0], $0xffff  }
0x1f0: {  	v5 =	vor.u32 $0xA, v51;
	_ =	sdelay $0x3  }
0x1f1: {  	v13 =	vld.idx.msk [tilespmem:v10+s24+$0x0], $0xffff;
	[tilespmem:$0x1FD50] =	vst v0  }
0x1f2: {  	v1 =	vld.idx.msk [tilespmem:v5+s24+$0x0], $0xffff  }
0x1f3: {  	v12 =	vor.u32 $0xB, v51;
	_ =	sdelay $0x3  }
0x1f4: {  	[tilespmem:$0x1FD60] =	vst v1  }
0x1f5: {  	v1 =	vld.idx.msk [tilespmem:v12+s24+$0x0], $0xffff  }
0x1f6: {  	v9 =	vor.u32 $0xC, v51;
	_ =	sdelay $0x3  }
0x1f7: {  	[tilespmem:$0x1FD70] =	vst v1  }
0x1f8: {  	v1 =	vld.idx.msk [tilespmem:v9+s24+$0x0], $0xffff  }
0x1f9: {  	v10 =	vor.u32 $0xD, v51;
	_ =	sdelay $0x3  }
0x1fa: {  	[tilespmem:$0x1FD80] =	vst v1  }
0x1fb: {  	v1 =	vld.idx.msk [tilespmem:v10+s24+$0x0], $0xffff  }
0x1fc: {  	v0 =	vor.u32 $0xE, v51;
	_ =	sdelay $0x3  }
0x1fd: {  	[tilespmem:$0x1FD90] =	vst v1  }
0x1fe: {  	v0 =	vld.idx.msk [tilespmem:v0+s24+$0x0], $0xffff  }
0x1ff: {  	v5 =	vor.u32 $0xF, v51;
	_ =	sdelay $0x3  }
0x200: {  	[tilespmem:$0x1FDA0] =	vst v0  }
0x201: {  	v4 =	vld.idx.msk [tilespmem:v5+s24+$0x0], $0xffff;
	_ =	sdelay $0x4  }
0x202: {  	[tilespmem:$0x1FDB0] =	vst v4  }
0x203: {  	v3 =	vld.idx.msk [tilespmem:v3+s24+$0x0], $0xffff;
	_ =	sdelay $0x4  }
0x204: {  	[tilespmem:$0x1FDC0] =	vst v3  }
0x205: {  	v3 =	vld.idx.msk [tilespmem:v51+s24+$0x0], $0xffff  }
0x206: {  	v0 =	vor.u32 $0x8, v2;
	_ =	sdelay $0x2  }
0x207: {  	s5 =	simm.s32 $0x10;
	v5 =	vor.u32 $0x9, v2  }
0x208: {  	v4 =	vor.u32 $0xA, v2;
	[tilespmem:$0x1FDD0] =	vst v3;
	v3 =	vmov s5  }
0x209: {  	v34 =	vld.idx.msk [tilespmem:v0+s9+$0x0], $0xffff;
	v0 =	vshll.u32 v3, $0x4;
	v3 =	vmov s8  }
0x20a: {  	s19 =	simm.s32 $0x0;
	v1 =	vor.u32 $0x7, v2  }
0x20b: {  	s7 =	sand.u32 $0x1C00, s19  }
0x20c: {  	s3 =	sand.u32 $0x70, s18;
	s11 =	sadd.s32 $0xCA40, s7;
	v21 =	vadd.f32 v21, v41;
	v7 =	vor.u32 $0xE, v2;
	v45 =	vld.idx.msk [tilespmem:v5+s9+$0x0], $0xffff;
	v5 =	vor.u32 v55, v0  }
0x20d: {  	s7 =	sadd.s32 s3, s11;
	v20 =	vadd.f32 v20, v49;
	v17 =	vld.idx.msk [tilespmem:v4+s9+$0x0], $0xffff;
	v4 =	vor.u32 $0x1, v5  }
0x20e: {  	v19 =	vadd.f32 v19, v57;
	[tilespmem:v3+s7+$0x2380 ss:$0x1] =	vst.idx.msk $0xffff, v21  }
0x20f: {  	v22 =	vadd.f32 v22, v32;
	v36 =	vld.idx.msk [tilespmem:v1+s9+$0x0], $0xffff;
	[tilespmem:v3+s7+$0x80 ss:$0x1] =	vst.idx.msk $0xffff, v20  }
0x210: {  	v35 =	vadd.f32 v35, v30;
	v8 =	vld [tilespmem:$0x1FDE0];
	[tilespmem:v3+s7+$0x100 ss:$0x1] =	vst.idx.msk $0xffff, v19  }
0x211: {  	v1 =	vor.u32 $0xC, v2;
	v30 =	vld.idx.msk [tilespmem:v7+s9+$0x0], $0xffff;
	[tilespmem:v3+s7+$0x180 ss:$0x1] =	vst.idx.msk $0xffff, v22  }
0x212: {  	v7 =	vadd.f32 v23, v26;
	v57 =	vor.u32 $0x2, v5;
	v26 =	vld.idx.msk [tilespmem:v4+s9+$0x0], $0xffff;
	[tilespmem:v3+s7+$0x200 ss:$0x1] =	vst.idx.msk $0xffff, v35  }
0x213: {  	v4 =	vld [tilespmem:$0x1FDF0];
	_ =	sdelay $0x1  }
0x214: {  	v29 =	vadd.f32 v29, v31  }
0x215: {  	v32 =	vld.idx.msk [tilespmem:v1+s9+$0x0], $0xffff  }
0x216: {  	v1 =	vadd.f32 v16, v27;
	v16 =	vld.idx.msk [tilespmem:v57+s9+$0x0], $0xffff;
	[tilespmem:v3+s7+$0x280 ss:$0x1] =	vst.idx.msk $0xffff, v29  }
0x217: {  	v57 =	vadd.f32 v4, v56;
	v4 =	vld [tilespmem:$0x1FE00];
	_ =	sdelay $0x2  }
0x218: {  	v0 =	vor.u32 $0xF, v2;
	[tilespmem:v3+s7+$0x300 ss:$0x1] =	vst.idx.msk $0xffff, v1  }
0x219: {  	v1 =	vld [tilespmem:$0x1FE10];
	[tilespmem:v3+s7+$0x380 ss:$0x1] =	vst.idx.msk $0xffff, v7  }
0x21a: {  	v38 =	vadd.f32 v4, v38;
	v4 =	vld [tilespmem:$0x1FE20];
	_ =	sdelay $0x1  }
0x21b: {  	v40 =	vadd.f32 v40, v33  }
0x21c: {  	v27 =	vld.idx.msk [tilespmem:v0+s9+$0x0], $0xffff;
	v0 =	vor.u32 $0x5, v5  }
0x21d: {  	[tilespmem:v3+s7+$0x2000 ss:$0x1] =	vst.idx.msk $0xffff, v40  }
0x21e: {  	v44 =	vadd.f32 v4, v44;
	v4 =	vld [tilespmem:$0x1FE30]  }
0x21f: {  	v59 =	vadd.f32 v59, v25;
	v21 =	vor.u32 $0x4, v5  }
0x220: {  	v19 =	vor.u32 $0x6, v5  }
0x221: {  	v22 =	vld.idx.msk [tilespmem:v0+s9+$0x0], $0xffff;
	v0 =	vor.u32 $0xA, v5;
	[tilespmem:v3+s7+$0x2080 ss:$0x1] =	vst.idx.msk $0xffff, v59  }
0x222: {  	[tilespmem:v3+s7+$0x2100 ss:$0x1] =	vst.idx.msk $0xffff, v57  }
0x223: {  	v48 =	vadd.f32 v4, v48;
	v4 =	vld [tilespmem:$0x1FE40]  }
0x224: {  	v25 =	vld.idx.msk [tilespmem:v21+s9+$0x0], $0xffff  }
0x225: {  	v6 =	vor.u32 $0xD, v2;
	v49 =	vadd.f32 v8, v24;
	v24 =	vld.idx.msk [tilespmem:v19+s9+$0x0], $0xffff  }
0x226: {  	v21 =	vld.idx.msk [tilespmem:v0+s9+$0x0], $0xffff;
	v42 =	vadd.f32 v1, v42;
	v1 =	vor.u32 $0xB, v5  }
0x227: {  	v0 =	vld [tilespmem:$0x1FE50]  }
0x228: {  	v19 =	vadd.f32 v18, v4;
	v4 =	vld [tilespmem:$0x1FE60];
	_ =	sdelay $0x1  }
0x229: {  	v31 =	vld.idx.msk [tilespmem:v6+s9+$0x0], $0xffff  }
0x22a: {  	v6 =	vor.u32 $0x3, v5;
	v8 =	vld.idx.msk [tilespmem:v1+s9+$0x0], $0xffff  }
0x22b: {  	v1 =	vld [tilespmem:$0x1FE80]  }
0x22c: {  	v12 =	vadd.f32 v4, v0;
	v4 =	vld [tilespmem:$0x1FE90];
	_ =	sdelay $0x2  }
0x22d: {  	v33 =	vld.idx.msk [tilespmem:v6+s9+$0x0], $0xffff;
	v6 =	vor.u32 $0x8, v5  }
0x22e: {  	v9 =	vld [tilespmem:$0x1FEC0]  }
0x22f: {  	v56 =	vadd.f32 v4, v1;
	v1 =	vld [tilespmem:$0x1FEA0]  }
0x230: {  	v4 =	vld [tilespmem:$0x1FEB0]  }
0x231: {  	s3 =	simm.s32 $0x20  }
0x232: {  	v41 =	vor.u32 $0x7, v5;
	v23 =	vld.idx.msk [tilespmem:v6+s9+$0x0], $0xffff;
	v6 =	vmov s3  }
0x233: {  	v29 =	vor.u32 $0x9, v5;
	v6 =	vshll.u32 v6, $0x4  }
0x234: {  	v6 =	vor.u32 v55, v6;
	v15 =	vadd.f32 v47, v1  }
0x235: {  	v47 =	vadd.f32 v4, v36;
	v4 =	vor.u32 $0x3, v6;
	v36 =	vadd.f32 v9, v27;
	v9 =	vld [tilespmem:$0x1FED0];
	_ =	sdelay $0x1  }
0x236: {  	v51 =	vor.u32 $0xB, v2;
	v20 =	vld.idx.msk [tilespmem:v41+s9+$0x0], $0xffff  }
0x237: {  	v10 =	vadd.f32 v28, v60;
	v28 =	vld.idx.msk [tilespmem:v29+s9+$0x0], $0xffff;
	v29 =	vor.u32 $0xE, v5  }
0x238: {  	v41 =	vor.u32 $0xD, v5;
	v0 =	vld [tilespmem:$0x1FE70]  }
0x239: {  	v46 =	vadd.f32 v46, v34;
	v40 =	vor.u32 $0xC, v5;
	v34 =	vadd.f32 v9, v16;
	v16 =	vld.idx.msk [tilespmem:v4+s9+$0x0], $0xffff  }
0x23a: {  	v4 =	vld [tilespmem:$0x1FEE0]  }
0x23b: {  	v51 =	vld.idx.msk [tilespmem:v51+s9+$0x0], $0xffff;
	v60 =	vor.u32 $0xF, v5  }
0x23c: {  	v45 =	vadd.f32 v43, v45;
	v43 =	vadd.f32 v37, v17;
	v17 =	vld.idx.msk [tilespmem:v29+s9+$0x0], $0xffff;
	v29 =	vor.u32 $0x4, v6  }
0x23d: {  	v7 =	vld.idx.msk [tilespmem:v41+s9+$0x0], $0xffff;
	v14 =	vadd.f32 v58, v0;
	v0 =	vor.u32 $0x1, v6  }
0x23e: {  	v18 =	vld.idx.msk [tilespmem:v40+s9+$0x0], $0xffff;
	v1 =	vor.u32 $0x2, v6  }
0x23f: {  	v40 =	vadd.f32 v39, v32;
	v32 =	vadd.f32 v4, v25;
	v4 =	vld [tilespmem:$0x1FEF0]  }
0x240: {  	v41 =	vadd.f32 v61, v51;
	v51 =	vld.idx.msk [tilespmem:v60+s9+$0x0], $0xffff;
	v57 =	vor.u32 $0x5, v6  }
0x241: {  	v37 =	vadd.f32 v52, v30;
	v30 =	vadd.f32 v50, v22;
	v22 =	vld.idx.msk [tilespmem:v29+s9+$0x0], $0xffff  }
0x242: {  	s13 =	sshll.u32 s31, $0xA;
	v39 =	vadd.f32 v62, v31;
	v62 =	vld.idx.msk [tilespmem:v0+s9+$0x0], $0xffff;
	v0 =	vor.u32 $0x6, v6  }
0x243: {  	s20 =	sor.u32 $0x3A40, s13;
	v1 =	vld.idx.msk [tilespmem:v1+s9+$0x0], $0xffff  }
0x244: {  	s21 =	sor.u32 $0x3AC0, s13;
	[smem:$0x7CF] =	sst s20;
	v31 =	vadd.f32 v4, v24;
	v4 =	vld [tilespmem:$0x1FF00]  }
0x245: {  	s26 =	sor.u32 $0x42C0, s13;
	v27 =	vadd.f32 v63, v20;
	v20 =	vld.idx.msk [tilespmem:v57+s9+$0x0], $0xffff;
	[smem:$0x7D0] =	sst s21  }
0x246: {  	[smem:$0x7D1] =	sst s26  }
0x247: {  	v57 =	vld.idx.msk [tilespmem:v0+s9+$0x0], $0xffff  }
0x248: {  	v0 =	vld [tilespmem:$0x1FF20]  }
0x249: {  	v29 =	vadd.f32 v4, v23;
	v4 =	vld [tilespmem:$0x1FF10];
	_ =	sdelay $0x3  }
0x24a: {  	v35 =	vadd.f32 v53, v26  }
0x24b: {  	v26 =	vadd.f32 v4, v28;
	v28 =	vadd.f32 v0, v21;
	v0 =	vld [tilespmem:$0x1FF30];
	_ =	sdelay $0x4  }
0x24c: {  	v25 =	vadd.f32 v0, v8;
	v0 =	vld [tilespmem:$0x1FF40]  }
0x24d: {  	v58 =	vor.u32 $0x7, v6  }
0x24e: {  	s0 =	smov.u32 s25;
	s29 =	sor.u32 $0x3B40, s13  }
0x24f: {  	s30 =	sadd.s32 s14, s0;
	s14 =	sor.u32 $0x4340, s13;
	[smem:$0x7D2] =	sst s29  }
0x250: {  	s15 =	sor.u32 $0x3BC0, s13;
	[smem:$0x7D3] =	sst s14  }
0x251: {  	s17 =	sor.u32 $0x43C0, s13;
	[smem:$0x7D4] =	sst s15;
	v24 =	vadd.f32 v0, v18;
	v0 =	vld [tilespmem:$0x1FF50]  }
0x252: {  	s18 =	sadd.s32 $0x3C40, s13;
	v8 =	vld.idx.msk [tilespmem:v58+s9+$0x0], $0xffff;
	[smem:$0x7D5] =	sst s17  }
0x253: {  	s19 =	sadd.s32 $0x4440, s13;
	[smem:$0x7D6] =	sst s18  }
0x254: {  	[smem:$0x7D7] =	sst s19  }
0x255: {  	v59 =	vor.u32 $0x8, v6;
	[tilespmem:v3+s7+$0x2180 ss:$0x1] =	vst.idx.msk $0xffff, v38  }
0x256: {  	v21 =	vadd.f32 v0, v7;
	v0 =	vld [tilespmem:$0x1FF60];
	_ =	sdelay $0x2  }
0x257: {  	s20 =	sadd.s32 $0x3CC0, s13  }
0x258: {  	v7 =	vld.idx.msk [tilespmem:v59+s9+$0x0], $0xffff;
	[smem:$0x7D8] =	sst s20  }
0x259: {  	v23 =	vadd.f32 v0, v17;
	v0 =	vld [tilespmem:$0x1FF70];
	[tilespmem:v3+s7+$0x2200 ss:$0x1] =	vst.idx.msk $0xffff, v42  }
0x25a: {  	v9 =	vld [tilespmem:$0x1FF80];
	_ =	sdelay $0x3  }
0x25b: {  	v4 =	vor.u32 $0xB, v6  }
0x25c: {  	v62 =	vadd.f32 v9, v62;
	v9 =	vld [tilespmem:$0x1FF90];
	_ =	sdelay $0x3  }
0x25d: {  	[tilespmem:v3+s7+$0x2280 ss:$0x1] =	vst.idx.msk $0xffff, v44;
	v44 =	vld.idx.msk [tilespmem:v4+s9+$0x0], $0xffff  }
0x25e: {  	v61 =	vadd.f32 v9, v1;
	v1 =	vld [tilespmem:$0x1FFA0]  }
0x25f: {  	v9 =	vld [tilespmem:$0x1FFB0];
	[tilespmem:v3+s7+$0x2300 ss:$0x1] =	vst.idx.msk $0xffff, v48  }
0x260: {  	v4 =	vld [tilespmem:$0x1FFC0];
	_ =	sdelay $0x4  }
0x261: {  	v20 =	vadd.f32 v4, v20;
	v4 =	vld [tilespmem:$0x1FFD0];
	_ =	sdelay $0x1  }
0x262: {  	v50 =	vor.u32 $0x9, v6  }
0x263: {  	v63 =	vor.u32 $0xA, v6  }
0x264: {  	v58 =	vor.u32 $0xC, v6;
	[tilespmem:v3+s7+$0x0 ss:$0x1] =	vst.idx.msk $0xffff, v49  }
0x265: {  	s28 =	simm.s32 $0x0;
	v59 =	vor.u32 $0xD, v6;
	v18 =	vadd.f32 v4, v57;
	v4 =	vld [tilespmem:$0x1FFE0]  }
0x266: {  	s16 =	sor.u32 $0x4240, s13;
	s25 =	sadd.s32 $0x1, s25;
	s21 =	sand.u32 $0x40, s2  }
0x267: {  	s26 =	sand.u32 $0x50, s5;
	s5 =	simm.s32 $0x70;
	s29 =	sand.u32 $0x60, s3;
	v38 =	vld.idx.msk [tilespmem:v50+s9+$0x0], $0xffff  }
0x268: {  	v33 =	vadd.f32 v54, v33;
	s21 =	sadd.s32 s21, s11;
	s3 =	sadd.s32 s26, s11;
	s26 =	simm.s32 $0x0;
	v42 =	vld.idx.msk [tilespmem:v63+s9+$0x0], $0xffff  }
0x269: {  	v11 =	vor.u32 $0xE, v6;
	s2 =	sadd.s32 s29, s11;
	s11 =	sadd.s32 $0x4540, s13;
	s18 =	sadd.s32 $0x3D40, s13;
	v0 =	vadd.f32 v0, v51;
	v48 =	vld.idx.msk [tilespmem:v58+s9+$0x0], $0xffff;
	v1 =	vadd.f32 v1, v16  }
0x26a: {  	s19 =	sadd.s32 $0x3DC0, s13;
	s17 =	sadd.s32 $0x45C0, s13;
	s20 =	sadd.s32 $0x44C0, s13;
	v63 =	vadd.f32 v9, v22;
	v9 =	vor.u32 $0xF, v6;
	v49 =	vld.idx.msk [tilespmem:v59+s9+$0x0], $0xffff;
	v22 =	vadd.f32 v4, v8  }
.LBB2_5:
0x26b: {  	v51 =	vld.idx.msk [tilespmem:v2+s9+$0x0], $0xffff;
	[tilespmem:v3+s21+$0x80 ss:$0x1] =	vst.idx.msk $0xffff, v10  }
0x26c: {  	[tilespmem:v3+s21+$0x100 ss:$0x1] =	vst.idx.msk $0xffff, v19  }
0x26d: {  	[tilespmem:v3+s21+$0x380 ss:$0x1] =	vst.idx.msk $0xffff, v47  }
0x26e: {  	[tilespmem:v3+s21+$0x2000 ss:$0x1] =	vst.idx.msk $0xffff, v46  }
0x26f: {  	[tilespmem:v3+s21+$0x2080 ss:$0x1] =	vst.idx.msk $0xffff, v45  }
0x270: {  	v52 =	vld.idx.msk [tilespmem:v5+s9+$0x0], $0xffff;
	[tilespmem:v3+s3+$0x80 ss:$0x1] =	vst.idx.msk $0xffff, v35  }
0x271: {  	[tilespmem:v3+s3+$0x100 ss:$0x1] =	vst.idx.msk $0xffff, v34  }
0x272: {  	[tilespmem:v3+s3+$0x200 ss:$0x1] =	vst.idx.msk $0xffff, v32  }
0x273: {  	[tilespmem:v3+s3+$0x280 ss:$0x1] =	vst.idx.msk $0xffff, v30  }
0x274: {  	[tilespmem:v3+s3+$0x300 ss:$0x1] =	vst.idx.msk $0xffff, v31  }
0x275: {  	[tilespmem:v3+s3+$0x380 ss:$0x1] =	vst.idx.msk $0xffff, v27  }
0x276: {  	[tilespmem:v3+s3+$0x2000 ss:$0x1] =	vst.idx.msk $0xffff, v29  }
0x277: {  	[tilespmem:v3+s3+$0x2080 ss:$0x1] =	vst.idx.msk $0xffff, v26  }
0x278: {  	[tilespmem:v3+s3+$0x2100 ss:$0x1] =	vst.idx.msk $0xffff, v28  }
0x279: {  	[tilespmem:v3+s3+$0x2180 ss:$0x1] =	vst.idx.msk $0xffff, v25  }
0x27a: {  	[tilespmem:v3+s3+$0x2200 ss:$0x1] =	vst.idx.msk $0xffff, v24  }
0x27b: {  	[tilespmem:v3+s3+$0x2280 ss:$0x1] =	vst.idx.msk $0xffff, v21  }
0x27c: {  	[tilespmem:v3+s3+$0x2300 ss:$0x1] =	vst.idx.msk $0xffff, v23  }
0x27d: {  	v7 =	vadd.f32 v13, v7;
	[tilespmem:v3+s3+$0x2380 ss:$0x1] =	vst.idx.msk $0xffff, v0  }
0x27e: {  	[tilespmem:v3+s3+$0x180 ss:$0x1] =	vst.idx.msk $0xffff, v33  }
0x27f: {  	s0 =	sadd.s32 $0xFFFFFFD0, s5;
	[tilespmem:$0x1FA60] =	vst v7  }
0x280: {  	s7 =	sadd.s32 $0xFFFFFFE0, s5;
	v4 =	vmov s5;
	v50 =	vld.idx.msk [tilespmem:v6+s9+$0x0], $0xffff;
	v7 =	vmov s0;
	[tilespmem:v3+s21+$0x180 ss:$0x1] =	vst.idx.msk $0xffff, v12  }
0x281: {  	v8 =	vmov s7;
	v4 =	vshll.u32 v4, $0x4;
	v7 =	vshll.u32 v7, $0x4;
	v53 =	vld.idx.msk [tilespmem:v11+s9+$0x0], $0xffff;
	[tilespmem:v3+s21+$0x200 ss:$0x1] =	vst.idx.msk $0xffff, v14  }
0x282: {  	v17 =	vor.u32 v55, v4;
	v4 =	vshll.u32 v8, $0x4;
	v2 =	vor.u32 v55, v7;
	[tilespmem:v3+s21+$0x280 ss:$0x1] =	vst.idx.msk $0xffff, v56  }
0x283: {  	v54 =	vld.idx.msk [tilespmem:v9+s9+$0x0], $0xffff;
	[tilespmem:v3+s2+$0x180 ss:$0x1] =	vst.idx.msk $0xffff, v1;
	v5 =	vor.u32 v55, v4;
	v4 =	vor.u32 $0x5, v2  }
0x284: {  	[tilespmem:$0x1FA70] =	vst v4;
	v4 =	vor.u32 $0x7, v2  }
0x285: {  	[tilespmem:$0x1FAA0] =	vst v4;
	v4 =	vor.u32 $0x8, v2  }
0x286: {  	[tilespmem:$0x1FAB0] =	vst v4;
	v4 =	vor.u32 $0x9, v2  }
0x287: {  	[tilespmem:$0x1FAC0] =	vst v4;
	v4 =	vor.u32 $0xA, v2  }
0x288: {  	[tilespmem:$0x1FAD0] =	vst v4;
	v4 =	vor.u32 $0xB, v2  }
0x289: {  	[tilespmem:$0x1FAE0] =	vst v4;
	v4 =	vor.u32 $0xC, v2  }
0x28a: {  	[tilespmem:$0x1FAF0] =	vst v4;
	v4 =	vor.u32 $0xD, v2  }
0x28b: {  	[tilespmem:$0x1FB00] =	vst v4;
	v4 =	vor.u32 $0xE, v2  }
0x28c: {  	[tilespmem:$0x1FB10] =	vst v4;
	v4 =	vor.u32 $0xF, v2  }
0x28d: {  	[tilespmem:$0x1FB20] =	vst v4;
	v4 =	vor.u32 $0x1, v5  }
0x28e: {  	[tilespmem:$0x1FB30] =	vst v4;
	v4 =	vor.u32 $0x2, v5  }
0x28f: {  	[tilespmem:$0x1FB40] =	vst v4;
	v4 =	vor.u32 $0x3, v5  }
0x290: {  	[tilespmem:$0x1FB50] =	vst v4;
	v4 =	vor.u32 $0x4, v5  }
0x291: {  	[tilespmem:$0x1FB60] =	vst v4;
	v4 =	vor.u32 $0x5, v5  }
0x292: {  	[tilespmem:$0x1FB70] =	vst v4;
	v4 =	vor.u32 $0x6, v5  }
0x293: {  	[tilespmem:$0x1FB80] =	vst v4;
	v4 =	vor.u32 $0x7, v5  }
0x294: {  	[tilespmem:$0x1FB90] =	vst v4;
	v4 =	vor.u32 $0x8, v5  }
0x295: {  	[tilespmem:$0x1FBA0] =	vst v4;
	v4 =	vor.u32 $0x9, v5  }
0x296: {  	[tilespmem:$0x1FBB0] =	vst v4;
	v4 =	vor.u32 $0xA, v5  }
0x297: {  	[tilespmem:$0x1FBC0] =	vst v4;
	v4 =	vor.u32 $0xB, v5  }
0x298: {  	s13 =	sadd.s32 $0xFFFFFFF0, s5;
	[tilespmem:$0x1FBD0] =	vst v4;
	v4 =	vor.u32 $0xC, v5  }
0x299: {  	v16 =	vmov s13;
	[tilespmem:$0x1FBE0] =	vst v4;
	v4 =	vor.u32 $0xD, v5  }
0x29a: {  	v8 =	vshll.u32 v16, $0x4;
	[tilespmem:$0x1FBF0] =	vst v4;
	v4 =	vor.u32 $0xE, v5  }
0x29b: {  	v6 =	vor.u32 v55, v8;
	[tilespmem:$0x1FC00] =	vst v4;
	v4 =	vor.u32 $0xF, v5  }
0x29c: {  	[tilespmem:$0x1FC10] =	vst v4;
	v4 =	vor.u32 $0x1, v6  }
0x29d: {  	[tilespmem:$0x1FC20] =	vst v4;
	v4 =	vor.u32 $0x2, v6  }
0x29e: {  	[tilespmem:$0x1FC30] =	vst v4;
	v4 =	vor.u32 $0x3, v6  }
0x29f: {  	v0 =	vld [tilespmem:$0x1FDD0];
	[tilespmem:$0x1FC40] =	vst v4;
	v4 =	vor.u32 $0x4, v6  }
0x2a0: {  	s10 =	sadd.s32 $0x40, s10;
	v7 =	vld [tilespmem:$0x1FDB0];
	[tilespmem:$0x1FC50] =	vst v4;
	v4 =	vor.u32 $0x5, v6  }
0x2a1: {  	s12 =	sadd.s32 $0x40, s12;
	v10 =	vld [tilespmem:s10+$0x10];
	v16 =	vor.u32 $0x1, v17;
	[tilespmem:$0x1FC60] =	vst v4;
	v4 =	vor.u32 $0x6, v6  }
0x2a2: {  	v12 =	vld [tilespmem:s12+$0x10];
	v9 =	vor.u32 $0x2, v17;
	[tilespmem:$0x1FC70] =	vst v4;
	v4 =	vor.u32 $0x7, v6  }
0x2a3: {  	v1 =	vld [tilespmem:s12+$0xFFFFFFF0];
	v11 =	vor.u32 $0x3, v17;
	[tilespmem:$0x1FC80] =	vst v4;
	v4 =	vor.u32 $0x8, v6  }
0x2a4: {  	v13 =	vor.u32 $0x4, v17;
	v19 =	vld.idx.msk [tilespmem:v17+s9+$0x0], $0xffff;
	[tilespmem:$0x1FCA0] =	vst v4;
	v4 =	vor.u32 $0x9, v6  }
0x2a5: {  	v14 =	vor.u32 $0x5, v17;
	v54 =	vadd.f32 v7, v54;
	v7 =	vld [tilespmem:$0x1FD40];
	[tilespmem:$0x1FCB0] =	vst v4;
	v4 =	vor.u32 $0xA, v6  }
0x2a6: {  	v8 =	vld.idx.msk [tilespmem:v16+s9+$0x0], $0xffff;
	[tilespmem:$0x1FCD0] =	vst v4;
	v4 =	vor.u32 $0xB, v6  }
0x2a7: {  	v45 =	vor.u32 $0xA, v17;
	v56 =	vld.idx.msk [tilespmem:v9+s9+$0x0], $0xffff;
	[tilespmem:$0x1FCE0] =	vst v4;
	v4 =	vor.u32 $0xC, v6  }
0x2a8: {  	v16 =	vor.u32 $0x6, v17;
	v47 =	vld.idx.msk [tilespmem:v11+s9+$0x0], $0xffff;
	[tilespmem:$0x1FD10] =	vst v4;
	v4 =	vor.u32 $0xD, v6  }
0x2a9: {  	v9 =	vor.u32 $0x7, v17;
	v46 =	vld.idx.msk [tilespmem:v13+s9+$0x0], $0xffff;
	[tilespmem:$0x1FD30] =	vst v4;
	v4 =	vor.u32 $0xE, v6  }
0x2aa: {  	v11 =	vor.u32 $0x8, v17;
	v14 =	vld.idx.msk [tilespmem:v14+s9+$0x0], $0xffff;
	[tilespmem:$0x1FC90] =	vst v4;
	v4 =	vor.u32 $0xF, v6  }
0x2ab: {  	[tilespmem:$0x1FD00] =	vst v4;
	v4 =	vld [tilespmem:$0x1FD50]  }
0x2ac: {  	[tilespmem:v3+s21+$0x2300 ss:$0x1] =	vst.idx.msk $0xffff, v37;
	v10 =	vshll.u32 v10, $0x7;
	v12 =	vshll.u32 v12, $0x4;
	v13 =	vor.u32 $0x9, v17;
	v37 =	vld.idx.msk [tilespmem:v45+s9+$0x0], $0xffff  }
0x2ad: {  	[tilespmem:v3+s21+$0x2100 ss:$0x1] =	vst.idx.msk $0xffff, v43;
	v10 =	vadd.s32 v10, v12;
	v43 =	vld.idx.msk [tilespmem:v16+s9+$0x0], $0xffff  }
0x2ae: {  	[tilespmem:v3+s21+$0x2180 ss:$0x1] =	vst.idx.msk $0xffff, v41;
	v12 =	vor.u32 $0x1, v10;
	v41 =	vld.idx.msk [tilespmem:v9+s9+$0x0], $0xffff  }
0x2af: {  	[tilespmem:v3+s21+$0x2200 ss:$0x1] =	vst.idx.msk $0xffff, v40;
	v45 =	vor.u32 $0x5, v10;
	v40 =	vld.idx.msk [tilespmem:v11+s9+$0x0], $0xffff  }
0x2b0: {  	v38 =	vadd.f32 v4, v38;
	v4 =	vld [tilespmem:$0x1FD60]  }
0x2b1: {  	[tilespmem:v3+s21+$0x2280 ss:$0x1] =	vst.idx.msk $0xffff, v39;
	v31 =	vor.u32 $0x6, v10;
	v39 =	vld.idx.msk [tilespmem:v13+s9+$0x0], $0xffff  }
0x2b2: {  	v27 =	vor.u32 $0xF, v10;
	v30 =	vld.idx.msk [tilespmem:v10+s24+$0x0], $0xffff  }
0x2b3: {  	v29 =	vor.u32 $0x7, v10;
	v12 =	vld.idx.msk [tilespmem:v12+s24+$0x0], $0xffff  }
0x2b4: {  	v26 =	vor.u32 $0x8, v10;
	v28 =	vld.idx.msk [tilespmem:v45+s24+$0x0], $0xffff  }
0x2b5: {  	v42 =	vadd.f32 v4, v42;
	v4 =	vld [tilespmem:$0x1FD70]  }
0x2b6: {  	v31 =	vld.idx.msk [tilespmem:v31+s24+$0x0], $0xffff  }
0x2b7: {  	v16 =	vor.u32 $0xB, v17;
	v27 =	vld.idx.msk [tilespmem:v27+s24+$0x0], $0xffff  }
0x2b8: {  	v9 =	vor.u32 $0xC, v17;
	v29 =	vld.idx.msk [tilespmem:v29+s24+$0x0], $0xffff  }
0x2b9: {  	v7 =	vadd.f32 v7, v51;
	v11 =	vor.u32 $0xD, v17;
	v26 =	vld.idx.msk [tilespmem:v26+s24+$0x0], $0xffff  }
0x2ba: {  	v44 =	vadd.f32 v4, v44;
	v4 =	vld [tilespmem:$0x1FD80]  }
0x2bb: {  	v13 =	vor.u32 $0xE, v17;
	[tilespmem:$0x1FA80] =	vst v7;
	v7 =	vld [tilespmem:$0x1FDC0]  }
0x2bc: {  	[tilespmem:v3+s21+$0x2380 ss:$0x1] =	vst.idx.msk $0xffff, v36;
	v17 =	vor.u32 $0xF, v17;
	v36 =	vld.idx.msk [tilespmem:v16+s9+$0x0], $0xffff  }
0x2bd: {  	v45 =	vor.u32 $0x9, v10;
	v35 =	vld.idx.msk [tilespmem:v9+s9+$0x0], $0xffff  }
0x2be: {  	v34 =	vld.idx.msk [tilespmem:v11+s9+$0x0], $0xffff;
	v11 =	vor.u32 $0x3, v10  }
0x2bf: {  	v48 =	vadd.f32 v4, v48;
	v4 =	vld [tilespmem:$0x1FD90]  }
0x2c0: {  	v33 =	vld.idx.msk [tilespmem:v13+s9+$0x0], $0xffff  }
0x2c1: {  	v9 =	vor.u32 $0x2, v10;
	v32 =	vld.idx.msk [tilespmem:v17+s9+$0x0], $0xffff  }
0x2c2: {  	v13 =	vor.u32 $0x4, v10;
	v45 =	vld.idx.msk [tilespmem:v45+s24+$0x0], $0xffff  }
0x2c3: {  	v17 =	vor.u32 $0xC, v10;
	v11 =	vld.idx.msk [tilespmem:v11+s24+$0x0], $0xffff  }
0x2c4: {  	[tilespmem:v3+s21+$0x300 ss:$0x1] =	vst.idx.msk $0xffff, v15;
	v49 =	vadd.f32 v4, v49;
	v4 =	vld [tilespmem:$0x1FDA0]  }
0x2c5: {  	v58 =	vor.u32 $0x4, v2;
	v24 =	vadd.f32 v29, v41;
	v29 =	vld [tilespmem:s12+$0xFFFFFFE0]  }
0x2c6: {  	v15 =	vor.u32 $0xA, v10;
	v9 =	vld.idx.msk [tilespmem:v9+s24+$0x0], $0xffff  }
0x2c7: {  	v16 =	vor.u32 $0xB, v10;
	v13 =	vld.idx.msk [tilespmem:v13+s24+$0x0], $0xffff  }
0x2c8: {  	v17 =	vld.idx.msk [tilespmem:v17+s24+$0x0], $0xffff;
	v21 =	vadd.f32 v27, v32;
	v25 =	vadd.f32 v11, v47;
	v47 =	vor.u32 $0xE, v10  }
0x2c9: {  	v27 =	vld [tilespmem:s10+$0xFFFFFFE0];
	v53 =	vadd.f32 v4, v53;
	v4 =	vadd.f32 v12, v8;
	v8 =	vor.u32 $0xD, v10  }
0x2ca: {  	v32 =	vld.idx.msk [tilespmem:v58+s9+$0x0], $0xffff  }
0x2cb: {  	v55 =	vor.u32 $0x2, v2;
	v7 =	vadd.f32 v7, v52;
	v11 =	vadd.f32 v28, v14;
	v14 =	vld.idx.msk [tilespmem:v15+s24+$0x0], $0xffff  }
0x2cc: {  	v15 =	vld.idx.msk [tilespmem:v16+s24+$0x0], $0xffff  }
0x2cd: {  	v57 =	vor.u32 $0x6, v2;
	[tilespmem:$0x1FA90] =	vst v7;
	v7 =	vadd.f32 v0, v50;
	v0 =	vld.idx.msk [tilespmem:v47+s24+$0x0], $0xffff  }
0x2ce: {  	[tilespmem:v3+s2+$0x80 ss:$0x1] =	vst.idx.msk $0xffff, v62;
	v8 =	vld.idx.msk [tilespmem:v8+s24+$0x0], $0xffff  }
0x2cf: {  	s26 =	sadd.s32 $0x200, s26;
	[tilespmem:v3+s2+$0x100 ss:$0x1] =	vst.idx.msk $0xffff, v61;
	v60 =	vor.u32 $0x1, v2;
	v16 =	vadd.f32 v30, v19;
	v30 =	vld [tilespmem:s10+$0xFFFFFFF0]  }
0x2d0: {  	s14 =	sand.u32 $0x1C00, s26;
	[tilespmem:v3+s2+$0x200 ss:$0x1] =	vst.idx.msk $0xffff, v63;
	v56 =	vadd.f32 v9, v56;
	v19 =	vld.idx.msk [tilespmem:v55+s9+$0x0], $0xffff  }
0x2d1: {  	s15 =	sand.u32 $0x70, s5;
	s14 =	sadd.s32 $0xCA40, s14;
	v23 =	vadd.f32 v14, v37;
	v14 =	vadd.f32 v17, v35;
	v17 =	vld [tilespmem:s10+$0x0]  }
0x2d2: {  	s15 =	sadd.s32 s15, s14;
	[tilespmem:v3+s2+$0x280 ss:$0x1] =	vst.idx.msk $0xffff, v20;
	v35 =	vld.idx.msk [tilespmem:v57+s9+$0x0], $0xffff;
	v20 =	vadd.f32 v0, v33;
	v0 =	vshll.u32 v29, $0x4  }
0x2d3: {  	v9 =	vld [tilespmem:$0x1FA60];
	[tilespmem:v3+s15+$0x2380 ss:$0x1] =	vst.idx.msk $0xffff, v21;
	v21 =	vadd.f32 v15, v36;
	v15 =	vadd.f32 v8, v34;
	v8 =	vshll.u32 v27, $0x7  }
0x2d4: {  	v59 =	vor.u32 $0x3, v2;
	v29 =	vld.idx.msk [tilespmem:v60+s9+$0x0], $0xffff;
	[tilespmem:v3+s15+$0x2300 ss:$0x1] =	vst.idx.msk $0xffff, v20;
	v8 =	vadd.s32 v8, v0  }
0x2d5: {  	v27 =	vld [tilespmem:s12+$0x0];
	[tilespmem:v3+s2+$0x300 ss:$0x1] =	vst.idx.msk $0xffff, v18;
	v18 =	vor.u32 $0x1, v8  }
0x2d6: {  	v1 =	vshll.u32 v1, $0x4;
	v20 =	vld [tilespmem:$0x1FA80];
	[tilespmem:v3+s2+$0x380 ss:$0x1] =	vst.idx.msk $0xffff, v22;
	v22 =	vor.u32 $0x2, v8  }
0x2d7: {  	v12 =	vadd.f32 v31, v43;
	[tilespmem:v3+s15+$0x2180 ss:$0x1] =	vst.idx.msk $0xffff, v21;
	v21 =	vld [tilespmem:$0x1FA90];
	v0 =	vshll.u32 v30, $0x7;
	v31 =	vor.u32 $0x3, v8  }
0x2d8: {  	[tilespmem:v3+s2+$0x2000 ss:$0x1] =	vst.idx.msk $0xffff, v9;
	v9 =	vld [tilespmem:$0x1FA70];
	v0 =	vadd.s32 v0, v1;
	v1 =	vshll.u32 v17, $0x7;
	v17 =	vor.u32 $0x4, v8  }
0x2d9: {  	v30 =	vld.idx.msk [tilespmem:v59+s9+$0x0], $0xffff;
	v55 =	vor.u32 $0x5, v8  }
0x2da: {  	v26 =	vadd.f32 v26, v40;
	[tilespmem:v3+s15+$0x80 ss:$0x1] =	vst.idx.msk $0xffff, v4;
	v57 =	vor.u32 $0x6, v8;
	v40 =	vld.idx.msk [tilespmem:v18+s24+$0x0], $0xffff  }
0x2db: {  	[tilespmem:v3+s15+$0x180 ss:$0x1] =	vst.idx.msk $0xffff, v25;
	v58 =	vor.u32 $0x7, v8;
	v22 =	vld.idx.msk [tilespmem:v22+s24+$0x0], $0xffff  }
0x2dc: {  	[tilespmem:v3+s15+$0x300 ss:$0x1] =	vst.idx.msk $0xffff, v12;
	v59 =	vor.u32 $0x9, v8;
	v31 =	vld.idx.msk [tilespmem:v31+s24+$0x0], $0xffff  }
0x2dd: {  	v28 =	vadd.f32 v45, v39;
	[tilespmem:v3+s15+$0x380 ss:$0x1] =	vst.idx.msk $0xffff, v24;
	v39 =	vor.u32 $0xA, v8;
	v17 =	vld.idx.msk [tilespmem:v17+s24+$0x0], $0xffff  }
0x2de: {  	[tilespmem:v3+s15+$0x2000 ss:$0x1] =	vst.idx.msk $0xffff, v26;
	v41 =	vor.u32 $0xB, v8;
	v34 =	vld.idx.msk [tilespmem:v55+s24+$0x0], $0xffff  }
0x2df: {  	[tilespmem:v3+s15+$0x2080 ss:$0x1] =	vst.idx.msk $0xffff, v28;
	v25 =	vld.idx.msk [tilespmem:v57+s24+$0x0], $0xffff  }
0x2e0: {  	[tilespmem:v3+s15+$0x2200 ss:$0x1] =	vst.idx.msk $0xffff, v14;
	v4 =	vld.idx.msk [tilespmem:v58+s24+$0x0], $0xffff  }
0x2e1: {  	[tilespmem:v3+s2+$0x2100 ss:$0x1] =	vst.idx.msk $0xffff, v42;
	v42 =	vor.u32 $0xC, v8;
	v12 =	vld.idx.msk [tilespmem:v59+s24+$0x0], $0xffff  }
0x2e2: {  	[tilespmem:v3+s2+$0x2180 ss:$0x1] =	vst.idx.msk $0xffff, v44;
	v45 =	vor.u32 $0x1, v0;
	v24 =	vld.idx.msk [tilespmem:v39+s24+$0x0], $0xffff  }
0x2e3: {  	v13 =	vadd.f32 v13, v46;
	[tilespmem:v3+s2+$0x2200 ss:$0x1] =	vst.idx.msk $0xffff, v48;
	v46 =	vor.u32 $0x2, v0;
	v27 =	vshll.u32 v27, $0x4;
	v26 =	vld.idx.msk [tilespmem:v41+s24+$0x0], $0xffff  }
0x2e4: {  	[tilespmem:v3+s2+$0x2280 ss:$0x1] =	vst.idx.msk $0xffff, v49;
	v1 =	vadd.s32 v1, v27;
	v27 =	vor.u32 $0x8, v8;
	v33 =	vld.idx.msk [tilespmem:v9+s9+$0x0], $0xffff  }
0x2e5: {  	[tilespmem:v3+s2+$0x2300 ss:$0x1] =	vst.idx.msk $0xffff, v53;
	v43 =	vor.u32 $0xD, v8;
	v44 =	vor.u32 $0xE, v8;
	v9 =	vld.idx.msk [tilespmem:v8+s24+$0x0], $0xffff;
	v8 =	vor.u32 $0xF, v8  }
0x2e6: {  	[tilespmem:v3+s2+$0x2380 ss:$0x1] =	vst.idx.msk $0xffff, v54;
	v28 =	vld.idx.msk [tilespmem:v42+s24+$0x0], $0xffff  }
0x2e7: {  	[tilespmem:v3+s15+$0x2280 ss:$0x1] =	vst.idx.msk $0xffff, v15;
	v14 =	vld.idx.msk [tilespmem:v45+s24+$0x0], $0xffff;
	v17 =	vadd.f32 v17, v32  }
0x2e8: {  	v47 =	vor.u32 $0x3, v0;
	v15 =	vld.idx.msk [tilespmem:v46+s24+$0x0], $0xffff;
	v19 =	vadd.f32 v22, v19;
	v22 =	vadd.f32 v31, v30  }
0x2e9: {  	v18 =	vld.idx.msk [tilespmem:v27+s24+$0x0], $0xffff;
	[tilespmem:$0x1FCC0] =	vst v17;
	v17 =	vadd.f32 v34, v33  }
0x2ea: {  	v8 =	vld.idx.msk [tilespmem:v8+s24+$0x0], $0xffff;
	[tilespmem:$0x1FD20] =	vst v22  }
0x2eb: {  	v48 =	vor.u32 $0x4, v0;
	v49 =	vor.u32 $0x5, v0;
	v50 =	vor.u32 $0x6, v0;
	v22 =	vld.idx.msk [tilespmem:v43+s24+$0x0], $0xffff;
	[tilespmem:$0x1FCF0] =	vst v17  }
0x2ec: {  	v51 =	vor.u32 $0x7, v0;
	v52 =	vor.u32 $0x8, v0;
	v53 =	vor.u32 $0x9, v0;
	v17 =	vld.idx.msk [tilespmem:v44+s24+$0x0], $0xffff;
	[tilespmem:v3+s21+$0x0 ss:$0x1] =	vst.idx.msk $0xffff, v20  }
0x2ed: {  	v54 =	vor.u32 $0xA, v0;
	v36 =	vor.u32 $0xB, v0;
	v61 =	vor.u32 $0xD, v0;
	v20 =	vld.idx.msk [tilespmem:v47+s24+$0x0], $0xffff;
	[tilespmem:v3+s3+$0x0 ss:$0x1] =	vst.idx.msk $0xffff, v21  }
0x2ee: {  	[tilespmem:v3+s15+$0x200 ss:$0x1] =	vst.idx.msk $0xffff, v13;
	v13 =	vor.u32 $0xE, v0;
	v37 =	vor.u32 $0xF, v0;
	v55 =	vor.u32 $0xC, v0;
	v0 =	vld.idx.msk [tilespmem:v0+s24+$0x0], $0xffff;
	_ =	sdelay $0x2  }
0x2ef: {  	[tilespmem:v3+s2+$0x2080 ss:$0x1] =	vst.idx.msk $0xffff, v38  }
0x2f0: {  	[tilespmem:v3+s2+$0x0 ss:$0x1] =	vst.idx.msk $0xffff, v7  }
0x2f1: {  	[tilespmem:$0x1FDC0] =	vst v0;
	v0 =	vld.idx.msk [tilespmem:v1+s24+$0x0], $0xffff;
	_ =	sdelay $0x3  }
0x2f2: {  	[tilespmem:$0x1FD40] =	vst v9  }
0x2f3: {  	v9 =	vor.u32 $0xD, v1;
	[tilespmem:$0x1FDD0] =	vst v0;
	v0 =	vld [tilespmem:$0x1FAA0];
	_ =	sdelay $0x4  }
0x2f4: {  	v10 =	vadd.f32 v40, v29;
	v29 =	vor.u32 $0xE, v1;
	v9 =	vld.idx.msk [tilespmem:v9+s24+$0x0], $0xffff;
	_ =	sdelay $0x2  }
0x2f5: {  	v0 =	vld.idx.msk [tilespmem:v0+s9+$0x0], $0xffff;
	_ =	sdelay $0x1  }
0x2f6: {  	v40 =	vor.u32 $0xF, v1;
	[tilespmem:$0x1FD90] =	vst v9;
	v9 =	vld.idx.msk [tilespmem:v29+s24+$0x0], $0xffff;
	_ =	sdelay $0x1  }
0x2f7: {  	v30 =	vld [tilespmem:$0x1FAF0]  }
0x2f8: {  	[tilespmem:v3+s15+$0x100 ss:$0x1] =	vst.idx.msk $0xffff, v56;
	v47 =	vadd.f32 v4, v0;
	v0 =	vld [tilespmem:$0x1FB00]  }
0x2f9: {  	[tilespmem:v3+s15+$0x280 ss:$0x1] =	vst.idx.msk $0xffff, v11;
	v62 =	vor.u32 $0x1, v1;
	v11 =	vor.u32 $0x2, v1;
	v63 =	vor.u32 $0x4, v1;
	v21 =	vld.idx.msk [tilespmem:v48+s24+$0x0], $0xffff  }
0x2fa: {  	v38 =	vor.u32 $0x5, v1;
	v56 =	vor.u32 $0x6, v1;
	v57 =	vor.u32 $0x7, v1;
	[tilespmem:$0x1FDA0] =	vst v9;
	v9 =	vld.idx.msk [tilespmem:v40+s24+$0x0], $0xffff  }
0x2fb: {  	v39 =	vor.u32 $0x8, v1;
	v58 =	vor.u32 $0x9, v1;
	v59 =	vor.u32 $0xA, v1;
	v7 =	vld.idx.msk [tilespmem:v49+s24+$0x0], $0xffff  }
0x2fc: {  	v41 =	vor.u32 $0xB, v1;
	v60 =	vor.u32 $0xC, v1;
	v27 =	vor.u32 $0x3, v1;
	v1 =	vld [tilespmem:$0x1FAB0]  }
0x2fd: {  	[tilespmem:v3+s15+$0x0 ss:$0x1] =	vst.idx.msk $0xffff, v16;
	v16 =	vld.idx.msk [tilespmem:v50+s24+$0x0], $0xffff  }
0x2fe: {  	v42 =	vld.idx.msk [tilespmem:v53+s24+$0x0], $0xffff  }
0x2ff: {  	[tilespmem:$0x1FDB0] =	vst v9;
	v9 =	vld [tilespmem:$0x1FAC0]  }
0x300: {  	v0 =	vld.idx.msk [tilespmem:v0+s9+$0x0], $0xffff  }
0x301: {  	v44 =	vld.idx.msk [tilespmem:v54+s24+$0x0], $0xffff  }
0x302: {  	v54 =	vld.idx.msk [tilespmem:v63+s24+$0x0], $0xffff  }
0x303: {  	v63 =	vld.idx.msk [tilespmem:v39+s24+$0x0], $0xffff  }
0x304: {  	v1 =	vld.idx.msk [tilespmem:v1+s9+$0x0], $0xffff  }
0x305: {  	v39 =	vadd.f32 v22, v0;
	v0 =	vld [tilespmem:$0x1FB60]  }
0x306: {  	v48 =	vld.idx.msk [tilespmem:v36+s24+$0x0], $0xffff  }
0x307: {  	v9 =	vld.idx.msk [tilespmem:v9+s9+$0x0], $0xffff  }
0x308: {  	v50 =	vld.idx.msk [tilespmem:v61+s24+$0x0], $0xffff  }
0x309: {  	v46 =	vadd.f32 v18, v1;
	v1 =	vld [tilespmem:$0x1FB10]  }
0x30a: {  	v61 =	vld.idx.msk [tilespmem:v37+s24+$0x0], $0xffff  }
0x30b: {  	v53 =	vld.idx.msk [tilespmem:v27+s24+$0x0], $0xffff  }
0x30c: {  	v45 =	vadd.f32 v12, v9;
	v12 =	vld [tilespmem:$0x1FB40]  }
0x30d: {  	v0 =	vld.idx.msk [tilespmem:v0+s9+$0x0], $0xffff  }
0x30e: {  	v27 =	vld.idx.msk [tilespmem:v58+s24+$0x0], $0xffff  }
0x30f: {  	v30 =	vld.idx.msk [tilespmem:v30+s9+$0x0], $0xffff  }
0x310: {  	v4 =	vld [tilespmem:$0x1FB20]  }
0x311: {  	v1 =	vld.idx.msk [tilespmem:v1+s9+$0x0], $0xffff  }
0x312: {  	v32 =	vadd.f32 v21, v0;
	v0 =	vld [tilespmem:$0x1FBC0]  }
0x313: {  	v9 =	vld [tilespmem:$0x1FB30]  }
0x314: {  	v12 =	vld.idx.msk [tilespmem:v12+s9+$0x0], $0xffff  }
0x315: {  	[tilespmem:$0x1FD50] =	vst v27;
	v27 =	vld.idx.msk [tilespmem:v59+s24+$0x0], $0xffff  }
0x316: {  	v37 =	vadd.f32 v17, v1;
	v1 =	vld [tilespmem:$0x1FB70]  }
0x317: {  	v29 =	vld [tilespmem:$0x1FAE0]  }
0x318: {  	v4 =	vld.idx.msk [tilespmem:v4+s9+$0x0], $0xffff  }
0x319: {  	v34 =	vadd.f32 v15, v12;
	v12 =	vld [tilespmem:$0x1FBB0]  }
0x31a: {  	v0 =	vld.idx.msk [tilespmem:v0+s9+$0x0], $0xffff  }
0x31b: {  	[tilespmem:$0x1FD60] =	vst v27;
	v27 =	vld.idx.msk [tilespmem:v41+s24+$0x0], $0xffff  }
0x31c: {  	v9 =	vld.idx.msk [tilespmem:v9+s9+$0x0], $0xffff  }
0x31d: {  	v36 =	vadd.f32 v8, v4;
	v4 =	vld [tilespmem:$0x1FB80]  }
0x31e: {  	v1 =	vld.idx.msk [tilespmem:v1+s9+$0x0], $0xffff  }
0x31f: {  	v40 =	vadd.f32 v28, v30;
	v28 =	vadd.f32 v44, v0;
	v0 =	vld [tilespmem:$0x1FC20]  }
0x320: {  	v29 =	vld.idx.msk [tilespmem:v29+s9+$0x0], $0xffff  }
0x321: {  	v31 =	vadd.f32 v25, v35;
	v35 =	vadd.f32 v14, v9;
	v9 =	vld [tilespmem:$0x1FBA0]  }
0x322: {  	v12 =	vld.idx.msk [tilespmem:v12+s9+$0x0], $0xffff  }
0x323: {  	v30 =	vadd.f32 v7, v1;
	v1 =	vld [tilespmem:$0x1FBD0]  }
0x324: {  	[tilespmem:$0x1FD70] =	vst v27;
	v27 =	vld.idx.msk [tilespmem:v60+s24+$0x0], $0xffff  }
0x325: {  	v25 =	vld.idx.msk [tilespmem:v52+s24+$0x0], $0xffff  }
0x326: {  	v4 =	vld.idx.msk [tilespmem:v4+s9+$0x0], $0xffff  }
0x327: {  	v41 =	vadd.f32 v26, v29;
	v26 =	vadd.f32 v42, v12;
	v12 =	vld.idx.msk [tilespmem:v0+s9+$0x0], $0xffff  }
0x328: {  	v0 =	vld [tilespmem:$0x1FC30]  }
0x329: {  	[tilespmem:$0x1FD80] =	vst v27;
	v27 =	vld [tilespmem:$0x1FAD0]  }
0x32a: {  	v9 =	vld.idx.msk [tilespmem:v9+s9+$0x0], $0xffff  }
0x32b: {  	v1 =	vld.idx.msk [tilespmem:v1+s9+$0x0], $0xffff  }
0x32c: {  	v15 =	vmov v31;
	v31 =	vadd.f32 v16, v4;
	v4 =	vld [tilespmem:$0x1FBE0];
	_ =	sdelay $0x2  }
0x32d: {  	v8 =	vld [tilespmem:$0x1FB90]  }
0x32e: {  	v29 =	vadd.f32 v25, v9;
	v25 =	vadd.f32 v48, v1;
	v1 =	vld.idx.msk [tilespmem:v0+s9+$0x0], $0xffff  }
0x32f: {  	v0 =	vld [tilespmem:$0x1FC40]  }
0x330: {  	v49 =	vld.idx.msk [tilespmem:v55+s24+$0x0], $0xffff  }
0x331: {  	v27 =	vld.idx.msk [tilespmem:v27+s9+$0x0], $0xffff  }
0x332: {  	v4 =	vld.idx.msk [tilespmem:v4+s9+$0x0], $0xffff;
	_ =	sdelay $0x1  }
0x333: {  	v7 =	vld [tilespmem:$0x1FBF0]  }
0x334: {  	[tilespmem:v3+s15+$0x2100 ss:$0x1] =	vst.idx.msk $0xffff, v23;
	v23 =	vld.idx.msk [tilespmem:v51+s24+$0x0], $0xffff  }
0x335: {  	v8 =	vld.idx.msk [tilespmem:v8+s9+$0x0], $0xffff  }
0x336: {  	v43 =	vadd.f32 v24, v27;
	v24 =	vadd.f32 v49, v4;
	v4 =	vld.idx.msk [tilespmem:v0+s9+$0x0], $0xffff  }
0x337: {  	v0 =	vld [tilespmem:$0x1FC50];
	_ =	sdelay $0x2  }
0x338: {  	v27 =	vadd.f32 v23, v8;
	v8 =	vld [tilespmem:$0x1FC00]  }
0x339: {  	v7 =	vld.idx.msk [tilespmem:v7+s9+$0x0], $0xffff  }
0x33a: {  	v9 =	vld [tilespmem:$0x1FC10];
	_ =	sdelay $0x2  }
0x33b: {  	v14 =	vld.idx.msk [tilespmem:v0+s9+$0x0], $0xffff  }
0x33c: {  	v0 =	vld [tilespmem:$0x1FC60]  }
0x33d: {  	v21 =	vadd.f32 v50, v7;
	v7 =	vld [tilespmem:$0x1FC70]  }
0x33e: {  	v13 =	vld.idx.msk [tilespmem:v13+s24+$0x0], $0xffff  }
0x33f: {  	v8 =	vld.idx.msk [tilespmem:v8+s9+$0x0], $0xffff  }
0x340: {  	v9 =	vld.idx.msk [tilespmem:v9+s9+$0x0], $0xffff;
	_ =	sdelay $0x1  }
0x341: {  	v11 =	vld.idx.msk [tilespmem:v11+s24+$0x0], $0xffff;
	_ =	sdelay $0x1  }
0x342: {  	v23 =	vadd.f32 v13, v8;
	v8 =	vld.idx.msk [tilespmem:v0+s9+$0x0], $0xffff  }
0x343: {  	v0 =	vadd.f32 v61, v9;
	v9 =	vld.idx.msk [tilespmem:v7+s9+$0x0], $0xffff  }
0x344: {  	v7 =	vld [tilespmem:$0x1FC80]  }
0x345: {  	v61 =	vadd.f32 v11, v1;
	v1 =	vld [tilespmem:$0x1FCA0];
	_ =	sdelay $0x1  }
0x346: {  	v62 =	vld.idx.msk [tilespmem:v62+s24+$0x0], $0xffff;
	_ =	sdelay $0x4  }
0x347: {  	v62 =	vadd.f32 v62, v12;
	v12 =	vld.idx.msk [tilespmem:v7+s9+$0x0], $0xffff  }
0x348: {  	v7 =	vld.idx.msk [tilespmem:v1+s9+$0x0], $0xffff  }
0x349: {  	v1 =	vadd.f32 v53, v4;
	v4 =	vld [tilespmem:$0x1FCB0];
	_ =	sdelay $0x6  }
0x34a: {  	v55 =	vld.idx.msk [tilespmem:v38+s24+$0x0], $0xffff  }
0x34b: {  	v38 =	vld.idx.msk [tilespmem:v4+s9+$0x0], $0xffff  }
0x34c: {  	v4 =	vld [tilespmem:$0x1FCD0];
	_ =	sdelay $0x7  }
0x34d: {  	v42 =	vld.idx.msk [tilespmem:v4+s9+$0x0], $0xffff  }
0x34e: {  	v4 =	vld [tilespmem:$0x1FCE0];
	_ =	sdelay $0x6  }
0x34f: {  	v18 =	vld [tilespmem:$0x1FB50]  }
0x350: {  	v44 =	vld.idx.msk [tilespmem:v4+s9+$0x0], $0xffff  }
0x351: {  	v4 =	vld [tilespmem:$0x1FD10];
	_ =	sdelay $0x5  }
0x352: {  	v56 =	vld.idx.msk [tilespmem:v56+s24+$0x0], $0xffff  }
0x353: {  	v18 =	vld.idx.msk [tilespmem:v18+s9+$0x0], $0xffff  }
0x354: {  	v48 =	vld.idx.msk [tilespmem:v4+s9+$0x0], $0xffff  }
0x355: {  	v4 =	vld [tilespmem:$0x1FD30]  }
0x356: {  	v57 =	vld.idx.msk [tilespmem:v57+s24+$0x0], $0xffff  }
0x357: {  	s28 =	sadd.s32 $0x4, s28;
	v13 =	vmov v63;
	v63 =	vadd.f32 v54, v14;
	v14 =	vld [tilespmem:$0x1FCC0]  }
0x358: {  	p2 =	slt.u32 s28, $0x3C;
	v11 =	vld [tilespmem:$0x1FC90]  }
.Ltmp1:
0x359: {  	v33 =	vadd.f32 v20, v18;
	v20 =	vadd.f32 v55, v8;
	v55 =	vld [tilespmem:$0x1FFF0];
	(pc) =	sbr.rel @p2 .LBB2_5-.Ltmp1, $4  }
0x35a: {  	s5 =	sadd.s32 $0x40, s5;
	v18 =	vadd.f32 v56, v9;
	v56 =	vld [tilespmem:$0x1FCF0]  }
0x35b: {  	s7 =	sand.u32 $0x50, s7;
	s29 =	sand.u32 $0x60, s13;
	s0 =	sand.u32 $0x40, s0;
	v9 =	vld [tilespmem:$0x1FD00]  }
0x35c: {  	s13 =	sadd.s32 s0, s14;
	s7 =	sadd.s32 s7, s14;
	s29 =	sadd.s32 s29, s14;
	v22 =	vadd.f32 v57, v12;
	v12 =	vld [tilespmem:$0x1FD20]  }
0x35d: {  	s2 =	smov.u32 s29;
	s21 =	smov.u32 s13;
	s3 =	smov.u32 s7;
	v49 =	vld.idx.msk [tilespmem:v4+s9+$0x0], $0xffff  }
0x35e: {  	_ =	sdelay $0x3  }
0x35f: {  	v2 =	vld.idx.msk [tilespmem:v2+s9+$0x0], $0xffff;
	[tilespmem:v3+s21+$0x80 ss:$0x1] =	vst.idx.msk $0xffff, v10  }
0x360: {  	[tilespmem:v3+s21+$0x100 ss:$0x1] =	vst.idx.msk $0xffff, v19  }
0x361: {  	[tilespmem:v3+s21+$0x180 ss:$0x1] =	vst.idx.msk $0xffff, v12  }
0x362: {  	[tilespmem:v3+s21+$0x200 ss:$0x1] =	vst.idx.msk $0xffff, v14  }
0x363: {  	[tilespmem:v3+s21+$0x280 ss:$0x1] =	vst.idx.msk $0xffff, v56  }
0x364: {  	[tilespmem:v3+s21+$0x300 ss:$0x1] =	vst.idx.msk $0xffff, v15  }
0x365: {  	[tilespmem:v3+s21+$0x380 ss:$0x1] =	vst.idx.msk $0xffff, v47  }
0x366: {  	[tilespmem:v3+s21+$0x2000 ss:$0x1] =	vst.idx.msk $0xffff, v46  }
0x367: {  	[tilespmem:v3+s21+$0x2080 ss:$0x1] =	vst.idx.msk $0xffff, v45  }
0x368: {  	[tilespmem:v3+s21+$0x2100 ss:$0x1] =	vst.idx.msk $0xffff, v43  }
0x369: {  	[tilespmem:v3+s21+$0x2180 ss:$0x1] =	vst.idx.msk $0xffff, v41  }
0x36a: {  	[tilespmem:v3+s21+$0x2200 ss:$0x1] =	vst.idx.msk $0xffff, v40  }
0x36b: {  	v58 =	vld.idx.msk [tilespmem:v5+s9+$0x0], $0xffff;
	[tilespmem:v3+s21+$0x2280 ss:$0x1] =	vst.idx.msk $0xffff, v39  }
0x36c: {  	v59 =	vld.idx.msk [tilespmem:v11+s9+$0x0], $0xffff;
	[tilespmem:v3+s21+$0x2300 ss:$0x1] =	vst.idx.msk $0xffff, v37  }
0x36d: {  	v4 =	vld [tilespmem:$0x1FD40];
	[tilespmem:v3+s21+$0x2380 ss:$0x1] =	vst.idx.msk $0xffff, v36  }
0x36e: {  	v6 =	vld.idx.msk [tilespmem:v6+s9+$0x0], $0xffff;
	[tilespmem:v3+s3+$0x80 ss:$0x1] =	vst.idx.msk $0xffff, v35  }
0x36f: {  	v60 =	vld.idx.msk [tilespmem:v9+s9+$0x0], $0xffff;
	[tilespmem:v3+s2+$0x80 ss:$0x1] =	vst.idx.msk $0xffff, v62  }
0x370: {  	[tilespmem:v3+s3+$0x100 ss:$0x1] =	vst.idx.msk $0xffff, v34  }
0x371: {  	[tilespmem:v3+s2+$0x100 ss:$0x1] =	vst.idx.msk $0xffff, v61  }
0x372: {  	[tilespmem:v3+s3+$0x180 ss:$0x1] =	vst.idx.msk $0xffff, v33  }
0x373: {  	[tilespmem:v3+s2+$0x180 ss:$0x1] =	vst.idx.msk $0xffff, v1  }
0x374: {  	[tilespmem:v3+s3+$0x200 ss:$0x1] =	vst.idx.msk $0xffff, v32  }
0x375: {  	[tilespmem:v3+s2+$0x200 ss:$0x1] =	vst.idx.msk $0xffff, v63  }
0x376: {  	[tilespmem:v3+s3+$0x280 ss:$0x1] =	vst.idx.msk $0xffff, v30  }
0x377: {  	[tilespmem:v3+s2+$0x280 ss:$0x1] =	vst.idx.msk $0xffff, v20  }
0x378: {  	[tilespmem:v3+s3+$0x300 ss:$0x1] =	vst.idx.msk $0xffff, v31  }
0x379: {  	v2 =	vadd.f32 v4, v2;
	[tilespmem:v3+s2+$0x300 ss:$0x1] =	vst.idx.msk $0xffff, v18  }
0x37a: {  	[tilespmem:v3+s3+$0x380 ss:$0x1] =	vst.idx.msk $0xffff, v27  }
0x37b: {  	[tilespmem:v3+s21+$0x0 ss:$0x1] =	vst.idx.msk $0xffff, v2  }
0x37c: {  	[tilespmem:v3+s3+$0x2000 ss:$0x1] =	vst.idx.msk $0xffff, v29  }
0x37d: {  	[tilespmem:v3+s3+$0x2080 ss:$0x1] =	vst.idx.msk $0xffff, v26  }
0x37e: {  	[tilespmem:v3+s3+$0x2100 ss:$0x1] =	vst.idx.msk $0xffff, v28  }
0x37f: {  	[tilespmem:v3+s3+$0x2180 ss:$0x1] =	vst.idx.msk $0xffff, v25  }
0x380: {  	[tilespmem:v3+s3+$0x2200 ss:$0x1] =	vst.idx.msk $0xffff, v24  }
0x381: {  	[tilespmem:v3+s3+$0x2280 ss:$0x1] =	vst.idx.msk $0xffff, v21  }
0x382: {  	[tilespmem:v3+s3+$0x2300 ss:$0x1] =	vst.idx.msk $0xffff, v23  }
0x383: {  	v61 =	vadd.f32 v13, v7;
	[tilespmem:v3+s3+$0x2380 ss:$0x1] =	vst.idx.msk $0xffff, v0  }
0x384: {  	v1 =	vld [tilespmem:$0x1FD50];
	[tilespmem:v3+s2+$0x380 ss:$0x1] =	vst.idx.msk $0xffff, v22  }
0x385: {  	v62 =	vld [tilespmem:$0x1FD60];
	[tilespmem:v3+s2+$0x2000 ss:$0x1] =	vst.idx.msk $0xffff, v61  }
0x386: {  	v0 =	vld [tilespmem:$0x1FD70];
	_ =	sdelay $0x2  }
0x387: {  	v1 =	vadd.f32 v1, v38  }
0x388: {  	v7 =	vadd.f32 v62, v42  }
0x389: {  	v0 =	vadd.f32 v0, v44;
	[tilespmem:v3+s2+$0x2080 ss:$0x1] =	vst.idx.msk $0xffff, v1  }
0x38a: {  	v1 =	vld [tilespmem:$0x1FD80];
	[tilespmem:v3+s2+$0x2100 ss:$0x1] =	vst.idx.msk $0xffff, v7  }
0x38b: {  	v7 =	vld [tilespmem:$0x1FD90];
	[tilespmem:v3+s2+$0x2180 ss:$0x1] =	vst.idx.msk $0xffff, v0  }
0x38c: {  	v0 =	vld [tilespmem:$0x1FDC0];
	_ =	sdelay $0x2  }
0x38d: {  	v1 =	vadd.f32 v1, v48  }
0x38e: {  	v7 =	vadd.f32 v7, v49  }
0x38f: {  	v0 =	vadd.f32 v0, v58;
	[tilespmem:v3+s2+$0x2200 ss:$0x1] =	vst.idx.msk $0xffff, v1  }
0x390: {  	v1 =	vld [tilespmem:$0x1FDA0];
	[tilespmem:v3+s2+$0x2280 ss:$0x1] =	vst.idx.msk $0xffff, v7  }
0x391: {  	v63 =	vld [tilespmem:$0x1FDB0];
	[tilespmem:v3+s3+$0x0 ss:$0x1] =	vst.idx.msk $0xffff, v0  }
0x392: {  	v0 =	vld [tilespmem:$0x1FDD0];
	_ =	sdelay $0x2  }
0x393: {  	v1 =	vadd.f32 v1, v59  }
0x394: {  	v2 =	vadd.f32 v63, v60  }
0x395: {  	s0 =	sshll.u32 s30, $0xB;
	s26 =	sshll.u32 s30, $0xA;
	v0 =	vadd.f32 v0, v6;
	[tilespmem:v3+s2+$0x2300 ss:$0x1] =	vst.idx.msk $0xffff, v1  }
0x396: {  	s0 =	sand.u32 $0xFFF8000, s0;
	s3 =	sand.u32 $0x3C00, s26;
	[tilespmem:v3+s2+$0x2380 ss:$0x1] =	vst.idx.msk $0xffff, v2  }
0x397: {  	s28 =	sadd.s32 $0x7, s31;
	s29 =	rddreg [dreg:$0x4];
	s0 =	sor.u32 s3, s0;
	[tilespmem:v3+s2+$0x0 ss:$0x1] =	vst.idx.msk $0xffff, v0  }
0x398: {  	s5 =	sadd.s32 $0xCA40, s8;
	s3 =	sadd.s32 s29, s0;
	s30 =	sld [smem:$0x7FD]  }
0x399: {  	[hbm4b:s3+s6] =	stream.linear.scatter [tilespmem:s5], [sflag:s28], $0x2000, $0x38;
	[tilespmem:$0x14A40] =	vst v63  }
0x39a: {  	s5 =	rddreg [dreg:$0x1]  }
0x39b: {  	s31 =	sadd.s32 $0xEA40, s8;
	s3 =	sld [smem:$0x7CF];
	s0 =	sadd.s32 s0, s30  }
0x39c: {  	[hbm4b:s0+s6] =	stream.linear.scatter [tilespmem:s31], [sflag:s28], $0x2000, $0x38;
	[tilespmem:$0x14A40] =	vst v63  }
0x39d: {  	s7 =	rddreg [dreg:$0x2];
	s2 =	simm.s32 @!p1 $0x0;
	s0 =	sadd.s32 @!p1 s5, s4  }
0x39e: {  	[tilespmem:s3], [sflag:s1] =	stream.linear.gather @!p1 [hbm4b:s0+s2], $0x80, $0x38;
	[tilespmem:$0x14A40] =	vst v63  }
0x39f: {  	s8 =	sld [smem:$0x7D0];
	s0 =	sadd.s32 @!p1 s7, s4  }
0x3a0: {  	[tilespmem:s16], [sflag:s1] =	stream.linear.gather @!p1 [hbm4b:s0+s2], $0x80, $0x38;
	[tilespmem:$0x14A40] =	vst v63  }
0x3a1: {  	s0 =	sor.u32 @!p1 $0x80, s4  }
0x3a2: {  	s3 =	sadd.s32 @!p1 s5, s0  }
0x3a3: {  	[tilespmem:s8], [sflag:s1] =	stream.linear.gather @!p1 [hbm4b:s3+s2], $0x80, $0x38;
	[tilespmem:$0x14A40] =	vst v63  }
0x3a4: {  	s3 =	sld [smem:$0x7D1];
	_ =	sdelay $0x1  }
0x3a5: {  	s0 =	sadd.s32 @!p1 s7, s0;
	s8 =	sld [smem:$0x7D2]  }
0x3a6: {  	[tilespmem:s3], [sflag:s1] =	stream.linear.gather @!p1 [hbm4b:s0+s2], $0x80, $0x38;
	[tilespmem:$0x14A40] =	vst v63  }
0x3a7: {  	s0 =	sor.u32 @!p1 $0x100, s4  }
0x3a8: {  	s3 =	sadd.s32 @!p1 s5, s0  }
0x3a9: {  	[tilespmem:s8], [sflag:s1] =	stream.linear.gather @!p1 [hbm4b:s3+s2], $0x80, $0x38;
	[tilespmem:$0x14A40] =	vst v63  }
0x3aa: {  	s3 =	sld [smem:$0x7D3];
	_ =	sdelay $0x1  }
0x3ab: {  	s0 =	sadd.s32 @!p1 s7, s0;
	s8 =	sld [smem:$0x7D4]  }
0x3ac: {  	[tilespmem:s3], [sflag:s1] =	stream.linear.gather @!p1 [hbm4b:s0+s2], $0x80, $0x38;
	[tilespmem:$0x14A40] =	vst v63  }
0x3ad: {  	s0 =	sor.u32 @!p1 $0x180, s4  }
0x3ae: {  	s3 =	sadd.s32 @!p1 s5, s0  }
0x3af: {  	[tilespmem:s8], [sflag:s1] =	stream.linear.gather @!p1 [hbm4b:s3+s2], $0x80, $0x38;
	[tilespmem:$0x14A40] =	vst v63  }
0x3b0: {  	s3 =	sld [smem:$0x7D5];
	_ =	sdelay $0x1  }
0x3b1: {  	s0 =	sadd.s32 @!p1 s7, s0;
	s8 =	sld [smem:$0x7D6]  }
0x3b2: {  	[tilespmem:s3], [sflag:s1] =	stream.linear.gather @!p1 [hbm4b:s0+s2], $0x80, $0x38;
	[tilespmem:$0x14A40] =	vst v63  }
0x3b3: {  	s0 =	sor.u32 @!p1 $0x200, s4  }
0x3b4: {  	s3 =	sadd.s32 @!p1 s5, s0  }
0x3b5: {  	[tilespmem:s8], [sflag:s1] =	stream.linear.gather @!p1 [hbm4b:s3+s2], $0x80, $0x38;
	[tilespmem:$0x14A40] =	vst v63  }
0x3b6: {  	s3 =	sld [smem:$0x7D7];
	_ =	sdelay $0x1  }
0x3b7: {  	s0 =	sadd.s32 @!p1 s7, s0;
	s8 =	sld [smem:$0x7D8]  }
0x3b8: {  	[tilespmem:s3], [sflag:s1] =	stream.linear.gather @!p1 [hbm4b:s0+s2], $0x80, $0x38;
	[tilespmem:$0x14A40] =	vst v63  }
0x3b9: {  	s0 =	sor.u32 @!p1 $0x280, s4  }
0x3ba: {  	s3 =	sadd.s32 @!p1 s5, s0  }
0x3bb: {  	[tilespmem:s8], [sflag:s1] =	stream.linear.gather @!p1 [hbm4b:s3+s2], $0x80, $0x38;
	[tilespmem:$0x14A40] =	vst v63  }
0x3bc: {  	s0 =	sadd.s32 @!p1 s7, s0  }
0x3bd: {  	[tilespmem:s20], [sflag:s1] =	stream.linear.gather @!p1 [hbm4b:s0+s2], $0x80, $0x38;
	[tilespmem:$0x14A40] =	vst v63  }
0x3be: {  	s0 =	sor.u32 @!p1 $0x300, s4  }
0x3bf: {  	s3 =	sadd.s32 @!p1 s5, s0  }
0x3c0: {  	[tilespmem:s18], [sflag:s1] =	stream.linear.gather @!p1 [hbm4b:s3+s2], $0x80, $0x38;
	[tilespmem:$0x14A40] =	vst v63  }
0x3c1: {  	s0 =	sadd.s32 @!p1 s7, s0  }
0x3c2: {  	[tilespmem:s11], [sflag:s1] =	stream.linear.gather @!p1 [hbm4b:s0+s2], $0x80, $0x38;
	[tilespmem:$0x14A40] =	vst v63  }
0x3c3: {  	s0 =	sor.u32 @!p1 $0x380, s4  }
0x3c4: {  	s3 =	sadd.s32 @!p1 s5, s0  }
0x3c5: {  	[tilespmem:s19], [sflag:s1] =	stream.linear.gather @!p1 [hbm4b:s3+s2], $0x80, $0x38;
	[tilespmem:$0x14A40] =	vst v63  }
0x3c6: {  	s0 =	sadd.s32 @!p1 s7, s0  }
0x3c7: {  	[tilespmem:s17], [sflag:s1] =	stream.linear.gather @!p1 [hbm4b:s0+s2], $0x80, $0x38;
	[tilespmem:$0x14A40] =	vst v63  }
0x3c8: {  	p1 =	sne.s32 s25, $0x64  }
.Ltmp2:
0x3c9: {  	_ = 	snop;
	(pc) =	sbr.rel @p1 .LBB2_4-.Ltmp2, $2  }
0x3ca: {  	_ =	sdelay $0x2  }
0x3cb: {  	p0 =	por !p0, !p0  }
0x3cc: {  	s0 =	simm.s32 $0x7  }
0x3cd: {  	_ =	swait.ge [sflag:s0], $0x2000  }
0x3ce: {  	[sflag:s0] =	ssyncset.done $0x0  }
0x3cf: {  	[sflag:s0] =	ssyncadd.s32 $0xFFFFE000  }
0x3d0: {  	_ =	swait.ge [sflag:s0], $0x2000  }
0x3d1: {  	[sflag:s0] =	ssyncset.done $0x0  }
0x3d2: {  	s1 =	simm.s32 $0x8;
	[sflag:s0] =	ssyncadd.s32 $0xFFFFE000  }
0x3d3: {  	_ =	swait.ge [sflag:s1], $0x2000  }
0x3d4: {  	[sflag:s1] =	ssyncset.done $0x0  }
0x3d5: {  	[sflag:s1] =	ssyncadd.s32 $0xFFFFE000  }
0x3d6: {  	_ =	swait.ge [sflag:s1], $0x2000  }
0x3d7: {  	s2 =	sld [smem:$0x7D9]  }
0x3d8: {  	s31 =	sld [smem:$0x7F5];
	_ =	sdelay $0x1  }
0x3d9: {  	s2 =	sadd.s32 $0x1, s2  }
0x3da: {  	p0 =	sne.s32 s2, s31  }
.Ltmp3:
0x3db: {  	_ = 	snop;
	(pc) =	sbr.rel @p0 .LBB2_1-.Ltmp3, $3  }
0x3dc: {  	_ =	sdelay $0x1  }
0x3dd: {  	[sflag:s1] =	ssyncset.done $0x0  }
0x3de: {  	v6 =	vlaneseq.u32;
	[sflag:s1] =	ssyncadd.s32 $0xFFFFE000  }
0x3df: {  	_ =	sfence.sel $0x180000  }
0x3e0: {  	[bflag:$0x0] =	sbarrier.arrive $0xFFFF  }
0x3e1: {  	_ =	strace $0x90000047  }
0x3e2: {  	s0 =	stileid.u32;
	[bflag:$0x2] =	sbarrier.arrive $0xFFFF  }
0x3e3: {  	p0 =	sne.s32 s0, $0x0;
	s0 =	rddreg [dreg:$0x5]  }
0x3e4: {  	s0 =	sadd.s32 @!p0 $0x100000, s0  }
0x3e5: {  	[sflag:s0] =	ssyncadd.tile.s32 @!p0 $0x1;
	_ =	shalt  }
.Lfunc_end2:
_tile_overlayer_lowered:
.L_overlay_start_2:
0x3e6: {  	(tag) =	ssettag $0x2  }
0x3e7: {  	s0 =	rddreg [dreg:$0x0];
	s2 =	stileid.u32  }
0x3e8: {  	s1 =	rddreg [dreg:$0x1];
	p0 =	sne.s32 s2, $0x0  }
0x3e9: {  	s3 =	rddreg [dreg:$0x2];
	[bflag:$0x3] =	sbarrier.arrive $0xFFFF;
	s2 =	simm.s32 @!p0 $0x1C09  }
0x3ea: {  	[timem:s3], [sflag:s2] =	dma.local @!p0 [hbm:s0], s1  }
0x3eb: {  	s0 =	simm.s32 @!p0 $0x9  }
0x3ec: {  	_ =	swait.ge @!p0 [sflag:s0], s1  }
0x3ed: {  	s1 =	ssub.s32 @!p0 $0x0, s1;
	[sflag:s0] =	ssyncset.done @!p0 $0x0  }
0x3ee: {  	[sflag:s0] =	ssyncadd.s32 @!p0 s1  }
0x3ef: {  	[bflag:$0x3] =	sbarrier.arrive $0xFFFF  }
0x3f0: {  	_ =	shalt  }

</sc_bundles>
